<compile_context>
chip_gen: v7x
topology: tpu7x:2x2x1
jax: 0.10.2.dev20260603
libtpu: 0.0.44.dev20260713+nightly
codegen_flags: <defaults>
</compile_context>

<pallas_src>
import functools

import jax
import jax.numpy as jnp
from jax import lax
from jax.experimental import pallas as pl
from jax.experimental.pallas import tpu as pltpu
from jax.experimental.pallas import tpu_sc as plsc

_F32 = jnp.float32
_CHUNK = 88
_DEGW = 128
_BLK = 1000


def _sc_dims():
    info = plsc.get_sparse_core_info()
    return info.num_cores, info.num_subcores



@functools.lru_cache(maxsize=None)
def _make_deg_kernel(n_pad, ept):
    nc, ns = _sc_dims()
    rpt = n_pad // ns
    nchunks = ept // _CHUNK
    mesh = plsc.VectorSubcoreMesh(core_axis_name="c", subcore_axis_name="s")

    nbuf = 3

    @functools.partial(
        pl.kernel,
        out_type=jax.ShapeDtypeStruct((nc, n_pad, _DEGW), _F32),
        mesh=mesh,
        scratch_types=[
            pltpu.VMEM_SHARED((n_pad, _DEGW), _F32),
            pltpu.VMEM((nchunks, _CHUNK), jnp.int32),
            pltpu.VMEM((_CHUNK, _DEGW), _F32),
        ] + [pltpu.SemaphoreType.DMA] * nbuf,
    )
    def deg_kernel(dst_hbm, zeros_hbm, ones_hbm, out_hbm,
                   acc_sh, dst_sl, ones_v, *ssem):
        c = lax.axis_index("c")
        s = lax.axis_index("s")
        wid = s * nc + c
        pltpu.sync_copy(ones_hbm, ones_v)
        pltpu.sync_copy(dst_hbm.at[wid], dst_sl)
        pltpu.sync_copy(zeros_hbm.at[pl.ds(s * rpt, rpt)],
                        acc_sh.at[pl.ds(s * rpt, rpt)])
        plsc.subcore_barrier()

        def body(i, carry):
            for b in range(nbuf):
                j = i * nbuf + b
                pltpu.async_copy(ones_v, acc_sh.at[dst_sl.at[j]], ssem[b],
                                 add=True)

                @pl.when(i > 0)
                def _(b=b, j=j):
                    pltpu.make_async_copy(ones_v, acc_sh.at[dst_sl.at[j]],
                                          ssem[b]).wait()
            return carry

        lax.fori_loop(0, nchunks // nbuf, body, 0)
        for b in range(nbuf):
            pltpu.make_async_copy(ones_v, acc_sh.at[dst_sl.at[0]],
                                  ssem[b]).wait()
        plsc.subcore_barrier()
        pltpu.sync_copy(acc_sh.at[pl.ds(s * rpt, rpt)],
                        out_hbm.at[c, pl.ds(s * rpt, rpt)])

    return deg_kernel


@functools.lru_cache(maxsize=None)
def _make_agg_kernel(n, n_pad, d, ept):
    nc, ns = _sc_dims()
    rpt = n_pad // ns
    nchunks = ept // _CHUNK
    nbuf = 3
    niter = nchunks // nbuf
    gtail = n - (ns - 1) * rpt
    mesh = plsc.VectorSubcoreMesh(core_axis_name="c", subcore_axis_name="s")

    @functools.partial(
        pl.kernel,
        out_type=jax.ShapeDtypeStruct((nc, n_pad, d), _F32),
        mesh=mesh,
        scratch_types=[
            pltpu.VMEM_SHARED((n_pad, d), _F32),
            pltpu.VMEM((nchunks, _CHUNK), jnp.int32),
            pltpu.VMEM((nbuf, _CHUNK), jnp.int32),
        ] + [pltpu.VMEM((_CHUNK, d), _F32)] * nbuf
          + [pltpu.SemaphoreType.DMA] * (2 * nbuf),
    )
    def agg_kernel(src_hbm, dst_hbm, g_hbm, zeros_hbm, out_hbm,
                   acc_sh, dst_sl, src_sm, *bufs):
        rows_v = bufs[:nbuf]
        gsem = bufs[nbuf:2 * nbuf]
        ssem = bufs[2 * nbuf:]
        c = lax.axis_index("c")
        s = lax.axis_index("s")
        wid = s * nc + c
        base = wid * ept
        pltpu.sync_copy(dst_hbm.at[wid], dst_sl)
        for b in range(nbuf):
            pltpu.sync_copy(src_hbm.at[pl.ds(base + b * _CHUNK, _CHUNK)],
                            src_sm.at[b])
            pltpu.async_copy(g_hbm.at[src_sm.at[b]], rows_v[b], gsem[b])
        @pl.when(jnp.logical_and(c == 0, s < ns - 1))
        def _():
            pltpu.sync_copy(g_hbm.at[pl.ds(s * rpt, rpt)],
                            acc_sh.at[pl.ds(s * rpt, rpt)])
        @pl.when(jnp.logical_and(c == 0, s == ns - 1))
        def _():
            pltpu.sync_copy(g_hbm.at[pl.ds(s * rpt, gtail)],
                            acc_sh.at[pl.ds(s * rpt, gtail)])
            pltpu.sync_copy(zeros_hbm.at[pl.ds(s * rpt + gtail, rpt - gtail)],
                            acc_sh.at[pl.ds(s * rpt + gtail, rpt - gtail)])
        @pl.when(c == 1)
        def _():
            pltpu.sync_copy(zeros_hbm.at[pl.ds(s * rpt, rpt)],
                            acc_sh.at[pl.ds(s * rpt, rpt)])
        plsc.subcore_barrier()

        def body(i, carry):
            for b in range(nbuf):
                j = i * nbuf + b
                pltpu.make_async_copy(g_hbm.at[src_sm.at[b]], rows_v[b],
                                      gsem[b]).wait()
                pltpu.async_copy(rows_v[b], acc_sh.at[dst_sl.at[j]], ssem[b],
                                 add=True)

                @pl.when(i < niter - 1)
                def _(b=b, j=j):
                    pltpu.sync_copy(
                        src_hbm.at[pl.ds(base + (j + nbuf) * _CHUNK, _CHUNK)],
                        src_sm.at[b])
                    pltpu.make_async_copy(rows_v[b], acc_sh.at[dst_sl.at[j]],
                                          ssem[b]).wait()
                    pltpu.async_copy(g_hbm.at[src_sm.at[b]], rows_v[b],
                                     gsem[b])
            return carry

        lax.fori_loop(0, niter, body, 0)
        for b in range(nbuf):
            pltpu.make_async_copy(rows_v[b], acc_sh.at[dst_sl.at[0]],
                                  ssem[b]).wait()
        plsc.subcore_barrier()
        pltpu.sync_copy(acc_sh.at[pl.ds(s * rpt, rpt)],
                        out_hbm.at[c, pl.ds(s * rpt, rpt)])

    return agg_kernel



def _tc_first_body(degp_ref, x_ref, w_ref, dinv_ref, g_ref):
    deg = degp_ref[0, :, 0:1] + degp_ref[1, :, 0:1] + 1.0
    dinv = lax.rsqrt(deg)
    dinv_ref[...] = dinv
    h = jnp.dot(x_ref[...], w_ref[...],
                preferred_element_type=_F32, precision=lax.Precision.HIGHEST)
    g_ref[...] = dinv * h


def _tc_first(degp, x, w):
    n, d = x.shape
    grid = (n // _BLK,)
    return pl.pallas_call(
        _tc_first_body,
        grid=grid,
        in_specs=[
            pl.BlockSpec((2, _BLK, _DEGW), lambda i: (0, i, 0)),
            pl.BlockSpec((_BLK, d), lambda i: (i, 0)),
            pl.BlockSpec((d, d), lambda i: (0, 0)),
        ],
        out_specs=[
            pl.BlockSpec((_BLK, 1), lambda i: (i, 0)),
            pl.BlockSpec((_BLK, d), lambda i: (i, 0)),
        ],
        out_shape=[
            jax.ShapeDtypeStruct((n, 1), _F32),
            jax.ShapeDtypeStruct((n, d), _F32),
        ],
    )(degp, x, w)


def _tc_mid_body(has_resid, write_x, acc_ref, dinv_ref, b_ref, w_ref, *rest):
    if has_resid:
        r_ref, rest = rest[0], rest[1:]
    if write_x:
        xout_ref, gout_ref = rest
    else:
        gout_ref, = rest
    dinv = dinv_ref[...]
    a = acc_ref[0] + acc_ref[1]
    act = jnp.maximum(dinv * a + b_ref[...], 0.0)
    if write_x:
        xout_ref[...] = act
    inp = act + r_ref[...] if has_resid else act
    h = jnp.dot(inp, w_ref[...],
                preferred_element_type=_F32, precision=lax.Precision.HIGHEST)
    gout_ref[...] = dinv * h


def _tc_mid(acc, dinv, b, w, resid, write_x=True):
    n, d = dinv.shape[0], acc.shape[2]
    grid = (n // _BLK,)
    has_resid = resid is not None
    row = pl.BlockSpec((_BLK, d), lambda i: (i, 0))
    in_specs = [
        pl.BlockSpec((2, _BLK, d), lambda i: (0, i, 0)),
        pl.BlockSpec((_BLK, 1), lambda i: (i, 0)),
        pl.BlockSpec((1, d), lambda i: (0, 0)),
        pl.BlockSpec((d, d), lambda i: (0, 0)),
    ]
    args = [acc, dinv, b.reshape(1, d), w]
    if has_resid:
        in_specs.append(row)
        args.append(resid)
    n_out = 2 if write_x else 1
    return pl.pallas_call(
        functools.partial(_tc_mid_body, has_resid, write_x),
        grid=grid,
        in_specs=in_specs,
        out_specs=[row] * n_out,
        out_shape=[jax.ShapeDtypeStruct((n, d), _F32)] * n_out,
    )(*args)


def _tc_last_body(acc_ref, dinv_ref, b_ref, out_ref):
    a = acc_ref[0] + acc_ref[1]
    out_ref[...] = jnp.maximum(dinv_ref[...] * a + b_ref[...], 0.0)


def _tc_last(acc, dinv, b):
    n, d = dinv.shape[0], acc.shape[2]
    grid = (n // _BLK,)
    row = pl.BlockSpec((_BLK, d), lambda i: (i, 0))
    return pl.pallas_call(
        _tc_last_body,
        grid=grid,
        in_specs=[
            pl.BlockSpec((2, _BLK, d), lambda i: (0, i, 0)),
            pl.BlockSpec((_BLK, 1), lambda i: (i, 0)),
            pl.BlockSpec((1, d), lambda i: (0, 0)),
        ],
        out_specs=row,
        out_shape=jax.ShapeDtypeStruct((n, d), _F32),
    )(acc, dinv, b.reshape(1, d))



def kernel(x, edge_index, W1, b1, W2, b2, W3, b3, W4, b4):
    n, d = x.shape
    e = edge_index.shape[1]
    nc, ns = _sc_dims()
    nw = nc * ns
    n_pad = -(-(n + 1) // 128) * 128
    ept = -(-e // (nw * 3 * _CHUNK)) * (3 * _CHUNK)
    pad = ept * nw - e
    idt = edge_index.dtype
    nch = ept // _CHUNK
    import numpy as _np
    junk = jnp.asarray(n + _np.arange(pad) % (n_pad - n), idt)
    src_pad = jnp.asarray(_np.arange(pad) % n, idt)
    src = jnp.concatenate([edge_index[0], src_pad])
    dst3 = jnp.concatenate([edge_index[1], junk]).reshape(nw, nch, _CHUNK)
    zeros_w = jnp.zeros((n_pad, _DEGW), _F32)
    zeros_d = jnp.zeros((n_pad, d), _F32)

    deg_k = _make_deg_kernel(n_pad, ept)
    agg_k = _make_agg_kernel(n, n_pad, d, ept)

    ones_w = jnp.ones((_CHUNK, _DEGW), _F32)
    degp = deg_k(dst3, zeros_w, ones_w)
    dinv, g1 = _tc_first(degp, x, W1)
    acc = agg_k(src, dst3, g1, zeros_d)
    x1, g2 = _tc_mid(acc, dinv, b1, W2, None)
    acc = agg_k(src, dst3, g2, zeros_d)
    x2, g3 = _tc_mid(acc, dinv, b2, W3, x1)
    acc = agg_k(src, dst3, g3, zeros_d)
    x3, g4 = _tc_mid(acc, dinv, b3, W4, x2)
    acc = agg_k(src, dst3, g4, zeros_d)
    (g5,) = _tc_mid(acc, dinv, b4, W4, x3, write_x=False)
    acc = agg_k(src, dst3, g5, zeros_d)
    return _tc_last(acc, dinv, b4)

# --- scband reference (transcript-rebuilt; emitter-appended) ---
"""Pipeline reference for scband-rest-gcnequal-hidden-11321533792498 (READ-ONLY COPY).

The authoritative reference and input builder live on the scoring server;
editing this copy changes nothing except your own understanding.
"""

import jax, jax.numpy as jnp
import numpy as np

N = 10000
E = 320000
D = 128
H = 128


def _glorot(key, fan_in, fan_out):
    limit = jnp.sqrt(6.0 / (fan_in + fan_out))
    return jax.random.uniform(key, (fan_in, fan_out), dtype=jnp.float32, minval=-limit, maxval=limit)


def setup_inputs(seed: int = 0):
    key = jax.random.key(seed)
    ks = jax.random.split(key, 8)
    x = jax.random.normal(ks[0], (N, D), dtype=jnp.float32)
    edge_index = jax.random.randint(ks[1], (2, E), 0, N, dtype=jnp.int32)
    return {
        "x": x,
        "edge_index": edge_index,
        "W1": _glorot(ks[2], D, H), "b1": jnp.zeros((H,), jnp.float32),
        "W2": _glorot(ks[3], H, H), "b2": jnp.zeros((H,), jnp.float32),
        "W3": _glorot(ks[4], H, H), "b3": jnp.zeros((H,), jnp.float32),
        "W4": _glorot(ks[5], H, H), "b4": jnp.zeros((H,), jnp.float32),
    }


def _gcn_conv(x, W, b, src, dst, norm, n):
    # GCNConv: D^{-1/2} (A + I) D^{-1/2} X W + b
    h = x @ W
    msg = h[src] * norm[:, None]
    agg = jax.ops.segment_sum(msg, dst, num_segments=n)
    return agg + b


def reference(x, edge_index, W1, b1, W2, b2, W3, b3, W4, b4):
    n = x.shape[0]
    loop = jnp.arange(n, dtype=edge_index.dtype)
    src = jnp.concatenate([edge_index[0], loop])
    dst = jnp.concatenate([edge_index[1], loop])
    deg = jax.ops.segment_sum(jnp.ones_like(dst, dtype=x.dtype), dst, num_segments=n)
    dinv = jnp.where(deg > 0, jax.lax.rsqrt(deg), 0.0)
    norm = dinv[src] * dinv[dst]
    # eval mode: dropout is identity
    x1 = jax.nn.relu(_gcn_conv(x, W1, b1, src, dst, norm, n))
    x2 = jax.nn.relu(_gcn_conv(x1, W2, b2, src, dst, norm, n))
    x3 = jax.nn.relu(_gcn_conv(x2 + x1, W3, b3, src, dst, norm, n))
    x4 = jax.nn.relu(_gcn_conv(x2 + x3, W4, b4, src, dst, norm, n))
    # note: original forward reuses conv4 for the 5th layer (conv5 is unused)
    x5 = _gcn_conv(x4 + x3, W4, b4, src, dst, norm, n)
    return jax.nn.relu(x5)

if __name__ == "__main__":
    import jax
    _d = setup_inputs()
    print(jax.jit(kernel)(*tuple(_d.values())))

</pallas_src>

<mosaic_0001>
#map = affine_map<(d0, d1) -> (0)>
#map1 = affine_map<(d0, d1) -> (0, 0, 0)>
#map2 = affine_map<(d0, d1) -> (0, 0)>
module attributes {stable_mosaic.version = 14 : i64} {
  func.func @agg_kernel(%arg0: i32, %arg1: i32, %arg2: memref<321024xi32, #tpu.memory_space<hbm>>, %arg3: memref<32x114x88xi32, #tpu.memory_space<hbm>>, %arg4: memref<10000x128xf32, #tpu.memory_space<hbm>>, %arg5: memref<10112x128xf32, #tpu.memory_space<hbm>>, %arg6: memref<2x10112x128xf32, #tpu.memory_space<hbm>>, %arg7: memref<10112x128xf32, #tpu.memory_space<vmem_shared>>, %arg8: memref<114x88xi32, #tpu.memory_space<vmem>>, %arg9: memref<3x88xi32, #tpu.memory_space<vmem>>, %arg10: memref<88x128xf32, #tpu.memory_space<vmem>>, %arg11: memref<88x128xf32, #tpu.memory_space<vmem>>, %arg12: memref<88x128xf32, #tpu.memory_space<vmem>>, %arg13: memref<!tpu.dma_semaphore, #tpu.memory_space<semaphore_mem>>, %arg14: memref<!tpu.dma_semaphore, #tpu.memory_space<semaphore_mem>>, %arg15: memref<!tpu.dma_semaphore, #tpu.memory_space<semaphore_mem>>, %arg16: memref<!tpu.dma_semaphore, #tpu.memory_space<semaphore_mem>>, %arg17: memref<!tpu.dma_semaphore, #tpu.memory_space<semaphore_mem>>, %arg18: memref<!tpu.dma_semaphore, #tpu.memory_space<semaphore_mem>>) attributes {dimension_semantics = [#tpu.dimension_semantics<core_parallel>, #tpu.dimension_semantics<subcore_parallel>], iteration_bounds = array<i64: 2, 16>, scalar_prefetch = 0 : i64, scratch_operands = 12 : i64, tpu.core_type = #tpu.core_type<sc_vector_subcore>, window_params = [{transform_indices = #map}, {transform_indices = #map1}, {transform_indices = #map2}, {transform_indices = #map2}, {transform_indices = #map1}]} {
    %mul3A = arith.constant 2 : i32
    %mul3A_0 = arith.muli %arg1, %mul3A : i32
    %add3A = arith.addi %mul3A_0, %arg0 : i32
    %mul3A_1 = arith.constant 10032 : i32
    %mul3A_2 = arith.muli %add3A, %mul3A_1 : i32
    "tpu.region"() ({
      %run_scoped3A_77 = tpu.sem_alloc : memref<!tpu.dma_semaphore, #tpu.memory_space<semaphore_mem>>
      %dma_start3A_78 = arith.constant 0 : i32
      %dma_start3A_79 = arith.constant 0 : i32
      %dma_start3A_80 = tpu.memref_slice %arg3[%add3A, %dma_start3A_78, %dma_start3A_79] : memref<32x114x88xi32, #tpu.memory_space<hbm>> -> memref<1x114x88xi32, #tpu.memory_space<hbm>>
      %dma_start3A_81 = tpu.memref_squeeze %dma_start3A_80 : memref<1x114x88xi32, #tpu.memory_space<hbm>> -> memref<114x88xi32, #tpu.memory_space<hbm>>
      %dma_start3A_82 = arith.constant 0 : i32
      %dma_start3A_83 = arith.constant 0 : i32
      %dma_start3A_84 = tpu.memref_slice %arg3[%add3A, %dma_start3A_82, %dma_start3A_83] : memref<32x114x88xi32, #tpu.memory_space<hbm>> -> memref<1x114x88xi32, #tpu.memory_space<hbm>>
      %dma_start3A_85 = tpu.memref_squeeze %dma_start3A_84 : memref<1x114x88xi32, #tpu.memory_space<hbm>> -> memref<114x88xi32, #tpu.memory_space<hbm>>
      tpu.enqueue_dma source(%dma_start3A_85 : memref<114x88xi32, #tpu.memory_space<hbm>>) target(%arg8 : memref<114x88xi32, #tpu.memory_space<vmem>>) target_semaphore(%run_scoped3A_77 : memref<!tpu.dma_semaphore, #tpu.memory_space<semaphore_mem>>)
      %dma_wait3A_86 = arith.constant 0 : i32
      %dma_wait3A_87 = arith.constant 0 : i32
      %dma_wait3A_88 = tpu.memref_slice %arg3[%add3A, %dma_wait3A_86, %dma_wait3A_87] : memref<32x114x88xi32, #tpu.memory_space<hbm>> -> memref<1x114x88xi32, #tpu.memory_space<hbm>>
      %dma_wait3A_89 = tpu.memref_squeeze %dma_wait3A_88 : memref<1x114x88xi32, #tpu.memory_space<hbm>> -> memref<114x88xi32, #tpu.memory_space<hbm>>
      %dma_wait3A_90 = arith.constant 0 : i32
      %dma_wait3A_91 = arith.constant 0 : i32
      %dma_wait3A_92 = tpu.memref_slice %arg3[%add3A, %dma_wait3A_90, %dma_wait3A_91] : memref<32x114x88xi32, #tpu.memory_space<hbm>> -> memref<1x114x88xi32, #tpu.memory_space<hbm>>
      %dma_wait3A_93 = tpu.memref_squeeze %dma_wait3A_92 : memref<1x114x88xi32, #tpu.memory_space<hbm>> -> memref<114x88xi32, #tpu.memory_space<hbm>>
      tpu.wait_dma2 semaphore(%run_scoped3A_77 : memref<!tpu.dma_semaphore, #tpu.memory_space<semaphore_mem>>) src(%dma_wait3A_93 : memref<114x88xi32, #tpu.memory_space<hbm>>) dst(%arg8 : memref<114x88xi32, #tpu.memory_space<vmem>>)
      tpu.yield
    }) : () -> ()
    %add3A_3 = arith.constant 0 : i32
    %add3A_4 = arith.addi %mul3A_2, %add3A_3 : i32
    %run_scoped3A = arith.constant 0 : i32
    "tpu.region"() ({
      %run_scoped3A_77 = tpu.sem_alloc : memref<!tpu.dma_semaphore, #tpu.memory_space<semaphore_mem>>
      %dma_start3A_78 = arith.constant 0 : i32
      %dma_start3A_79 = tpu.memref_slice %arg9[%run_scoped3A, %dma_start3A_78] : memref<3x88xi32, #tpu.memory_space<vmem>> -> memref<1x88xi32, #tpu.memory_space<vmem>>
      %dma_start3A_80 = tpu.memref_squeeze %dma_start3A_79 : memref<1x88xi32, #tpu.memory_space<vmem>> -> memref<88xi32, #tpu.memory_space<vmem>>
      %dma_start3A_81 = tpu.memref_slice %arg2[%add3A_4] : memref<321024xi32, #tpu.memory_space<hbm>> -> memref<88xi32, #tpu.memory_space<hbm>>
      %dma_start3A_82 = arith.constant 0 : i32
      %dma_start3A_83 = tpu.memref_slice %arg9[%run_scoped3A, %dma_start3A_82] : memref<3x88xi32, #tpu.memory_space<vmem>> -> memref<1x88xi32, #tpu.memory_space<vmem>>
      %dma_start3A_84 = tpu.memref_squeeze %dma_start3A_83 : memref<1x88xi32, #tpu.memory_space<vmem>> -> memref<88xi32, #tpu.memory_space<vmem>>
      %dma_start3A_85 = tpu.memref_slice %arg2[%add3A_4] : memref<321024xi32, #tpu.memory_space<hbm>> -> memref<88xi32, #tpu.memory_space<hbm>>
      tpu.enqueue_dma source(%dma_start3A_85 : memref<88xi32, #tpu.memory_space<hbm>>) target(%dma_start3A_84 : memref<88xi32, #tpu.memory_space<vmem>>) target_semaphore(%run_scoped3A_77 : memref<!tpu.dma_semaphore, #tpu.memory_space<semaphore_mem>>)
      %dma_wait3A_86 = arith.constant 0 : i32
      %dma_wait3A_87 = tpu.memref_slice %arg9[%run_scoped3A, %dma_wait3A_86] : memref<3x88xi32, #tpu.memory_space<vmem>> -> memref<1x88xi32, #tpu.memory_space<vmem>>
      %dma_wait3A_88 = tpu.memref_squeeze %dma_wait3A_87 : memref<1x88xi32, #tpu.memory_space<vmem>> -> memref<88xi32, #tpu.memory_space<vmem>>
      %dma_wait3A_89 = tpu.memref_slice %arg2[%add3A_4] : memref<321024xi32, #tpu.memory_space<hbm>> -> memref<88xi32, #tpu.memory_space<hbm>>
      %dma_wait3A_90 = arith.constant 0 : i32
      %dma_wait3A_91 = tpu.memref_slice %arg9[%run_scoped3A, %dma_wait3A_90] : memref<3x88xi32, #tpu.memory_space<vmem>> -> memref<1x88xi32, #tpu.memory_space<vmem>>
      %dma_wait3A_92 = tpu.memref_squeeze %dma_wait3A_91 : memref<1x88xi32, #tpu.memory_space<vmem>> -> memref<88xi32, #tpu.memory_space<vmem>>
      %dma_wait3A_93 = tpu.memref_slice %arg2[%add3A_4] : memref<321024xi32, #tpu.memory_space<hbm>> -> memref<88xi32, #tpu.memory_space<hbm>>
      tpu.wait_dma2 semaphore(%run_scoped3A_77 : memref<!tpu.dma_semaphore, #tpu.memory_space<semaphore_mem>>) src(%dma_wait3A_93 : memref<88xi32, #tpu.memory_space<hbm>>) dst(%dma_wait3A_92 : memref<88xi32, #tpu.memory_space<vmem>>)
      tpu.yield
    }) : () -> ()
    %dma_start3A = arith.constant 0 : i32
    %dma_start3A_5 = arith.constant 0 : i32
    %dma_start3A_6 = tpu.memref_slice %arg9[%dma_start3A, %dma_start3A_5] : memref<3x88xi32, #tpu.memory_space<vmem>> -> memref<1x88xi32, #tpu.memory_space<vmem>>
    %dma_start3A_7 = tpu.memref_squeeze %dma_start3A_6 : memref<1x88xi32, #tpu.memory_space<vmem>> -> memref<88xi32, #tpu.memory_space<vmem>>
    %dma_start3A_8 = arith.constant 0 : i32
    %dma_start3A_9 = arith.constant 0 : i32
    %dma_start3A_10 = tpu.memref_slice %arg4[%dma_start3A_8, %dma_start3A_9] : memref<10000x128xf32, #tpu.memory_space<hbm>> -> memref<10000x128xf32, #tpu.memory_space<hbm>>
    tpu.enqueue_indirect_dma source(%dma_start3A_10 : memref<10000x128xf32, #tpu.memory_space<hbm>>) target(%arg10 : memref<88x128xf32, #tpu.memory_space<vmem>>) offsets(%dma_start3A_7 : memref<88xi32, #tpu.memory_space<vmem>>) semaphore(%arg13 : memref<!tpu.dma_semaphore, #tpu.memory_space<semaphore_mem>>)
    %add3A_11 = arith.constant 88 : i32
    %add3A_12 = arith.addi %mul3A_2, %add3A_11 : i32
    %run_scoped3A_13 = arith.constant 1 : i32
    "tpu.region"() ({
      %run_scoped3A_77 = tpu.sem_alloc : memref<!tpu.dma_semaphore, #tpu.memory_space<semaphore_mem>>
      %dma_start3A_78 = arith.constant 0 : i32
      %dma_start3A_79 = tpu.memref_slice %arg9[%run_scoped3A_13, %dma_start3A_78] : memref<3x88xi32, #tpu.memory_space<vmem>> -> memref<1x88xi32, #tpu.memory_space<vmem>>
      %dma_start3A_80 = tpu.memref_squeeze %dma_start3A_79 : memref<1x88xi32, #tpu.memory_space<vmem>> -> memref<88xi32, #tpu.memory_space<vmem>>
      %dma_start3A_81 = tpu.memref_slice %arg2[%add3A_12] : memref<321024xi32, #tpu.memory_space<hbm>> -> memref<88xi32, #tpu.memory_space<hbm>>
      %dma_start3A_82 = arith.constant 0 : i32
      %dma_start3A_83 = tpu.memref_slice %arg9[%run_scoped3A_13, %dma_start3A_82] : memref<3x88xi32, #tpu.memory_space<vmem>> -> memref<1x88xi32, #tpu.memory_space<vmem>>
      %dma_start3A_84 = tpu.memref_squeeze %dma_start3A_83 : memref<1x88xi32, #tpu.memory_space<vmem>> -> memref<88xi32, #tpu.memory_space<vmem>>
      %dma_start3A_85 = tpu.memref_slice %arg2[%add3A_12] : memref<321024xi32, #tpu.memory_space<hbm>> -> memref<88xi32, #tpu.memory_space<hbm>>
      tpu.enqueue_dma source(%dma_start3A_85 : memref<88xi32, #tpu.memory_space<hbm>>) target(%dma_start3A_84 : memref<88xi32, #tpu.memory_space<vmem>>) target_semaphore(%run_scoped3A_77 : memref<!tpu.dma_semaphore, #tpu.memory_space<semaphore_mem>>)
      %dma_wait3A_86 = arith.constant 0 : i32
      %dma_wait3A_87 = tpu.memref_slice %arg9[%run_scoped3A_13, %dma_wait3A_86] : memref<3x88xi32, #tpu.memory_space<vmem>> -> memref<1x88xi32, #tpu.memory_space<vmem>>
      %dma_wait3A_88 = tpu.memref_squeeze %dma_wait3A_87 : memref<1x88xi32, #tpu.memory_space<vmem>> -> memref<88xi32, #tpu.memory_space<vmem>>
      %dma_wait3A_89 = tpu.memref_slice %arg2[%add3A_12] : memref<321024xi32, #tpu.memory_space<hbm>> -> memref<88xi32, #tpu.memory_space<hbm>>
      %dma_wait3A_90 = arith.constant 0 : i32
      %dma_wait3A_91 = tpu.memref_slice %arg9[%run_scoped3A_13, %dma_wait3A_90] : memref<3x88xi32, #tpu.memory_space<vmem>> -> memref<1x88xi32, #tpu.memory_space<vmem>>
      %dma_wait3A_92 = tpu.memref_squeeze %dma_wait3A_91 : memref<1x88xi32, #tpu.memory_space<vmem>> -> memref<88xi32, #tpu.memory_space<vmem>>
      %dma_wait3A_93 = tpu.memref_slice %arg2[%add3A_12] : memref<321024xi32, #tpu.memory_space<hbm>> -> memref<88xi32, #tpu.memory_space<hbm>>
      tpu.wait_dma2 semaphore(%run_scoped3A_77 : memref<!tpu.dma_semaphore, #tpu.memory_space<semaphore_mem>>) src(%dma_wait3A_93 : memref<88xi32, #tpu.memory_space<hbm>>) dst(%dma_wait3A_92 : memref<88xi32, #tpu.memory_space<vmem>>)
      tpu.yield
    }) : () -> ()
    %dma_start3A_14 = arith.constant 1 : i32
    %dma_start3A_15 = arith.constant 0 : i32
    %dma_start3A_16 = tpu.memref_slice %arg9[%dma_start3A_14, %dma_start3A_15] : memref<3x88xi32, #tpu.memory_space<vmem>> -> memref<1x88xi32, #tpu.memory_space<vmem>>
    %dma_start3A_17 = tpu.memref_squeeze %dma_start3A_16 : memref<1x88xi32, #tpu.memory_space<vmem>> -> memref<88xi32, #tpu.memory_space<vmem>>
    %dma_start3A_18 = arith.constant 0 : i32
    %dma_start3A_19 = arith.constant 0 : i32
    %dma_start3A_20 = tpu.memref_slice %arg4[%dma_start3A_18, %dma_start3A_19] : memref<10000x128xf32, #tpu.memory_space<hbm>> -> memref<10000x128xf32, #tpu.memory_space<hbm>>
    tpu.enqueue_indirect_dma source(%dma_start3A_20 : memref<10000x128xf32, #tpu.memory_space<hbm>>) target(%arg11 : memref<88x128xf32, #tpu.memory_space<vmem>>) offsets(%dma_start3A_17 : memref<88xi32, #tpu.memory_space<vmem>>) semaphore(%arg14 : memref<!tpu.dma_semaphore, #tpu.memory_space<semaphore_mem>>)
    %add3A_21 = arith.constant 176 : i32
    %add3A_22 = arith.addi %mul3A_2, %add3A_21 : i32
    %run_scoped3A_23 = arith.constant 2 : i32
    "tpu.region"() ({
      %run_scoped3A_77 = tpu.sem_alloc : memref<!tpu.dma_semaphore, #tpu.memory_space<semaphore_mem>>
      %dma_start3A_78 = arith.constant 0 : i32
      %dma_start3A_79 = tpu.memref_slice %arg9[%run_scoped3A_23, %dma_start3A_78] : memref<3x88xi32, #tpu.memory_space<vmem>> -> memref<1x88xi32, #tpu.memory_space<vmem>>
      %dma_start3A_80 = tpu.memref_squeeze %dma_start3A_79 : memref<1x88xi32, #tpu.memory_space<vmem>> -> memref<88xi32, #tpu.memory_space<vmem>>
      %dma_start3A_81 = tpu.memref_slice %arg2[%add3A_22] : memref<321024xi32, #tpu.memory_space<hbm>> -> memref<88xi32, #tpu.memory_space<hbm>>
      %dma_start3A_82 = arith.constant 0 : i32
      %dma_start3A_83 = tpu.memref_slice %arg9[%run_scoped3A_23, %dma_start3A_82] : memref<3x88xi32, #tpu.memory_space<vmem>> -> memref<1x88xi32, #tpu.memory_space<vmem>>
      %dma_start3A_84 = tpu.memref_squeeze %dma_start3A_83 : memref<1x88xi32, #tpu.memory_space<vmem>> -> memref<88xi32, #tpu.memory_space<vmem>>
      %dma_start3A_85 = tpu.memref_slice %arg2[%add3A_22] : memref<321024xi32, #tpu.memory_space<hbm>> -> memref<88xi32, #tpu.memory_space<hbm>>
      tpu.enqueue_dma source(%dma_start3A_85 : memref<88xi32, #tpu.memory_space<hbm>>) target(%dma_start3A_84 : memref<88xi32, #tpu.memory_space<vmem>>) target_semaphore(%run_scoped3A_77 : memref<!tpu.dma_semaphore, #tpu.memory_space<semaphore_mem>>)
      %dma_wait3A_86 = arith.constant 0 : i32
      %dma_wait3A_87 = tpu.memref_slice %arg9[%run_scoped3A_23, %dma_wait3A_86] : memref<3x88xi32, #tpu.memory_space<vmem>> -> memref<1x88xi32, #tpu.memory_space<vmem>>
      %dma_wait3A_88 = tpu.memref_squeeze %dma_wait3A_87 : memref<1x88xi32, #tpu.memory_space<vmem>> -> memref<88xi32, #tpu.memory_space<vmem>>
      %dma_wait3A_89 = tpu.memref_slice %arg2[%add3A_22] : memref<321024xi32, #tpu.memory_space<hbm>> -> memref<88xi32, #tpu.memory_space<hbm>>
      %dma_wait3A_90 = arith.constant 0 : i32
      %dma_wait3A_91 = tpu.memref_slice %arg9[%run_scoped3A_23, %dma_wait3A_90] : memref<3x88xi32, #tpu.memory_space<vmem>> -> memref<1x88xi32, #tpu.memory_space<vmem>>
      %dma_wait3A_92 = tpu.memref_squeeze %dma_wait3A_91 : memref<1x88xi32, #tpu.memory_space<vmem>> -> memref<88xi32, #tpu.memory_space<vmem>>
      %dma_wait3A_93 = tpu.memref_slice %arg2[%add3A_22] : memref<321024xi32, #tpu.memory_space<hbm>> -> memref<88xi32, #tpu.memory_space<hbm>>
      tpu.wait_dma2 semaphore(%run_scoped3A_77 : memref<!tpu.dma_semaphore, #tpu.memory_space<semaphore_mem>>) src(%dma_wait3A_93 : memref<88xi32, #tpu.memory_space<hbm>>) dst(%dma_wait3A_92 : memref<88xi32, #tpu.memory_space<vmem>>)
      tpu.yield
    }) : () -> ()
    %dma_start3A_24 = arith.constant 2 : i32
    %dma_start3A_25 = arith.constant 0 : i32
    %dma_start3A_26 = tpu.memref_slice %arg9[%dma_start3A_24, %dma_start3A_25] : memref<3x88xi32, #tpu.memory_space<vmem>> -> memref<1x88xi32, #tpu.memory_space<vmem>>
    %dma_start3A_27 = tpu.memref_squeeze %dma_start3A_26 : memref<1x88xi32, #tpu.memory_space<vmem>> -> memref<88xi32, #tpu.memory_space<vmem>>
    %dma_start3A_28 = arith.constant 0 : i32
    %dma_start3A_29 = arith.constant 0 : i32
    %dma_start3A_30 = tpu.memref_slice %arg4[%dma_start3A_28, %dma_start3A_29] : memref<10000x128xf32, #tpu.memory_space<hbm>> -> memref<10000x128xf32, #tpu.memory_space<hbm>>
    tpu.enqueue_indirect_dma source(%dma_start3A_30 : memref<10000x128xf32, #tpu.memory_space<hbm>>) target(%arg12 : memref<88x128xf32, #tpu.memory_space<vmem>>) offsets(%dma_start3A_27 : memref<88xi32, #tpu.memory_space<vmem>>) semaphore(%arg15 : memref<!tpu.dma_semaphore, #tpu.memory_space<semaphore_mem>>)
    %eq3A = arith.constant 0 : i32
    %eq3A_31 = arith.cmpi eq, %arg0, %eq3A : i32
    %lt3A = arith.constant 15 : i32
    %lt3A_32 = arith.cmpi slt, %arg1, %lt3A : i32
    %and3A = arith.andi %eq3A_31, %lt3A_32 : i1
    %convert_element_type3A = arith.extui %and3A : i1 to i32
    %cond3A = arith.constant 0 : i32
    %cond3A_33 = arith.cmpi ne, %convert_element_type3A, %cond3A : i32
    scf.if %cond3A_33 {
      %mul3A_77 = arith.constant 632 : i32
      %mul3A_78 = arith.muli %arg1, %mul3A_77 : i32
      %mul3A_79 = arith.constant 632 : i32
      %mul3A_80 = arith.muli %arg1, %mul3A_79 : i32
      "tpu.region"() ({
        %run_scoped3A_81 = tpu.sem_alloc : memref<!tpu.dma_semaphore, #tpu.memory_space<semaphore_mem>>
        %dma_start3A_82 = arith.constant 0 : i32
        %dma_start3A_83 = tpu.memref_slice %arg7[%mul3A_80, %dma_start3A_82] : memref<10112x128xf32, #tpu.memory_space<vmem_shared>> -> memref<632x128xf32, #tpu.memory_space<vmem_shared>>
        %dma_start3A_84 = arith.constant 0 : i32
        %dma_start3A_85 = tpu.memref_slice %arg4[%mul3A_78, %dma_start3A_84] : memref<10000x128xf32, #tpu.memory_space<hbm>> -> memref<632x128xf32, #tpu.memory_space<hbm>>
        tpu.enqueue_dma source(%dma_start3A_85 : memref<632x128xf32, #tpu.memory_space<hbm>>) target(%dma_start3A_83 : memref<632x128xf32, #tpu.memory_space<vmem_shared>>) target_semaphore(%run_scoped3A_81 : memref<!tpu.dma_semaphore, #tpu.memory_space<semaphore_mem>>)
        %dma_wait3A_86 = arith.constant 0 : i32
        %dma_wait3A_87 = tpu.memref_slice %arg7[%mul3A_80, %dma_wait3A_86] : memref<10112x128xf32, #tpu.memory_space<vmem_shared>> -> memref<632x128xf32, #tpu.memory_space<vmem_shared>>
        %dma_wait3A_88 = arith.constant 0 : i32
        %dma_wait3A_89 = tpu.memref_slice %arg4[%mul3A_78, %dma_wait3A_88] : memref<10000x128xf32, #tpu.memory_space<hbm>> -> memref<632x128xf32, #tpu.memory_space<hbm>>
        tpu.wait_dma2 semaphore(%run_scoped3A_81 : memref<!tpu.dma_semaphore, #tpu.memory_space<semaphore_mem>>) src(%dma_wait3A_89 : memref<632x128xf32, #tpu.memory_space<hbm>>) dst(%dma_wait3A_87 : memref<632x128xf32, #tpu.memory_space<vmem_shared>>)
        tpu.yield
      }) : () -> ()
    } else {
    }
    %eq3A_34 = arith.constant 0 : i32
    %eq3A_35 = arith.cmpi eq, %arg0, %eq3A_34 : i32
    %eq3A_36 = arith.constant 15 : i32
    %eq3A_37 = arith.cmpi eq, %arg1, %eq3A_36 : i32
    %and3A_38 = arith.andi %eq3A_35, %eq3A_37 : i1
    %convert_element_type3A_39 = arith.extui %and3A_38 : i1 to i32
    %cond3A_40 = arith.constant 0 : i32
    %cond3A_41 = arith.cmpi ne, %convert_element_type3A_39, %cond3A_40 : i32
    scf.if %cond3A_41 {
      %mul3A_77 = arith.constant 632 : i32
      %mul3A_78 = arith.muli %arg1, %mul3A_77 : i32
      %mul3A_79 = arith.constant 632 : i32
      %mul3A_80 = arith.muli %arg1, %mul3A_79 : i32
      "tpu.region"() ({
        %run_scoped3A_89 = tpu.sem_alloc : memref<!tpu.dma_semaphore, #tpu.memory_space<semaphore_mem>>
        %dma_start3A_90 = arith.constant 0 : i32
        %dma_start3A_91 = tpu.memref_slice %arg7[%mul3A_80, %dma_start3A_90] : memref<10112x128xf32, #tpu.memory_space<vmem_shared>> -> memref<520x128xf32, #tpu.memory_space<vmem_shared>>
        %dma_start3A_92 = arith.constant 0 : i32
        %dma_start3A_93 = tpu.memref_slice %arg4[%mul3A_78, %dma_start3A_92] : memref<10000x128xf32, #tpu.memory_space<hbm>> -> memref<520x128xf32, #tpu.memory_space<hbm>>
        tpu.enqueue_dma source(%dma_start3A_93 : memref<520x128xf32, #tpu.memory_space<hbm>>) target(%dma_start3A_91 : memref<520x128xf32, #tpu.memory_space<vmem_shared>>) target_semaphore(%run_scoped3A_89 : memref<!tpu.dma_semaphore, #tpu.memory_space<semaphore_mem>>)
        %dma_wait3A_94 = arith.constant 0 : i32
        %dma_wait3A_95 = tpu.memref_slice %arg7[%mul3A_80, %dma_wait3A_94] : memref<10112x128xf32, #tpu.memory_space<vmem_shared>> -> memref<520x128xf32, #tpu.memory_space<vmem_shared>>
        %dma_wait3A_96 = arith.constant 0 : i32
        %dma_wait3A_97 = tpu.memref_slice %arg4[%mul3A_78, %dma_wait3A_96] : memref<10000x128xf32, #tpu.memory_space<hbm>> -> memref<520x128xf32, #tpu.memory_space<hbm>>
        tpu.wait_dma2 semaphore(%run_scoped3A_89 : memref<!tpu.dma_semaphore, #tpu.memory_space<semaphore_mem>>) src(%dma_wait3A_97 : memref<520x128xf32, #tpu.memory_space<hbm>>) dst(%dma_wait3A_95 : memref<520x128xf32, #tpu.memory_space<vmem_shared>>)
        tpu.yield
      }) : () -> ()
      %mul3A_81 = arith.constant 632 : i32
      %mul3A_82 = arith.muli %arg1, %mul3A_81 : i32
      %add3A_83 = arith.constant 520 : i32
      %add3A_84 = arith.addi %mul3A_82, %add3A_83 : i32
      %mul3A_85 = arith.constant 632 : i32
      %mul3A_86 = arith.muli %arg1, %mul3A_85 : i32
      %add3A_87 = arith.constant 520 : i32
      %add3A_88 = arith.addi %mul3A_86, %add3A_87 : i32
      "tpu.region"() ({
        %run_scoped3A_89 = tpu.sem_alloc : memref<!tpu.dma_semaphore, #tpu.memory_space<semaphore_mem>>
        %dma_start3A_90 = arith.constant 0 : i32
        %dma_start3A_91 = tpu.memref_slice %arg7[%add3A_88, %dma_start3A_90] : memref<10112x128xf32, #tpu.memory_space<vmem_shared>> -> memref<112x128xf32, #tpu.memory_space<vmem_shared>>
        %dma_start3A_92 = arith.constant 0 : i32
        %dma_start3A_93 = tpu.memref_slice %arg5[%add3A_84, %dma_start3A_92] : memref<10112x128xf32, #tpu.memory_space<hbm>> -> memref<112x128xf32, #tpu.memory_space<hbm>>
        tpu.enqueue_dma source(%dma_start3A_93 : memref<112x128xf32, #tpu.memory_space<hbm>>) target(%dma_start3A_91 : memref<112x128xf32, #tpu.memory_space<vmem_shared>>) target_semaphore(%run_scoped3A_89 : memref<!tpu.dma_semaphore, #tpu.memory_space<semaphore_mem>>)
        %dma_wait3A_94 = arith.constant 0 : i32
        %dma_wait3A_95 = tpu.memref_slice %arg7[%add3A_88, %dma_wait3A_94] : memref<10112x128xf32, #tpu.memory_space<vmem_shared>> -> memref<112x128xf32, #tpu.memory_space<vmem_shared>>
        %dma_wait3A_96 = arith.constant 0 : i32
        %dma_wait3A_97 = tpu.memref_slice %arg5[%add3A_84, %dma_wait3A_96] : memref<10112x128xf32, #tpu.memory_space<hbm>> -> memref<112x128xf32, #tpu.memory_space<hbm>>
        tpu.wait_dma2 semaphore(%run_scoped3A_89 : memref<!tpu.dma_semaphore, #tpu.memory_space<semaphore_mem>>) src(%dma_wait3A_97 : memref<112x128xf32, #tpu.memory_space<hbm>>) dst(%dma_wait3A_95 : memref<112x128xf32, #tpu.memory_space<vmem_shared>>)
        tpu.yield
      }) : () -> ()
    } else {
    }
    %eq3A_42 = arith.constant 1 : i32
    %eq3A_43 = arith.cmpi eq, %arg0, %eq3A_42 : i32
    %convert_element_type3A_44 = arith.extui %eq3A_43 : i1 to i32
    %cond3A_45 = arith.constant 0 : i32
    %cond3A_46 = arith.cmpi ne, %convert_element_type3A_44, %cond3A_45 : i32
    scf.if %cond3A_46 {
      %mul3A_77 = arith.constant 632 : i32
      %mul3A_78 = arith.muli %arg1, %mul3A_77 : i32
      %mul3A_79 = arith.constant 632 : i32
      %mul3A_80 = arith.muli %arg1, %mul3A_79 : i32
      "tpu.region"() ({
        %run_scoped3A_81 = tpu.sem_alloc : memref<!tpu.dma_semaphore, #tpu.memory_space<semaphore_mem>>
        %dma_start3A_82 = arith.constant 0 : i32
        %dma_start3A_83 = tpu.memref_slice %arg7[%mul3A_80, %dma_start3A_82] : memref<10112x128xf32, #tpu.memory_space<vmem_shared>> -> memref<632x128xf32, #tpu.memory_space<vmem_shared>>
        %dma_start3A_84 = arith.constant 0 : i32
        %dma_start3A_85 = tpu.memref_slice %arg5[%mul3A_78, %dma_start3A_84] : memref<10112x128xf32, #tpu.memory_space<hbm>> -> memref<632x128xf32, #tpu.memory_space<hbm>>
        tpu.enqueue_dma source(%dma_start3A_85 : memref<632x128xf32, #tpu.memory_space<hbm>>) target(%dma_start3A_83 : memref<632x128xf32, #tpu.memory_space<vmem_shared>>) target_semaphore(%run_scoped3A_81 : memref<!tpu.dma_semaphore, #tpu.memory_space<semaphore_mem>>)
        %dma_wait3A_86 = arith.constant 0 : i32
        %dma_wait3A_87 = tpu.memref_slice %arg7[%mul3A_80, %dma_wait3A_86] : memref<10112x128xf32, #tpu.memory_space<vmem_shared>> -> memref<632x128xf32, #tpu.memory_space<vmem_shared>>
        %dma_wait3A_88 = arith.constant 0 : i32
        %dma_wait3A_89 = tpu.memref_slice %arg5[%mul3A_78, %dma_wait3A_88] : memref<10112x128xf32, #tpu.memory_space<hbm>> -> memref<632x128xf32, #tpu.memory_space<hbm>>
        tpu.wait_dma2 semaphore(%run_scoped3A_81 : memref<!tpu.dma_semaphore, #tpu.memory_space<semaphore_mem>>) src(%dma_wait3A_89 : memref<632x128xf32, #tpu.memory_space<hbm>>) dst(%dma_wait3A_87 : memref<632x128xf32, #tpu.memory_space<vmem_shared>>)
        tpu.yield
      }) : () -> ()
    } else {
    }
    %barrier3A = arith.constant 0 : index
    tpu.barrier barrier_id(%barrier3A)
    %scan3A = arith.constant 0 : i32
    %scan3A_47 = arith.constant 0 : i32
    %scan3A_48 = arith.constant 38 : i32
    %scan3A_49 = arith.addi %scan3A_47, %scan3A_48 : i32
    %scan3A_50 = arith.constant 1 : i32
    scf.for %scan3A_77 = %scan3A_47 to %scan3A_49 step %scan3A_50  : i32 {
      %mul3A_78 = arith.constant 3 : i32
      %mul3A_79 = arith.muli %scan3A_77, %mul3A_78 : i32
      %add3A_80 = arith.constant 0 : i32
      %add3A_81 = arith.addi %mul3A_79, %add3A_80 : i32
      %dma_wait3A_82 = arith.constant 0 : i32
      %dma_wait3A_83 = arith.constant 0 : i32
      %dma_wait3A_84 = tpu.memref_slice %arg9[%dma_wait3A_82, %dma_wait3A_83] : memref<3x88xi32, #tpu.memory_space<vmem>> -> memref<1x88xi32, #tpu.memory_space<vmem>>
      %dma_wait3A_85 = tpu.memref_squeeze %dma_wait3A_84 : memref<1x88xi32, #tpu.memory_space<vmem>> -> memref<88xi32, #tpu.memory_space<vmem>>
      %dma_wait3A_86 = arith.constant 0 : i32
      %dma_wait3A_87 = arith.constant 0 : i32
      %dma_wait3A_88 = tpu.memref_slice %arg4[%dma_wait3A_86, %dma_wait3A_87] : memref<10000x128xf32, #tpu.memory_space<hbm>> -> memref<10000x128xf32, #tpu.memory_space<hbm>>
      tpu.wait_indirect_dma semaphore(%arg13 : memref<!tpu.dma_semaphore, #tpu.memory_space<semaphore_mem>>) src(%dma_wait3A_88 : memref<10000x128xf32, #tpu.memory_space<hbm>>) dst(%arg10 : memref<88x128xf32, #tpu.memory_space<vmem>>)
      %dma_start3A_89 = arith.constant 0 : i32
      %dma_start3A_90 = tpu.memref_slice %arg8[%add3A_81, %dma_start3A_89] : memref<114x88xi32, #tpu.memory_space<vmem>> -> memref<1x88xi32, #tpu.memory_space<vmem>>
      %dma_start3A_91 = tpu.memref_squeeze %dma_start3A_90 : memref<1x88xi32, #tpu.memory_space<vmem>> -> memref<88xi32, #tpu.memory_space<vmem>>
      %dma_start3A_92 = arith.constant 0 : i32
      %dma_start3A_93 = arith.constant 0 : i32
      %dma_start3A_94 = tpu.memref_slice %arg7[%dma_start3A_92, %dma_start3A_93] : memref<10112x128xf32, #tpu.memory_space<vmem_shared>> -> memref<10112x128xf32, #tpu.memory_space<vmem_shared>>
      tpu.enqueue_indirect_dma source(%arg10 : memref<88x128xf32, #tpu.memory_space<vmem>>) target(%dma_start3A_94 : memref<10112x128xf32, #tpu.memory_space<vmem_shared>>) offsets(%dma_start3A_91 : memref<88xi32, #tpu.memory_space<vmem>>) semaphore(%arg16 : memref<!tpu.dma_semaphore, #tpu.memory_space<semaphore_mem>>) {add = true}
      %lt3A_95 = arith.constant 37 : i32
      %lt3A_96 = arith.cmpi slt, %scan3A_77, %lt3A_95 : i32
      %convert_element_type3A_97 = arith.extui %lt3A_96 : i1 to i32
      %cond3A_98 = arith.constant 0 : i32
      %cond3A_99 = arith.cmpi ne, %convert_element_type3A_97, %cond3A_98 : i32
      scf.if %cond3A_99 {
        %add3A_144 = arith.constant 3 : i32
        %add3A_145 = arith.addi %add3A_81, %add3A_144 : i32
        %mul3A_146 = arith.constant 88 : i32
        %mul3A_147 = arith.muli %add3A_145, %mul3A_146 : i32
        %add3A_148 = arith.addi %mul3A_2, %mul3A_147 : i32
        %run_scoped3A_149 = arith.constant 0 : i32
        "tpu.region"() ({
          %run_scoped3A_163 = tpu.sem_alloc : memref<!tpu.dma_semaphore, #tpu.memory_space<semaphore_mem>>
          %dma_start3A_164 = arith.constant 0 : i32
          %dma_start3A_165 = tpu.memref_slice %arg9[%run_scoped3A_149, %dma_start3A_164] : memref<3x88xi32, #tpu.memory_space<vmem>> -> memref<1x88xi32, #tpu.memory_space<vmem>>
          %dma_start3A_166 = tpu.memref_squeeze %dma_start3A_165 : memref<1x88xi32, #tpu.memory_space<vmem>> -> memref<88xi32, #tpu.memory_space<vmem>>
          %dma_start3A_167 = tpu.memref_slice %arg2[%add3A_148] : memref<321024xi32, #tpu.memory_space<hbm>> -> memref<88xi32, #tpu.memory_space<hbm>>
          %dma_start3A_168 = arith.constant 0 : i32
          %dma_start3A_169 = tpu.memref_slice %arg9[%run_scoped3A_149, %dma_start3A_168] : memref<3x88xi32, #tpu.memory_space<vmem>> -> memref<1x88xi32, #tpu.memory_space<vmem>>
          %dma_start3A_170 = tpu.memref_squeeze %dma_start3A_169 : memref<1x88xi32, #tpu.memory_space<vmem>> -> memref<88xi32, #tpu.memory_space<vmem>>
          %dma_start3A_171 = tpu.memref_slice %arg2[%add3A_148] : memref<321024xi32, #tpu.memory_space<hbm>> -> memref<88xi32, #tpu.memory_space<hbm>>
          tpu.enqueue_dma source(%dma_start3A_171 : memref<88xi32, #tpu.memory_space<hbm>>) target(%dma_start3A_170 : memref<88xi32, #tpu.memory_space<vmem>>) target_semaphore(%run_scoped3A_163 : memref<!tpu.dma_semaphore, #tpu.memory_space<semaphore_mem>>)
          %dma_wait3A_172 = arith.constant 0 : i32
          %dma_wait3A_173 = tpu.memref_slice %arg9[%run_scoped3A_149, %dma_wait3A_172] : memref<3x88xi32, #tpu.memory_space<vmem>> -> memref<1x88xi32, #tpu.memory_space<vmem>>
          %dma_wait3A_174 = tpu.memref_squeeze %dma_wait3A_173 : memref<1x88xi32, #tpu.memory_space<vmem>> -> memref<88xi32, #tpu.memory_space<vmem>>
          %dma_wait3A_175 = tpu.memref_slice %arg2[%add3A_148] : memref<321024xi32, #tpu.memory_space<hbm>> -> memref<88xi32, #tpu.memory_space<hbm>>
          %dma_wait3A_176 = arith.constant 0 : i32
          %dma_wait3A_177 = tpu.memref_slice %arg9[%run_scoped3A_149, %dma_wait3A_176] : memref<3x88xi32, #tpu.memory_space<vmem>> -> memref<1x88xi32, #tpu.memory_space<vmem>>
          %dma_wait3A_178 = tpu.memref_squeeze %dma_wait3A_177 : memref<1x88xi32, #tpu.memory_space<vmem>> -> memref<88xi32, #tpu.memory_space<vmem>>
          %dma_wait3A_179 = tpu.memref_slice %arg2[%add3A_148] : memref<321024xi32, #tpu.memory_space<hbm>> -> memref<88xi32, #tpu.memory_space<hbm>>
          tpu.wait_dma2 semaphore(%run_scoped3A_163 : memref<!tpu.dma_semaphore, #tpu.memory_space<semaphore_mem>>) src(%dma_wait3A_179 : memref<88xi32, #tpu.memory_space<hbm>>) dst(%dma_wait3A_178 : memref<88xi32, #tpu.memory_space<vmem>>)
          tpu.yield
        }) : () -> ()
        %dma_wait3A_150 = arith.constant 0 : i32
        %dma_wait3A_151 = tpu.memref_slice %arg8[%add3A_81, %dma_wait3A_150] : memref<114x88xi32, #tpu.memory_space<vmem>> -> memref<1x88xi32, #tpu.memory_space<vmem>>
        %dma_wait3A_152 = tpu.memref_squeeze %dma_wait3A_151 : memref<1x88xi32, #tpu.memory_space<vmem>> -> memref<88xi32, #tpu.memory_space<vmem>>
        %dma_wait3A_153 = arith.constant 0 : i32
        %dma_wait3A_154 = arith.constant 0 : i32
        %dma_wait3A_155 = tpu.memref_slice %arg7[%dma_wait3A_153, %dma_wait3A_154] : memref<10112x128xf32, #tpu.memory_space<vmem_shared>> -> memref<10112x128xf32, #tpu.memory_space<vmem_shared>>
        tpu.wait_indirect_dma semaphore(%arg16 : memref<!tpu.dma_semaphore, #tpu.memory_space<semaphore_mem>>) src(%arg10 : memref<88x128xf32, #tpu.memory_space<vmem>>) dst(%dma_wait3A_155 : memref<10112x128xf32, #tpu.memory_space<vmem_shared>>)
        %dma_start3A_156 = arith.constant 0 : i32
        %dma_start3A_157 = arith.constant 0 : i32
        %dma_start3A_158 = tpu.memref_slice %arg9[%dma_start3A_156, %dma_start3A_157] : memref<3x88xi32, #tpu.memory_space<vmem>> -> memref<1x88xi32, #tpu.memory_space<vmem>>
        %dma_start3A_159 = tpu.memref_squeeze %dma_start3A_158 : memref<1x88xi32, #tpu.memory_space<vmem>> -> memref<88xi32, #tpu.memory_space<vmem>>
        %dma_start3A_160 = arith.constant 0 : i32
        %dma_start3A_161 = arith.constant 0 : i32
        %dma_start3A_162 = tpu.memref_slice %arg4[%dma_start3A_160, %dma_start3A_161] : memref<10000x128xf32, #tpu.memory_space<hbm>> -> memref<10000x128xf32, #tpu.memory_space<hbm>>
        tpu.enqueue_indirect_dma source(%dma_start3A_162 : memref<10000x128xf32, #tpu.memory_space<hbm>>) target(%arg10 : memref<88x128xf32, #tpu.memory_space<vmem>>) offsets(%dma_start3A_159 : memref<88xi32, #tpu.memory_space<vmem>>) semaphore(%arg13 : memref<!tpu.dma_semaphore, #tpu.memory_space<semaphore_mem>>)
      } else {
      }
      %mul3A_100 = arith.constant 3 : i32
      %mul3A_101 = arith.muli %scan3A_77, %mul3A_100 : i32
      %add3A_102 = arith.constant 1 : i32
      %add3A_103 = arith.addi %mul3A_101, %add3A_102 : i32
      %dma_wait3A_104 = arith.constant 1 : i32
      %dma_wait3A_105 = arith.constant 0 : i32
      %dma_wait3A_106 = tpu.memref_slice %arg9[%dma_wait3A_104, %dma_wait3A_105] : memref<3x88xi32, #tpu.memory_space<vmem>> -> memref<1x88xi32, #tpu.memory_space<vmem>>
      %dma_wait3A_107 = tpu.memref_squeeze %dma_wait3A_106 : memref<1x88xi32, #tpu.memory_space<vmem>> -> memref<88xi32, #tpu.memory_space<vmem>>
      %dma_wait3A_108 = arith.constant 0 : i32
      %dma_wait3A_109 = arith.constant 0 : i32
      %dma_wait3A_110 = tpu.memref_slice %arg4[%dma_wait3A_108, %dma_wait3A_109] : memref<10000x128xf32, #tpu.memory_space<hbm>> -> memref<10000x128xf32, #tpu.memory_space<hbm>>
      tpu.wait_indirect_dma semaphore(%arg14 : memref<!tpu.dma_semaphore, #tpu.memory_space<semaphore_mem>>) src(%dma_wait3A_110 : memref<10000x128xf32, #tpu.memory_space<hbm>>) dst(%arg11 : memref<88x128xf32, #tpu.memory_space<vmem>>)
      %dma_start3A_111 = arith.constant 0 : i32
      %dma_start3A_112 = tpu.memref_slice %arg8[%add3A_103, %dma_start3A_111] : memref<114x88xi32, #tpu.memory_space<vmem>> -> memref<1x88xi32, #tpu.memory_space<vmem>>
      %dma_start3A_113 = tpu.memref_squeeze %dma_start3A_112 : memref<1x88xi32, #tpu.memory_space<vmem>> -> memref<88xi32, #tpu.memory_space<vmem>>
      %dma_start3A_114 = arith.constant 0 : i32
      %dma_start3A_115 = arith.constant 0 : i32
      %dma_start3A_116 = tpu.memref_slice %arg7[%dma_start3A_114, %dma_start3A_115] : memref<10112x128xf32, #tpu.memory_space<vmem_shared>> -> memref<10112x128xf32, #tpu.memory_space<vmem_shared>>
      tpu.enqueue_indirect_dma source(%arg11 : memref<88x128xf32, #tpu.memory_space<vmem>>) target(%dma_start3A_116 : memref<10112x128xf32, #tpu.memory_space<vmem_shared>>) offsets(%dma_start3A_113 : memref<88xi32, #tpu.memory_space<vmem>>) semaphore(%arg17 : memref<!tpu.dma_semaphore, #tpu.memory_space<semaphore_mem>>) {add = true}
      %lt3A_117 = arith.constant 37 : i32
      %lt3A_118 = arith.cmpi slt, %scan3A_77, %lt3A_117 : i32
      %convert_element_type3A_119 = arith.extui %lt3A_118 : i1 to i32
      %cond3A_120 = arith.constant 0 : i32
      %cond3A_121 = arith.cmpi ne, %convert_element_type3A_119, %cond3A_120 : i32
      scf.if %cond3A_121 {
        %add3A_144 = arith.constant 3 : i32
        %add3A_145 = arith.addi %add3A_103, %add3A_144 : i32
        %mul3A_146 = arith.constant 88 : i32
        %mul3A_147 = arith.muli %add3A_145, %mul3A_146 : i32
        %add3A_148 = arith.addi %mul3A_2, %mul3A_147 : i32
        %run_scoped3A_149 = arith.constant 1 : i32
        "tpu.region"() ({
          %run_scoped3A_163 = tpu.sem_alloc : memref<!tpu.dma_semaphore, #tpu.memory_space<semaphore_mem>>
          %dma_start3A_164 = arith.constant 0 : i32
          %dma_start3A_165 = tpu.memref_slice %arg9[%run_scoped3A_149, %dma_start3A_164] : memref<3x88xi32, #tpu.memory_space<vmem>> -> memref<1x88xi32, #tpu.memory_space<vmem>>
          %dma_start3A_166 = tpu.memref_squeeze %dma_start3A_165 : memref<1x88xi32, #tpu.memory_space<vmem>> -> memref<88xi32, #tpu.memory_space<vmem>>
          %dma_start3A_167 = tpu.memref_slice %arg2[%add3A_148] : memref<321024xi32, #tpu.memory_space<hbm>> -> memref<88xi32, #tpu.memory_space<hbm>>
          %dma_start3A_168 = arith.constant 0 : i32
          %dma_start3A_169 = tpu.memref_slice %arg9[%run_scoped3A_149, %dma_start3A_168] : memref<3x88xi32, #tpu.memory_space<vmem>> -> memref<1x88xi32, #tpu.memory_space<vmem>>
          %dma_start3A_170 = tpu.memref_squeeze %dma_start3A_169 : memref<1x88xi32, #tpu.memory_space<vmem>> -> memref<88xi32, #tpu.memory_space<vmem>>
          %dma_start3A_171 = tpu.memref_slice %arg2[%add3A_148] : memref<321024xi32, #tpu.memory_space<hbm>> -> memref<88xi32, #tpu.memory_space<hbm>>
          tpu.enqueue_dma source(%dma_start3A_171 : memref<88xi32, #tpu.memory_space<hbm>>) target(%dma_start3A_170 : memref<88xi32, #tpu.memory_space<vmem>>) target_semaphore(%run_scoped3A_163 : memref<!tpu.dma_semaphore, #tpu.memory_space<semaphore_mem>>)
          %dma_wait3A_172 = arith.constant 0 : i32
          %dma_wait3A_173 = tpu.memref_slice %arg9[%run_scoped3A_149, %dma_wait3A_172] : memref<3x88xi32, #tpu.memory_space<vmem>> -> memref<1x88xi32, #tpu.memory_space<vmem>>
          %dma_wait3A_174 = tpu.memref_squeeze %dma_wait3A_173 : memref<1x88xi32, #tpu.memory_space<vmem>> -> memref<88xi32, #tpu.memory_space<vmem>>
          %dma_wait3A_175 = tpu.memref_slice %arg2[%add3A_148] : memref<321024xi32, #tpu.memory_space<hbm>> -> memref<88xi32, #tpu.memory_space<hbm>>
          %dma_wait3A_176 = arith.constant 0 : i32
          %dma_wait3A_177 = tpu.memref_slice %arg9[%run_scoped3A_149, %dma_wait3A_176] : memref<3x88xi32, #tpu.memory_space<vmem>> -> memref<1x88xi32, #tpu.memory_space<vmem>>
          %dma_wait3A_178 = tpu.memref_squeeze %dma_wait3A_177 : memref<1x88xi32, #tpu.memory_space<vmem>> -> memref<88xi32, #tpu.memory_space<vmem>>
          %dma_wait3A_179 = tpu.memref_slice %arg2[%add3A_148] : memref<321024xi32, #tpu.memory_space<hbm>> -> memref<88xi32, #tpu.memory_space<hbm>>
          tpu.wait_dma2 semaphore(%run_scoped3A_163 : memref<!tpu.dma_semaphore, #tpu.memory_space<semaphore_mem>>) src(%dma_wait3A_179 : memref<88xi32, #tpu.memory_space<hbm>>) dst(%dma_wait3A_178 : memref<88xi32, #tpu.memory_space<vmem>>)
          tpu.yield
        }) : () -> ()
        %dma_wait3A_150 = arith.constant 0 : i32
        %dma_wait3A_151 = tpu.memref_slice %arg8[%add3A_103, %dma_wait3A_150] : memref<114x88xi32, #tpu.memory_space<vmem>> -> memref<1x88xi32, #tpu.memory_space<vmem>>
        %dma_wait3A_152 = tpu.memref_squeeze %dma_wait3A_151 : memref<1x88xi32, #tpu.memory_space<vmem>> -> memref<88xi32, #tpu.memory_space<vmem>>
        %dma_wait3A_153 = arith.constant 0 : i32
        %dma_wait3A_154 = arith.constant 0 : i32
        %dma_wait3A_155 = tpu.memref_slice %arg7[%dma_wait3A_153, %dma_wait3A_154] : memref<10112x128xf32, #tpu.memory_space<vmem_shared>> -> memref<10112x128xf32, #tpu.memory_space<vmem_shared>>
        tpu.wait_indirect_dma semaphore(%arg17 : memref<!tpu.dma_semaphore, #tpu.memory_space<semaphore_mem>>) src(%arg11 : memref<88x128xf32, #tpu.memory_space<vmem>>) dst(%dma_wait3A_155 : memref<10112x128xf32, #tpu.memory_space<vmem_shared>>)
        %dma_start3A_156 = arith.constant 1 : i32
        %dma_start3A_157 = arith.constant 0 : i32
        %dma_start3A_158 = tpu.memref_slice %arg9[%dma_start3A_156, %dma_start3A_157] : memref<3x88xi32, #tpu.memory_space<vmem>> -> memref<1x88xi32, #tpu.memory_space<vmem>>
        %dma_start3A_159 = tpu.memref_squeeze %dma_start3A_158 : memref<1x88xi32, #tpu.memory_space<vmem>> -> memref<88xi32, #tpu.memory_space<vmem>>
        %dma_start3A_160 = arith.constant 0 : i32
        %dma_start3A_161 = arith.constant 0 : i32
        %dma_start3A_162 = tpu.memref_slice %arg4[%dma_start3A_160, %dma_start3A_161] : memref<10000x128xf32, #tpu.memory_space<hbm>> -> memref<10000x128xf32, #tpu.memory_space<hbm>>
        tpu.enqueue_indirect_dma source(%dma_start3A_162 : memref<10000x128xf32, #tpu.memory_space<hbm>>) target(%arg11 : memref<88x128xf32, #tpu.memory_space<vmem>>) offsets(%dma_start3A_159 : memref<88xi32, #tpu.memory_space<vmem>>) semaphore(%arg14 : memref<!tpu.dma_semaphore, #tpu.memory_space<semaphore_mem>>)
      } else {
      }
      %mul3A_122 = arith.constant 3 : i32
      %mul3A_123 = arith.muli %scan3A_77, %mul3A_122 : i32
      %add3A_124 = arith.constant 2 : i32
      %add3A_125 = arith.addi %mul3A_123, %add3A_124 : i32
      %dma_wait3A_126 = arith.constant 2 : i32
      %dma_wait3A_127 = arith.constant 0 : i32
      %dma_wait3A_128 = tpu.memref_slice %arg9[%dma_wait3A_126, %dma_wait3A_127] : memref<3x88xi32, #tpu.memory_space<vmem>> -> memref<1x88xi32, #tpu.memory_space<vmem>>
      %dma_wait3A_129 = tpu.memref_squeeze %dma_wait3A_128 : memref<1x88xi32, #tpu.memory_space<vmem>> -> memref<88xi32, #tpu.memory_space<vmem>>
      %dma_wait3A_130 = arith.constant 0 : i32
      %dma_wait3A_131 = arith.constant 0 : i32
      %dma_wait3A_132 = tpu.memref_slice %arg4[%dma_wait3A_130, %dma_wait3A_131] : memref<10000x128xf32, #tpu.memory_space<hbm>> -> memref<10000x128xf32, #tpu.memory_space<hbm>>
      tpu.wait_indirect_dma semaphore(%arg15 : memref<!tpu.dma_semaphore, #tpu.memory_space<semaphore_mem>>) src(%dma_wait3A_132 : memref<10000x128xf32, #tpu.memory_space<hbm>>) dst(%arg12 : memref<88x128xf32, #tpu.memory_space<vmem>>)
      %dma_start3A_133 = arith.constant 0 : i32
      %dma_start3A_134 = tpu.memref_slice %arg8[%add3A_125, %dma_start3A_133] : memref<114x88xi32, #tpu.memory_space<vmem>> -> memref<1x88xi32, #tpu.memory_space<vmem>>
      %dma_start3A_135 = tpu.memref_squeeze %dma_start3A_134 : memref<1x88xi32, #tpu.memory_space<vmem>> -> memref<88xi32, #tpu.memory_space<vmem>>
      %dma_start3A_136 = arith.constant 0 : i32
      %dma_start3A_137 = arith.constant 0 : i32
      %dma_start3A_138 = tpu.memref_slice %arg7[%dma_start3A_136, %dma_start3A_137] : memref<10112x128xf32, #tpu.memory_space<vmem_shared>> -> memref<10112x128xf32, #tpu.memory_space<vmem_shared>>
      tpu.enqueue_indirect_dma source(%arg12 : memref<88x128xf32, #tpu.memory_space<vmem>>) target(%dma_start3A_138 : memref<10112x128xf32, #tpu.memory_space<vmem_shared>>) offsets(%dma_start3A_135 : memref<88xi32, #tpu.memory_space<vmem>>) semaphore(%arg18 : memref<!tpu.dma_semaphore, #tpu.memory_space<semaphore_mem>>) {add = true}
      %lt3A_139 = arith.constant 37 : i32
      %lt3A_140 = arith.cmpi slt, %scan3A_77, %lt3A_139 : i32
      %convert_element_type3A_141 = arith.extui %lt3A_140 : i1 to i32
      %cond3A_142 = arith.constant 0 : i32
      %cond3A_143 = arith.cmpi ne, %convert_element_type3A_141, %cond3A_142 : i32
      scf.if %cond3A_143 {
        %add3A_144 = arith.constant 3 : i32
        %add3A_145 = arith.addi %add3A_125, %add3A_144 : i32
        %mul3A_146 = arith.constant 88 : i32
        %mul3A_147 = arith.muli %add3A_145, %mul3A_146 : i32
        %add3A_148 = arith.addi %mul3A_2, %mul3A_147 : i32
        %run_scoped3A_149 = arith.constant 2 : i32
        "tpu.region"() ({
          %run_scoped3A_163 = tpu.sem_alloc : memref<!tpu.dma_semaphore, #tpu.memory_space<semaphore_mem>>
          %dma_start3A_164 = arith.constant 0 : i32
          %dma_start3A_165 = tpu.memref_slice %arg9[%run_scoped3A_149, %dma_start3A_164] : memref<3x88xi32, #tpu.memory_space<vmem>> -> memref<1x88xi32, #tpu.memory_space<vmem>>
          %dma_start3A_166 = tpu.memref_squeeze %dma_start3A_165 : memref<1x88xi32, #tpu.memory_space<vmem>> -> memref<88xi32, #tpu.memory_space<vmem>>
          %dma_start3A_167 = tpu.memref_slice %arg2[%add3A_148] : memref<321024xi32, #tpu.memory_space<hbm>> -> memref<88xi32, #tpu.memory_space<hbm>>
          %dma_start3A_168 = arith.constant 0 : i32
          %dma_start3A_169 = tpu.memref_slice %arg9[%run_scoped3A_149, %dma_start3A_168] : memref<3x88xi32, #tpu.memory_space<vmem>> -> memref<1x88xi32, #tpu.memory_space<vmem>>
          %dma_start3A_170 = tpu.memref_squeeze %dma_start3A_169 : memref<1x88xi32, #tpu.memory_space<vmem>> -> memref<88xi32, #tpu.memory_space<vmem>>
          %dma_start3A_171 = tpu.memref_slice %arg2[%add3A_148] : memref<321024xi32, #tpu.memory_space<hbm>> -> memref<88xi32, #tpu.memory_space<hbm>>
          tpu.enqueue_dma source(%dma_start3A_171 : memref<88xi32, #tpu.memory_space<hbm>>) target(%dma_start3A_170 : memref<88xi32, #tpu.memory_space<vmem>>) target_semaphore(%run_scoped3A_163 : memref<!tpu.dma_semaphore, #tpu.memory_space<semaphore_mem>>)
          %dma_wait3A_172 = arith.constant 0 : i32
          %dma_wait3A_173 = tpu.memref_slice %arg9[%run_scoped3A_149, %dma_wait3A_172] : memref<3x88xi32, #tpu.memory_space<vmem>> -> memref<1x88xi32, #tpu.memory_space<vmem>>
          %dma_wait3A_174 = tpu.memref_squeeze %dma_wait3A_173 : memref<1x88xi32, #tpu.memory_space<vmem>> -> memref<88xi32, #tpu.memory_space<vmem>>
          %dma_wait3A_175 = tpu.memref_slice %arg2[%add3A_148] : memref<321024xi32, #tpu.memory_space<hbm>> -> memref<88xi32, #tpu.memory_space<hbm>>
          %dma_wait3A_176 = arith.constant 0 : i32
          %dma_wait3A_177 = tpu.memref_slice %arg9[%run_scoped3A_149, %dma_wait3A_176] : memref<3x88xi32, #tpu.memory_space<vmem>> -> memref<1x88xi32, #tpu.memory_space<vmem>>
          %dma_wait3A_178 = tpu.memref_squeeze %dma_wait3A_177 : memref<1x88xi32, #tpu.memory_space<vmem>> -> memref<88xi32, #tpu.memory_space<vmem>>
          %dma_wait3A_179 = tpu.memref_slice %arg2[%add3A_148] : memref<321024xi32, #tpu.memory_space<hbm>> -> memref<88xi32, #tpu.memory_space<hbm>>
          tpu.wait_dma2 semaphore(%run_scoped3A_163 : memref<!tpu.dma_semaphore, #tpu.memory_space<semaphore_mem>>) src(%dma_wait3A_179 : memref<88xi32, #tpu.memory_space<hbm>>) dst(%dma_wait3A_178 : memref<88xi32, #tpu.memory_space<vmem>>)
          tpu.yield
        }) : () -> ()
        %dma_wait3A_150 = arith.constant 0 : i32
        %dma_wait3A_151 = tpu.memref_slice %arg8[%add3A_125, %dma_wait3A_150] : memref<114x88xi32, #tpu.memory_space<vmem>> -> memref<1x88xi32, #tpu.memory_space<vmem>>
        %dma_wait3A_152 = tpu.memref_squeeze %dma_wait3A_151 : memref<1x88xi32, #tpu.memory_space<vmem>> -> memref<88xi32, #tpu.memory_space<vmem>>
        %dma_wait3A_153 = arith.constant 0 : i32
        %dma_wait3A_154 = arith.constant 0 : i32
        %dma_wait3A_155 = tpu.memref_slice %arg7[%dma_wait3A_153, %dma_wait3A_154] : memref<10112x128xf32, #tpu.memory_space<vmem_shared>> -> memref<10112x128xf32, #tpu.memory_space<vmem_shared>>
        tpu.wait_indirect_dma semaphore(%arg18 : memref<!tpu.dma_semaphore, #tpu.memory_space<semaphore_mem>>) src(%arg12 : memref<88x128xf32, #tpu.memory_space<vmem>>) dst(%dma_wait3A_155 : memref<10112x128xf32, #tpu.memory_space<vmem_shared>>)
        %dma_start3A_156 = arith.constant 2 : i32
        %dma_start3A_157 = arith.constant 0 : i32
        %dma_start3A_158 = tpu.memref_slice %arg9[%dma_start3A_156, %dma_start3A_157] : memref<3x88xi32, #tpu.memory_space<vmem>> -> memref<1x88xi32, #tpu.memory_space<vmem>>
        %dma_start3A_159 = tpu.memref_squeeze %dma_start3A_158 : memref<1x88xi32, #tpu.memory_space<vmem>> -> memref<88xi32, #tpu.memory_space<vmem>>
        %dma_start3A_160 = arith.constant 0 : i32
        %dma_start3A_161 = arith.constant 0 : i32
        %dma_start3A_162 = tpu.memref_slice %arg4[%dma_start3A_160, %dma_start3A_161] : memref<10000x128xf32, #tpu.memory_space<hbm>> -> memref<10000x128xf32, #tpu.memory_space<hbm>>
        tpu.enqueue_indirect_dma source(%dma_start3A_162 : memref<10000x128xf32, #tpu.memory_space<hbm>>) target(%arg12 : memref<88x128xf32, #tpu.memory_space<vmem>>) offsets(%dma_start3A_159 : memref<88xi32, #tpu.memory_space<vmem>>) semaphore(%arg15 : memref<!tpu.dma_semaphore, #tpu.memory_space<semaphore_mem>>)
      } else {
      }
    }
    %scan3A_51 = arith.constant 38 : i32
    %dma_wait3A = arith.constant 0 : i32
    %dma_wait3A_52 = arith.constant 0 : i32
    %dma_wait3A_53 = tpu.memref_slice %arg8[%dma_wait3A, %dma_wait3A_52] : memref<114x88xi32, #tpu.memory_space<vmem>> -> memref<1x88xi32, #tpu.memory_space<vmem>>
    %dma_wait3A_54 = tpu.memref_squeeze %dma_wait3A_53 : memref<1x88xi32, #tpu.memory_space<vmem>> -> memref<88xi32, #tpu.memory_space<vmem>>
    %dma_wait3A_55 = arith.constant 0 : i32
    %dma_wait3A_56 = arith.constant 0 : i32
    %dma_wait3A_57 = tpu.memref_slice %arg7[%dma_wait3A_55, %dma_wait3A_56] : memref<10112x128xf32, #tpu.memory_space<vmem_shared>> -> memref<10112x128xf32, #tpu.memory_space<vmem_shared>>
    tpu.wait_indirect_dma semaphore(%arg16 : memref<!tpu.dma_semaphore, #tpu.memory_space<semaphore_mem>>) src(%arg10 : memref<88x128xf32, #tpu.memory_space<vmem>>) dst(%dma_wait3A_57 : memref<10112x128xf32, #tpu.memory_space<vmem_shared>>)
    %dma_wait3A_58 = arith.constant 0 : i32
    %dma_wait3A_59 = arith.constant 0 : i32
    %dma_wait3A_60 = tpu.memref_slice %arg8[%dma_wait3A_58, %dma_wait3A_59] : memref<114x88xi32, #tpu.memory_space<vmem>> -> memref<1x88xi32, #tpu.memory_space<vmem>>
    %dma_wait3A_61 = tpu.memref_squeeze %dma_wait3A_60 : memref<1x88xi32, #tpu.memory_space<vmem>> -> memref<88xi32, #tpu.memory_space<vmem>>
    %dma_wait3A_62 = arith.constant 0 : i32
    %dma_wait3A_63 = arith.constant 0 : i32
    %dma_wait3A_64 = tpu.memref_slice %arg7[%dma_wait3A_62, %dma_wait3A_63] : memref<10112x128xf32, #tpu.memory_space<vmem_shared>> -> memref<10112x128xf32, #tpu.memory_space<vmem_shared>>
    tpu.wait_indirect_dma semaphore(%arg17 : memref<!tpu.dma_semaphore, #tpu.memory_space<semaphore_mem>>) src(%arg11 : memref<88x128xf32, #tpu.memory_space<vmem>>) dst(%dma_wait3A_64 : memref<10112x128xf32, #tpu.memory_space<vmem_shared>>)
    %dma_wait3A_65 = arith.constant 0 : i32
    %dma_wait3A_66 = arith.constant 0 : i32
    %dma_wait3A_67 = tpu.memref_slice %arg8[%dma_wait3A_65, %dma_wait3A_66] : memref<114x88xi32, #tpu.memory_space<vmem>> -> memref<1x88xi32, #tpu.memory_space<vmem>>
    %dma_wait3A_68 = tpu.memref_squeeze %dma_wait3A_67 : memref<1x88xi32, #tpu.memory_space<vmem>> -> memref<88xi32, #tpu.memory_space<vmem>>
    %dma_wait3A_69 = arith.constant 0 : i32
    %dma_wait3A_70 = arith.constant 0 : i32
    %dma_wait3A_71 = tpu.memref_slice %arg7[%dma_wait3A_69, %dma_wait3A_70] : memref<10112x128xf32, #tpu.memory_space<vmem_shared>> -> memref<10112x128xf32, #tpu.memory_space<vmem_shared>>
    tpu.wait_indirect_dma semaphore(%arg18 : memref<!tpu.dma_semaphore, #tpu.memory_space<semaphore_mem>>) src(%arg12 : memref<88x128xf32, #tpu.memory_space<vmem>>) dst(%dma_wait3A_71 : memref<10112x128xf32, #tpu.memory_space<vmem_shared>>)
    %barrier3A_72 = arith.constant 0 : index
    tpu.barrier barrier_id(%barrier3A_72)
    %mul3A_73 = arith.constant 632 : i32
    %mul3A_74 = arith.muli %arg1, %mul3A_73 : i32
    %mul3A_75 = arith.constant 632 : i32
    %mul3A_76 = arith.muli %arg1, %mul3A_75 : i32
    "tpu.region"() ({
      %run_scoped3A_77 = tpu.sem_alloc : memref<!tpu.dma_semaphore, #tpu.memory_space<semaphore_mem>>
      %dma_start3A_78 = arith.constant 0 : i32
      %dma_start3A_79 = tpu.memref_slice %arg6[%arg0, %mul3A_76, %dma_start3A_78] : memref<2x10112x128xf32, #tpu.memory_space<hbm>> -> memref<1x632x128xf32, #tpu.memory_space<hbm>>
      %dma_start3A_80 = tpu.memref_squeeze %dma_start3A_79 : memref<1x632x128xf32, #tpu.memory_space<hbm>> -> memref<632x128xf32, #tpu.memory_space<hbm>>
      %dma_start3A_81 = arith.constant 0 : i32
      %dma_start3A_82 = tpu.memref_slice %arg7[%mul3A_74, %dma_start3A_81] : memref<10112x128xf32, #tpu.memory_space<vmem_shared>> -> memref<632x128xf32, #tpu.memory_space<vmem_shared>>
      tpu.enqueue_dma source(%dma_start3A_82 : memref<632x128xf32, #tpu.memory_space<vmem_shared>>) target(%dma_start3A_80 : memref<632x128xf32, #tpu.memory_space<hbm>>) target_semaphore(%run_scoped3A_77 : memref<!tpu.dma_semaphore, #tpu.memory_space<semaphore_mem>>)
      %dma_wait3A_83 = arith.constant 0 : i32
      %dma_wait3A_84 = tpu.memref_slice %arg6[%arg0, %mul3A_76, %dma_wait3A_83] : memref<2x10112x128xf32, #tpu.memory_space<hbm>> -> memref<1x632x128xf32, #tpu.memory_space<hbm>>
      %dma_wait3A_85 = tpu.memref_squeeze %dma_wait3A_84 : memref<1x632x128xf32, #tpu.memory_space<hbm>> -> memref<632x128xf32, #tpu.memory_space<hbm>>
      %dma_wait3A_86 = arith.constant 0 : i32
      %dma_wait3A_87 = tpu.memref_slice %arg7[%mul3A_74, %dma_wait3A_86] : memref<10112x128xf32, #tpu.memory_space<vmem_shared>> -> memref<632x128xf32, #tpu.memory_space<vmem_shared>>
      tpu.wait_dma2 semaphore(%run_scoped3A_77 : memref<!tpu.dma_semaphore, #tpu.memory_space<semaphore_mem>>) src(%dma_wait3A_87 : memref<632x128xf32, #tpu.memory_space<vmem_shared>>) dst(%dma_wait3A_85 : memref<632x128xf32, #tpu.memory_space<hbm>>)
      tpu.yield
    }) : () -> ()
    return
  }
}

#map = affine_map<(d0, d1) -> (0)>
#map1 = affine_map<(d0, d1) -> (0, 0, 0)>
#map2 = affine_map<(d0, d1) -> (0, 0)>
module attributes {stable_mosaic.version = 14 : i64} {
  func.func @agg_kernel(%arg0: i32, %arg1: i32, %arg2: memref<321024xi32, #tpu.memory_space<hbm>>, %arg3: memref<32x114x88xi32, #tpu.memory_space<hbm>>, %arg4: memref<10000x128xf32, #tpu.memory_space<hbm>>, %arg5: memref<10112x128xf32, #tpu.memory_space<hbm>>, %arg6: memref<2x10112x128xf32, #tpu.memory_space<hbm>>, %arg7: memref<10112x128xf32, #tpu.memory_space<vmem_shared>>, %arg8: memref<114x88xi32, #tpu.memory_space<vmem>>, %arg9: memref<3x88xi32, #tpu.memory_space<vmem>>, %arg10: memref<88x128xf32, #tpu.memory_space<vmem>>, %arg11: memref<88x128xf32, #tpu.memory_space<vmem>>, %arg12: memref<88x128xf32, #tpu.memory_space<vmem>>, %arg13: memref<!tpu.dma_semaphore, #tpu.memory_space<semaphore_mem>>, %arg14: memref<!tpu.dma_semaphore, #tpu.memory_space<semaphore_mem>>, %arg15: memref<!tpu.dma_semaphore, #tpu.memory_space<semaphore_mem>>, %arg16: memref<!tpu.dma_semaphore, #tpu.memory_space<semaphore_mem>>, %arg17: memref<!tpu.dma_semaphore, #tpu.memory_space<semaphore_mem>>, %arg18: memref<!tpu.dma_semaphore, #tpu.memory_space<semaphore_mem>>) attributes {dimension_semantics = [#tpu.dimension_semantics<core_parallel>, #tpu.dimension_semantics<subcore_parallel>], iteration_bounds = array<i64: 2, 16>, scalar_prefetch = 0 : i64, scratch_operands = 12 : i64, tpu.core_type = #tpu.core_type<sc_vector_subcore>, window_params = [{transform_indices = #map}, {transform_indices = #map1}, {transform_indices = #map2}, {transform_indices = #map2}, {transform_indices = #map1}]} {
    %mul3A = arith.constant 2 : i32
    %mul3A_0 = arith.muli %arg1, %mul3A : i32
    %add3A = arith.addi %mul3A_0, %arg0 : i32
    %mul3A_1 = arith.constant 10032 : i32
    %mul3A_2 = arith.muli %add3A, %mul3A_1 : i32
    "tpu.region"() ({
      %run_scoped3A_77 = tpu.sem_alloc : memref<!tpu.dma_semaphore, #tpu.memory_space<semaphore_mem>>
      %dma_start3A_78 = arith.constant 0 : i32
      %dma_start3A_79 = arith.constant 0 : i32
      %dma_start3A_80 = tpu.memref_slice %arg3[%add3A, %dma_start3A_78, %dma_start3A_79] : memref<32x114x88xi32, #tpu.memory_space<hbm>> -> memref<1x114x88xi32, #tpu.memory_space<hbm>>
      %dma_start3A_81 = tpu.memref_squeeze %dma_start3A_80 : memref<1x114x88xi32, #tpu.memory_space<hbm>> -> memref<114x88xi32, #tpu.memory_space<hbm>>
      %dma_start3A_82 = arith.constant 0 : i32
      %dma_start3A_83 = arith.constant 0 : i32
      %dma_start3A_84 = tpu.memref_slice %arg3[%add3A, %dma_start3A_82, %dma_start3A_83] : memref<32x114x88xi32, #tpu.memory_space<hbm>> -> memref<1x114x88xi32, #tpu.memory_space<hbm>>
      %dma_start3A_85 = tpu.memref_squeeze %dma_start3A_84 : memref<1x114x88xi32, #tpu.memory_space<hbm>> -> memref<114x88xi32, #tpu.memory_space<hbm>>
      tpu.enqueue_dma source(%dma_start3A_85 : memref<114x88xi32, #tpu.memory_space<hbm>>) target(%arg8 : memref<114x88xi32, #tpu.memory_space<vmem>>) target_semaphore(%run_scoped3A_77 : memref<!tpu.dma_semaphore, #tpu.memory_space<semaphore_mem>>)
      %dma_wait3A_86 = arith.constant 0 : i32
      %dma_wait3A_87 = arith.constant 0 : i32
      %dma_wait3A_88 = tpu.memref_slice %arg3[%add3A, %dma_wait3A_86, %dma_wait3A_87] : memref<32x114x88xi32, #tpu.memory_space<hbm>> -> memref<1x114x88xi32, #tpu.memory_space<hbm>>
      %dma_wait3A_89 = tpu.memref_squeeze %dma_wait3A_88 : memref<1x114x88xi32, #tpu.memory_space<hbm>> -> memref<114x88xi32, #tpu.memory_space<hbm>>
      %dma_wait3A_90 = arith.constant 0 : i32
      %dma_wait3A_91 = arith.constant 0 : i32
      %dma_wait3A_92 = tpu.memref_slice %arg3[%add3A, %dma_wait3A_90, %dma_wait3A_91] : memref<32x114x88xi32, #tpu.memory_space<hbm>> -> memref<1x114x88xi32, #tpu.memory_space<hbm>>
      %dma_wait3A_93 = tpu.memref_squeeze %dma_wait3A_92 : memref<1x114x88xi32, #tpu.memory_space<hbm>> -> memref<114x88xi32, #tpu.memory_space<hbm>>
      tpu.wait_dma2 semaphore(%run_scoped3A_77 : memref<!tpu.dma_semaphore, #tpu.memory_space<semaphore_mem>>) src(%dma_wait3A_93 : memref<114x88xi32, #tpu.memory_space<hbm>>) dst(%arg8 : memref<114x88xi32, #tpu.memory_space<vmem>>)
      tpu.yield
    }) : () -> ()
    %add3A_3 = arith.constant 0 : i32
    %add3A_4 = arith.addi %mul3A_2, %add3A_3 : i32
    %run_scoped3A = arith.constant 0 : i32
    "tpu.region"() ({
      %run_scoped3A_77 = tpu.sem_alloc : memref<!tpu.dma_semaphore, #tpu.memory_space<semaphore_mem>>
      %dma_start3A_78 = arith.constant 0 : i32
      %dma_start3A_79 = tpu.memref_slice %arg9[%run_scoped3A, %dma_start3A_78] : memref<3x88xi32, #tpu.memory_space<vmem>> -> memref<1x88xi32, #tpu.memory_space<vmem>>
      %dma_start3A_80 = tpu.memref_squeeze %dma_start3A_79 : memref<1x88xi32, #tpu.memory_space<vmem>> -> memref<88xi32, #tpu.memory_space<vmem>>
      %dma_start3A_81 = tpu.memref_slice %arg2[%add3A_4] : memref<321024xi32, #tpu.memory_space<hbm>> -> memref<88xi32, #tpu.memory_space<hbm>>
      %dma_start3A_82 = arith.constant 0 : i32
      %dma_start3A_83 = tpu.memref_slice %arg9[%run_scoped3A, %dma_start3A_82] : memref<3x88xi32, #tpu.memory_space<vmem>> -> memref<1x88xi32, #tpu.memory_space<vmem>>
      %dma_start3A_84 = tpu.memref_squeeze %dma_start3A_83 : memref<1x88xi32, #tpu.memory_space<vmem>> -> memref<88xi32, #tpu.memory_space<vmem>>
      %dma_start3A_85 = tpu.memref_slice %arg2[%add3A_4] : memref<321024xi32, #tpu.memory_space<hbm>> -> memref<88xi32, #tpu.memory_space<hbm>>
      tpu.enqueue_dma source(%dma_start3A_85 : memref<88xi32, #tpu.memory_space<hbm>>) target(%dma_start3A_84 : memref<88xi32, #tpu.memory_space<vmem>>) target_semaphore(%run_scoped3A_77 : memref<!tpu.dma_semaphore, #tpu.memory_space<semaphore_mem>>)
      %dma_wait3A_86 = arith.constant 0 : i32
      %dma_wait3A_87 = tpu.memref_slice %arg9[%run_scoped3A, %dma_wait3A_86] : memref<3x88xi32, #tpu.memory_space<vmem>> -> memref<1x88xi32, #tpu.memory_space<vmem>>
      %dma_wait3A_88 = tpu.memref_squeeze %dma_wait3A_87 : memref<1x88xi32, #tpu.memory_space<vmem>> -> memref<88xi32, #tpu.memory_space<vmem>>
      %dma_wait3A_89 = tpu.memref_slice %arg2[%add3A_4] : memref<321024xi32, #tpu.memory_space<hbm>> -> memref<88xi32, #tpu.memory_space<hbm>>
      %dma_wait3A_90 = arith.constant 0 : i32
      %dma_wait3A_91 = tpu.memref_slice %arg9[%run_scoped3A, %dma_wait3A_90] : memref<3x88xi32, #tpu.memory_space<vmem>> -> memref<1x88xi32, #tpu.memory_space<vmem>>
      %dma_wait3A_92 = tpu.memref_squeeze %dma_wait3A_91 : memref<1x88xi32, #tpu.memory_space<vmem>> -> memref<88xi32, #tpu.memory_space<vmem>>
      %dma_wait3A_93 = tpu.memref_slice %arg2[%add3A_4] : memref<321024xi32, #tpu.memory_space<hbm>> -> memref<88xi32, #tpu.memory_space<hbm>>
      tpu.wait_dma2 semaphore(%run_scoped3A_77 : memref<!tpu.dma_semaphore, #tpu.memory_space<semaphore_mem>>) src(%dma_wait3A_93 : memref<88xi32, #tpu.memory_space<hbm>>) dst(%dma_wait3A_92 : memref<88xi32, #tpu.memory_space<vmem>>)
      tpu.yield
    }) : () -> ()
    %dma_start3A = arith.constant 0 : i32
    %dma_start3A_5 = arith.constant 0 : i32
    %dma_start3A_6 = tpu.memref_slice %arg9[%dma_start3A, %dma_start3A_5] : memref<3x88xi32, #tpu.memory_space<vmem>> -> memref<1x88xi32, #tpu.memory_space<vmem>>
    %dma_start3A_7 = tpu.memref_squeeze %dma_start3A_6 : memref<1x88xi32, #tpu.memory_space<vmem>> -> memref<88xi32, #tpu.memory_space<vmem>>
    %dma_start3A_8 = arith.constant 0 : i32
    %dma_start3A_9 = arith.constant 0 : i32
    %dma_start3A_10 = tpu.memref_slice %arg4[%dma_start3A_8, %dma_start3A_9] : memref<10000x128xf32, #tpu.memory_space<hbm>> -> memref<10000x128xf32, #tpu.memory_space<hbm>>
    tpu.enqueue_indirect_dma source(%dma_start3A_10 : memref<10000x128xf32, #tpu.memory_space<hbm>>) target(%arg10 : memref<88x128xf32, #tpu.memory_space<vmem>>) offsets(%dma_start3A_7 : memref<88xi32, #tpu.memory_space<vmem>>) semaphore(%arg13 : memref<!tpu.dma_semaphore, #tpu.memory_space<semaphore_mem>>)
    %add3A_11 = arith.constant 88 : i32
    %add3A_12 = arith.addi %mul3A_2, %add3A_11 : i32
    %run_scoped3A_13 = arith.constant 1 : i32
    "tpu.region"() ({
      %run_scoped3A_77 = tpu.sem_alloc : memref<!tpu.dma_semaphore, #tpu.memory_space<semaphore_mem>>
      %dma_start3A_78 = arith.constant 0 : i32
      %dma_start3A_79 = tpu.memref_slice %arg9[%run_scoped3A_13, %dma_start3A_78] : memref<3x88xi32, #tpu.memory_space<vmem>> -> memref<1x88xi32, #tpu.memory_space<vmem>>
      %dma_start3A_80 = tpu.memref_squeeze %dma_start3A_79 : memref<1x88xi32, #tpu.memory_space<vmem>> -> memref<88xi32, #tpu.memory_space<vmem>>
      %dma_start3A_81 = tpu.memref_slice %arg2[%add3A_12] : memref<321024xi32, #tpu.memory_space<hbm>> -> memref<88xi32, #tpu.memory_space<hbm>>
      %dma_start3A_82 = arith.constant 0 : i32
      %dma_start3A_83 = tpu.memref_slice %arg9[%run_scoped3A_13, %dma_start3A_82] : memref<3x88xi32, #tpu.memory_space<vmem>> -> memref<1x88xi32, #tpu.memory_space<vmem>>
      %dma_start3A_84 = tpu.memref_squeeze %dma_start3A_83 : memref<1x88xi32, #tpu.memory_space<vmem>> -> memref<88xi32, #tpu.memory_space<vmem>>
      %dma_start3A_85 = tpu.memref_slice %arg2[%add3A_12] : memref<321024xi32, #tpu.memory_space<hbm>> -> memref<88xi32, #tpu.memory_space<hbm>>
      tpu.enqueue_dma source(%dma_start3A_85 : memref<88xi32, #tpu.memory_space<hbm>>) target(%dma_start3A_84 : memref<88xi32, #tpu.memory_space<vmem>>) target_semaphore(%run_scoped3A_77 : memref<!tpu.dma_semaphore, #tpu.memory_space<semaphore_mem>>)
      %dma_wait3A_86 = arith.constant 0 : i32
      %dma_wait3A_87 = tpu.memref_slice %arg9[%run_scoped3A_13, %dma_wait3A_86] : memref<3x88xi32, #tpu.memory_space<vmem>> -> memref<1x88xi32, #tpu.memory_space<vmem>>
      %dma_wait3A_88 = tpu.memref_squeeze %dma_wait3A_87 : memref<1x88xi32, #tpu.memory_space<vmem>> -> memref<88xi32, #tpu.memory_space<vmem>>
      %dma_wait3A_89 = tpu.memref_slice %arg2[%add3A_12] : memref<321024xi32, #tpu.memory_space<hbm>> -> memref<88xi32, #tpu.memory_space<hbm>>
      %dma_wait3A_90 = arith.constant 0 : i32
      %dma_wait3A_91 = tpu.memref_slice %arg9[%run_scoped3A_13, %dma_wait3A_90] : memref<3x88xi32, #tpu.memory_space<vmem>> -> memref<1x88xi32, #tpu.memory_space<vmem>>
      %dma_wait3A_92 = tpu.memref_squeeze %dma_wait3A_91 : memref<1x88xi32, #tpu.memory_space<vmem>> -> memref<88xi32, #tpu.memory_space<vmem>>
      %dma_wait3A_93 = tpu.memref_slice %arg2[%add3A_12] : memref<321024xi32, #tpu.memory_space<hbm>> -> memref<88xi32, #tpu.memory_space<hbm>>
      tpu.wait_dma2 semaphore(%run_scoped3A_77 : memref<!tpu.dma_semaphore, #tpu.memory_space<semaphore_mem>>) src(%dma_wait3A_93 : memref<88xi32, #tpu.memory_space<hbm>>) dst(%dma_wait3A_92 : memref<88xi32, #tpu.memory_space<vmem>>)
      tpu.yield
    }) : () -> ()
    %dma_start3A_14 = arith.constant 1 : i32
    %dma_start3A_15 = arith.constant 0 : i32
    %dma_start3A_16 = tpu.memref_slice %arg9[%dma_start3A_14, %dma_start3A_15] : memref<3x88xi32, #tpu.memory_space<vmem>> -> memref<1x88xi32, #tpu.memory_space<vmem>>
    %dma_start3A_17 = tpu.memref_squeeze %dma_start3A_16 : memref<1x88xi32, #tpu.memory_space<vmem>> -> memref<88xi32, #tpu.memory_space<vmem>>
    %dma_start3A_18 = arith.constant 0 : i32
    %dma_start3A_19 = arith.constant 0 : i32
    %dma_start3A_20 = tpu.memref_slice %arg4[%dma_start3A_18, %dma_start3A_19] : memref<10000x128xf32, #tpu.memory_space<hbm>> -> memref<10000x128xf32, #tpu.memory_space<hbm>>
    tpu.enqueue_indirect_dma source(%dma_start3A_20 : memref<10000x128xf32, #tpu.memory_space<hbm>>) target(%arg11 : memref<88x128xf32, #tpu.memory_space<vmem>>) offsets(%dma_start3A_17 : memref<88xi32, #tpu.memory_space<vmem>>) semaphore(%arg14 : memref<!tpu.dma_semaphore, #tpu.memory_space<semaphore_mem>>)
    %add3A_21 = arith.constant 176 : i32
    %add3A_22 = arith.addi %mul3A_2, %add3A_21 : i32
    %run_scoped3A_23 = arith.constant 2 : i32
    "tpu.region"() ({
      %run_scoped3A_77 = tpu.sem_alloc : memref<!tpu.dma_semaphore, #tpu.memory_space<semaphore_mem>>
      %dma_start3A_78 = arith.constant 0 : i32
      %dma_start3A_79 = tpu.memref_slice %arg9[%run_scoped3A_23, %dma_start3A_78] : memref<3x88xi32, #tpu.memory_space<vmem>> -> memref<1x88xi32, #tpu.memory_space<vmem>>
      %dma_start3A_80 = tpu.memref_squeeze %dma_start3A_79 : memref<1x88xi32, #tpu.memory_space<vmem>> -> memref<88xi32, #tpu.memory_space<vmem>>
      %dma_start3A_81 = tpu.memref_slice %arg2[%add3A_22] : memref<321024xi32, #tpu.memory_space<hbm>> -> memref<88xi32, #tpu.memory_space<hbm>>
      %dma_start3A_82 = arith.constant 0 : i32
      %dma_start3A_83 = tpu.memref_slice %arg9[%run_scoped3A_23, %dma_start3A_82] : memref<3x88xi32, #tpu.memory_space<vmem>> -> memref<1x88xi32, #tpu.memory_space<vmem>>
      %dma_start3A_84 = tpu.memref_squeeze %dma_start3A_83 : memref<1x88xi32, #tpu.memory_space<vmem>> -> memref<88xi32, #tpu.memory_space<vmem>>
      %dma_start3A_85 = tpu.memref_slice %arg2[%add3A_22] : memref<321024xi32, #tpu.memory_space<hbm>> -> memref<88xi32, #tpu.memory_space<hbm>>
      tpu.enqueue_dma source(%dma_start3A_85 : memref<88xi32, #tpu.memory_space<hbm>>) target(%dma_start3A_84 : memref<88xi32, #tpu.memory_space<vmem>>) target_semaphore(%run_scoped3A_77 : memref<!tpu.dma_semaphore, #tpu.memory_space<semaphore_mem>>)
      %dma_wait3A_86 = arith.constant 0 : i32
      %dma_wait3A_87 = tpu.memref_slice %arg9[%run_scoped3A_23, %dma_wait3A_86] : memref<3x88xi32, #tpu.memory_space<vmem>> -> memref<1x88xi32, #tpu.memory_space<vmem>>
      %dma_wait3A_88 = tpu.memref_squeeze %dma_wait3A_87 : memref<1x88xi32, #tpu.memory_space<vmem>> -> memref<88xi32, #tpu.memory_space<vmem>>
      %dma_wait3A_89 = tpu.memref_slice %arg2[%add3A_22] : memref<321024xi32, #tpu.memory_space<hbm>> -> memref<88xi32, #tpu.memory_space<hbm>>
      %dma_wait3A_90 = arith.constant 0 : i32
      %dma_wait3A_91 = tpu.memref_slice %arg9[%run_scoped3A_23, %dma_wait3A_90] : memref<3x88xi32, #tpu.memory_space<vmem>> -> memref<1x88xi32, #tpu.memory_space<vmem>>
      %dma_wait3A_92 = tpu.memref_squeeze %dma_wait3A_91 : memref<1x88xi32, #tpu.memory_space<vmem>> -> memref<88xi32, #tpu.memory_space<vmem>>
      %dma_wait3A_93 = tpu.memref_slice %arg2[%add3A_22] : memref<321024xi32, #tpu.memory_space<hbm>> -> memref<88xi32, #tpu.memory_space<hbm>>
      tpu.wait_dma2 semaphore(%run_scoped3A_77 : memref<!tpu.dma_semaphore, #tpu.memory_space<semaphore_mem>>) src(%dma_wait3A_93 : memref<88xi32, #tpu.memory_space<hbm>>) dst(%dma_wait3A_92 : memref<88xi32, #tpu.memory_space<vmem>>)
      tpu.yield
    }) : () -> ()
    %dma_start3A_24 = arith.constant 2 : i32
    %dma_start3A_25 = arith.constant 0 : i32
    %dma_start3A_26 = tpu.memref_slice %arg9[%dma_start3A_24, %dma_start3A_25] : memref<3x88xi32, #tpu.memory_space<vmem>> -> memref<1x88xi32, #tpu.memory_space<vmem>>
    %dma_start3A_27 = tpu.memref_squeeze %dma_start3A_26 : memref<1x88xi32, #tpu.memory_space<vmem>> -> memref<88xi32, #tpu.memory_space<vmem>>
    %dma_start3A_28 = arith.constant 0 : i32
    %dma_start3A_29 = arith.constant 0 : i32
    %dma_start3A_30 = tpu.memref_slice %arg4[%dma_start3A_28, %dma_start3A_29] : memref<10000x128xf32, #tpu.memory_space<hbm>> -> memref<10000x128xf32, #tpu.memory_space<hbm>>
    tpu.enqueue_indirect_dma source(%dma_start3A_30 : memref<10000x128xf32, #tpu.memory_space<hbm>>) target(%arg12 : memref<88x128xf32, #tpu.memory_space<vmem>>) offsets(%dma_start3A_27 : memref<88xi32, #tpu.memory_space<vmem>>) semaphore(%arg15 : memref<!tpu.dma_semaphore, #tpu.memory_space<semaphore_mem>>)
    %eq3A = arith.constant 0 : i32
    %eq3A_31 = arith.cmpi eq, %arg0, %eq3A : i32
    %lt3A = arith.constant 15 : i32
    %lt3A_32 = arith.cmpi slt, %arg1, %lt3A : i32
    %and3A = arith.andi %eq3A_31, %lt3A_32 : i1
    %convert_element_type3A = arith.extui %and3A : i1 to i32
    %cond3A = arith.constant 0 : i32
    %cond3A_33 = arith.cmpi ne, %convert_element_type3A, %cond3A : i32
    scf.if %cond3A_33 {
      %mul3A_77 = arith.constant 632 : i32
      %mul3A_78 = arith.muli %arg1, %mul3A_77 : i32
      %mul3A_79 = arith.constant 632 : i32
      %mul3A_80 = arith.muli %arg1, %mul3A_79 : i32
      "tpu.region"() ({
        %run_scoped3A_81 = tpu.sem_alloc : memref<!tpu.dma_semaphore, #tpu.memory_space<semaphore_mem>>
        %dma_start3A_82 = arith.constant 0 : i32
        %dma_start3A_83 = tpu.memref_slice %arg7[%mul3A_80, %dma_start3A_82] : memref<10112x128xf32, #tpu.memory_space<vmem_shared>> -> memref<632x128xf32, #tpu.memory_space<vmem_shared>>
        %dma_start3A_84 = arith.constant 0 : i32
        %dma_start3A_85 = tpu.memref_slice %arg4[%mul3A_78, %dma_start3A_84] : memref<10000x128xf32, #tpu.memory_space<hbm>> -> memref<632x128xf32, #tpu.memory_space<hbm>>
        tpu.enqueue_dma source(%dma_start3A_85 : memref<632x128xf32, #tpu.memory_space<hbm>>) target(%dma_start3A_83 : memref<632x128xf32, #tpu.memory_space<vmem_shared>>) target_semaphore(%run_scoped3A_81 : memref<!tpu.dma_semaphore, #tpu.memory_space<semaphore_mem>>)
        %dma_wait3A_86 = arith.constant 0 : i32
        %dma_wait3A_87 = tpu.memref_slice %arg7[%mul3A_80, %dma_wait3A_86] : memref<10112x128xf32, #tpu.memory_space<vmem_shared>> -> memref<632x128xf32, #tpu.memory_space<vmem_shared>>
        %dma_wait3A_88 = arith.constant 0 : i32
        %dma_wait3A_89 = tpu.memref_slice %arg4[%mul3A_78, %dma_wait3A_88] : memref<10000x128xf32, #tpu.memory_space<hbm>> -> memref<632x128xf32, #tpu.memory_space<hbm>>
        tpu.wait_dma2 semaphore(%run_scoped3A_81 : memref<!tpu.dma_semaphore, #tpu.memory_space<semaphore_mem>>) src(%dma_wait3A_89 : memref<632x128xf32, #tpu.memory_space<hbm>>) dst(%dma_wait3A_87 : memref<632x128xf32, #tpu.memory_space<vmem_shared>>)
        tpu.yield
      }) : () -> ()
    } else {
    }
    %eq3A_34 = arith.constant 0 : i32
    %eq3A_35 = arith.cmpi eq, %arg0, %eq3A_34 : i32
    %eq3A_36 = arith.constant 15 : i32
    %eq3A_37 = arith.cmpi eq, %arg1, %eq3A_36 : i32
    %and3A_38 = arith.andi %eq3A_35, %eq3A_37 : i1
    %convert_element_type3A_39 = arith.extui %and3A_38 : i1 to i32
    %cond3A_40 = arith.constant 0 : i32
    %cond3A_41 = arith.cmpi ne, %convert_element_type3A_39, %cond3A_40 : i32
    scf.if %cond3A_41 {
      %mul3A_77 = arith.constant 632 : i32
      %mul3A_78 = arith.muli %arg1, %mul3A_77 : i32
      %mul3A_79 = arith.constant 632 : i32
      %mul3A_80 = arith.muli %arg1, %mul3A_79 : i32
      "tpu.region"() ({
        %run_scoped3A_89 = tpu.sem_alloc : memref<!tpu.dma_semaphore, #tpu.memory_space<semaphore_mem>>
        %dma_start3A_90 = arith.constant 0 : i32
        %dma_start3A_91 = tpu.memref_slice %arg7[%mul3A_80, %dma_start3A_90] : memref<10112x128xf32, #tpu.memory_space<vmem_shared>> -> memref<520x128xf32, #tpu.memory_space<vmem_shared>>
        %dma_start3A_92 = arith.constant 0 : i32
        %dma_start3A_93 = tpu.memref_slice %arg4[%mul3A_78, %dma_start3A_92] : memref<10000x128xf32, #tpu.memory_space<hbm>> -> memref<520x128xf32, #tpu.memory_space<hbm>>
        tpu.enqueue_dma source(%dma_start3A_93 : memref<520x128xf32, #tpu.memory_space<hbm>>) target(%dma_start3A_91 : memref<520x128xf32, #tpu.memory_space<vmem_shared>>) target_semaphore(%run_scoped3A_89 : memref<!tpu.dma_semaphore, #tpu.memory_space<semaphore_mem>>)
        %dma_wait3A_94 = arith.constant 0 : i32
        %dma_wait3A_95 = tpu.memref_slice %arg7[%mul3A_80, %dma_wait3A_94] : memref<10112x128xf32, #tpu.memory_space<vmem_shared>> -> memref<520x128xf32, #tpu.memory_space<vmem_shared>>
        %dma_wait3A_96 = arith.constant 0 : i32
        %dma_wait3A_97 = tpu.memref_slice %arg4[%mul3A_78, %dma_wait3A_96] : memref<10000x128xf32, #tpu.memory_space<hbm>> -> memref<520x128xf32, #tpu.memory_space<hbm>>
        tpu.wait_dma2 semaphore(%run_scoped3A_89 : memref<!tpu.dma_semaphore, #tpu.memory_space<semaphore_mem>>) src(%dma_wait3A_97 : memref<520x128xf32, #tpu.memory_space<hbm>>) dst(%dma_wait3A_95 : memref<520x128xf32, #tpu.memory_space<vmem_shared>>)
        tpu.yield
      }) : () -> ()
      %mul3A_81 = arith.constant 632 : i32
      %mul3A_82 = arith.muli %arg1, %mul3A_81 : i32
      %add3A_83 = arith.constant 520 : i32
      %add3A_84 = arith.addi %mul3A_82, %add3A_83 : i32
      %mul3A_85 = arith.constant 632 : i32
      %mul3A_86 = arith.muli %arg1, %mul3A_85 : i32
      %add3A_87 = arith.constant 520 : i32
      %add3A_88 = arith.addi %mul3A_86, %add3A_87 : i32
      "tpu.region"() ({
        %run_scoped3A_89 = tpu.sem_alloc : memref<!tpu.dma_semaphore, #tpu.memory_space<semaphore_mem>>
        %dma_start3A_90 = arith.constant 0 : i32
        %dma_start3A_91 = tpu.memref_slice %arg7[%add3A_88, %dma_start3A_90] : memref<10112x128xf32, #tpu.memory_space<vmem_shared>> -> memref<112x128xf32, #tpu.memory_space<vmem_shared>>
        %dma_start3A_92 = arith.constant 0 : i32
        %dma_start3A_93 = tpu.memref_slice %arg5[%add3A_84, %dma_start3A_92] : memref<10112x128xf32, #tpu.memory_space<hbm>> -> memref<112x128xf32, #tpu.memory_space<hbm>>
        tpu.enqueue_dma source(%dma_start3A_93 : memref<112x128xf32, #tpu.memory_space<hbm>>) target(%dma_start3A_91 : memref<112x128xf32, #tpu.memory_space<vmem_shared>>) target_semaphore(%run_scoped3A_89 : memref<!tpu.dma_semaphore, #tpu.memory_space<semaphore_mem>>)
        %dma_wait3A_94 = arith.constant 0 : i32
        %dma_wait3A_95 = tpu.memref_slice %arg7[%add3A_88, %dma_wait3A_94] : memref<10112x128xf32, #tpu.memory_space<vmem_shared>> -> memref<112x128xf32, #tpu.memory_space<vmem_shared>>
        %dma_wait3A_96 = arith.constant 0 : i32
        %dma_wait3A_97 = tpu.memref_slice %arg5[%add3A_84, %dma_wait3A_96] : memref<10112x128xf32, #tpu.memory_space<hbm>> -> memref<112x128xf32, #tpu.memory_space<hbm>>
        tpu.wait_dma2 semaphore(%run_scoped3A_89 : memref<!tpu.dma_semaphore, #tpu.memory_space<semaphore_mem>>) src(%dma_wait3A_97 : memref<112x128xf32, #tpu.memory_space<hbm>>) dst(%dma_wait3A_95 : memref<112x128xf32, #tpu.memory_space<vmem_shared>>)
        tpu.yield
      }) : () -> ()
    } else {
    }
    %eq3A_42 = arith.constant 1 : i32
    %eq3A_43 = arith.cmpi eq, %arg0, %eq3A_42 : i32
    %convert_element_type3A_44 = arith.extui %eq3A_43 : i1 to i32
    %cond3A_45 = arith.constant 0 : i32
    %cond3A_46 = arith.cmpi ne, %convert_element_type3A_44, %cond3A_45 : i32
    scf.if %cond3A_46 {
      %mul3A_77 = arith.constant 632 : i32
      %mul3A_78 = arith.muli %arg1, %mul3A_77 : i32
      %mul3A_79 = arith.constant 632 : i32
      %mul3A_80 = arith.muli %arg1, %mul3A_79 : i32
      "tpu.region"() ({
        %run_scoped3A_81 = tpu.sem_alloc : memref<!tpu.dma_semaphore, #tpu.memory_space<semaphore_mem>>
        %dma_start3A_82 = arith.constant 0 : i32
        %dma_start3A_83 = tpu.memref_slice %arg7[%mul3A_80, %dma_start3A_82] : memref<10112x128xf32, #tpu.memory_space<vmem_shared>> -> memref<632x128xf32, #tpu.memory_space<vmem_shared>>
        %dma_start3A_84 = arith.constant 0 : i32
        %dma_start3A_85 = tpu.memref_slice %arg5[%mul3A_78, %dma_start3A_84] : memref<10112x128xf32, #tpu.memory_space<hbm>> -> memref<632x128xf32, #tpu.memory_space<hbm>>
        tpu.enqueue_dma source(%dma_start3A_85 : memref<632x128xf32, #tpu.memory_space<hbm>>) target(%dma_start3A_83 : memref<632x128xf32, #tpu.memory_space<vmem_shared>>) target_semaphore(%run_scoped3A_81 : memref<!tpu.dma_semaphore, #tpu.memory_space<semaphore_mem>>)
        %dma_wait3A_86 = arith.constant 0 : i32
        %dma_wait3A_87 = tpu.memref_slice %arg7[%mul3A_80, %dma_wait3A_86] : memref<10112x128xf32, #tpu.memory_space<vmem_shared>> -> memref<632x128xf32, #tpu.memory_space<vmem_shared>>
        %dma_wait3A_88 = arith.constant 0 : i32
        %dma_wait3A_89 = tpu.memref_slice %arg5[%mul3A_78, %dma_wait3A_88] : memref<10112x128xf32, #tpu.memory_space<hbm>> -> memref<632x128xf32, #tpu.memory_space<hbm>>
        tpu.wait_dma2 semaphore(%run_scoped3A_81 : memref<!tpu.dma_semaphore, #tpu.memory_space<semaphore_mem>>) src(%dma_wait3A_89 : memref<632x128xf32, #tpu.memory_space<hbm>>) dst(%dma_wait3A_87 : memref<632x128xf32, #tpu.memory_space<vmem_shared>>)
        tpu.yield
      }) : () -> ()
    } else {
    }
    %barrier3A = arith.constant 0 : index
    tpu.barrier barrier_id(%barrier3A)
    %scan3A = arith.constant 0 : i32
    %scan3A_47 = arith.constant 0 : i32
    %scan3A_48 = arith.constant 38 : i32
    %scan3A_49 = arith.addi %scan3A_47, %scan3A_48 : i32
    %scan3A_50 = arith.constant 1 : i32
    scf.for %scan3A_77 = %scan3A_47 to %scan3A_49 step %scan3A_50  : i32 {
      %mul3A_78 = arith.constant 3 : i32
      %mul3A_79 = arith.muli %scan3A_77, %mul3A_78 : i32
      %add3A_80 = arith.constant 0 : i32
      %add3A_81 = arith.addi %mul3A_79, %add3A_80 : i32
      %dma_wait3A_82 = arith.constant 0 : i32
      %dma_wait3A_83 = arith.constant 0 : i32
      %dma_wait3A_84 = tpu.memref_slice %arg9[%dma_wait3A_82, %dma_wait3A_83] : memref<3x88xi32, #tpu.memory_space<vmem>> -> memref<1x88xi32, #tpu.memory_space<vmem>>
      %dma_wait3A_85 = tpu.memref_squeeze %dma_wait3A_84 : memref<1x88xi32, #tpu.memory_space<vmem>> -> memref<88xi32, #tpu.memory_space<vmem>>
      %dma_wait3A_86 = arith.constant 0 : i32
      %dma_wait3A_87 = arith.constant 0 : i32
      %dma_wait3A_88 = tpu.memref_slice %arg4[%dma_wait3A_86, %dma_wait3A_87] : memref<10000x128xf32, #tpu.memory_space<hbm>> -> memref<10000x128xf32, #tpu.memory_space<hbm>>
      tpu.wait_indirect_dma semaphore(%arg13 : memref<!tpu.dma_semaphore, #tpu.memory_space<semaphore_mem>>) src(%dma_wait3A_88 : memref<10000x128xf32, #tpu.memory_space<hbm>>) dst(%arg10 : memref<88x128xf32, #tpu.memory_space<vmem>>)
      %dma_start3A_89 = arith.constant 0 : i32
      %dma_start3A_90 = tpu.memref_slice %arg8[%add3A_81, %dma_start3A_89] : memref<114x88xi32, #tpu.memory_space<vmem>> -> memref<1x88xi32, #tpu.memory_space<vmem>>
      %dma_start3A_91 = tpu.memref_squeeze %dma_start3A_90 : memref<1x88xi32, #tpu.memory_space<vmem>> -> memref<88xi32, #tpu.memory_space<vmem>>
      %dma_start3A_92 = arith.constant 0 : i32
      %dma_start3A_93 = arith.constant 0 : i32
      %dma_start3A_94 = tpu.memref_slice %arg7[%dma_start3A_92, %dma_start3A_93] : memref<10112x128xf32, #tpu.memory_space<vmem_shared>> -> memref<10112x128xf32, #tpu.memory_space<vmem_shared>>
      tpu.enqueue_indirect_dma source(%arg10 : memref<88x128xf32, #tpu.memory_space<vmem>>) target(%dma_start3A_94 : memref<10112x128xf32, #tpu.memory_space<vmem_shared>>) offsets(%dma_start3A_91 : memref<88xi32, #tpu.memory_space<vmem>>) semaphore(%arg16 : memref<!tpu.dma_semaphore, #tpu.memory_space<semaphore_mem>>) {add = true}
      %lt3A_95 = arith.constant 37 : i32
      %lt3A_96 = arith.cmpi slt, %scan3A_77, %lt3A_95 : i32
      %convert_element_type3A_97 = arith.extui %lt3A_96 : i1 to i32
      %cond3A_98 = arith.constant 0 : i32
      %cond3A_99 = arith.cmpi ne, %convert_element_type3A_97, %cond3A_98 : i32
      scf.if %cond3A_99 {
        %add3A_144 = arith.constant 3 : i32
        %add3A_145 = arith.addi %add3A_81, %add3A_144 : i32
        %mul3A_146 = arith.constant 88 : i32
        %mul3A_147 = arith.muli %add3A_145, %mul3A_146 : i32
        %add3A_148 = arith.addi %mul3A_2, %mul3A_147 : i32
        %run_scoped3A_149 = arith.constant 0 : i32
        "tpu.region"() ({
          %run_scoped3A_163 = tpu.sem_alloc : memref<!tpu.dma_semaphore, #tpu.memory_space<semaphore_mem>>
          %dma_start3A_164 = arith.constant 0 : i32
          %dma_start3A_165 = tpu.memref_slice %arg9[%run_scoped3A_149, %dma_start3A_164] : memref<3x88xi32, #tpu.memory_space<vmem>> -> memref<1x88xi32, #tpu.memory_space<vmem>>
          %dma_start3A_166 = tpu.memref_squeeze %dma_start3A_165 : memref<1x88xi32, #tpu.memory_space<vmem>> -> memref<88xi32, #tpu.memory_space<vmem>>
          %dma_start3A_167 = tpu.memref_slice %arg2[%add3A_148] : memref<321024xi32, #tpu.memory_space<hbm>> -> memref<88xi32, #tpu.memory_space<hbm>>
          %dma_start3A_168 = arith.constant 0 : i32
          %dma_start3A_169 = tpu.memref_slice %arg9[%run_scoped3A_149, %dma_start3A_168] : memref<3x88xi32, #tpu.memory_space<vmem>> -> memref<1x88xi32, #tpu.memory_space<vmem>>
          %dma_start3A_170 = tpu.memref_squeeze %dma_start3A_169 : memref<1x88xi32, #tpu.memory_space<vmem>> -> memref<88xi32, #tpu.memory_space<vmem>>
          %dma_start3A_171 = tpu.memref_slice %arg2[%add3A_148] : memref<321024xi32, #tpu.memory_space<hbm>> -> memref<88xi32, #tpu.memory_space<hbm>>
          tpu.enqueue_dma source(%dma_start3A_171 : memref<88xi32, #tpu.memory_space<hbm>>) target(%dma_start3A_170 : memref<88xi32, #tpu.memory_space<vmem>>) target_semaphore(%run_scoped3A_163 : memref<!tpu.dma_semaphore, #tpu.memory_space<semaphore_mem>>)
          %dma_wait3A_172 = arith.constant 0 : i32
          %dma_wait3A_173 = tpu.memref_slice %arg9[%run_scoped3A_149, %dma_wait3A_172] : memref<3x88xi32, #tpu.memory_space<vmem>> -> memref<1x88xi32, #tpu.memory_space<vmem>>
          %dma_wait3A_174 = tpu.memref_squeeze %dma_wait3A_173 : memref<1x88xi32, #tpu.memory_space<vmem>> -> memref<88xi32, #tpu.memory_space<vmem>>
          %dma_wait3A_175 = tpu.memref_slice %arg2[%add3A_148] : memref<321024xi32, #tpu.memory_space<hbm>> -> memref<88xi32, #tpu.memory_space<hbm>>
          %dma_wait3A_176 = arith.constant 0 : i32
          %dma_wait3A_177 = tpu.memref_slice %arg9[%run_scoped3A_149, %dma_wait3A_176] : memref<3x88xi32, #tpu.memory_space<vmem>> -> memref<1x88xi32, #tpu.memory_space<vmem>>
          %dma_wait3A_178 = tpu.memref_squeeze %dma_wait3A_177 : memref<1x88xi32, #tpu.memory_space<vmem>> -> memref<88xi32, #tpu.memory_space<vmem>>
          %dma_wait3A_179 = tpu.memref_slice %arg2[%add3A_148] : memref<321024xi32, #tpu.memory_space<hbm>> -> memref<88xi32, #tpu.memory_space<hbm>>
          tpu.wait_dma2 semaphore(%run_scoped3A_163 : memref<!tpu.dma_semaphore, #tpu.memory_space<semaphore_mem>>) src(%dma_wait3A_179 : memref<88xi32, #tpu.memory_space<hbm>>) dst(%dma_wait3A_178 : memref<88xi32, #tpu.memory_space<vmem>>)
          tpu.yield
        }) : () -> ()
        %dma_wait3A_150 = arith.constant 0 : i32
        %dma_wait3A_151 = tpu.memref_slice %arg8[%add3A_81, %dma_wait3A_150] : memref<114x88xi32, #tpu.memory_space<vmem>> -> memref<1x88xi32, #tpu.memory_space<vmem>>
        %dma_wait3A_152 = tpu.memref_squeeze %dma_wait3A_151 : memref<1x88xi32, #tpu.memory_space<vmem>> -> memref<88xi32, #tpu.memory_space<vmem>>
        %dma_wait3A_153 = arith.constant 0 : i32
        %dma_wait3A_154 = arith.constant 0 : i32
        %dma_wait3A_155 = tpu.memref_slice %arg7[%dma_wait3A_153, %dma_wait3A_154] : memref<10112x128xf32, #tpu.memory_space<vmem_shared>> -> memref<10112x128xf32, #tpu.memory_space<vmem_shared>>
        tpu.wait_indirect_dma semaphore(%arg16 : memref<!tpu.dma_semaphore, #tpu.memory_space<semaphore_mem>>) src(%arg10 : memref<88x128xf32, #tpu.memory_space<vmem>>) dst(%dma_wait3A_155 : memref<10112x128xf32, #tpu.memory_space<vmem_shared>>)
        %dma_start3A_156 = arith.constant 0 : i32
        %dma_start3A_157 = arith.constant 0 : i32
        %dma_start3A_158 = tpu.memref_slice %arg9[%dma_start3A_156, %dma_start3A_157] : memref<3x88xi32, #tpu.memory_space<vmem>> -> memref<1x88xi32, #tpu.memory_space<vmem>>
        %dma_start3A_159 = tpu.memref_squeeze %dma_start3A_158 : memref<1x88xi32, #tpu.memory_space<vmem>> -> memref<88xi32, #tpu.memory_space<vmem>>
        %dma_start3A_160 = arith.constant 0 : i32
        %dma_start3A_161 = arith.constant 0 : i32
        %dma_start3A_162 = tpu.memref_slice %arg4[%dma_start3A_160, %dma_start3A_161] : memref<10000x128xf32, #tpu.memory_space<hbm>> -> memref<10000x128xf32, #tpu.memory_space<hbm>>
        tpu.enqueue_indirect_dma source(%dma_start3A_162 : memref<10000x128xf32, #tpu.memory_space<hbm>>) target(%arg10 : memref<88x128xf32, #tpu.memory_space<vmem>>) offsets(%dma_start3A_159 : memref<88xi32, #tpu.memory_space<vmem>>) semaphore(%arg13 : memref<!tpu.dma_semaphore, #tpu.memory_space<semaphore_mem>>)
      } else {
      }
      %mul3A_100 = arith.constant 3 : i32
      %mul3A_101 = arith.muli %scan3A_77, %mul3A_100 : i32
      %add3A_102 = arith.constant 1 : i32
      %add3A_103 = arith.addi %mul3A_101, %add3A_102 : i32
      %dma_wait3A_104 = arith.constant 1 : i32
      %dma_wait3A_105 = arith.constant 0 : i32
      %dma_wait3A_106 = tpu.memref_slice %arg9[%dma_wait3A_104, %dma_wait3A_105] : memref<3x88xi32, #tpu.memory_space<vmem>> -> memref<1x88xi32, #tpu.memory_space<vmem>>
      %dma_wait3A_107 = tpu.memref_squeeze %dma_wait3A_106 : memref<1x88xi32, #tpu.memory_space<vmem>> -> memref<88xi32, #tpu.memory_space<vmem>>
      %dma_wait3A_108 = arith.constant 0 : i32
      %dma_wait3A_109 = arith.constant 0 : i32
      %dma_wait3A_110 = tpu.memref_slice %arg4[%dma_wait3A_108, %dma_wait3A_109] : memref<10000x128xf32, #tpu.memory_space<hbm>> -> memref<10000x128xf32, #tpu.memory_space<hbm>>
      tpu.wait_indirect_dma semaphore(%arg14 : memref<!tpu.dma_semaphore, #tpu.memory_space<semaphore_mem>>) src(%dma_wait3A_110 : memref<10000x128xf32, #tpu.memory_space<hbm>>) dst(%arg11 : memref<88x128xf32, #tpu.memory_space<vmem>>)
      %dma_start3A_111 = arith.constant 0 : i32
      %dma_start3A_112 = tpu.memref_slice %arg8[%add3A_103, %dma_start3A_111] : memref<114x88xi32, #tpu.memory_space<vmem>> -> memref<1x88xi32, #tpu.memory_space<vmem>>
      %dma_start3A_113 = tpu.memref_squeeze %dma_start3A_112 : memref<1x88xi32, #tpu.memory_space<vmem>> -> memref<88xi32, #tpu.memory_space<vmem>>
      %dma_start3A_114 = arith.constant 0 : i32
      %dma_start3A_115 = arith.constant 0 : i32
      %dma_start3A_116 = tpu.memref_slice %arg7[%dma_start3A_114, %dma_start3A_115] : memref<10112x128xf32, #tpu.memory_space<vmem_shared>> -> memref<10112x128xf32, #tpu.memory_space<vmem_shared>>
      tpu.enqueue_indirect_dma source(%arg11 : memref<88x128xf32, #tpu.memory_space<vmem>>) target(%dma_start3A_116 : memref<10112x128xf32, #tpu.memory_space<vmem_shared>>) offsets(%dma_start3A_113 : memref<88xi32, #tpu.memory_space<vmem>>) semaphore(%arg17 : memref<!tpu.dma_semaphore, #tpu.memory_space<semaphore_mem>>) {add = true}
      %lt3A_117 = arith.constant 37 : i32
      %lt3A_118 = arith.cmpi slt, %scan3A_77, %lt3A_117 : i32
      %convert_element_type3A_119 = arith.extui %lt3A_118 : i1 to i32
      %cond3A_120 = arith.constant 0 : i32
      %cond3A_121 = arith.cmpi ne, %convert_element_type3A_119, %cond3A_120 : i32
      scf.if %cond3A_121 {
        %add3A_144 = arith.constant 3 : i32
        %add3A_145 = arith.addi %add3A_103, %add3A_144 : i32
        %mul3A_146 = arith.constant 88 : i32
        %mul3A_147 = arith.muli %add3A_145, %mul3A_146 : i32
        %add3A_148 = arith.addi %mul3A_2, %mul3A_147 : i32
        %run_scoped3A_149 = arith.constant 1 : i32
        "tpu.region"() ({
          %run_scoped3A_163 = tpu.sem_alloc : memref<!tpu.dma_semaphore, #tpu.memory_space<semaphore_mem>>
          %dma_start3A_164 = arith.constant 0 : i32
          %dma_start3A_165 = tpu.memref_slice %arg9[%run_scoped3A_149, %dma_start3A_164] : memref<3x88xi32, #tpu.memory_space<vmem>> -> memref<1x88xi32, #tpu.memory_space<vmem>>
          %dma_start3A_166 = tpu.memref_squeeze %dma_start3A_165 : memref<1x88xi32, #tpu.memory_space<vmem>> -> memref<88xi32, #tpu.memory_space<vmem>>
          %dma_start3A_167 = tpu.memref_slice %arg2[%add3A_148] : memref<321024xi32, #tpu.memory_space<hbm>> -> memref<88xi32, #tpu.memory_space<hbm>>
          %dma_start3A_168 = arith.constant 0 : i32
          %dma_start3A_169 = tpu.memref_slice %arg9[%run_scoped3A_149, %dma_start3A_168] : memref<3x88xi32, #tpu.memory_space<vmem>> -> memref<1x88xi32, #tpu.memory_space<vmem>>
          %dma_start3A_170 = tpu.memref_squeeze %dma_start3A_169 : memref<1x88xi32, #tpu.memory_space<vmem>> -> memref<88xi32, #tpu.memory_space<vmem>>
          %dma_start3A_171 = tpu.memref_slice %arg2[%add3A_148] : memref<321024xi32, #tpu.memory_space<hbm>> -> memref<88xi32, #tpu.memory_space<hbm>>
          tpu.enqueue_dma source(%dma_start3A_171 : memref<88xi32, #tpu.memory_space<hbm>>) target(%dma_start3A_170 : memref<88xi32, #tpu.memory_space<vmem>>) target_semaphore(%run_scoped3A_163 : memref<!tpu.dma_semaphore, #tpu.memory_space<semaphore_mem>>)
          %dma_wait3A_172 = arith.constant 0 : i32
          %dma_wait3A_173 = tpu.memref_slice %arg9[%run_scoped3A_149, %dma_wait3A_172] : memref<3x88xi32, #tpu.memory_space<vmem>> -> memref<1x88xi32, #tpu.memory_space<vmem>>
          %dma_wait3A_174 = tpu.memref_squeeze %dma_wait3A_173 : memref<1x88xi32, #tpu.memory_space<vmem>> -> memref<88xi32, #tpu.memory_space<vmem>>
          %dma_wait3A_175 = tpu.memref_slice %arg2[%add3A_148] : memref<321024xi32, #tpu.memory_space<hbm>> -> memref<88xi32, #tpu.memory_space<hbm>>
          %dma_wait3A_176 = arith.constant 0 : i32
          %dma_wait3A_177 = tpu.memref_slice %arg9[%run_scoped3A_149, %dma_wait3A_176] : memref<3x88xi32, #tpu.memory_space<vmem>> -> memref<1x88xi32, #tpu.memory_space<vmem>>
          %dma_wait3A_178 = tpu.memref_squeeze %dma_wait3A_177 : memref<1x88xi32, #tpu.memory_space<vmem>> -> memref<88xi32, #tpu.memory_space<vmem>>
          %dma_wait3A_179 = tpu.memref_slice %arg2[%add3A_148] : memref<321024xi32, #tpu.memory_space<hbm>> -> memref<88xi32, #tpu.memory_space<hbm>>
          tpu.wait_dma2 semaphore(%run_scoped3A_163 : memref<!tpu.dma_semaphore, #tpu.memory_space<semaphore_mem>>) src(%dma_wait3A_179 : memref<88xi32, #tpu.memory_space<hbm>>) dst(%dma_wait3A_178 : memref<88xi32, #tpu.memory_space<vmem>>)
          tpu.yield
        }) : () -> ()
        %dma_wait3A_150 = arith.constant 0 : i32
        %dma_wait3A_151 = tpu.memref_slice %arg8[%add3A_103, %dma_wait3A_150] : memref<114x88xi32, #tpu.memory_space<vmem>> -> memref<1x88xi32, #tpu.memory_space<vmem>>
        %dma_wait3A_152 = tpu.memref_squeeze %dma_wait3A_151 : memref<1x88xi32, #tpu.memory_space<vmem>> -> memref<88xi32, #tpu.memory_space<vmem>>
        %dma_wait3A_153 = arith.constant 0 : i32
        %dma_wait3A_154 = arith.constant 0 : i32
        %dma_wait3A_155 = tpu.memref_slice %arg7[%dma_wait3A_153, %dma_wait3A_154] : memref<10112x128xf32, #tpu.memory_space<vmem_shared>> -> memref<10112x128xf32, #tpu.memory_space<vmem_shared>>
        tpu.wait_indirect_dma semaphore(%arg17 : memref<!tpu.dma_semaphore, #tpu.memory_space<semaphore_mem>>) src(%arg11 : memref<88x128xf32, #tpu.memory_space<vmem>>) dst(%dma_wait3A_155 : memref<10112x128xf32, #tpu.memory_space<vmem_shared>>)
        %dma_start3A_156 = arith.constant 1 : i32
        %dma_start3A_157 = arith.constant 0 : i32
        %dma_start3A_158 = tpu.memref_slice %arg9[%dma_start3A_156, %dma_start3A_157] : memref<3x88xi32, #tpu.memory_space<vmem>> -> memref<1x88xi32, #tpu.memory_space<vmem>>
        %dma_start3A_159 = tpu.memref_squeeze %dma_start3A_158 : memref<1x88xi32, #tpu.memory_space<vmem>> -> memref<88xi32, #tpu.memory_space<vmem>>
        %dma_start3A_160 = arith.constant 0 : i32
        %dma_start3A_161 = arith.constant 0 : i32
        %dma_start3A_162 = tpu.memref_slice %arg4[%dma_start3A_160, %dma_start3A_161] : memref<10000x128xf32, #tpu.memory_space<hbm>> -> memref<10000x128xf32, #tpu.memory_space<hbm>>
        tpu.enqueue_indirect_dma source(%dma_start3A_162 : memref<10000x128xf32, #tpu.memory_space<hbm>>) target(%arg11 : memref<88x128xf32, #tpu.memory_space<vmem>>) offsets(%dma_start3A_159 : memref<88xi32, #tpu.memory_space<vmem>>) semaphore(%arg14 : memref<!tpu.dma_semaphore, #tpu.memory_space<semaphore_mem>>)
      } else {
      }
      %mul3A_122 = arith.constant 3 : i32
      %mul3A_123 = arith.muli %scan3A_77, %mul3A_122 : i32
      %add3A_124 = arith.constant 2 : i32
      %add3A_125 = arith.addi %mul3A_123, %add3A_124 : i32
      %dma_wait3A_126 = arith.constant 2 : i32
      %dma_wait3A_127 = arith.constant 0 : i32
      %dma_wait3A_128 = tpu.memref_slice %arg9[%dma_wait3A_126, %dma_wait3A_127] : memref<3x88xi32, #tpu.memory_space<vmem>> -> memref<1x88xi32, #tpu.memory_space<vmem>>
      %dma_wait3A_129 = tpu.memref_squeeze %dma_wait3A_128 : memref<1x88xi32, #tpu.memory_space<vmem>> -> memref<88xi32, #tpu.memory_space<vmem>>
      %dma_wait3A_130 = arith.constant 0 : i32
      %dma_wait3A_131 = arith.constant 0 : i32
      %dma_wait3A_132 = tpu.memref_slice %arg4[%dma_wait3A_130, %dma_wait3A_131] : memref<10000x128xf32, #tpu.memory_space<hbm>> -> memref<10000x128xf32, #tpu.memory_space<hbm>>
      tpu.wait_indirect_dma semaphore(%arg15 : memref<!tpu.dma_semaphore, #tpu.memory_space<semaphore_mem>>) src(%dma_wait3A_132 : memref<10000x128xf32, #tpu.memory_space<hbm>>) dst(%arg12 : memref<88x128xf32, #tpu.memory_space<vmem>>)
      %dma_start3A_133 = arith.constant 0 : i32
      %dma_start3A_134 = tpu.memref_slice %arg8[%add3A_125, %dma_start3A_133] : memref<114x88xi32, #tpu.memory_space<vmem>> -> memref<1x88xi32, #tpu.memory_space<vmem>>
      %dma_start3A_135 = tpu.memref_squeeze %dma_start3A_134 : memref<1x88xi32, #tpu.memory_space<vmem>> -> memref<88xi32, #tpu.memory_space<vmem>>
      %dma_start3A_136 = arith.constant 0 : i32
      %dma_start3A_137 = arith.constant 0 : i32
      %dma_start3A_138 = tpu.memref_slice %arg7[%dma_start3A_136, %dma_start3A_137] : memref<10112x128xf32, #tpu.memory_space<vmem_shared>> -> memref<10112x128xf32, #tpu.memory_space<vmem_shared>>
      tpu.enqueue_indirect_dma source(%arg12 : memref<88x128xf32, #tpu.memory_space<vmem>>) target(%dma_start3A_138 : memref<10112x128xf32, #tpu.memory_space<vmem_shared>>) offsets(%dma_start3A_135 : memref<88xi32, #tpu.memory_space<vmem>>) semaphore(%arg18 : memref<!tpu.dma_semaphore, #tpu.memory_space<semaphore_mem>>) {add = true}
      %lt3A_139 = arith.constant 37 : i32
      %lt3A_140 = arith.cmpi slt, %scan3A_77, %lt3A_139 : i32
      %convert_element_type3A_141 = arith.extui %lt3A_140 : i1 to i32
      %cond3A_142 = arith.constant 0 : i32
      %cond3A_143 = arith.cmpi ne, %convert_element_type3A_141, %cond3A_142 : i32
      scf.if %cond3A_143 {
        %add3A_144 = arith.constant 3 : i32
        %add3A_145 = arith.addi %add3A_125, %add3A_144 : i32
        %mul3A_146 = arith.constant 88 : i32
        %mul3A_147 = arith.muli %add3A_145, %mul3A_146 : i32
        %add3A_148 = arith.addi %mul3A_2, %mul3A_147 : i32
        %run_scoped3A_149 = arith.constant 2 : i32
        "tpu.region"() ({
          %run_scoped3A_163 = tpu.sem_alloc : memref<!tpu.dma_semaphore, #tpu.memory_space<semaphore_mem>>
          %dma_start3A_164 = arith.constant 0 : i32
          %dma_start3A_165 = tpu.memref_slice %arg9[%run_scoped3A_149, %dma_start3A_164] : memref<3x88xi32, #tpu.memory_space<vmem>> -> memref<1x88xi32, #tpu.memory_space<vmem>>
          %dma_start3A_166 = tpu.memref_squeeze %dma_start3A_165 : memref<1x88xi32, #tpu.memory_space<vmem>> -> memref<88xi32, #tpu.memory_space<vmem>>
          %dma_start3A_167 = tpu.memref_slice %arg2[%add3A_148] : memref<321024xi32, #tpu.memory_space<hbm>> -> memref<88xi32, #tpu.memory_space<hbm>>
          %dma_start3A_168 = arith.constant 0 : i32
          %dma_start3A_169 = tpu.memref_slice %arg9[%run_scoped3A_149, %dma_start3A_168] : memref<3x88xi32, #tpu.memory_space<vmem>> -> memref<1x88xi32, #tpu.memory_space<vmem>>
          %dma_start3A_170 = tpu.memref_squeeze %dma_start3A_169 : memref<1x88xi32, #tpu.memory_space<vmem>> -> memref<88xi32, #tpu.memory_space<vmem>>
          %dma_start3A_171 = tpu.memref_slice %arg2[%add3A_148] : memref<321024xi32, #tpu.memory_space<hbm>> -> memref<88xi32, #tpu.memory_space<hbm>>
          tpu.enqueue_dma source(%dma_start3A_171 : memref<88xi32, #tpu.memory_space<hbm>>) target(%dma_start3A_170 : memref<88xi32, #tpu.memory_space<vmem>>) target_semaphore(%run_scoped3A_163 : memref<!tpu.dma_semaphore, #tpu.memory_space<semaphore_mem>>)
          %dma_wait3A_172 = arith.constant 0 : i32
          %dma_wait3A_173 = tpu.memref_slice %arg9[%run_scoped3A_149, %dma_wait3A_172] : memref<3x88xi32, #tpu.memory_space<vmem>> -> memref<1x88xi32, #tpu.memory_space<vmem>>
          %dma_wait3A_174 = tpu.memref_squeeze %dma_wait3A_173 : memref<1x88xi32, #tpu.memory_space<vmem>> -> memref<88xi32, #tpu.memory_space<vmem>>
          %dma_wait3A_175 = tpu.memref_slice %arg2[%add3A_148] : memref<321024xi32, #tpu.memory_space<hbm>> -> memref<88xi32, #tpu.memory_space<hbm>>
          %dma_wait3A_176 = arith.constant 0 : i32
          %dma_wait3A_177 = tpu.memref_slice %arg9[%run_scoped3A_149, %dma_wait3A_176] : memref<3x88xi32, #tpu.memory_space<vmem>> -> memref<1x88xi32, #tpu.memory_space<vmem>>
          %dma_wait3A_178 = tpu.memref_squeeze %dma_wait3A_177 : memref<1x88xi32, #tpu.memory_space<vmem>> -> memref<88xi32, #tpu.memory_space<vmem>>
          %dma_wait3A_179 = tpu.memref_slice %arg2[%add3A_148] : memref<321024xi32, #tpu.memory_space<hbm>> -> memref<88xi32, #tpu.memory_space<hbm>>
          tpu.wait_dma2 semaphore(%run_scoped3A_163 : memref<!tpu.dma_semaphore, #tpu.memory_space<semaphore_mem>>) src(%dma_wait3A_179 : memref<88xi32, #tpu.memory_space<hbm>>) dst(%dma_wait3A_178 : memref<88xi32, #tpu.memory_space<vmem>>)
          tpu.yield
        }) : () -> ()
        %dma_wait3A_150 = arith.constant 0 : i32
        %dma_wait3A_151 = tpu.memref_slice %arg8[%add3A_125, %dma_wait3A_150] : memref<114x88xi32, #tpu.memory_space<vmem>> -> memref<1x88xi32, #tpu.memory_space<vmem>>
        %dma_wait3A_152 = tpu.memref_squeeze %dma_wait3A_151 : memref<1x88xi32, #tpu.memory_space<vmem>> -> memref<88xi32, #tpu.memory_space<vmem>>
        %dma_wait3A_153 = arith.constant 0 : i32
        %dma_wait3A_154 = arith.constant 0 : i32
        %dma_wait3A_155 = tpu.memref_slice %arg7[%dma_wait3A_153, %dma_wait3A_154] : memref<10112x128xf32, #tpu.memory_space<vmem_shared>> -> memref<10112x128xf32, #tpu.memory_space<vmem_shared>>
        tpu.wait_indirect_dma semaphore(%arg18 : memref<!tpu.dma_semaphore, #tpu.memory_space<semaphore_mem>>) src(%arg12 : memref<88x128xf32, #tpu.memory_space<vmem>>) dst(%dma_wait3A_155 : memref<10112x128xf32, #tpu.memory_space<vmem_shared>>)
        %dma_start3A_156 = arith.constant 2 : i32
        %dma_start3A_157 = arith.constant 0 : i32
        %dma_start3A_158 = tpu.memref_slice %arg9[%dma_start3A_156, %dma_start3A_157] : memref<3x88xi32, #tpu.memory_space<vmem>> -> memref<1x88xi32, #tpu.memory_space<vmem>>
        %dma_start3A_159 = tpu.memref_squeeze %dma_start3A_158 : memref<1x88xi32, #tpu.memory_space<vmem>> -> memref<88xi32, #tpu.memory_space<vmem>>
        %dma_start3A_160 = arith.constant 0 : i32
        %dma_start3A_161 = arith.constant 0 : i32
        %dma_start3A_162 = tpu.memref_slice %arg4[%dma_start3A_160, %dma_start3A_161] : memref<10000x128xf32, #tpu.memory_space<hbm>> -> memref<10000x128xf32, #tpu.memory_space<hbm>>
        tpu.enqueue_indirect_dma source(%dma_start3A_162 : memref<10000x128xf32, #tpu.memory_space<hbm>>) target(%arg12 : memref<88x128xf32, #tpu.memory_space<vmem>>) offsets(%dma_start3A_159 : memref<88xi32, #tpu.memory_space<vmem>>) semaphore(%arg15 : memref<!tpu.dma_semaphore, #tpu.memory_space<semaphore_mem>>)
      } else {
      }
    }
    %scan3A_51 = arith.constant 38 : i32
    %dma_wait3A = arith.constant 0 : i32
    %dma_wait3A_52 = arith.constant 0 : i32
    %dma_wait3A_53 = tpu.memref_slice %arg8[%dma_wait3A, %dma_wait3A_52] : memref<114x88xi32, #tpu.memory_space<vmem>> -> memref<1x88xi32, #tpu.memory_space<vmem>>
    %dma_wait3A_54 = tpu.memref_squeeze %dma_wait3A_53 : memref<1x88xi32, #tpu.memory_space<vmem>> -> memref<88xi32, #tpu.memory_space<vmem>>
    %dma_wait3A_55 = arith.constant 0 : i32
    %dma_wait3A_56 = arith.constant 0 : i32
    %dma_wait3A_57 = tpu.memref_slice %arg7[%dma_wait3A_55, %dma_wait3A_56] : memref<10112x128xf32, #tpu.memory_space<vmem_shared>> -> memref<10112x128xf32, #tpu.memory_space<vmem_shared>>
    tpu.wait_indirect_dma semaphore(%arg16 : memref<!tpu.dma_semaphore, #tpu.memory_space<semaphore_mem>>) src(%arg10 : memref<88x128xf32, #tpu.memory_space<vmem>>) dst(%dma_wait3A_57 : memref<10112x128xf32, #tpu.memory_space<vmem_shared>>)
    %dma_wait3A_58 = arith.constant 0 : i32
    %dma_wait3A_59 = arith.constant 0 : i32
    %dma_wait3A_60 = tpu.memref_slice %arg8[%dma_wait3A_58, %dma_wait3A_59] : memref<114x88xi32, #tpu.memory_space<vmem>> -> memref<1x88xi32, #tpu.memory_space<vmem>>
    %dma_wait3A_61 = tpu.memref_squeeze %dma_wait3A_60 : memref<1x88xi32, #tpu.memory_space<vmem>> -> memref<88xi32, #tpu.memory_space<vmem>>
    %dma_wait3A_62 = arith.constant 0 : i32
    %dma_wait3A_63 = arith.constant 0 : i32
    %dma_wait3A_64 = tpu.memref_slice %arg7[%dma_wait3A_62, %dma_wait3A_63] : memref<10112x128xf32, #tpu.memory_space<vmem_shared>> -> memref<10112x128xf32, #tpu.memory_space<vmem_shared>>
    tpu.wait_indirect_dma semaphore(%arg17 : memref<!tpu.dma_semaphore, #tpu.memory_space<semaphore_mem>>) src(%arg11 : memref<88x128xf32, #tpu.memory_space<vmem>>) dst(%dma_wait3A_64 : memref<10112x128xf32, #tpu.memory_space<vmem_shared>>)
    %dma_wait3A_65 = arith.constant 0 : i32
    %dma_wait3A_66 = arith.constant 0 : i32
    %dma_wait3A_67 = tpu.memref_slice %arg8[%dma_wait3A_65, %dma_wait3A_66] : memref<114x88xi32, #tpu.memory_space<vmem>> -> memref<1x88xi32, #tpu.memory_space<vmem>>
    %dma_wait3A_68 = tpu.memref_squeeze %dma_wait3A_67 : memref<1x88xi32, #tpu.memory_space<vmem>> -> memref<88xi32, #tpu.memory_space<vmem>>
    %dma_wait3A_69 = arith.constant 0 : i32
    %dma_wait3A_70 = arith.constant 0 : i32
    %dma_wait3A_71 = tpu.memref_slice %arg7[%dma_wait3A_69, %dma_wait3A_70] : memref<10112x128xf32, #tpu.memory_space<vmem_shared>> -> memref<10112x128xf32, #tpu.memory_space<vmem_shared>>
    tpu.wait_indirect_dma semaphore(%arg18 : memref<!tpu.dma_semaphore, #tpu.memory_space<semaphore_mem>>) src(%arg12 : memref<88x128xf32, #tpu.memory_space<vmem>>) dst(%dma_wait3A_71 : memref<10112x128xf32, #tpu.memory_space<vmem_shared>>)
    %barrier3A_72 = arith.constant 0 : index
    tpu.barrier barrier_id(%barrier3A_72)
    %mul3A_73 = arith.constant 632 : i32
    %mul3A_74 = arith.muli %arg1, %mul3A_73 : i32
    %mul3A_75 = arith.constant 632 : i32
    %mul3A_76 = arith.muli %arg1, %mul3A_75 : i32
    "tpu.region"() ({
      %run_scoped3A_77 = tpu.sem_alloc : memref<!tpu.dma_semaphore, #tpu.memory_space<semaphore_mem>>
      %dma_start3A_78 = arith.constant 0 : i32
      %dma_start3A_79 = tpu.memref_slice %arg6[%arg0, %mul3A_76, %dma_start3A_78] : memref<2x10112x128xf32, #tpu.memory_space<hbm>> -> memref<1x632x128xf32, #tpu.memory_space<hbm>>
      %dma_start3A_80 = tpu.memref_squeeze %dma_start3A_79 : memref<1x632x128xf32, #tpu.memory_space<hbm>> -> memref<632x128xf32, #tpu.memory_space<hbm>>
      %dma_start3A_81 = arith.constant 0 : i32
      %dma_start3A_82 = tpu.memref_slice %arg7[%mul3A_74, %dma_start3A_81] : memref<10112x128xf32, #tpu.memory_space<vmem_shared>> -> memref<632x128xf32, #tpu.memory_space<vmem_shared>>
      tpu.enqueue_dma source(%dma_start3A_82 : memref<632x128xf32, #tpu.memory_space<vmem_shared>>) target(%dma_start3A_80 : memref<632x128xf32, #tpu.memory_space<hbm>>) target_semaphore(%run_scoped3A_77 : memref<!tpu.dma_semaphore, #tpu.memory_space<semaphore_mem>>)
      %dma_wait3A_83 = arith.constant 0 : i32
      %dma_wait3A_84 = tpu.memref_slice %arg6[%arg0, %mul3A_76, %dma_wait3A_83] : memref<2x10112x128xf32, #tpu.memory_space<hbm>> -> memref<1x632x128xf32, #tpu.memory_space<hbm>>
      %dma_wait3A_85 = tpu.memref_squeeze %dma_wait3A_84 : memref<1x632x128xf32, #tpu.memory_space<hbm>> -> memref<632x128xf32, #tpu.memory_space<hbm>>
      %dma_wait3A_86 = arith.constant 0 : i32
      %dma_wait3A_87 = tpu.memref_slice %arg7[%mul3A_74, %dma_wait3A_86] : memref<10112x128xf32, #tpu.memory_space<vmem_shared>> -> memref<632x128xf32, #tpu.memory_space<vmem_shared>>
      tpu.wait_dma2 semaphore(%run_scoped3A_77 : memref<!tpu.dma_semaphore, #tpu.memory_space<semaphore_mem>>) src(%dma_wait3A_87 : memref<632x128xf32, #tpu.memory_space<vmem_shared>>) dst(%dma_wait3A_85 : memref<632x128xf32, #tpu.memory_space<hbm>>)
      tpu.yield
    }) : () -> ()
    return
  }
}

#map = affine_map<(d0, d1) -> (0, 0, 0)>
#map1 = affine_map<(d0, d1) -> (0, 0)>
module attributes {stable_mosaic.version = 14 : i64} {
  func.func @deg_kernel(%arg0: i32, %arg1: i32, %arg2: memref<32x114x88xi32, #tpu.memory_space<hbm>>, %arg3: memref<10112x128xf32, #tpu.memory_space<hbm>>, %arg4: memref<88x128xf32, #tpu.memory_space<hbm>>, %arg5: memref<2x10112x128xf32, #tpu.memory_space<hbm>>, %arg6: memref<10112x128xf32, #tpu.memory_space<vmem_shared>>, %arg7: memref<114x88xi32, #tpu.memory_space<vmem>>, %arg8: memref<88x128xf32, #tpu.memory_space<vmem>>, %arg9: memref<!tpu.dma_semaphore, #tpu.memory_space<semaphore_mem>>, %arg10: memref<!tpu.dma_semaphore, #tpu.memory_space<semaphore_mem>>, %arg11: memref<!tpu.dma_semaphore, #tpu.memory_space<semaphore_mem>>) attributes {dimension_semantics = [#tpu.dimension_semantics<core_parallel>, #tpu.dimension_semantics<subcore_parallel>], iteration_bounds = array<i64: 2, 16>, scalar_prefetch = 0 : i64, scratch_operands = 6 : i64, tpu.core_type = #tpu.core_type<sc_vector_subcore>, window_params = [{transform_indices = #map}, {transform_indices = #map1}, {transform_indices = #map1}, {transform_indices = #map}]} {
    %mul3A = arith.constant 2 : i32
    %mul3A_0 = arith.muli %arg1, %mul3A : i32
    %add3A = arith.addi %mul3A_0, %arg0 : i32
    "tpu.region"() ({
      %run_scoped3A = tpu.sem_alloc : memref<!tpu.dma_semaphore, #tpu.memory_space<semaphore_mem>>
      tpu.enqueue_dma source(%arg4 : memref<88x128xf32, #tpu.memory_space<hbm>>) target(%arg8 : memref<88x128xf32, #tpu.memory_space<vmem>>) target_semaphore(%run_scoped3A : memref<!tpu.dma_semaphore, #tpu.memory_space<semaphore_mem>>)
      tpu.wait_dma2 semaphore(%run_scoped3A : memref<!tpu.dma_semaphore, #tpu.memory_space<semaphore_mem>>) src(%arg4 : memref<88x128xf32, #tpu.memory_space<hbm>>) dst(%arg8 : memref<88x128xf32, #tpu.memory_space<vmem>>)
      tpu.yield
    }) : () -> ()
    "tpu.region"() ({
      %run_scoped3A = tpu.sem_alloc : memref<!tpu.dma_semaphore, #tpu.memory_space<semaphore_mem>>
      %dma_start3A = arith.constant 0 : i32
      %dma_start3A_35 = arith.constant 0 : i32
      %dma_start3A_36 = tpu.memref_slice %arg2[%add3A, %dma_start3A, %dma_start3A_35] : memref<32x114x88xi32, #tpu.memory_space<hbm>> -> memref<1x114x88xi32, #tpu.memory_space<hbm>>
      %dma_start3A_37 = tpu.memref_squeeze %dma_start3A_36 : memref<1x114x88xi32, #tpu.memory_space<hbm>> -> memref<114x88xi32, #tpu.memory_space<hbm>>
      %dma_start3A_38 = arith.constant 0 : i32
      %dma_start3A_39 = arith.constant 0 : i32
      %dma_start3A_40 = tpu.memref_slice %arg2[%add3A, %dma_start3A_38, %dma_start3A_39] : memref<32x114x88xi32, #tpu.memory_space<hbm>> -> memref<1x114x88xi32, #tpu.memory_space<hbm>>
      %dma_start3A_41 = tpu.memref_squeeze %dma_start3A_40 : memref<1x114x88xi32, #tpu.memory_space<hbm>> -> memref<114x88xi32, #tpu.memory_space<hbm>>
      tpu.enqueue_dma source(%dma_start3A_41 : memref<114x88xi32, #tpu.memory_space<hbm>>) target(%arg7 : memref<114x88xi32, #tpu.memory_space<vmem>>) target_semaphore(%run_scoped3A : memref<!tpu.dma_semaphore, #tpu.memory_space<semaphore_mem>>)
      %dma_wait3A_42 = arith.constant 0 : i32
      %dma_wait3A_43 = arith.constant 0 : i32
      %dma_wait3A_44 = tpu.memref_slice %arg2[%add3A, %dma_wait3A_42, %dma_wait3A_43] : memref<32x114x88xi32, #tpu.memory_space<hbm>> -> memref<1x114x88xi32, #tpu.memory_space<hbm>>
      %dma_wait3A_45 = tpu.memref_squeeze %dma_wait3A_44 : memref<1x114x88xi32, #tpu.memory_space<hbm>> -> memref<114x88xi32, #tpu.memory_space<hbm>>
      %dma_wait3A_46 = arith.constant 0 : i32
      %dma_wait3A_47 = arith.constant 0 : i32
      %dma_wait3A_48 = tpu.memref_slice %arg2[%add3A, %dma_wait3A_46, %dma_wait3A_47] : memref<32x114x88xi32, #tpu.memory_space<hbm>> -> memref<1x114x88xi32, #tpu.memory_space<hbm>>
      %dma_wait3A_49 = tpu.memref_squeeze %dma_wait3A_48 : memref<1x114x88xi32, #tpu.memory_space<hbm>> -> memref<114x88xi32, #tpu.memory_space<hbm>>
      tpu.wait_dma2 semaphore(%run_scoped3A : memref<!tpu.dma_semaphore, #tpu.memory_space<semaphore_mem>>) src(%dma_wait3A_49 : memref<114x88xi32, #tpu.memory_space<hbm>>) dst(%arg7 : memref<114x88xi32, #tpu.memory_space<vmem>>)
      tpu.yield
    }) : () -> ()
    %mul3A_1 = arith.constant 632 : i32
    %mul3A_2 = arith.muli %arg1, %mul3A_1 : i32
    %mul3A_3 = arith.constant 632 : i32
    %mul3A_4 = arith.muli %arg1, %mul3A_3 : i32
    "tpu.region"() ({
      %run_scoped3A = tpu.sem_alloc : memref<!tpu.dma_semaphore, #tpu.memory_space<semaphore_mem>>
      %dma_start3A = arith.constant 0 : i32
      %dma_start3A_35 = tpu.memref_slice %arg6[%mul3A_4, %dma_start3A] : memref<10112x128xf32, #tpu.memory_space<vmem_shared>> -> memref<632x128xf32, #tpu.memory_space<vmem_shared>>
      %dma_start3A_36 = arith.constant 0 : i32
      %dma_start3A_37 = tpu.memref_slice %arg3[%mul3A_2, %dma_start3A_36] : memref<10112x128xf32, #tpu.memory_space<hbm>> -> memref<632x128xf32, #tpu.memory_space<hbm>>
      tpu.enqueue_dma source(%dma_start3A_37 : memref<632x128xf32, #tpu.memory_space<hbm>>) target(%dma_start3A_35 : memref<632x128xf32, #tpu.memory_space<vmem_shared>>) target_semaphore(%run_scoped3A : memref<!tpu.dma_semaphore, #tpu.memory_space<semaphore_mem>>)
      %dma_wait3A_38 = arith.constant 0 : i32
      %dma_wait3A_39 = tpu.memref_slice %arg6[%mul3A_4, %dma_wait3A_38] : memref<10112x128xf32, #tpu.memory_space<vmem_shared>> -> memref<632x128xf32, #tpu.memory_space<vmem_shared>>
      %dma_wait3A_40 = arith.constant 0 : i32
      %dma_wait3A_41 = tpu.memref_slice %arg3[%mul3A_2, %dma_wait3A_40] : memref<10112x128xf32, #tpu.memory_space<hbm>> -> memref<632x128xf32, #tpu.memory_space<hbm>>
      tpu.wait_dma2 semaphore(%run_scoped3A : memref<!tpu.dma_semaphore, #tpu.memory_space<semaphore_mem>>) src(%dma_wait3A_41 : memref<632x128xf32, #tpu.memory_space<hbm>>) dst(%dma_wait3A_39 : memref<632x128xf32, #tpu.memory_space<vmem_shared>>)
      tpu.yield
    }) : () -> ()
    %barrier3A = arith.constant 0 : index
    tpu.barrier barrier_id(%barrier3A)
    %scan3A = arith.constant 0 : i32
    %scan3A_5 = arith.constant 0 : i32
    %scan3A_6 = arith.constant 38 : i32
    %scan3A_7 = arith.addi %scan3A_5, %scan3A_6 : i32
    %scan3A_8 = arith.constant 1 : i32
    scf.for %scan3A_35 = %scan3A_5 to %scan3A_7 step %scan3A_8  : i32 {
      %mul3A_36 = arith.constant 3 : i32
      %mul3A_37 = arith.muli %scan3A_35, %mul3A_36 : i32
      %add3A_38 = arith.constant 0 : i32
      %add3A_39 = arith.addi %mul3A_37, %add3A_38 : i32
      %dma_start3A = arith.constant 0 : i32
      %dma_start3A_40 = tpu.memref_slice %arg7[%add3A_39, %dma_start3A] : memref<114x88xi32, #tpu.memory_space<vmem>> -> memref<1x88xi32, #tpu.memory_space<vmem>>
      %dma_start3A_41 = tpu.memref_squeeze %dma_start3A_40 : memref<1x88xi32, #tpu.memory_space<vmem>> -> memref<88xi32, #tpu.memory_space<vmem>>
      %dma_start3A_42 = arith.constant 0 : i32
      %dma_start3A_43 = arith.constant 0 : i32
      %dma_start3A_44 = tpu.memref_slice %arg6[%dma_start3A_42, %dma_start3A_43] : memref<10112x128xf32, #tpu.memory_space<vmem_shared>> -> memref<10112x128xf32, #tpu.memory_space<vmem_shared>>
      tpu.enqueue_indirect_dma source(%arg8 : memref<88x128xf32, #tpu.memory_space<vmem>>) target(%dma_start3A_44 : memref<10112x128xf32, #tpu.memory_space<vmem_shared>>) offsets(%dma_start3A_41 : memref<88xi32, #tpu.memory_space<vmem>>) semaphore(%arg9 : memref<!tpu.dma_semaphore, #tpu.memory_space<semaphore_mem>>) {add = true}
      %gt3A = arith.constant 0 : i32
      %gt3A_45 = arith.cmpi sgt, %scan3A_35, %gt3A : i32
      %convert_element_type3A = arith.extui %gt3A_45 : i1 to i32
      %cond3A = arith.constant 0 : i32
      %cond3A_46 = arith.cmpi ne, %convert_element_type3A, %cond3A : i32
      scf.if %cond3A_46 {
        %dma_wait3A_77 = arith.constant 0 : i32
        %dma_wait3A_78 = tpu.memref_slice %arg7[%add3A_39, %dma_wait3A_77] : memref<114x88xi32, #tpu.memory_space<vmem>> -> memref<1x88xi32, #tpu.memory_space<vmem>>
        %dma_wait3A_79 = tpu.memref_squeeze %dma_wait3A_78 : memref<1x88xi32, #tpu.memory_space<vmem>> -> memref<88xi32, #tpu.memory_space<vmem>>
        %dma_wait3A_80 = arith.constant 0 : i32
        %dma_wait3A_81 = arith.constant 0 : i32
        %dma_wait3A_82 = tpu.memref_slice %arg6[%dma_wait3A_80, %dma_wait3A_81] : memref<10112x128xf32, #tpu.memory_space<vmem_shared>> -> memref<10112x128xf32, #tpu.memory_space<vmem_shared>>
        tpu.wait_indirect_dma semaphore(%arg9 : memref<!tpu.dma_semaphore, #tpu.memory_space<semaphore_mem>>) src(%arg8 : memref<88x128xf32, #tpu.memory_space<vmem>>) dst(%dma_wait3A_82 : memref<10112x128xf32, #tpu.memory_space<vmem_shared>>)
      } else {
      }
      %mul3A_47 = arith.constant 3 : i32
      %mul3A_48 = arith.muli %scan3A_35, %mul3A_47 : i32
      %add3A_49 = arith.constant 1 : i32
      %add3A_50 = arith.addi %mul3A_48, %add3A_49 : i32
      %dma_start3A_51 = arith.constant 0 : i32
      %dma_start3A_52 = tpu.memref_slice %arg7[%add3A_50, %dma_start3A_51] : memref<114x88xi32, #tpu.memory_space<vmem>> -> memref<1x88xi32, #tpu.memory_space<vmem>>
      %dma_start3A_53 = tpu.memref_squeeze %dma_start3A_52 : memref<1x88xi32, #tpu.memory_space<vmem>> -> memref<88xi32, #tpu.memory_space<vmem>>
      %dma_start3A_54 = arith.constant 0 : i32
      %dma_start3A_55 = arith.constant 0 : i32
      %dma_start3A_56 = tpu.memref_slice %arg6[%dma_start3A_54, %dma_start3A_55] : memref<10112x128xf32, #tpu.memory_space<vmem_shared>> -> memref<10112x128xf32, #tpu.memory_space<vmem_shared>>
      tpu.enqueue_indirect_dma source(%arg8 : memref<88x128xf32, #tpu.memory_space<vmem>>) target(%dma_start3A_56 : memref<10112x128xf32, #tpu.memory_space<vmem_shared>>) offsets(%dma_start3A_53 : memref<88xi32, #tpu.memory_space<vmem>>) semaphore(%arg10 : memref<!tpu.dma_semaphore, #tpu.memory_space<semaphore_mem>>) {add = true}
      %gt3A_57 = arith.constant 0 : i32
      %gt3A_58 = arith.cmpi sgt, %scan3A_35, %gt3A_57 : i32
      %convert_element_type3A_59 = arith.extui %gt3A_58 : i1 to i32
      %cond3A_60 = arith.constant 0 : i32
      %cond3A_61 = arith.cmpi ne, %convert_element_type3A_59, %cond3A_60 : i32
      scf.if %cond3A_61 {
        %dma_wait3A_77 = arith.constant 0 : i32
        %dma_wait3A_78 = tpu.memref_slice %arg7[%add3A_50, %dma_wait3A_77] : memref<114x88xi32, #tpu.memory_space<vmem>> -> memref<1x88xi32, #tpu.memory_space<vmem>>
        %dma_wait3A_79 = tpu.memref_squeeze %dma_wait3A_78 : memref<1x88xi32, #tpu.memory_space<vmem>> -> memref<88xi32, #tpu.memory_space<vmem>>
        %dma_wait3A_80 = arith.constant 0 : i32
        %dma_wait3A_81 = arith.constant 0 : i32
        %dma_wait3A_82 = tpu.memref_slice %arg6[%dma_wait3A_80, %dma_wait3A_81] : memref<10112x128xf32, #tpu.memory_space<vmem_shared>> -> memref<10112x128xf32, #tpu.memory_space<vmem_shared>>
        tpu.wait_indirect_dma semaphore(%arg10 : memref<!tpu.dma_semaphore, #tpu.memory_space<semaphore_mem>>) src(%arg8 : memref<88x128xf32, #tpu.memory_space<vmem>>) dst(%dma_wait3A_82 : memref<10112x128xf32, #tpu.memory_space<vmem_shared>>)
      } else {
      }
      %mul3A_62 = arith.constant 3 : i32
      %mul3A_63 = arith.muli %scan3A_35, %mul3A_62 : i32
      %add3A_64 = arith.constant 2 : i32
      %add3A_65 = arith.addi %mul3A_63, %add3A_64 : i32
      %dma_start3A_66 = arith.constant 0 : i32
      %dma_start3A_67 = tpu.memref_slice %arg7[%add3A_65, %dma_start3A_66] : memref<114x88xi32, #tpu.memory_space<vmem>> -> memref<1x88xi32, #tpu.memory_space<vmem>>
      %dma_start3A_68 = tpu.memref_squeeze %dma_start3A_67 : memref<1x88xi32, #tpu.memory_space<vmem>> -> memref<88xi32, #tpu.memory_space<vmem>>
      %dma_start3A_69 = arith.constant 0 : i32
      %dma_start3A_70 = arith.constant 0 : i32
      %dma_start3A_71 = tpu.memref_slice %arg6[%dma_start3A_69, %dma_start3A_70] : memref<10112x128xf32, #tpu.memory_space<vmem_shared>> -> memref<10112x128xf32, #tpu.memory_space<vmem_shared>>
      tpu.enqueue_indirect_dma source(%arg8 : memref<88x128xf32, #tpu.memory_space<vmem>>) target(%dma_start3A_71 : memref<10112x128xf32, #tpu.memory_space<vmem_shared>>) offsets(%dma_start3A_68 : memref<88xi32, #tpu.memory_space<vmem>>) semaphore(%arg11 : memref<!tpu.dma_semaphore, #tpu.memory_space<semaphore_mem>>) {add = true}
      %gt3A_72 = arith.constant 0 : i32
      %gt3A_73 = arith.cmpi sgt, %scan3A_35, %gt3A_72 : i32
      %convert_element_type3A_74 = arith.extui %gt3A_73 : i1 to i32
      %cond3A_75 = arith.constant 0 : i32
      %cond3A_76 = arith.cmpi ne, %convert_element_type3A_74, %cond3A_75 : i32
      scf.if %cond3A_76 {
        %dma_wait3A_77 = arith.constant 0 : i32
        %dma_wait3A_78 = tpu.memref_slice %arg7[%add3A_65, %dma_wait3A_77] : memref<114x88xi32, #tpu.memory_space<vmem>> -> memref<1x88xi32, #tpu.memory_space<vmem>>
        %dma_wait3A_79 = tpu.memref_squeeze %dma_wait3A_78 : memref<1x88xi32, #tpu.memory_space<vmem>> -> memref<88xi32, #tpu.memory_space<vmem>>
        %dma_wait3A_80 = arith.constant 0 : i32
        %dma_wait3A_81 = arith.constant 0 : i32
        %dma_wait3A_82 = tpu.memref_slice %arg6[%dma_wait3A_80, %dma_wait3A_81] : memref<10112x128xf32, #tpu.memory_space<vmem_shared>> -> memref<10112x128xf32, #tpu.memory_space<vmem_shared>>
        tpu.wait_indirect_dma semaphore(%arg11 : memref<!tpu.dma_semaphore, #tpu.memory_space<semaphore_mem>>) src(%arg8 : memref<88x128xf32, #tpu.memory_space<vmem>>) dst(%dma_wait3A_82 : memref<10112x128xf32, #tpu.memory_space<vmem_shared>>)
      } else {
      }
    }
    %scan3A_9 = arith.constant 38 : i32
    %dma_wait3A = arith.constant 0 : i32
    %dma_wait3A_10 = arith.constant 0 : i32
    %dma_wait3A_11 = tpu.memref_slice %arg7[%dma_wait3A, %dma_wait3A_10] : memref<114x88xi32, #tpu.memory_space<vmem>> -> memref<1x88xi32, #tpu.memory_space<vmem>>
    %dma_wait3A_12 = tpu.memref_squeeze %dma_wait3A_11 : memref<1x88xi32, #tpu.memory_space<vmem>> -> memref<88xi32, #tpu.memory_space<vmem>>
    %dma_wait3A_13 = arith.constant 0 : i32
    %dma_wait3A_14 = arith.constant 0 : i32
    %dma_wait3A_15 = tpu.memref_slice %arg6[%dma_wait3A_13, %dma_wait3A_14] : memref<10112x128xf32, #tpu.memory_space<vmem_shared>> -> memref<10112x128xf32, #tpu.memory_space<vmem_shared>>
    tpu.wait_indirect_dma semaphore(%arg9 : memref<!tpu.dma_semaphore, #tpu.memory_space<semaphore_mem>>) src(%arg8 : memref<88x128xf32, #tpu.memory_space<vmem>>) dst(%dma_wait3A_15 : memref<10112x128xf32, #tpu.memory_space<vmem_shared>>)
    %dma_wait3A_16 = arith.constant 0 : i32
    %dma_wait3A_17 = arith.constant 0 : i32
    %dma_wait3A_18 = tpu.memref_slice %arg7[%dma_wait3A_16, %dma_wait3A_17] : memref<114x88xi32, #tpu.memory_space<vmem>> -> memref<1x88xi32, #tpu.memory_space<vmem>>
    %dma_wait3A_19 = tpu.memref_squeeze %dma_wait3A_18 : memref<1x88xi32, #tpu.memory_space<vmem>> -> memref<88xi32, #tpu.memory_space<vmem>>
    %dma_wait3A_20 = arith.constant 0 : i32
    %dma_wait3A_21 = arith.constant 0 : i32
    %dma_wait3A_22 = tpu.memref_slice %arg6[%dma_wait3A_20, %dma_wait3A_21] : memref<10112x128xf32, #tpu.memory_space<vmem_shared>> -> memref<10112x128xf32, #tpu.memory_space<vmem_shared>>
    tpu.wait_indirect_dma semaphore(%arg10 : memref<!tpu.dma_semaphore, #tpu.memory_space<semaphore_mem>>) src(%arg8 : memref<88x128xf32, #tpu.memory_space<vmem>>) dst(%dma_wait3A_22 : memref<10112x128xf32, #tpu.memory_space<vmem_shared>>)
    %dma_wait3A_23 = arith.constant 0 : i32
    %dma_wait3A_24 = arith.constant 0 : i32
    %dma_wait3A_25 = tpu.memref_slice %arg7[%dma_wait3A_23, %dma_wait3A_24] : memref<114x88xi32, #tpu.memory_space<vmem>> -> memref<1x88xi32, #tpu.memory_space<vmem>>
    %dma_wait3A_26 = tpu.memref_squeeze %dma_wait3A_25 : memref<1x88xi32, #tpu.memory_space<vmem>> -> memref<88xi32, #tpu.memory_space<vmem>>
    %dma_wait3A_27 = arith.constant 0 : i32
    %dma_wait3A_28 = arith.constant 0 : i32
    %dma_wait3A_29 = tpu.memref_slice %arg6[%dma_wait3A_27, %dma_wait3A_28] : memref<10112x128xf32, #tpu.memory_space<vmem_shared>> -> memref<10112x128xf32, #tpu.memory_space<vmem_shared>>
    tpu.wait_indirect_dma semaphore(%arg11 : memref<!tpu.dma_semaphore, #tpu.memory_space<semaphore_mem>>) src(%arg8 : memref<88x128xf32, #tpu.memory_space<vmem>>) dst(%dma_wait3A_29 : memref<10112x128xf32, #tpu.memory_space<vmem_shared>>)
    %barrier3A_30 = arith.constant 0 : index
    tpu.barrier barrier_id(%barrier3A_30)
    %mul3A_31 = arith.constant 632 : i32
    %mul3A_32 = arith.muli %arg1, %mul3A_31 : i32
    %mul3A_33 = arith.constant 632 : i32
    %mul3A_34 = arith.muli %arg1, %mul3A_33 : i32
    "tpu.region"() ({
      %run_scoped3A = tpu.sem_alloc : memref<!tpu.dma_semaphore, #tpu.memory_space<semaphore_mem>>
      %dma_start3A = arith.constant 0 : i32
      %dma_start3A_35 = tpu.memref_slice %arg5[%arg0, %mul3A_34, %dma_start3A] : memref<2x10112x128xf32, #tpu.memory_space<hbm>> -> memref<1x632x128xf32, #tpu.memory_space<hbm>>
      %dma_start3A_36 = tpu.memref_squeeze %dma_start3A_35 : memref<1x632x128xf32, #tpu.memory_space<hbm>> -> memref<632x128xf32, #tpu.memory_space<hbm>>
      %dma_start3A_37 = arith.constant 0 : i32
      %dma_start3A_38 = tpu.memref_slice %arg6[%mul3A_32, %dma_start3A_37] : memref<10112x128xf32, #tpu.memory_space<vmem_shared>> -> memref<632x128xf32, #tpu.memory_space<vmem_shared>>
      tpu.enqueue_dma source(%dma_start3A_38 : memref<632x128xf32, #tpu.memory_space<vmem_shared>>) target(%dma_start3A_36 : memref<632x128xf32, #tpu.memory_space<hbm>>) target_semaphore(%run_scoped3A : memref<!tpu.dma_semaphore, #tpu.memory_space<semaphore_mem>>)
      %dma_wait3A_39 = arith.constant 0 : i32
      %dma_wait3A_40 = tpu.memref_slice %arg5[%arg0, %mul3A_34, %dma_wait3A_39] : memref<2x10112x128xf32, #tpu.memory_space<hbm>> -> memref<1x632x128xf32, #tpu.memory_space<hbm>>
      %dma_wait3A_41 = tpu.memref_squeeze %dma_wait3A_40 : memref<1x632x128xf32, #tpu.memory_space<hbm>> -> memref<632x128xf32, #tpu.memory_space<hbm>>
      %dma_wait3A_42 = arith.constant 0 : i32
      %dma_wait3A_43 = tpu.memref_slice %arg6[%mul3A_32, %dma_wait3A_42] : memref<10112x128xf32, #tpu.memory_space<vmem_shared>> -> memref<632x128xf32, #tpu.memory_space<vmem_shared>>
      tpu.wait_dma2 semaphore(%run_scoped3A : memref<!tpu.dma_semaphore, #tpu.memory_space<semaphore_mem>>) src(%dma_wait3A_43 : memref<632x128xf32, #tpu.memory_space<vmem_shared>>) dst(%dma_wait3A_41 : memref<632x128xf32, #tpu.memory_space<hbm>>)
      tpu.yield
    }) : () -> ()
    return
  }
}

#map = affine_map<(d0, d1) -> (0)>
#map1 = affine_map<(d0, d1) -> (0, 0, 0)>
#map2 = affine_map<(d0, d1) -> (0, 0)>
module attributes {stable_mosaic.version = 14 : i64} {
  func.func @agg_kernel(%arg0: i32, %arg1: i32, %arg2: memref<321024xi32, #tpu.memory_space<hbm>>, %arg3: memref<32x114x88xi32, #tpu.memory_space<hbm>>, %arg4: memref<10000x128xf32, #tpu.memory_space<hbm>>, %arg5: memref<10112x128xf32, #tpu.memory_space<hbm>>, %arg6: memref<2x10112x128xf32, #tpu.memory_space<hbm>>, %arg7: memref<10112x128xf32, #tpu.memory_space<vmem_shared>>, %arg8: memref<114x88xi32, #tpu.memory_space<vmem>>, %arg9: memref<3x88xi32, #tpu.memory_space<vmem>>, %arg10: memref<88x128xf32, #tpu.memory_space<vmem>>, %arg11: memref<88x128xf32, #tpu.memory_space<vmem>>, %arg12: memref<88x128xf32, #tpu.memory_space<vmem>>, %arg13: memref<!tpu.dma_semaphore, #tpu.memory_space<semaphore_mem>>, %arg14: memref<!tpu.dma_semaphore, #tpu.memory_space<semaphore_mem>>, %arg15: memref<!tpu.dma_semaphore, #tpu.memory_space<semaphore_mem>>, %arg16: memref<!tpu.dma_semaphore, #tpu.memory_space<semaphore_mem>>, %arg17: memref<!tpu.dma_semaphore, #tpu.memory_space<semaphore_mem>>, %arg18: memref<!tpu.dma_semaphore, #tpu.memory_space<semaphore_mem>>) attributes {dimension_semantics = [#tpu.dimension_semantics<core_parallel>, #tpu.dimension_semantics<subcore_parallel>], iteration_bounds = array<i64: 2, 16>, scalar_prefetch = 0 : i64, scratch_operands = 12 : i64, tpu.core_type = #tpu.core_type<sc_vector_subcore>, window_params = [{transform_indices = #map}, {transform_indices = #map1}, {transform_indices = #map2}, {transform_indices = #map2}, {transform_indices = #map1}]} {
    %mul3A = arith.constant 2 : i32
    %mul3A_0 = arith.muli %arg1, %mul3A : i32
    %add3A = arith.addi %mul3A_0, %arg0 : i32
    %mul3A_1 = arith.constant 10032 : i32
    %mul3A_2 = arith.muli %add3A, %mul3A_1 : i32
    "tpu.region"() ({
      %run_scoped3A_77 = tpu.sem_alloc : memref<!tpu.dma_semaphore, #tpu.memory_space<semaphore_mem>>
      %dma_start3A_78 = arith.constant 0 : i32
      %dma_start3A_79 = arith.constant 0 : i32
      %dma_start3A_80 = tpu.memref_slice %arg3[%add3A, %dma_start3A_78, %dma_start3A_79] : memref<32x114x88xi32, #tpu.memory_space<hbm>> -> memref<1x114x88xi32, #tpu.memory_space<hbm>>
      %dma_start3A_81 = tpu.memref_squeeze %dma_start3A_80 : memref<1x114x88xi32, #tpu.memory_space<hbm>> -> memref<114x88xi32, #tpu.memory_space<hbm>>
      %dma_start3A_82 = arith.constant 0 : i32
      %dma_start3A_83 = arith.constant 0 : i32
      %dma_start3A_84 = tpu.memref_slice %arg3[%add3A, %dma_start3A_82, %dma_start3A_83] : memref<32x114x88xi32, #tpu.memory_space<hbm>> -> memref<1x114x88xi32, #tpu.memory_space<hbm>>
      %dma_start3A_85 = tpu.memref_squeeze %dma_start3A_84 : memref<1x114x88xi32, #tpu.memory_space<hbm>> -> memref<114x88xi32, #tpu.memory_space<hbm>>
      tpu.enqueue_dma source(%dma_start3A_85 : memref<114x88xi32, #tpu.memory_space<hbm>>) target(%arg8 : memref<114x88xi32, #tpu.memory_space<vmem>>) target_semaphore(%run_scoped3A_77 : memref<!tpu.dma_semaphore, #tpu.memory_space<semaphore_mem>>)
      %dma_wait3A_86 = arith.constant 0 : i32
      %dma_wait3A_87 = arith.constant 0 : i32
      %dma_wait3A_88 = tpu.memref_slice %arg3[%add3A, %dma_wait3A_86, %dma_wait3A_87] : memref<32x114x88xi32, #tpu.memory_space<hbm>> -> memref<1x114x88xi32, #tpu.memory_space<hbm>>
      %dma_wait3A_89 = tpu.memref_squeeze %dma_wait3A_88 : memref<1x114x88xi32, #tpu.memory_space<hbm>> -> memref<114x88xi32, #tpu.memory_space<hbm>>
      %dma_wait3A_90 = arith.constant 0 : i32
      %dma_wait3A_91 = arith.constant 0 : i32
      %dma_wait3A_92 = tpu.memref_slice %arg3[%add3A, %dma_wait3A_90, %dma_wait3A_91] : memref<32x114x88xi32, #tpu.memory_space<hbm>> -> memref<1x114x88xi32, #tpu.memory_space<hbm>>
      %dma_wait3A_93 = tpu.memref_squeeze %dma_wait3A_92 : memref<1x114x88xi32, #tpu.memory_space<hbm>> -> memref<114x88xi32, #tpu.memory_space<hbm>>
      tpu.wait_dma2 semaphore(%run_scoped3A_77 : memref<!tpu.dma_semaphore, #tpu.memory_space<semaphore_mem>>) src(%dma_wait3A_93 : memref<114x88xi32, #tpu.memory_space<hbm>>) dst(%arg8 : memref<114x88xi32, #tpu.memory_space<vmem>>)
      tpu.yield
    }) : () -> ()
    %add3A_3 = arith.constant 0 : i32
    %add3A_4 = arith.addi %mul3A_2, %add3A_3 : i32
    %run_scoped3A = arith.constant 0 : i32
    "tpu.region"() ({
      %run_scoped3A_77 = tpu.sem_alloc : memref<!tpu.dma_semaphore, #tpu.memory_space<semaphore_mem>>
      %dma_start3A_78 = arith.constant 0 : i32
      %dma_start3A_79 = tpu.memref_slice %arg9[%run_scoped3A, %dma_start3A_78] : memref<3x88xi32, #tpu.memory_space<vmem>> -> memref<1x88xi32, #tpu.memory_space<vmem>>
      %dma_start3A_80 = tpu.memref_squeeze %dma_start3A_79 : memref<1x88xi32, #tpu.memory_space<vmem>> -> memref<88xi32, #tpu.memory_space<vmem>>
      %dma_start3A_81 = tpu.memref_slice %arg2[%add3A_4] : memref<321024xi32, #tpu.memory_space<hbm>> -> memref<88xi32, #tpu.memory_space<hbm>>
      %dma_start3A_82 = arith.constant 0 : i32
      %dma_start3A_83 = tpu.memref_slice %arg9[%run_scoped3A, %dma_start3A_82] : memref<3x88xi32, #tpu.memory_space<vmem>> -> memref<1x88xi32, #tpu.memory_space<vmem>>
      %dma_start3A_84 = tpu.memref_squeeze %dma_start3A_83 : memref<1x88xi32, #tpu.memory_space<vmem>> -> memref<88xi32, #tpu.memory_space<vmem>>
      %dma_start3A_85 = tpu.memref_slice %arg2[%add3A_4] : memref<321024xi32, #tpu.memory_space<hbm>> -> memref<88xi32, #tpu.memory_space<hbm>>
      tpu.enqueue_dma source(%dma_start3A_85 : memref<88xi32, #tpu.memory_space<hbm>>) target(%dma_start3A_84 : memref<88xi32, #tpu.memory_space<vmem>>) target_semaphore(%run_scoped3A_77 : memref<!tpu.dma_semaphore, #tpu.memory_space<semaphore_mem>>)
      %dma_wait3A_86 = arith.constant 0 : i32
      %dma_wait3A_87 = tpu.memref_slice %arg9[%run_scoped3A, %dma_wait3A_86] : memref<3x88xi32, #tpu.memory_space<vmem>> -> memref<1x88xi32, #tpu.memory_space<vmem>>
      %dma_wait3A_88 = tpu.memref_squeeze %dma_wait3A_87 : memref<1x88xi32, #tpu.memory_space<vmem>> -> memref<88xi32, #tpu.memory_space<vmem>>
      %dma_wait3A_89 = tpu.memref_slice %arg2[%add3A_4] : memref<321024xi32, #tpu.memory_space<hbm>> -> memref<88xi32, #tpu.memory_space<hbm>>
      %dma_wait3A_90 = arith.constant 0 : i32
      %dma_wait3A_91 = tpu.memref_slice %arg9[%run_scoped3A, %dma_wait3A_90] : memref<3x88xi32, #tpu.memory_space<vmem>> -> memref<1x88xi32, #tpu.memory_space<vmem>>
      %dma_wait3A_92 = tpu.memref_squeeze %dma_wait3A_91 : memref<1x88xi32, #tpu.memory_space<vmem>> -> memref<88xi32, #tpu.memory_space<vmem>>
      %dma_wait3A_93 = tpu.memref_slice %arg2[%add3A_4] : memref<321024xi32, #tpu.memory_space<hbm>> -> memref<88xi32, #tpu.memory_space<hbm>>
      tpu.wait_dma2 semaphore(%run_scoped3A_77 : memref<!tpu.dma_semaphore, #tpu.memory_space<semaphore_mem>>) src(%dma_wait3A_93 : memref<88xi32, #tpu.memory_space<hbm>>) dst(%dma_wait3A_92 : memref<88xi32, #tpu.memory_space<vmem>>)
      tpu.yield
    }) : () -> ()
    %dma_start3A = arith.constant 0 : i32
    %dma_start3A_5 = arith.constant 0 : i32
    %dma_start3A_6 = tpu.memref_slice %arg9[%dma_start3A, %dma_start3A_5] : memref<3x88xi32, #tpu.memory_space<vmem>> -> memref<1x88xi32, #tpu.memory_space<vmem>>
    %dma_start3A_7 = tpu.memref_squeeze %dma_start3A_6 : memref<1x88xi32, #tpu.memory_space<vmem>> -> memref<88xi32, #tpu.memory_space<vmem>>
    %dma_start3A_8 = arith.constant 0 : i32
    %dma_start3A_9 = arith.constant 0 : i32
    %dma_start3A_10 = tpu.memref_slice %arg4[%dma_start3A_8, %dma_start3A_9] : memref<10000x128xf32, #tpu.memory_space<hbm>> -> memref<10000x128xf32, #tpu.memory_space<hbm>>
    tpu.enqueue_indirect_dma source(%dma_start3A_10 : memref<10000x128xf32, #tpu.memory_space<hbm>>) target(%arg10 : memref<88x128xf32, #tpu.memory_space<vmem>>) offsets(%dma_start3A_7 : memref<88xi32, #tpu.memory_space<vmem>>) semaphore(%arg13 : memref<!tpu.dma_semaphore, #tpu.memory_space<semaphore_mem>>)
    %add3A_11 = arith.constant 88 : i32
    %add3A_12 = arith.addi %mul3A_2, %add3A_11 : i32
    %run_scoped3A_13 = arith.constant 1 : i32
    "tpu.region"() ({
      %run_scoped3A_77 = tpu.sem_alloc : memref<!tpu.dma_semaphore, #tpu.memory_space<semaphore_mem>>
      %dma_start3A_78 = arith.constant 0 : i32
      %dma_start3A_79 = tpu.memref_slice %arg9[%run_scoped3A_13, %dma_start3A_78] : memref<3x88xi32, #tpu.memory_space<vmem>> -> memref<1x88xi32, #tpu.memory_space<vmem>>
      %dma_start3A_80 = tpu.memref_squeeze %dma_start3A_79 : memref<1x88xi32, #tpu.memory_space<vmem>> -> memref<88xi32, #tpu.memory_space<vmem>>
      %dma_start3A_81 = tpu.memref_slice %arg2[%add3A_12] : memref<321024xi32, #tpu.memory_space<hbm>> -> memref<88xi32, #tpu.memory_space<hbm>>
      %dma_start3A_82 = arith.constant 0 : i32
      %dma_start3A_83 = tpu.memref_slice %arg9[%run_scoped3A_13, %dma_start3A_82] : memref<3x88xi32, #tpu.memory_space<vmem>> -> memref<1x88xi32, #tpu.memory_space<vmem>>
      %dma_start3A_84 = tpu.memref_squeeze %dma_start3A_83 : memref<1x88xi32, #tpu.memory_space<vmem>> -> memref<88xi32, #tpu.memory_space<vmem>>
      %dma_start3A_85 = tpu.memref_slice %arg2[%add3A_12] : memref<321024xi32, #tpu.memory_space<hbm>> -> memref<88xi32, #tpu.memory_space<hbm>>
      tpu.enqueue_dma source(%dma_start3A_85 : memref<88xi32, #tpu.memory_space<hbm>>) target(%dma_start3A_84 : memref<88xi32, #tpu.memory_space<vmem>>) target_semaphore(%run_scoped3A_77 : memref<!tpu.dma_semaphore, #tpu.memory_space<semaphore_mem>>)
      %dma_wait3A_86 = arith.constant 0 : i32
      %dma_wait3A_87 = tpu.memref_slice %arg9[%run_scoped3A_13, %dma_wait3A_86] : memref<3x88xi32, #tpu.memory_space<vmem>> -> memref<1x88xi32, #tpu.memory_space<vmem>>
      %dma_wait3A_88 = tpu.memref_squeeze %dma_wait3A_87 : memref<1x88xi32, #tpu.memory_space<vmem>> -> memref<88xi32, #tpu.memory_space<vmem>>
      %dma_wait3A_89 = tpu.memref_slice %arg2[%add3A_12] : memref<321024xi32, #tpu.memory_space<hbm>> -> memref<88xi32, #tpu.memory_space<hbm>>
      %dma_wait3A_90 = arith.constant 0 : i32
      %dma_wait3A_91 = tpu.memref_slice %arg9[%run_scoped3A_13, %dma_wait3A_90] : memref<3x88xi32, #tpu.memory_space<vmem>> -> memref<1x88xi32, #tpu.memory_space<vmem>>
      %dma_wait3A_92 = tpu.memref_squeeze %dma_wait3A_91 : memref<1x88xi32, #tpu.memory_space<vmem>> -> memref<88xi32, #tpu.memory_space<vmem>>
      %dma_wait3A_93 = tpu.memref_slice %arg2[%add3A_12] : memref<321024xi32, #tpu.memory_space<hbm>> -> memref<88xi32, #tpu.memory_space<hbm>>
      tpu.wait_dma2 semaphore(%run_scoped3A_77 : memref<!tpu.dma_semaphore, #tpu.memory_space<semaphore_mem>>) src(%dma_wait3A_93 : memref<88xi32, #tpu.memory_space<hbm>>) dst(%dma_wait3A_92 : memref<88xi32, #tpu.memory_space<vmem>>)
      tpu.yield
    }) : () -> ()
    %dma_start3A_14 = arith.constant 1 : i32
    %dma_start3A_15 = arith.constant 0 : i32
    %dma_start3A_16 = tpu.memref_slice %arg9[%dma_start3A_14, %dma_start3A_15] : memref<3x88xi32, #tpu.memory_space<vmem>> -> memref<1x88xi32, #tpu.memory_space<vmem>>
    %dma_start3A_17 = tpu.memref_squeeze %dma_start3A_16 : memref<1x88xi32, #tpu.memory_space<vmem>> -> memref<88xi32, #tpu.memory_space<vmem>>
    %dma_start3A_18 = arith.constant 0 : i32
    %dma_start3A_19 = arith.constant 0 : i32
    %dma_start3A_20 = tpu.memref_slice %arg4[%dma_start3A_18, %dma_start3A_19] : memref<10000x128xf32, #tpu.memory_space<hbm>> -> memref<10000x128xf32, #tpu.memory_space<hbm>>
    tpu.enqueue_indirect_dma source(%dma_start3A_20 : memref<10000x128xf32, #tpu.memory_space<hbm>>) target(%arg11 : memref<88x128xf32, #tpu.memory_space<vmem>>) offsets(%dma_start3A_17 : memref<88xi32, #tpu.memory_space<vmem>>) semaphore(%arg14 : memref<!tpu.dma_semaphore, #tpu.memory_space<semaphore_mem>>)
    %add3A_21 = arith.constant 176 : i32
    %add3A_22 = arith.addi %mul3A_2, %add3A_21 : i32
    %run_scoped3A_23 = arith.constant 2 : i32
    "tpu.region"() ({
      %run_scoped3A_77 = tpu.sem_alloc : memref<!tpu.dma_semaphore, #tpu.memory_space<semaphore_mem>>
      %dma_start3A_78 = arith.constant 0 : i32
      %dma_start3A_79 = tpu.memref_slice %arg9[%run_scoped3A_23, %dma_start3A_78] : memref<3x88xi32, #tpu.memory_space<vmem>> -> memref<1x88xi32, #tpu.memory_space<vmem>>
      %dma_start3A_80 = tpu.memref_squeeze %dma_start3A_79 : memref<1x88xi32, #tpu.memory_space<vmem>> -> memref<88xi32, #tpu.memory_space<vmem>>
      %dma_start3A_81 = tpu.memref_slice %arg2[%add3A_22] : memref<321024xi32, #tpu.memory_space<hbm>> -> memref<88xi32, #tpu.memory_space<hbm>>
      %dma_start3A_82 = arith.constant 0 : i32
      %dma_start3A_83 = tpu.memref_slice %arg9[%run_scoped3A_23, %dma_start3A_82] : memref<3x88xi32, #tpu.memory_space<vmem>> -> memref<1x88xi32, #tpu.memory_space<vmem>>
      %dma_start3A_84 = tpu.memref_squeeze %dma_start3A_83 : memref<1x88xi32, #tpu.memory_space<vmem>> -> memref<88xi32, #tpu.memory_space<vmem>>
      %dma_start3A_85 = tpu.memref_slice %arg2[%add3A_22] : memref<321024xi32, #tpu.memory_space<hbm>> -> memref<88xi32, #tpu.memory_space<hbm>>
      tpu.enqueue_dma source(%dma_start3A_85 : memref<88xi32, #tpu.memory_space<hbm>>) target(%dma_start3A_84 : memref<88xi32, #tpu.memory_space<vmem>>) target_semaphore(%run_scoped3A_77 : memref<!tpu.dma_semaphore, #tpu.memory_space<semaphore_mem>>)
      %dma_wait3A_86 = arith.constant 0 : i32
      %dma_wait3A_87 = tpu.memref_slice %arg9[%run_scoped3A_23, %dma_wait3A_86] : memref<3x88xi32, #tpu.memory_space<vmem>> -> memref<1x88xi32, #tpu.memory_space<vmem>>
      %dma_wait3A_88 = tpu.memref_squeeze %dma_wait3A_87 : memref<1x88xi32, #tpu.memory_space<vmem>> -> memref<88xi32, #tpu.memory_space<vmem>>
      %dma_wait3A_89 = tpu.memref_slice %arg2[%add3A_22] : memref<321024xi32, #tpu.memory_space<hbm>> -> memref<88xi32, #tpu.memory_space<hbm>>
      %dma_wait3A_90 = arith.constant 0 : i32
      %dma_wait3A_91 = tpu.memref_slice %arg9[%run_scoped3A_23, %dma_wait3A_90] : memref<3x88xi32, #tpu.memory_space<vmem>> -> memref<1x88xi32, #tpu.memory_space<vmem>>
      %dma_wait3A_92 = tpu.memref_squeeze %dma_wait3A_91 : memref<1x88xi32, #tpu.memory_space<vmem>> -> memref<88xi32, #tpu.memory_space<vmem>>
      %dma_wait3A_93 = tpu.memref_slice %arg2[%add3A_22] : memref<321024xi32, #tpu.memory_space<hbm>> -> memref<88xi32, #tpu.memory_space<hbm>>
      tpu.wait_dma2 semaphore(%run_scoped3A_77 : memref<!tpu.dma_semaphore, #tpu.memory_space<semaphore_mem>>) src(%dma_wait3A_93 : memref<88xi32, #tpu.memory_space<hbm>>) dst(%dma_wait3A_92 : memref<88xi32, #tpu.memory_space<vmem>>)
      tpu.yield
    }) : () -> ()
    %dma_start3A_24 = arith.constant 2 : i32
    %dma_start3A_25 = arith.constant 0 : i32
    %dma_start3A_26 = tpu.memref_slice %arg9[%dma_start3A_24, %dma_start3A_25] : memref<3x88xi32, #tpu.memory_space<vmem>> -> memref<1x88xi32, #tpu.memory_space<vmem>>
    %dma_start3A_27 = tpu.memref_squeeze %dma_start3A_26 : memref<1x88xi32, #tpu.memory_space<vmem>> -> memref<88xi32, #tpu.memory_space<vmem>>
    %dma_start3A_28 = arith.constant 0 : i32
    %dma_start3A_29 = arith.constant 0 : i32
    %dma_start3A_30 = tpu.memref_slice %arg4[%dma_start3A_28, %dma_start3A_29] : memref<10000x128xf32, #tpu.memory_space<hbm>> -> memref<10000x128xf32, #tpu.memory_space<hbm>>
    tpu.enqueue_indirect_dma source(%dma_start3A_30 : memref<10000x128xf32, #tpu.memory_space<hbm>>) target(%arg12 : memref<88x128xf32, #tpu.memory_space<vmem>>) offsets(%dma_start3A_27 : memref<88xi32, #tpu.memory_space<vmem>>) semaphore(%arg15 : memref<!tpu.dma_semaphore, #tpu.memory_space<semaphore_mem>>)
    %eq3A = arith.constant 0 : i32
    %eq3A_31 = arith.cmpi eq, %arg0, %eq3A : i32
    %lt3A = arith.constant 15 : i32
    %lt3A_32 = arith.cmpi slt, %arg1, %lt3A : i32
    %and3A = arith.andi %eq3A_31, %lt3A_32 : i1
    %convert_element_type3A = arith.extui %and3A : i1 to i32
    %cond3A = arith.constant 0 : i32
    %cond3A_33 = arith.cmpi ne, %convert_element_type3A, %cond3A : i32
    scf.if %cond3A_33 {
      %mul3A_77 = arith.constant 632 : i32
      %mul3A_78 = arith.muli %arg1, %mul3A_77 : i32
      %mul3A_79 = arith.constant 632 : i32
      %mul3A_80 = arith.muli %arg1, %mul3A_79 : i32
      "tpu.region"() ({
        %run_scoped3A_81 = tpu.sem_alloc : memref<!tpu.dma_semaphore, #tpu.memory_space<semaphore_mem>>
        %dma_start3A_82 = arith.constant 0 : i32
        %dma_start3A_83 = tpu.memref_slice %arg7[%mul3A_80, %dma_start3A_82] : memref<10112x128xf32, #tpu.memory_space<vmem_shared>> -> memref<632x128xf32, #tpu.memory_space<vmem_shared>>
        %dma_start3A_84 = arith.constant 0 : i32
        %dma_start3A_85 = tpu.memref_slice %arg4[%mul3A_78, %dma_start3A_84] : memref<10000x128xf32, #tpu.memory_space<hbm>> -> memref<632x128xf32, #tpu.memory_space<hbm>>
        tpu.enqueue_dma source(%dma_start3A_85 : memref<632x128xf32, #tpu.memory_space<hbm>>) target(%dma_start3A_83 : memref<632x128xf32, #tpu.memory_space<vmem_shared>>) target_semaphore(%run_scoped3A_81 : memref<!tpu.dma_semaphore, #tpu.memory_space<semaphore_mem>>)
        %dma_wait3A_86 = arith.constant 0 : i32
        %dma_wait3A_87 = tpu.memref_slice %arg7[%mul3A_80, %dma_wait3A_86] : memref<10112x128xf32, #tpu.memory_space<vmem_shared>> -> memref<632x128xf32, #tpu.memory_space<vmem_shared>>
        %dma_wait3A_88 = arith.constant 0 : i32
        %dma_wait3A_89 = tpu.memref_slice %arg4[%mul3A_78, %dma_wait3A_88] : memref<10000x128xf32, #tpu.memory_space<hbm>> -> memref<632x128xf32, #tpu.memory_space<hbm>>
        tpu.wait_dma2 semaphore(%run_scoped3A_81 : memref<!tpu.dma_semaphore, #tpu.memory_space<semaphore_mem>>) src(%dma_wait3A_89 : memref<632x128xf32, #tpu.memory_space<hbm>>) dst(%dma_wait3A_87 : memref<632x128xf32, #tpu.memory_space<vmem_shared>>)
        tpu.yield
      }) : () -> ()
    } else {
    }
    %eq3A_34 = arith.constant 0 : i32
    %eq3A_35 = arith.cmpi eq, %arg0, %eq3A_34 : i32
    %eq3A_36 = arith.constant 15 : i32
    %eq3A_37 = arith.cmpi eq, %arg1, %eq3A_36 : i32
    %and3A_38 = arith.andi %eq3A_35, %eq3A_37 : i1
    %convert_element_type3A_39 = arith.extui %and3A_38 : i1 to i32
    %cond3A_40 = arith.constant 0 : i32
    %cond3A_41 = arith.cmpi ne, %convert_element_type3A_39, %cond3A_40 : i32
    scf.if %cond3A_41 {
      %mul3A_77 = arith.constant 632 : i32
      %mul3A_78 = arith.muli %arg1, %mul3A_77 : i32
      %mul3A_79 = arith.constant 632 : i32
      %mul3A_80 = arith.muli %arg1, %mul3A_79 : i32
      "tpu.region"() ({
        %run_scoped3A_89 = tpu.sem_alloc : memref<!tpu.dma_semaphore, #tpu.memory_space<semaphore_mem>>
        %dma_start3A_90 = arith.constant 0 : i32
        %dma_start3A_91 = tpu.memref_slice %arg7[%mul3A_80, %dma_start3A_90] : memref<10112x128xf32, #tpu.memory_space<vmem_shared>> -> memref<520x128xf32, #tpu.memory_space<vmem_shared>>
        %dma_start3A_92 = arith.constant 0 : i32
        %dma_start3A_93 = tpu.memref_slice %arg4[%mul3A_78, %dma_start3A_92] : memref<10000x128xf32, #tpu.memory_space<hbm>> -> memref<520x128xf32, #tpu.memory_space<hbm>>
        tpu.enqueue_dma source(%dma_start3A_93 : memref<520x128xf32, #tpu.memory_space<hbm>>) target(%dma_start3A_91 : memref<520x128xf32, #tpu.memory_space<vmem_shared>>) target_semaphore(%run_scoped3A_89 : memref<!tpu.dma_semaphore, #tpu.memory_space<semaphore_mem>>)
        %dma_wait3A_94 = arith.constant 0 : i32
        %dma_wait3A_95 = tpu.memref_slice %arg7[%mul3A_80, %dma_wait3A_94] : memref<10112x128xf32, #tpu.memory_space<vmem_shared>> -> memref<520x128xf32, #tpu.memory_space<vmem_shared>>
        %dma_wait3A_96 = arith.constant 0 : i32
        %dma_wait3A_97 = tpu.memref_slice %arg4[%mul3A_78, %dma_wait3A_96] : memref<10000x128xf32, #tpu.memory_space<hbm>> -> memref<520x128xf32, #tpu.memory_space<hbm>>
        tpu.wait_dma2 semaphore(%run_scoped3A_89 : memref<!tpu.dma_semaphore, #tpu.memory_space<semaphore_mem>>) src(%dma_wait3A_97 : memref<520x128xf32, #tpu.memory_space<hbm>>) dst(%dma_wait3A_95 : memref<520x128xf32, #tpu.memory_space<vmem_shared>>)
        tpu.yield
      }) : () -> ()
      %mul3A_81 = arith.constant 632 : i32
      %mul3A_82 = arith.muli %arg1, %mul3A_81 : i32
      %add3A_83 = arith.constant 520 : i32
      %add3A_84 = arith.addi %mul3A_82, %add3A_83 : i32
      %mul3A_85 = arith.constant 632 : i32
      %mul3A_86 = arith.muli %arg1, %mul3A_85 : i32
      %add3A_87 = arith.constant 520 : i32
      %add3A_88 = arith.addi %mul3A_86, %add3A_87 : i32
      "tpu.region"() ({
        %run_scoped3A_89 = tpu.sem_alloc : memref<!tpu.dma_semaphore, #tpu.memory_space<semaphore_mem>>
        %dma_start3A_90 = arith.constant 0 : i32
        %dma_start3A_91 = tpu.memref_slice %arg7[%add3A_88, %dma_start3A_90] : memref<10112x128xf32, #tpu.memory_space<vmem_shared>> -> memref<112x128xf32, #tpu.memory_space<vmem_shared>>
        %dma_start3A_92 = arith.constant 0 : i32
        %dma_start3A_93 = tpu.memref_slice %arg5[%add3A_84, %dma_start3A_92] : memref<10112x128xf32, #tpu.memory_space<hbm>> -> memref<112x128xf32, #tpu.memory_space<hbm>>
        tpu.enqueue_dma source(%dma_start3A_93 : memref<112x128xf32, #tpu.memory_space<hbm>>) target(%dma_start3A_91 : memref<112x128xf32, #tpu.memory_space<vmem_shared>>) target_semaphore(%run_scoped3A_89 : memref<!tpu.dma_semaphore, #tpu.memory_space<semaphore_mem>>)
        %dma_wait3A_94 = arith.constant 0 : i32
        %dma_wait3A_95 = tpu.memref_slice %arg7[%add3A_88, %dma_wait3A_94] : memref<10112x128xf32, #tpu.memory_space<vmem_shared>> -> memref<112x128xf32, #tpu.memory_space<vmem_shared>>
        %dma_wait3A_96 = arith.constant 0 : i32
        %dma_wait3A_97 = tpu.memref_slice %arg5[%add3A_84, %dma_wait3A_96] : memref<10112x128xf32, #tpu.memory_space<hbm>> -> memref<112x128xf32, #tpu.memory_space<hbm>>
        tpu.wait_dma2 semaphore(%run_scoped3A_89 : memref<!tpu.dma_semaphore, #tpu.memory_space<semaphore_mem>>) src(%dma_wait3A_97 : memref<112x128xf32, #tpu.memory_space<hbm>>) dst(%dma_wait3A_95 : memref<112x128xf32, #tpu.memory_space<vmem_shared>>)
        tpu.yield
      }) : () -> ()
    } else {
    }
    %eq3A_42 = arith.constant 1 : i32
    %eq3A_43 = arith.cmpi eq, %arg0, %eq3A_42 : i32
    %convert_element_type3A_44 = arith.extui %eq3A_43 : i1 to i32
    %cond3A_45 = arith.constant 0 : i32
    %cond3A_46 = arith.cmpi ne, %convert_element_type3A_44, %cond3A_45 : i32
    scf.if %cond3A_46 {
      %mul3A_77 = arith.constant 632 : i32
      %mul3A_78 = arith.muli %arg1, %mul3A_77 : i32
      %mul3A_79 = arith.constant 632 : i32
      %mul3A_80 = arith.muli %arg1, %mul3A_79 : i32
      "tpu.region"() ({
        %run_scoped3A_81 = tpu.sem_alloc : memref<!tpu.dma_semaphore, #tpu.memory_space<semaphore_mem>>
        %dma_start3A_82 = arith.constant 0 : i32
        %dma_start3A_83 = tpu.memref_slice %arg7[%mul3A_80, %dma_start3A_82] : memref<10112x128xf32, #tpu.memory_space<vmem_shared>> -> memref<632x128xf32, #tpu.memory_space<vmem_shared>>
        %dma_start3A_84 = arith.constant 0 : i32
        %dma_start3A_85 = tpu.memref_slice %arg5[%mul3A_78, %dma_start3A_84] : memref<10112x128xf32, #tpu.memory_space<hbm>> -> memref<632x128xf32, #tpu.memory_space<hbm>>
        tpu.enqueue_dma source(%dma_start3A_85 : memref<632x128xf32, #tpu.memory_space<hbm>>) target(%dma_start3A_83 : memref<632x128xf32, #tpu.memory_space<vmem_shared>>) target_semaphore(%run_scoped3A_81 : memref<!tpu.dma_semaphore, #tpu.memory_space<semaphore_mem>>)
        %dma_wait3A_86 = arith.constant 0 : i32
        %dma_wait3A_87 = tpu.memref_slice %arg7[%mul3A_80, %dma_wait3A_86] : memref<10112x128xf32, #tpu.memory_space<vmem_shared>> -> memref<632x128xf32, #tpu.memory_space<vmem_shared>>
        %dma_wait3A_88 = arith.constant 0 : i32
        %dma_wait3A_89 = tpu.memref_slice %arg5[%mul3A_78, %dma_wait3A_88] : memref<10112x128xf32, #tpu.memory_space<hbm>> -> memref<632x128xf32, #tpu.memory_space<hbm>>
        tpu.wait_dma2 semaphore(%run_scoped3A_81 : memref<!tpu.dma_semaphore, #tpu.memory_space<semaphore_mem>>) src(%dma_wait3A_89 : memref<632x128xf32, #tpu.memory_space<hbm>>) dst(%dma_wait3A_87 : memref<632x128xf32, #tpu.memory_space<vmem_shared>>)
        tpu.yield
      }) : () -> ()
    } else {
    }
    %barrier3A = arith.constant 0 : index
    tpu.barrier barrier_id(%barrier3A)
    %scan3A = arith.constant 0 : i32
    %scan3A_47 = arith.constant 0 : i32
    %scan3A_48 = arith.constant 38 : i32
    %scan3A_49 = arith.addi %scan3A_47, %scan3A_48 : i32
    %scan3A_50 = arith.constant 1 : i32
    scf.for %scan3A_77 = %scan3A_47 to %scan3A_49 step %scan3A_50  : i32 {
      %mul3A_78 = arith.constant 3 : i32
      %mul3A_79 = arith.muli %scan3A_77, %mul3A_78 : i32
      %add3A_80 = arith.constant 0 : i32
      %add3A_81 = arith.addi %mul3A_79, %add3A_80 : i32
      %dma_wait3A_82 = arith.constant 0 : i32
      %dma_wait3A_83 = arith.constant 0 : i32
      %dma_wait3A_84 = tpu.memref_slice %arg9[%dma_wait3A_82, %dma_wait3A_83] : memref<3x88xi32, #tpu.memory_space<vmem>> -> memref<1x88xi32, #tpu.memory_space<vmem>>
      %dma_wait3A_85 = tpu.memref_squeeze %dma_wait3A_84 : memref<1x88xi32, #tpu.memory_space<vmem>> -> memref<88xi32, #tpu.memory_space<vmem>>
      %dma_wait3A_86 = arith.constant 0 : i32
      %dma_wait3A_87 = arith.constant 0 : i32
      %dma_wait3A_88 = tpu.memref_slice %arg4[%dma_wait3A_86, %dma_wait3A_87] : memref<10000x128xf32, #tpu.memory_space<hbm>> -> memref<10000x128xf32, #tpu.memory_space<hbm>>
      tpu.wait_indirect_dma semaphore(%arg13 : memref<!tpu.dma_semaphore, #tpu.memory_space<semaphore_mem>>) src(%dma_wait3A_88 : memref<10000x128xf32, #tpu.memory_space<hbm>>) dst(%arg10 : memref<88x128xf32, #tpu.memory_space<vmem>>)
      %dma_start3A_89 = arith.constant 0 : i32
      %dma_start3A_90 = tpu.memref_slice %arg8[%add3A_81, %dma_start3A_89] : memref<114x88xi32, #tpu.memory_space<vmem>> -> memref<1x88xi32, #tpu.memory_space<vmem>>
      %dma_start3A_91 = tpu.memref_squeeze %dma_start3A_90 : memref<1x88xi32, #tpu.memory_space<vmem>> -> memref<88xi32, #tpu.memory_space<vmem>>
      %dma_start3A_92 = arith.constant 0 : i32
      %dma_start3A_93 = arith.constant 0 : i32
      %dma_start3A_94 = tpu.memref_slice %arg7[%dma_start3A_92, %dma_start3A_93] : memref<10112x128xf32, #tpu.memory_space<vmem_shared>> -> memref<10112x128xf32, #tpu.memory_space<vmem_shared>>
      tpu.enqueue_indirect_dma source(%arg10 : memref<88x128xf32, #tpu.memory_space<vmem>>) target(%dma_start3A_94 : memref<10112x128xf32, #tpu.memory_space<vmem_shared>>) offsets(%dma_start3A_91 : memref<88xi32, #tpu.memory_space<vmem>>) semaphore(%arg16 : memref<!tpu.dma_semaphore, #tpu.memory_space<semaphore_mem>>) {add = true}
      %lt3A_95 = arith.constant 37 : i32
      %lt3A_96 = arith.cmpi slt, %scan3A_77, %lt3A_95 : i32
      %convert_element_type3A_97 = arith.extui %lt3A_96 : i1 to i32
      %cond3A_98 = arith.constant 0 : i32
      %cond3A_99 = arith.cmpi ne, %convert_element_type3A_97, %cond3A_98 : i32
      scf.if %cond3A_99 {
        %add3A_144 = arith.constant 3 : i32
        %add3A_145 = arith.addi %add3A_81, %add3A_144 : i32
        %mul3A_146 = arith.constant 88 : i32
        %mul3A_147 = arith.muli %add3A_145, %mul3A_146 : i32
        %add3A_148 = arith.addi %mul3A_2, %mul3A_147 : i32
        %run_scoped3A_149 = arith.constant 0 : i32
        "tpu.region"() ({
          %run_scoped3A_163 = tpu.sem_alloc : memref<!tpu.dma_semaphore, #tpu.memory_space<semaphore_mem>>
          %dma_start3A_164 = arith.constant 0 : i32
          %dma_start3A_165 = tpu.memref_slice %arg9[%run_scoped3A_149, %dma_start3A_164] : memref<3x88xi32, #tpu.memory_space<vmem>> -> memref<1x88xi32, #tpu.memory_space<vmem>>
          %dma_start3A_166 = tpu.memref_squeeze %dma_start3A_165 : memref<1x88xi32, #tpu.memory_space<vmem>> -> memref<88xi32, #tpu.memory_space<vmem>>
          %dma_start3A_167 = tpu.memref_slice %arg2[%add3A_148] : memref<321024xi32, #tpu.memory_space<hbm>> -> memref<88xi32, #tpu.memory_space<hbm>>
          %dma_start3A_168 = arith.constant 0 : i32
          %dma_start3A_169 = tpu.memref_slice %arg9[%run_scoped3A_149, %dma_start3A_168] : memref<3x88xi32, #tpu.memory_space<vmem>> -> memref<1x88xi32, #tpu.memory_space<vmem>>
          %dma_start3A_170 = tpu.memref_squeeze %dma_start3A_169 : memref<1x88xi32, #tpu.memory_space<vmem>> -> memref<88xi32, #tpu.memory_space<vmem>>
          %dma_start3A_171 = tpu.memref_slice %arg2[%add3A_148] : memref<321024xi32, #tpu.memory_space<hbm>> -> memref<88xi32, #tpu.memory_space<hbm>>
          tpu.enqueue_dma source(%dma_start3A_171 : memref<88xi32, #tpu.memory_space<hbm>>) target(%dma_start3A_170 : memref<88xi32, #tpu.memory_space<vmem>>) target_semaphore(%run_scoped3A_163 : memref<!tpu.dma_semaphore, #tpu.memory_space<semaphore_mem>>)
          %dma_wait3A_172 = arith.constant 0 : i32
          %dma_wait3A_173 = tpu.memref_slice %arg9[%run_scoped3A_149, %dma_wait3A_172] : memref<3x88xi32, #tpu.memory_space<vmem>> -> memref<1x88xi32, #tpu.memory_space<vmem>>
          %dma_wait3A_174 = tpu.memref_squeeze %dma_wait3A_173 : memref<1x88xi32, #tpu.memory_space<vmem>> -> memref<88xi32, #tpu.memory_space<vmem>>
          %dma_wait3A_175 = tpu.memref_slice %arg2[%add3A_148] : memref<321024xi32, #tpu.memory_space<hbm>> -> memref<88xi32, #tpu.memory_space<hbm>>
          %dma_wait3A_176 = arith.constant 0 : i32
          %dma_wait3A_177 = tpu.memref_slice %arg9[%run_scoped3A_149, %dma_wait3A_176] : memref<3x88xi32, #tpu.memory_space<vmem>> -> memref<1x88xi32, #tpu.memory_space<vmem>>
          %dma_wait3A_178 = tpu.memref_squeeze %dma_wait3A_177 : memref<1x88xi32, #tpu.memory_space<vmem>> -> memref<88xi32, #tpu.memory_space<vmem>>
          %dma_wait3A_179 = tpu.memref_slice %arg2[%add3A_148] : memref<321024xi32, #tpu.memory_space<hbm>> -> memref<88xi32, #tpu.memory_space<hbm>>
          tpu.wait_dma2 semaphore(%run_scoped3A_163 : memref<!tpu.dma_semaphore, #tpu.memory_space<semaphore_mem>>) src(%dma_wait3A_179 : memref<88xi32, #tpu.memory_space<hbm>>) dst(%dma_wait3A_178 : memref<88xi32, #tpu.memory_space<vmem>>)
          tpu.yield
        }) : () -> ()
        %dma_wait3A_150 = arith.constant 0 : i32
        %dma_wait3A_151 = tpu.memref_slice %arg8[%add3A_81, %dma_wait3A_150] : memref<114x88xi32, #tpu.memory_space<vmem>> -> memref<1x88xi32, #tpu.memory_space<vmem>>
        %dma_wait3A_152 = tpu.memref_squeeze %dma_wait3A_151 : memref<1x88xi32, #tpu.memory_space<vmem>> -> memref<88xi32, #tpu.memory_space<vmem>>
        %dma_wait3A_153 = arith.constant 0 : i32
        %dma_wait3A_154 = arith.constant 0 : i32
        %dma_wait3A_155 = tpu.memref_slice %arg7[%dma_wait3A_153, %dma_wait3A_154] : memref<10112x128xf32, #tpu.memory_space<vmem_shared>> -> memref<10112x128xf32, #tpu.memory_space<vmem_shared>>
        tpu.wait_indirect_dma semaphore(%arg16 : memref<!tpu.dma_semaphore, #tpu.memory_space<semaphore_mem>>) src(%arg10 : memref<88x128xf32, #tpu.memory_space<vmem>>) dst(%dma_wait3A_155 : memref<10112x128xf32, #tpu.memory_space<vmem_shared>>)
        %dma_start3A_156 = arith.constant 0 : i32
        %dma_start3A_157 = arith.constant 0 : i32
        %dma_start3A_158 = tpu.memref_slice %arg9[%dma_start3A_156, %dma_start3A_157] : memref<3x88xi32, #tpu.memory_space<vmem>> -> memref<1x88xi32, #tpu.memory_space<vmem>>
        %dma_start3A_159 = tpu.memref_squeeze %dma_start3A_158 : memref<1x88xi32, #tpu.memory_space<vmem>> -> memref<88xi32, #tpu.memory_space<vmem>>
        %dma_start3A_160 = arith.constant 0 : i32
        %dma_start3A_161 = arith.constant 0 : i32
        %dma_start3A_162 = tpu.memref_slice %arg4[%dma_start3A_160, %dma_start3A_161] : memref<10000x128xf32, #tpu.memory_space<hbm>> -> memref<10000x128xf32, #tpu.memory_space<hbm>>
        tpu.enqueue_indirect_dma source(%dma_start3A_162 : memref<10000x128xf32, #tpu.memory_space<hbm>>) target(%arg10 : memref<88x128xf32, #tpu.memory_space<vmem>>) offsets(%dma_start3A_159 : memref<88xi32, #tpu.memory_space<vmem>>) semaphore(%arg13 : memref<!tpu.dma_semaphore, #tpu.memory_space<semaphore_mem>>)
      } else {
      }
      %mul3A_100 = arith.constant 3 : i32
      %mul3A_101 = arith.muli %scan3A_77, %mul3A_100 : i32
      %add3A_102 = arith.constant 1 : i32
      %add3A_103 = arith.addi %mul3A_101, %add3A_102 : i32
      %dma_wait3A_104 = arith.constant 1 : i32
      %dma_wait3A_105 = arith.constant 0 : i32
      %dma_wait3A_106 = tpu.memref_slice %arg9[%dma_wait3A_104, %dma_wait3A_105] : memref<3x88xi32, #tpu.memory_space<vmem>> -> memref<1x88xi32, #tpu.memory_space<vmem>>
      %dma_wait3A_107 = tpu.memref_squeeze %dma_wait3A_106 : memref<1x88xi32, #tpu.memory_space<vmem>> -> memref<88xi32, #tpu.memory_space<vmem>>
      %dma_wait3A_108 = arith.constant 0 : i32
      %dma_wait3A_109 = arith.constant 0 : i32
      %dma_wait3A_110 = tpu.memref_slice %arg4[%dma_wait3A_108, %dma_wait3A_109] : memref<10000x128xf32, #tpu.memory_space<hbm>> -> memref<10000x128xf32, #tpu.memory_space<hbm>>
      tpu.wait_indirect_dma semaphore(%arg14 : memref<!tpu.dma_semaphore, #tpu.memory_space<semaphore_mem>>) src(%dma_wait3A_110 : memref<10000x128xf32, #tpu.memory_space<hbm>>) dst(%arg11 : memref<88x128xf32, #tpu.memory_space<vmem>>)
      %dma_start3A_111 = arith.constant 0 : i32
      %dma_start3A_112 = tpu.memref_slice %arg8[%add3A_103, %dma_start3A_111] : memref<114x88xi32, #tpu.memory_space<vmem>> -> memref<1x88xi32, #tpu.memory_space<vmem>>
      %dma_start3A_113 = tpu.memref_squeeze %dma_start3A_112 : memref<1x88xi32, #tpu.memory_space<vmem>> -> memref<88xi32, #tpu.memory_space<vmem>>
      %dma_start3A_114 = arith.constant 0 : i32
      %dma_start3A_115 = arith.constant 0 : i32
      %dma_start3A_116 = tpu.memref_slice %arg7[%dma_start3A_114, %dma_start3A_115] : memref<10112x128xf32, #tpu.memory_space<vmem_shared>> -> memref<10112x128xf32, #tpu.memory_space<vmem_shared>>
      tpu.enqueue_indirect_dma source(%arg11 : memref<88x128xf32, #tpu.memory_space<vmem>>) target(%dma_start3A_116 : memref<10112x128xf32, #tpu.memory_space<vmem_shared>>) offsets(%dma_start3A_113 : memref<88xi32, #tpu.memory_space<vmem>>) semaphore(%arg17 : memref<!tpu.dma_semaphore, #tpu.memory_space<semaphore_mem>>) {add = true}
      %lt3A_117 = arith.constant 37 : i32
      %lt3A_118 = arith.cmpi slt, %scan3A_77, %lt3A_117 : i32
      %convert_element_type3A_119 = arith.extui %lt3A_118 : i1 to i32
      %cond3A_120 = arith.constant 0 : i32
      %cond3A_121 = arith.cmpi ne, %convert_element_type3A_119, %cond3A_120 : i32
      scf.if %cond3A_121 {
        %add3A_144 = arith.constant 3 : i32
        %add3A_145 = arith.addi %add3A_103, %add3A_144 : i32
        %mul3A_146 = arith.constant 88 : i32
        %mul3A_147 = arith.muli %add3A_145, %mul3A_146 : i32
        %add3A_148 = arith.addi %mul3A_2, %mul3A_147 : i32
        %run_scoped3A_149 = arith.constant 1 : i32
        "tpu.region"() ({
          %run_scoped3A_163 = tpu.sem_alloc : memref<!tpu.dma_semaphore, #tpu.memory_space<semaphore_mem>>
          %dma_start3A_164 = arith.constant 0 : i32
          %dma_start3A_165 = tpu.memref_slice %arg9[%run_scoped3A_149, %dma_start3A_164] : memref<3x88xi32, #tpu.memory_space<vmem>> -> memref<1x88xi32, #tpu.memory_space<vmem>>
          %dma_start3A_166 = tpu.memref_squeeze %dma_start3A_165 : memref<1x88xi32, #tpu.memory_space<vmem>> -> memref<88xi32, #tpu.memory_space<vmem>>
          %dma_start3A_167 = tpu.memref_slice %arg2[%add3A_148] : memref<321024xi32, #tpu.memory_space<hbm>> -> memref<88xi32, #tpu.memory_space<hbm>>
          %dma_start3A_168 = arith.constant 0 : i32
          %dma_start3A_169 = tpu.memref_slice %arg9[%run_scoped3A_149, %dma_start3A_168] : memref<3x88xi32, #tpu.memory_space<vmem>> -> memref<1x88xi32, #tpu.memory_space<vmem>>
          %dma_start3A_170 = tpu.memref_squeeze %dma_start3A_169 : memref<1x88xi32, #tpu.memory_space<vmem>> -> memref<88xi32, #tpu.memory_space<vmem>>
          %dma_start3A_171 = tpu.memref_slice %arg2[%add3A_148] : memref<321024xi32, #tpu.memory_space<hbm>> -> memref<88xi32, #tpu.memory_space<hbm>>
          tpu.enqueue_dma source(%dma_start3A_171 : memref<88xi32, #tpu.memory_space<hbm>>) target(%dma_start3A_170 : memref<88xi32, #tpu.memory_space<vmem>>) target_semaphore(%run_scoped3A_163 : memref<!tpu.dma_semaphore, #tpu.memory_space<semaphore_mem>>)
          %dma_wait3A_172 = arith.constant 0 : i32
          %dma_wait3A_173 = tpu.memref_slice %arg9[%run_scoped3A_149, %dma_wait3A_172] : memref<3x88xi32, #tpu.memory_space<vmem>> -> memref<1x88xi32, #tpu.memory_space<vmem>>
          %dma_wait3A_174 = tpu.memref_squeeze %dma_wait3A_173 : memref<1x88xi32, #tpu.memory_space<vmem>> -> memref<88xi32, #tpu.memory_space<vmem>>
          %dma_wait3A_175 = tpu.memref_slice %arg2[%add3A_148] : memref<321024xi32, #tpu.memory_space<hbm>> -> memref<88xi32, #tpu.memory_space<hbm>>
          %dma_wait3A_176 = arith.constant 0 : i32
          %dma_wait3A_177 = tpu.memref_slice %arg9[%run_scoped3A_149, %dma_wait3A_176] : memref<3x88xi32, #tpu.memory_space<vmem>> -> memref<1x88xi32, #tpu.memory_space<vmem>>
          %dma_wait3A_178 = tpu.memref_squeeze %dma_wait3A_177 : memref<1x88xi32, #tpu.memory_space<vmem>> -> memref<88xi32, #tpu.memory_space<vmem>>
          %dma_wait3A_179 = tpu.memref_slice %arg2[%add3A_148] : memref<321024xi32, #tpu.memory_space<hbm>> -> memref<88xi32, #tpu.memory_space<hbm>>
          tpu.wait_dma2 semaphore(%run_scoped3A_163 : memref<!tpu.dma_semaphore, #tpu.memory_space<semaphore_mem>>) src(%dma_wait3A_179 : memref<88xi32, #tpu.memory_space<hbm>>) dst(%dma_wait3A_178 : memref<88xi32, #tpu.memory_space<vmem>>)
          tpu.yield
        }) : () -> ()
        %dma_wait3A_150 = arith.constant 0 : i32
        %dma_wait3A_151 = tpu.memref_slice %arg8[%add3A_103, %dma_wait3A_150] : memref<114x88xi32, #tpu.memory_space<vmem>> -> memref<1x88xi32, #tpu.memory_space<vmem>>
        %dma_wait3A_152 = tpu.memref_squeeze %dma_wait3A_151 : memref<1x88xi32, #tpu.memory_space<vmem>> -> memref<88xi32, #tpu.memory_space<vmem>>
        %dma_wait3A_153 = arith.constant 0 : i32
        %dma_wait3A_154 = arith.constant 0 : i32
        %dma_wait3A_155 = tpu.memref_slice %arg7[%dma_wait3A_153, %dma_wait3A_154] : memref<10112x128xf32, #tpu.memory_space<vmem_shared>> -> memref<10112x128xf32, #tpu.memory_space<vmem_shared>>
        tpu.wait_indirect_dma semaphore(%arg17 : memref<!tpu.dma_semaphore, #tpu.memory_space<semaphore_mem>>) src(%arg11 : memref<88x128xf32, #tpu.memory_space<vmem>>) dst(%dma_wait3A_155 : memref<10112x128xf32, #tpu.memory_space<vmem_shared>>)
        %dma_start3A_156 = arith.constant 1 : i32
        %dma_start3A_157 = arith.constant 0 : i32
        %dma_start3A_158 = tpu.memref_slice %arg9[%dma_start3A_156, %dma_start3A_157] : memref<3x88xi32, #tpu.memory_space<vmem>> -> memref<1x88xi32, #tpu.memory_space<vmem>>
        %dma_start3A_159 = tpu.memref_squeeze %dma_start3A_158 : memref<1x88xi32, #tpu.memory_space<vmem>> -> memref<88xi32, #tpu.memory_space<vmem>>
        %dma_start3A_160 = arith.constant 0 : i32
        %dma_start3A_161 = arith.constant 0 : i32
        %dma_start3A_162 = tpu.memref_slice %arg4[%dma_start3A_160, %dma_start3A_161] : memref<10000x128xf32, #tpu.memory_space<hbm>> -> memref<10000x128xf32, #tpu.memory_space<hbm>>
        tpu.enqueue_indirect_dma source(%dma_start3A_162 : memref<10000x128xf32, #tpu.memory_space<hbm>>) target(%arg11 : memref<88x128xf32, #tpu.memory_space<vmem>>) offsets(%dma_start3A_159 : memref<88xi32, #tpu.memory_space<vmem>>) semaphore(%arg14 : memref<!tpu.dma_semaphore, #tpu.memory_space<semaphore_mem>>)
      } else {
      }
      %mul3A_122 = arith.constant 3 : i32
      %mul3A_123 = arith.muli %scan3A_77, %mul3A_122 : i32
      %add3A_124 = arith.constant 2 : i32
      %add3A_125 = arith.addi %mul3A_123, %add3A_124 : i32
      %dma_wait3A_126 = arith.constant 2 : i32
      %dma_wait3A_127 = arith.constant 0 : i32
      %dma_wait3A_128 = tpu.memref_slice %arg9[%dma_wait3A_126, %dma_wait3A_127] : memref<3x88xi32, #tpu.memory_space<vmem>> -> memref<1x88xi32, #tpu.memory_space<vmem>>
      %dma_wait3A_129 = tpu.memref_squeeze %dma_wait3A_128 : memref<1x88xi32, #tpu.memory_space<vmem>> -> memref<88xi32, #tpu.memory_space<vmem>>
      %dma_wait3A_130 = arith.constant 0 : i32
      %dma_wait3A_131 = arith.constant 0 : i32
      %dma_wait3A_132 = tpu.memref_slice %arg4[%dma_wait3A_130, %dma_wait3A_131] : memref<10000x128xf32, #tpu.memory_space<hbm>> -> memref<10000x128xf32, #tpu.memory_space<hbm>>
      tpu.wait_indirect_dma semaphore(%arg15 : memref<!tpu.dma_semaphore, #tpu.memory_space<semaphore_mem>>) src(%dma_wait3A_132 : memref<10000x128xf32, #tpu.memory_space<hbm>>) dst(%arg12 : memref<88x128xf32, #tpu.memory_space<vmem>>)
      %dma_start3A_133 = arith.constant 0 : i32
      %dma_start3A_134 = tpu.memref_slice %arg8[%add3A_125, %dma_start3A_133] : memref<114x88xi32, #tpu.memory_space<vmem>> -> memref<1x88xi32, #tpu.memory_space<vmem>>
      %dma_start3A_135 = tpu.memref_squeeze %dma_start3A_134 : memref<1x88xi32, #tpu.memory_space<vmem>> -> memref<88xi32, #tpu.memory_space<vmem>>
      %dma_start3A_136 = arith.constant 0 : i32
      %dma_start3A_137 = arith.constant 0 : i32
      %dma_start3A_138 = tpu.memref_slice %arg7[%dma_start3A_136, %dma_start3A_137] : memref<10112x128xf32, #tpu.memory_space<vmem_shared>> -> memref<10112x128xf32, #tpu.memory_space<vmem_shared>>
      tpu.enqueue_indirect_dma source(%arg12 : memref<88x128xf32, #tpu.memory_space<vmem>>) target(%dma_start3A_138 : memref<10112x128xf32, #tpu.memory_space<vmem_shared>>) offsets(%dma_start3A_135 : memref<88xi32, #tpu.memory_space<vmem>>) semaphore(%arg18 : memref<!tpu.dma_semaphore, #tpu.memory_space<semaphore_mem>>) {add = true}
      %lt3A_139 = arith.constant 37 : i32
      %lt3A_140 = arith.cmpi slt, %scan3A_77, %lt3A_139 : i32
      %convert_element_type3A_141 = arith.extui %lt3A_140 : i1 to i32
      %cond3A_142 = arith.constant 0 : i32
      %cond3A_143 = arith.cmpi ne, %convert_element_type3A_141, %cond3A_142 : i32
      scf.if %cond3A_143 {
        %add3A_144 = arith.constant 3 : i32
        %add3A_145 = arith.addi %add3A_125, %add3A_144 : i32
        %mul3A_146 = arith.constant 88 : i32
        %mul3A_147 = arith.muli %add3A_145, %mul3A_146 : i32
        %add3A_148 = arith.addi %mul3A_2, %mul3A_147 : i32
        %run_scoped3A_149 = arith.constant 2 : i32
        "tpu.region"() ({
          %run_scoped3A_163 = tpu.sem_alloc : memref<!tpu.dma_semaphore, #tpu.memory_space<semaphore_mem>>
          %dma_start3A_164 = arith.constant 0 : i32
          %dma_start3A_165 = tpu.memref_slice %arg9[%run_scoped3A_149, %dma_start3A_164] : memref<3x88xi32, #tpu.memory_space<vmem>> -> memref<1x88xi32, #tpu.memory_space<vmem>>
          %dma_start3A_166 = tpu.memref_squeeze %dma_start3A_165 : memref<1x88xi32, #tpu.memory_space<vmem>> -> memref<88xi32, #tpu.memory_space<vmem>>
          %dma_start3A_167 = tpu.memref_slice %arg2[%add3A_148] : memref<321024xi32, #tpu.memory_space<hbm>> -> memref<88xi32, #tpu.memory_space<hbm>>
          %dma_start3A_168 = arith.constant 0 : i32
          %dma_start3A_169 = tpu.memref_slice %arg9[%run_scoped3A_149, %dma_start3A_168] : memref<3x88xi32, #tpu.memory_space<vmem>> -> memref<1x88xi32, #tpu.memory_space<vmem>>
          %dma_start3A_170 = tpu.memref_squeeze %dma_start3A_169 : memref<1x88xi32, #tpu.memory_space<vmem>> -> memref<88xi32, #tpu.memory_space<vmem>>
          %dma_start3A_171 = tpu.memref_slice %arg2[%add3A_148] : memref<321024xi32, #tpu.memory_space<hbm>> -> memref<88xi32, #tpu.memory_space<hbm>>
          tpu.enqueue_dma source(%dma_start3A_171 : memref<88xi32, #tpu.memory_space<hbm>>) target(%dma_start3A_170 : memref<88xi32, #tpu.memory_space<vmem>>) target_semaphore(%run_scoped3A_163 : memref<!tpu.dma_semaphore, #tpu.memory_space<semaphore_mem>>)
          %dma_wait3A_172 = arith.constant 0 : i32
          %dma_wait3A_173 = tpu.memref_slice %arg9[%run_scoped3A_149, %dma_wait3A_172] : memref<3x88xi32, #tpu.memory_space<vmem>> -> memref<1x88xi32, #tpu.memory_space<vmem>>
          %dma_wait3A_174 = tpu.memref_squeeze %dma_wait3A_173 : memref<1x88xi32, #tpu.memory_space<vmem>> -> memref<88xi32, #tpu.memory_space<vmem>>
          %dma_wait3A_175 = tpu.memref_slice %arg2[%add3A_148] : memref<321024xi32, #tpu.memory_space<hbm>> -> memref<88xi32, #tpu.memory_space<hbm>>
          %dma_wait3A_176 = arith.constant 0 : i32
          %dma_wait3A_177 = tpu.memref_slice %arg9[%run_scoped3A_149, %dma_wait3A_176] : memref<3x88xi32, #tpu.memory_space<vmem>> -> memref<1x88xi32, #tpu.memory_space<vmem>>
          %dma_wait3A_178 = tpu.memref_squeeze %dma_wait3A_177 : memref<1x88xi32, #tpu.memory_space<vmem>> -> memref<88xi32, #tpu.memory_space<vmem>>
          %dma_wait3A_179 = tpu.memref_slice %arg2[%add3A_148] : memref<321024xi32, #tpu.memory_space<hbm>> -> memref<88xi32, #tpu.memory_space<hbm>>
          tpu.wait_dma2 semaphore(%run_scoped3A_163 : memref<!tpu.dma_semaphore, #tpu.memory_space<semaphore_mem>>) src(%dma_wait3A_179 : memref<88xi32, #tpu.memory_space<hbm>>) dst(%dma_wait3A_178 : memref<88xi32, #tpu.memory_space<vmem>>)
          tpu.yield
        }) : () -> ()
        %dma_wait3A_150 = arith.constant 0 : i32
        %dma_wait3A_151 = tpu.memref_slice %arg8[%add3A_125, %dma_wait3A_150] : memref<114x88xi32, #tpu.memory_space<vmem>> -> memref<1x88xi32, #tpu.memory_space<vmem>>
        %dma_wait3A_152 = tpu.memref_squeeze %dma_wait3A_151 : memref<1x88xi32, #tpu.memory_space<vmem>> -> memref<88xi32, #tpu.memory_space<vmem>>
        %dma_wait3A_153 = arith.constant 0 : i32
        %dma_wait3A_154 = arith.constant 0 : i32
        %dma_wait3A_155 = tpu.memref_slice %arg7[%dma_wait3A_153, %dma_wait3A_154] : memref<10112x128xf32, #tpu.memory_space<vmem_shared>> -> memref<10112x128xf32, #tpu.memory_space<vmem_shared>>
        tpu.wait_indirect_dma semaphore(%arg18 : memref<!tpu.dma_semaphore, #tpu.memory_space<semaphore_mem>>) src(%arg12 : memref<88x128xf32, #tpu.memory_space<vmem>>) dst(%dma_wait3A_155 : memref<10112x128xf32, #tpu.memory_space<vmem_shared>>)
        %dma_start3A_156 = arith.constant 2 : i32
        %dma_start3A_157 = arith.constant 0 : i32
        %dma_start3A_158 = tpu.memref_slice %arg9[%dma_start3A_156, %dma_start3A_157] : memref<3x88xi32, #tpu.memory_space<vmem>> -> memref<1x88xi32, #tpu.memory_space<vmem>>
        %dma_start3A_159 = tpu.memref_squeeze %dma_start3A_158 : memref<1x88xi32, #tpu.memory_space<vmem>> -> memref<88xi32, #tpu.memory_space<vmem>>
        %dma_start3A_160 = arith.constant 0 : i32
        %dma_start3A_161 = arith.constant 0 : i32
        %dma_start3A_162 = tpu.memref_slice %arg4[%dma_start3A_160, %dma_start3A_161] : memref<10000x128xf32, #tpu.memory_space<hbm>> -> memref<10000x128xf32, #tpu.memory_space<hbm>>
        tpu.enqueue_indirect_dma source(%dma_start3A_162 : memref<10000x128xf32, #tpu.memory_space<hbm>>) target(%arg12 : memref<88x128xf32, #tpu.memory_space<vmem>>) offsets(%dma_start3A_159 : memref<88xi32, #tpu.memory_space<vmem>>) semaphore(%arg15 : memref<!tpu.dma_semaphore, #tpu.memory_space<semaphore_mem>>)
      } else {
      }
    }
    %scan3A_51 = arith.constant 38 : i32
    %dma_wait3A = arith.constant 0 : i32
    %dma_wait3A_52 = arith.constant 0 : i32
    %dma_wait3A_53 = tpu.memref_slice %arg8[%dma_wait3A, %dma_wait3A_52] : memref<114x88xi32, #tpu.memory_space<vmem>> -> memref<1x88xi32, #tpu.memory_space<vmem>>
    %dma_wait3A_54 = tpu.memref_squeeze %dma_wait3A_53 : memref<1x88xi32, #tpu.memory_space<vmem>> -> memref<88xi32, #tpu.memory_space<vmem>>
    %dma_wait3A_55 = arith.constant 0 : i32
    %dma_wait3A_56 = arith.constant 0 : i32
    %dma_wait3A_57 = tpu.memref_slice %arg7[%dma_wait3A_55, %dma_wait3A_56] : memref<10112x128xf32, #tpu.memory_space<vmem_shared>> -> memref<10112x128xf32, #tpu.memory_space<vmem_shared>>
    tpu.wait_indirect_dma semaphore(%arg16 : memref<!tpu.dma_semaphore, #tpu.memory_space<semaphore_mem>>) src(%arg10 : memref<88x128xf32, #tpu.memory_space<vmem>>) dst(%dma_wait3A_57 : memref<10112x128xf32, #tpu.memory_space<vmem_shared>>)
    %dma_wait3A_58 = arith.constant 0 : i32
    %dma_wait3A_59 = arith.constant 0 : i32
    %dma_wait3A_60 = tpu.memref_slice %arg8[%dma_wait3A_58, %dma_wait3A_59] : memref<114x88xi32, #tpu.memory_space<vmem>> -> memref<1x88xi32, #tpu.memory_space<vmem>>
    %dma_wait3A_61 = tpu.memref_squeeze %dma_wait3A_60 : memref<1x88xi32, #tpu.memory_space<vmem>> -> memref<88xi32, #tpu.memory_space<vmem>>
    %dma_wait3A_62 = arith.constant 0 : i32
    %dma_wait3A_63 = arith.constant 0 : i32
    %dma_wait3A_64 = tpu.memref_slice %arg7[%dma_wait3A_62, %dma_wait3A_63] : memref<10112x128xf32, #tpu.memory_space<vmem_shared>> -> memref<10112x128xf32, #tpu.memory_space<vmem_shared>>
    tpu.wait_indirect_dma semaphore(%arg17 : memref<!tpu.dma_semaphore, #tpu.memory_space<semaphore_mem>>) src(%arg11 : memref<88x128xf32, #tpu.memory_space<vmem>>) dst(%dma_wait3A_64 : memref<10112x128xf32, #tpu.memory_space<vmem_shared>>)
    %dma_wait3A_65 = arith.constant 0 : i32
    %dma_wait3A_66 = arith.constant 0 : i32
    %dma_wait3A_67 = tpu.memref_slice %arg8[%dma_wait3A_65, %dma_wait3A_66] : memref<114x88xi32, #tpu.memory_space<vmem>> -> memref<1x88xi32, #tpu.memory_space<vmem>>
    %dma_wait3A_68 = tpu.memref_squeeze %dma_wait3A_67 : memref<1x88xi32, #tpu.memory_space<vmem>> -> memref<88xi32, #tpu.memory_space<vmem>>
    %dma_wait3A_69 = arith.constant 0 : i32
    %dma_wait3A_70 = arith.constant 0 : i32
    %dma_wait3A_71 = tpu.memref_slice %arg7[%dma_wait3A_69, %dma_wait3A_70] : memref<10112x128xf32, #tpu.memory_space<vmem_shared>> -> memref<10112x128xf32, #tpu.memory_space<vmem_shared>>
    tpu.wait_indirect_dma semaphore(%arg18 : memref<!tpu.dma_semaphore, #tpu.memory_space<semaphore_mem>>) src(%arg12 : memref<88x128xf32, #tpu.memory_space<vmem>>) dst(%dma_wait3A_71 : memref<10112x128xf32, #tpu.memory_space<vmem_shared>>)
    %barrier3A_72 = arith.constant 0 : index
    tpu.barrier barrier_id(%barrier3A_72)
    %mul3A_73 = arith.constant 632 : i32
    %mul3A_74 = arith.muli %arg1, %mul3A_73 : i32
    %mul3A_75 = arith.constant 632 : i32
    %mul3A_76 = arith.muli %arg1, %mul3A_75 : i32
    "tpu.region"() ({
      %run_scoped3A_77 = tpu.sem_alloc : memref<!tpu.dma_semaphore, #tpu.memory_space<semaphore_mem>>
      %dma_start3A_78 = arith.constant 0 : i32
      %dma_start3A_79 = tpu.memref_slice %arg6[%arg0, %mul3A_76, %dma_start3A_78] : memref<2x10112x128xf32, #tpu.memory_space<hbm>> -> memref<1x632x128xf32, #tpu.memory_space<hbm>>
      %dma_start3A_80 = tpu.memref_squeeze %dma_start3A_79 : memref<1x632x128xf32, #tpu.memory_space<hbm>> -> memref<632x128xf32, #tpu.memory_space<hbm>>
      %dma_start3A_81 = arith.constant 0 : i32
      %dma_start3A_82 = tpu.memref_slice %arg7[%mul3A_74, %dma_start3A_81] : memref<10112x128xf32, #tpu.memory_space<vmem_shared>> -> memref<632x128xf32, #tpu.memory_space<vmem_shared>>
      tpu.enqueue_dma source(%dma_start3A_82 : memref<632x128xf32, #tpu.memory_space<vmem_shared>>) target(%dma_start3A_80 : memref<632x128xf32, #tpu.memory_space<hbm>>) target_semaphore(%run_scoped3A_77 : memref<!tpu.dma_semaphore, #tpu.memory_space<semaphore_mem>>)
      %dma_wait3A_83 = arith.constant 0 : i32
      %dma_wait3A_84 = tpu.memref_slice %arg6[%arg0, %mul3A_76, %dma_wait3A_83] : memref<2x10112x128xf32, #tpu.memory_space<hbm>> -> memref<1x632x128xf32, #tpu.memory_space<hbm>>
      %dma_wait3A_85 = tpu.memref_squeeze %dma_wait3A_84 : memref<1x632x128xf32, #tpu.memory_space<hbm>> -> memref<632x128xf32, #tpu.memory_space<hbm>>
      %dma_wait3A_86 = arith.constant 0 : i32
      %dma_wait3A_87 = tpu.memref_slice %arg7[%mul3A_74, %dma_wait3A_86] : memref<10112x128xf32, #tpu.memory_space<vmem_shared>> -> memref<632x128xf32, #tpu.memory_space<vmem_shared>>
      tpu.wait_dma2 semaphore(%run_scoped3A_77 : memref<!tpu.dma_semaphore, #tpu.memory_space<semaphore_mem>>) src(%dma_wait3A_87 : memref<632x128xf32, #tpu.memory_space<vmem_shared>>) dst(%dma_wait3A_85 : memref<632x128xf32, #tpu.memory_space<hbm>>)
      tpu.yield
    }) : () -> ()
    return
  }
}

#map = affine_map<(d0, d1) -> (0)>
#map1 = affine_map<(d0, d1) -> (0, 0, 0)>
#map2 = affine_map<(d0, d1) -> (0, 0)>
module attributes {stable_mosaic.version = 14 : i64} {
  func.func @agg_kernel(%arg0: i32, %arg1: i32, %arg2: memref<321024xi32, #tpu.memory_space<hbm>>, %arg3: memref<32x114x88xi32, #tpu.memory_space<hbm>>, %arg4: memref<10000x128xf32, #tpu.memory_space<hbm>>, %arg5: memref<10112x128xf32, #tpu.memory_space<hbm>>, %arg6: memref<2x10112x128xf32, #tpu.memory_space<hbm>>, %arg7: memref<10112x128xf32, #tpu.memory_space<vmem_shared>>, %arg8: memref<114x88xi32, #tpu.memory_space<vmem>>, %arg9: memref<3x88xi32, #tpu.memory_space<vmem>>, %arg10: memref<88x128xf32, #tpu.memory_space<vmem>>, %arg11: memref<88x128xf32, #tpu.memory_space<vmem>>, %arg12: memref<88x128xf32, #tpu.memory_space<vmem>>, %arg13: memref<!tpu.dma_semaphore, #tpu.memory_space<semaphore_mem>>, %arg14: memref<!tpu.dma_semaphore, #tpu.memory_space<semaphore_mem>>, %arg15: memref<!tpu.dma_semaphore, #tpu.memory_space<semaphore_mem>>, %arg16: memref<!tpu.dma_semaphore, #tpu.memory_space<semaphore_mem>>, %arg17: memref<!tpu.dma_semaphore, #tpu.memory_space<semaphore_mem>>, %arg18: memref<!tpu.dma_semaphore, #tpu.memory_space<semaphore_mem>>) attributes {dimension_semantics = [#tpu.dimension_semantics<core_parallel>, #tpu.dimension_semantics<subcore_parallel>], iteration_bounds = array<i64: 2, 16>, scalar_prefetch = 0 : i64, scratch_operands = 12 : i64, tpu.core_type = #tpu.core_type<sc_vector_subcore>, window_params = [{transform_indices = #map}, {transform_indices = #map1}, {transform_indices = #map2}, {transform_indices = #map2}, {transform_indices = #map1}]} {
    %mul3A = arith.constant 2 : i32
    %mul3A_0 = arith.muli %arg1, %mul3A : i32
    %add3A = arith.addi %mul3A_0, %arg0 : i32
    %mul3A_1 = arith.constant 10032 : i32
    %mul3A_2 = arith.muli %add3A, %mul3A_1 : i32
    "tpu.region"() ({
      %run_scoped3A_77 = tpu.sem_alloc : memref<!tpu.dma_semaphore, #tpu.memory_space<semaphore_mem>>
      %dma_start3A_78 = arith.constant 0 : i32
      %dma_start3A_79 = arith.constant 0 : i32
      %dma_start3A_80 = tpu.memref_slice %arg3[%add3A, %dma_start3A_78, %dma_start3A_79] : memref<32x114x88xi32, #tpu.memory_space<hbm>> -> memref<1x114x88xi32, #tpu.memory_space<hbm>>
      %dma_start3A_81 = tpu.memref_squeeze %dma_start3A_80 : memref<1x114x88xi32, #tpu.memory_space<hbm>> -> memref<114x88xi32, #tpu.memory_space<hbm>>
      %dma_start3A_82 = arith.constant 0 : i32
      %dma_start3A_83 = arith.constant 0 : i32
      %dma_start3A_84 = tpu.memref_slice %arg3[%add3A, %dma_start3A_82, %dma_start3A_83] : memref<32x114x88xi32, #tpu.memory_space<hbm>> -> memref<1x114x88xi32, #tpu.memory_space<hbm>>
      %dma_start3A_85 = tpu.memref_squeeze %dma_start3A_84 : memref<1x114x88xi32, #tpu.memory_space<hbm>> -> memref<114x88xi32, #tpu.memory_space<hbm>>
      tpu.enqueue_dma source(%dma_start3A_85 : memref<114x88xi32, #tpu.memory_space<hbm>>) target(%arg8 : memref<114x88xi32, #tpu.memory_space<vmem>>) target_semaphore(%run_scoped3A_77 : memref<!tpu.dma_semaphore, #tpu.memory_space<semaphore_mem>>)
      %dma_wait3A_86 = arith.constant 0 : i32
      %dma_wait3A_87 = arith.constant 0 : i32
      %dma_wait3A_88 = tpu.memref_slice %arg3[%add3A, %dma_wait3A_86, %dma_wait3A_87] : memref<32x114x88xi32, #tpu.memory_space<hbm>> -> memref<1x114x88xi32, #tpu.memory_space<hbm>>
      %dma_wait3A_89 = tpu.memref_squeeze %dma_wait3A_88 : memref<1x114x88xi32, #tpu.memory_space<hbm>> -> memref<114x88xi32, #tpu.memory_space<hbm>>
      %dma_wait3A_90 = arith.constant 0 : i32
      %dma_wait3A_91 = arith.constant 0 : i32
      %dma_wait3A_92 = tpu.memref_slice %arg3[%add3A, %dma_wait3A_90, %dma_wait3A_91] : memref<32x114x88xi32, #tpu.memory_space<hbm>> -> memref<1x114x88xi32, #tpu.memory_space<hbm>>
      %dma_wait3A_93 = tpu.memref_squeeze %dma_wait3A_92 : memref<1x114x88xi32, #tpu.memory_space<hbm>> -> memref<114x88xi32, #tpu.memory_space<hbm>>
      tpu.wait_dma2 semaphore(%run_scoped3A_77 : memref<!tpu.dma_semaphore, #tpu.memory_space<semaphore_mem>>) src(%dma_wait3A_93 : memref<114x88xi32, #tpu.memory_space<hbm>>) dst(%arg8 : memref<114x88xi32, #tpu.memory_space<vmem>>)
      tpu.yield
    }) : () -> ()
    %add3A_3 = arith.constant 0 : i32
    %add3A_4 = arith.addi %mul3A_2, %add3A_3 : i32
    %run_scoped3A = arith.constant 0 : i32
    "tpu.region"() ({
      %run_scoped3A_77 = tpu.sem_alloc : memref<!tpu.dma_semaphore, #tpu.memory_space<semaphore_mem>>
      %dma_start3A_78 = arith.constant 0 : i32
      %dma_start3A_79 = tpu.memref_slice %arg9[%run_scoped3A, %dma_start3A_78] : memref<3x88xi32, #tpu.memory_space<vmem>> -> memref<1x88xi32, #tpu.memory_space<vmem>>
      %dma_start3A_80 = tpu.memref_squeeze %dma_start3A_79 : memref<1x88xi32, #tpu.memory_space<vmem>> -> memref<88xi32, #tpu.memory_space<vmem>>
      %dma_start3A_81 = tpu.memref_slice %arg2[%add3A_4] : memref<321024xi32, #tpu.memory_space<hbm>> -> memref<88xi32, #tpu.memory_space<hbm>>
      %dma_start3A_82 = arith.constant 0 : i32
      %dma_start3A_83 = tpu.memref_slice %arg9[%run_scoped3A, %dma_start3A_82] : memref<3x88xi32, #tpu.memory_space<vmem>> -> memref<1x88xi32, #tpu.memory_space<vmem>>
      %dma_start3A_84 = tpu.memref_squeeze %dma_start3A_83 : memref<1x88xi32, #tpu.memory_space<vmem>> -> memref<88xi32, #tpu.memory_space<vmem>>
      %dma_start3A_85 = tpu.memref_slice %arg2[%add3A_4] : memref<321024xi32, #tpu.memory_space<hbm>> -> memref<88xi32, #tpu.memory_space<hbm>>
      tpu.enqueue_dma source(%dma_start3A_85 : memref<88xi32, #tpu.memory_space<hbm>>) target(%dma_start3A_84 : memref<88xi32, #tpu.memory_space<vmem>>) target_semaphore(%run_scoped3A_77 : memref<!tpu.dma_semaphore, #tpu.memory_space<semaphore_mem>>)
      %dma_wait3A_86 = arith.constant 0 : i32
      %dma_wait3A_87 = tpu.memref_slice %arg9[%run_scoped3A, %dma_wait3A_86] : memref<3x88xi32, #tpu.memory_space<vmem>> -> memref<1x88xi32, #tpu.memory_space<vmem>>
      %dma_wait3A_88 = tpu.memref_squeeze %dma_wait3A_87 : memref<1x88xi32, #tpu.memory_space<vmem>> -> memref<88xi32, #tpu.memory_space<vmem>>
      %dma_wait3A_89 = tpu.memref_slice %arg2[%add3A_4] : memref<321024xi32, #tpu.memory_space<hbm>> -> memref<88xi32, #tpu.memory_space<hbm>>
      %dma_wait3A_90 = arith.constant 0 : i32
      %dma_wait3A_91 = tpu.memref_slice %arg9[%run_scoped3A, %dma_wait3A_90] : memref<3x88xi32, #tpu.memory_space<vmem>> -> memref<1x88xi32, #tpu.memory_space<vmem>>
      %dma_wait3A_92 = tpu.memref_squeeze %dma_wait3A_91 : memref<1x88xi32, #tpu.memory_space<vmem>> -> memref<88xi32, #tpu.memory_space<vmem>>
      %dma_wait3A_93 = tpu.memref_slice %arg2[%add3A_4] : memref<321024xi32, #tpu.memory_space<hbm>> -> memref<88xi32, #tpu.memory_space<hbm>>
      tpu.wait_dma2 semaphore(%run_scoped3A_77 : memref<!tpu.dma_semaphore, #tpu.memory_space<semaphore_mem>>) src(%dma_wait3A_93 : memref<88xi32, #tpu.memory_space<hbm>>) dst(%dma_wait3A_92 : memref<88xi32, #tpu.memory_space<vmem>>)
      tpu.yield
    }) : () -> ()
    %dma_start3A = arith.constant 0 : i32
    %dma_start3A_5 = arith.constant 0 : i32
    %dma_start3A_6 = tpu.memref_slice %arg9[%dma_start3A, %dma_start3A_5] : memref<3x88xi32, #tpu.memory_space<vmem>> -> memref<1x88xi32, #tpu.memory_space<vmem>>
    %dma_start3A_7 = tpu.memref_squeeze %dma_start3A_6 : memref<1x88xi32, #tpu.memory_space<vmem>> -> memref<88xi32, #tpu.memory_space<vmem>>
    %dma_start3A_8 = arith.constant 0 : i32
    %dma_start3A_9 = arith.constant 0 : i32
    %dma_start3A_10 = tpu.memref_slice %arg4[%dma_start3A_8, %dma_start3A_9] : memref<10000x128xf32, #tpu.memory_space<hbm>> -> memref<10000x128xf32, #tpu.memory_space<hbm>>
    tpu.enqueue_indirect_dma source(%dma_start3A_10 : memref<10000x128xf32, #tpu.memory_space<hbm>>) target(%arg10 : memref<88x128xf32, #tpu.memory_space<vmem>>) offsets(%dma_start3A_7 : memref<88xi32, #tpu.memory_space<vmem>>) semaphore(%arg13 : memref<!tpu.dma_semaphore, #tpu.memory_space<semaphore_mem>>)
    %add3A_11 = arith.constant 88 : i32
    %add3A_12 = arith.addi %mul3A_2, %add3A_11 : i32
    %run_scoped3A_13 = arith.constant 1 : i32
    "tpu.region"() ({
      %run_scoped3A_77 = tpu.sem_alloc : memref<!tpu.dma_semaphore, #tpu.memory_space<semaphore_mem>>
      %dma_start3A_78 = arith.constant 0 : i32
      %dma_start3A_79 = tpu.memref_slice %arg9[%run_scoped3A_13, %dma_start3A_78] : memref<3x88xi32, #tpu.memory_space<vmem>> -> memref<1x88xi32, #tpu.memory_space<vmem>>
      %dma_start3A_80 = tpu.memref_squeeze %dma_start3A_79 : memref<1x88xi32, #tpu.memory_space<vmem>> -> memref<88xi32, #tpu.memory_space<vmem>>
      %dma_start3A_81 = tpu.memref_slice %arg2[%add3A_12] : memref<321024xi32, #tpu.memory_space<hbm>> -> memref<88xi32, #tpu.memory_space<hbm>>
      %dma_start3A_82 = arith.constant 0 : i32
      %dma_start3A_83 = tpu.memref_slice %arg9[%run_scoped3A_13, %dma_start3A_82] : memref<3x88xi32, #tpu.memory_space<vmem>> -> memref<1x88xi32, #tpu.memory_space<vmem>>
      %dma_start3A_84 = tpu.memref_squeeze %dma_start3A_83 : memref<1x88xi32, #tpu.memory_space<vmem>> -> memref<88xi32, #tpu.memory_space<vmem>>
      %dma_start3A_85 = tpu.memref_slice %arg2[%add3A_12] : memref<321024xi32, #tpu.memory_space<hbm>> -> memref<88xi32, #tpu.memory_space<hbm>>
      tpu.enqueue_dma source(%dma_start3A_85 : memref<88xi32, #tpu.memory_space<hbm>>) target(%dma_start3A_84 : memref<88xi32, #tpu.memory_space<vmem>>) target_semaphore(%run_scoped3A_77 : memref<!tpu.dma_semaphore, #tpu.memory_space<semaphore_mem>>)
      %dma_wait3A_86 = arith.constant 0 : i32
      %dma_wait3A_87 = tpu.memref_slice %arg9[%run_scoped3A_13, %dma_wait3A_86] : memref<3x88xi32, #tpu.memory_space<vmem>> -> memref<1x88xi32, #tpu.memory_space<vmem>>
      %dma_wait3A_88 = tpu.memref_squeeze %dma_wait3A_87 : memref<1x88xi32, #tpu.memory_space<vmem>> -> memref<88xi32, #tpu.memory_space<vmem>>
      %dma_wait3A_89 = tpu.memref_slice %arg2[%add3A_12] : memref<321024xi32, #tpu.memory_space<hbm>> -> memref<88xi32, #tpu.memory_space<hbm>>
      %dma_wait3A_90 = arith.constant 0 : i32
      %dma_wait3A_91 = tpu.memref_slice %arg9[%run_scoped3A_13, %dma_wait3A_90] : memref<3x88xi32, #tpu.memory_space<vmem>> -> memref<1x88xi32, #tpu.memory_space<vmem>>
      %dma_wait3A_92 = tpu.memref_squeeze %dma_wait3A_91 : memref<1x88xi32, #tpu.memory_space<vmem>> -> memref<88xi32, #tpu.memory_space<vmem>>
      %dma_wait3A_93 = tpu.memref_slice %arg2[%add3A_12] : memref<321024xi32, #tpu.memory_space<hbm>> -> memref<88xi32, #tpu.memory_space<hbm>>
      tpu.wait_dma2 semaphore(%run_scoped3A_77 : memref<!tpu.dma_semaphore, #tpu.memory_space<semaphore_mem>>) src(%dma_wait3A_93 : memref<88xi32, #tpu.memory_space<hbm>>) dst(%dma_wait3A_92 : memref<88xi32, #tpu.memory_space<vmem>>)
      tpu.yield
    }) : () -> ()
    %dma_start3A_14 = arith.constant 1 : i32
    %dma_start3A_15 = arith.constant 0 : i32
    %dma_start3A_16 = tpu.memref_slice %arg9[%dma_start3A_14, %dma_start3A_15] : memref<3x88xi32, #tpu.memory_space<vmem>> -> memref<1x88xi32, #tpu.memory_space<vmem>>
    %dma_start3A_17 = tpu.memref_squeeze %dma_start3A_16 : memref<1x88xi32, #tpu.memory_space<vmem>> -> memref<88xi32, #tpu.memory_space<vmem>>
    %dma_start3A_18 = arith.constant 0 : i32
    %dma_start3A_19 = arith.constant 0 : i32
    %dma_start3A_20 = tpu.memref_slice %arg4[%dma_start3A_18, %dma_start3A_19] : memref<10000x128xf32, #tpu.memory_space<hbm>> -> memref<10000x128xf32, #tpu.memory_space<hbm>>
    tpu.enqueue_indirect_dma source(%dma_start3A_20 : memref<10000x128xf32, #tpu.memory_space<hbm>>) target(%arg11 : memref<88x128xf32, #tpu.memory_space<vmem>>) offsets(%dma_start3A_17 : memref<88xi32, #tpu.memory_space<vmem>>) semaphore(%arg14 : memref<!tpu.dma_semaphore, #tpu.memory_space<semaphore_mem>>)
    %add3A_21 = arith.constant 176 : i32
    %add3A_22 = arith.addi %mul3A_2, %add3A_21 : i32
    %run_scoped3A_23 = arith.constant 2 : i32
    "tpu.region"() ({
      %run_scoped3A_77 = tpu.sem_alloc : memref<!tpu.dma_semaphore, #tpu.memory_space<semaphore_mem>>
      %dma_start3A_78 = arith.constant 0 : i32
      %dma_start3A_79 = tpu.memref_slice %arg9[%run_scoped3A_23, %dma_start3A_78] : memref<3x88xi32, #tpu.memory_space<vmem>> -> memref<1x88xi32, #tpu.memory_space<vmem>>
      %dma_start3A_80 = tpu.memref_squeeze %dma_start3A_79 : memref<1x88xi32, #tpu.memory_space<vmem>> -> memref<88xi32, #tpu.memory_space<vmem>>
      %dma_start3A_81 = tpu.memref_slice %arg2[%add3A_22] : memref<321024xi32, #tpu.memory_space<hbm>> -> memref<88xi32, #tpu.memory_space<hbm>>
      %dma_start3A_82 = arith.constant 0 : i32
      %dma_start3A_83 = tpu.memref_slice %arg9[%run_scoped3A_23, %dma_start3A_82] : memref<3x88xi32, #tpu.memory_space<vmem>> -> memref<1x88xi32, #tpu.memory_space<vmem>>
      %dma_start3A_84 = tpu.memref_squeeze %dma_start3A_83 : memref<1x88xi32, #tpu.memory_space<vmem>> -> memref<88xi32, #tpu.memory_space<vmem>>
      %dma_start3A_85 = tpu.memref_slice %arg2[%add3A_22] : memref<321024xi32, #tpu.memory_space<hbm>> -> memref<88xi32, #tpu.memory_space<hbm>>
      tpu.enqueue_dma source(%dma_start3A_85 : memref<88xi32, #tpu.memory_space<hbm>>) target(%dma_start3A_84 : memref<88xi32, #tpu.memory_space<vmem>>) target_semaphore(%run_scoped3A_77 : memref<!tpu.dma_semaphore, #tpu.memory_space<semaphore_mem>>)
      %dma_wait3A_86 = arith.constant 0 : i32
      %dma_wait3A_87 = tpu.memref_slice %arg9[%run_scoped3A_23, %dma_wait3A_86] : memref<3x88xi32, #tpu.memory_space<vmem>> -> memref<1x88xi32, #tpu.memory_space<vmem>>
      %dma_wait3A_88 = tpu.memref_squeeze %dma_wait3A_87 : memref<1x88xi32, #tpu.memory_space<vmem>> -> memref<88xi32, #tpu.memory_space<vmem>>
      %dma_wait3A_89 = tpu.memref_slice %arg2[%add3A_22] : memref<321024xi32, #tpu.memory_space<hbm>> -> memref<88xi32, #tpu.memory_space<hbm>>
      %dma_wait3A_90 = arith.constant 0 : i32
      %dma_wait3A_91 = tpu.memref_slice %arg9[%run_scoped3A_23, %dma_wait3A_90] : memref<3x88xi32, #tpu.memory_space<vmem>> -> memref<1x88xi32, #tpu.memory_space<vmem>>
      %dma_wait3A_92 = tpu.memref_squeeze %dma_wait3A_91 : memref<1x88xi32, #tpu.memory_space<vmem>> -> memref<88xi32, #tpu.memory_space<vmem>>
      %dma_wait3A_93 = tpu.memref_slice %arg2[%add3A_22] : memref<321024xi32, #tpu.memory_space<hbm>> -> memref<88xi32, #tpu.memory_space<hbm>>
      tpu.wait_dma2 semaphore(%run_scoped3A_77 : memref<!tpu.dma_semaphore, #tpu.memory_space<semaphore_mem>>) src(%dma_wait3A_93 : memref<88xi32, #tpu.memory_space<hbm>>) dst(%dma_wait3A_92 : memref<88xi32, #tpu.memory_space<vmem>>)
      tpu.yield
    }) : () -> ()
    %dma_start3A_24 = arith.constant 2 : i32
    %dma_start3A_25 = arith.constant 0 : i32
    %dma_start3A_26 = tpu.memref_slice %arg9[%dma_start3A_24, %dma_start3A_25] : memref<3x88xi32, #tpu.memory_space<vmem>> -> memref<1x88xi32, #tpu.memory_space<vmem>>
    %dma_start3A_27 = tpu.memref_squeeze %dma_start3A_26 : memref<1x88xi32, #tpu.memory_space<vmem>> -> memref<88xi32, #tpu.memory_space<vmem>>
    %dma_start3A_28 = arith.constant 0 : i32
    %dma_start3A_29 = arith.constant 0 : i32
    %dma_start3A_30 = tpu.memref_slice %arg4[%dma_start3A_28, %dma_start3A_29] : memref<10000x128xf32, #tpu.memory_space<hbm>> -> memref<10000x128xf32, #tpu.memory_space<hbm>>
    tpu.enqueue_indirect_dma source(%dma_start3A_30 : memref<10000x128xf32, #tpu.memory_space<hbm>>) target(%arg12 : memref<88x128xf32, #tpu.memory_space<vmem>>) offsets(%dma_start3A_27 : memref<88xi32, #tpu.memory_space<vmem>>) semaphore(%arg15 : memref<!tpu.dma_semaphore, #tpu.memory_space<semaphore_mem>>)
    %eq3A = arith.constant 0 : i32
    %eq3A_31 = arith.cmpi eq, %arg0, %eq3A : i32
    %lt3A = arith.constant 15 : i32
    %lt3A_32 = arith.cmpi slt, %arg1, %lt3A : i32
    %and3A = arith.andi %eq3A_31, %lt3A_32 : i1
    %convert_element_type3A = arith.extui %and3A : i1 to i32
    %cond3A = arith.constant 0 : i32
    %cond3A_33 = arith.cmpi ne, %convert_element_type3A, %cond3A : i32
    scf.if %cond3A_33 {
      %mul3A_77 = arith.constant 632 : i32
      %mul3A_78 = arith.muli %arg1, %mul3A_77 : i32
      %mul3A_79 = arith.constant 632 : i32
      %mul3A_80 = arith.muli %arg1, %mul3A_79 : i32
      "tpu.region"() ({
        %run_scoped3A_81 = tpu.sem_alloc : memref<!tpu.dma_semaphore, #tpu.memory_space<semaphore_mem>>
        %dma_start3A_82 = arith.constant 0 : i32
        %dma_start3A_83 = tpu.memref_slice %arg7[%mul3A_80, %dma_start3A_82] : memref<10112x128xf32, #tpu.memory_space<vmem_shared>> -> memref<632x128xf32, #tpu.memory_space<vmem_shared>>
        %dma_start3A_84 = arith.constant 0 : i32
        %dma_start3A_85 = tpu.memref_slice %arg4[%mul3A_78, %dma_start3A_84] : memref<10000x128xf32, #tpu.memory_space<hbm>> -> memref<632x128xf32, #tpu.memory_space<hbm>>
        tpu.enqueue_dma source(%dma_start3A_85 : memref<632x128xf32, #tpu.memory_space<hbm>>) target(%dma_start3A_83 : memref<632x128xf32, #tpu.memory_space<vmem_shared>>) target_semaphore(%run_scoped3A_81 : memref<!tpu.dma_semaphore, #tpu.memory_space<semaphore_mem>>)
        %dma_wait3A_86 = arith.constant 0 : i32
        %dma_wait3A_87 = tpu.memref_slice %arg7[%mul3A_80, %dma_wait3A_86] : memref<10112x128xf32, #tpu.memory_space<vmem_shared>> -> memref<632x128xf32, #tpu.memory_space<vmem_shared>>
        %dma_wait3A_88 = arith.constant 0 : i32
        %dma_wait3A_89 = tpu.memref_slice %arg4[%mul3A_78, %dma_wait3A_88] : memref<10000x128xf32, #tpu.memory_space<hbm>> -> memref<632x128xf32, #tpu.memory_space<hbm>>
        tpu.wait_dma2 semaphore(%run_scoped3A_81 : memref<!tpu.dma_semaphore, #tpu.memory_space<semaphore_mem>>) src(%dma_wait3A_89 : memref<632x128xf32, #tpu.memory_space<hbm>>) dst(%dma_wait3A_87 : memref<632x128xf32, #tpu.memory_space<vmem_shared>>)
        tpu.yield
      }) : () -> ()
    } else {
    }
    %eq3A_34 = arith.constant 0 : i32
    %eq3A_35 = arith.cmpi eq, %arg0, %eq3A_34 : i32
    %eq3A_36 = arith.constant 15 : i32
    %eq3A_37 = arith.cmpi eq, %arg1, %eq3A_36 : i32
    %and3A_38 = arith.andi %eq3A_35, %eq3A_37 : i1
    %convert_element_type3A_39 = arith.extui %and3A_38 : i1 to i32
    %cond3A_40 = arith.constant 0 : i32
    %cond3A_41 = arith.cmpi ne, %convert_element_type3A_39, %cond3A_40 : i32
    scf.if %cond3A_41 {
      %mul3A_77 = arith.constant 632 : i32
      %mul3A_78 = arith.muli %arg1, %mul3A_77 : i32
      %mul3A_79 = arith.constant 632 : i32
      %mul3A_80 = arith.muli %arg1, %mul3A_79 : i32
      "tpu.region"() ({
        %run_scoped3A_89 = tpu.sem_alloc : memref<!tpu.dma_semaphore, #tpu.memory_space<semaphore_mem>>
        %dma_start3A_90 = arith.constant 0 : i32
        %dma_start3A_91 = tpu.memref_slice %arg7[%mul3A_80, %dma_start3A_90] : memref<10112x128xf32, #tpu.memory_space<vmem_shared>> -> memref<520x128xf32, #tpu.memory_space<vmem_shared>>
        %dma_start3A_92 = arith.constant 0 : i32
        %dma_start3A_93 = tpu.memref_slice %arg4[%mul3A_78, %dma_start3A_92] : memref<10000x128xf32, #tpu.memory_space<hbm>> -> memref<520x128xf32, #tpu.memory_space<hbm>>
        tpu.enqueue_dma source(%dma_start3A_93 : memref<520x128xf32, #tpu.memory_space<hbm>>) target(%dma_start3A_91 : memref<520x128xf32, #tpu.memory_space<vmem_shared>>) target_semaphore(%run_scoped3A_89 : memref<!tpu.dma_semaphore, #tpu.memory_space<semaphore_mem>>)
        %dma_wait3A_94 = arith.constant 0 : i32
        %dma_wait3A_95 = tpu.memref_slice %arg7[%mul3A_80, %dma_wait3A_94] : memref<10112x128xf32, #tpu.memory_space<vmem_shared>> -> memref<520x128xf32, #tpu.memory_space<vmem_shared>>
        %dma_wait3A_96 = arith.constant 0 : i32
        %dma_wait3A_97 = tpu.memref_slice %arg4[%mul3A_78, %dma_wait3A_96] : memref<10000x128xf32, #tpu.memory_space<hbm>> -> memref<520x128xf32, #tpu.memory_space<hbm>>
        tpu.wait_dma2 semaphore(%run_scoped3A_89 : memref<!tpu.dma_semaphore, #tpu.memory_space<semaphore_mem>>) src(%dma_wait3A_97 : memref<520x128xf32, #tpu.memory_space<hbm>>) dst(%dma_wait3A_95 : memref<520x128xf32, #tpu.memory_space<vmem_shared>>)
        tpu.yield
      }) : () -> ()
      %mul3A_81 = arith.constant 632 : i32
      %mul3A_82 = arith.muli %arg1, %mul3A_81 : i32
      %add3A_83 = arith.constant 520 : i32
      %add3A_84 = arith.addi %mul3A_82, %add3A_83 : i32
      %mul3A_85 = arith.constant 632 : i32
      %mul3A_86 = arith.muli %arg1, %mul3A_85 : i32
      %add3A_87 = arith.constant 520 : i32
      %add3A_88 = arith.addi %mul3A_86, %add3A_87 : i32
      "tpu.region"() ({
        %run_scoped3A_89 = tpu.sem_alloc : memref<!tpu.dma_semaphore, #tpu.memory_space<semaphore_mem>>
        %dma_start3A_90 = arith.constant 0 : i32
        %dma_start3A_91 = tpu.memref_slice %arg7[%add3A_88, %dma_start3A_90] : memref<10112x128xf32, #tpu.memory_space<vmem_shared>> -> memref<112x128xf32, #tpu.memory_space<vmem_shared>>
        %dma_start3A_92 = arith.constant 0 : i32
        %dma_start3A_93 = tpu.memref_slice %arg5[%add3A_84, %dma_start3A_92] : memref<10112x128xf32, #tpu.memory_space<hbm>> -> memref<112x128xf32, #tpu.memory_space<hbm>>
        tpu.enqueue_dma source(%dma_start3A_93 : memref<112x128xf32, #tpu.memory_space<hbm>>) target(%dma_start3A_91 : memref<112x128xf32, #tpu.memory_space<vmem_shared>>) target_semaphore(%run_scoped3A_89 : memref<!tpu.dma_semaphore, #tpu.memory_space<semaphore_mem>>)
        %dma_wait3A_94 = arith.constant 0 : i32
        %dma_wait3A_95 = tpu.memref_slice %arg7[%add3A_88, %dma_wait3A_94] : memref<10112x128xf32, #tpu.memory_space<vmem_shared>> -> memref<112x128xf32, #tpu.memory_space<vmem_shared>>
        %dma_wait3A_96 = arith.constant 0 : i32
        %dma_wait3A_97 = tpu.memref_slice %arg5[%add3A_84, %dma_wait3A_96] : memref<10112x128xf32, #tpu.memory_space<hbm>> -> memref<112x128xf32, #tpu.memory_space<hbm>>
        tpu.wait_dma2 semaphore(%run_scoped3A_89 : memref<!tpu.dma_semaphore, #tpu.memory_space<semaphore_mem>>) src(%dma_wait3A_97 : memref<112x128xf32, #tpu.memory_space<hbm>>) dst(%dma_wait3A_95 : memref<112x128xf32, #tpu.memory_space<vmem_shared>>)
        tpu.yield
      }) : () -> ()
    } else {
    }
    %eq3A_42 = arith.constant 1 : i32
    %eq3A_43 = arith.cmpi eq, %arg0, %eq3A_42 : i32
    %convert_element_type3A_44 = arith.extui %eq3A_43 : i1 to i32
    %cond3A_45 = arith.constant 0 : i32
    %cond3A_46 = arith.cmpi ne, %convert_element_type3A_44, %cond3A_45 : i32
    scf.if %cond3A_46 {
      %mul3A_77 = arith.constant 632 : i32
      %mul3A_78 = arith.muli %arg1, %mul3A_77 : i32
      %mul3A_79 = arith.constant 632 : i32
      %mul3A_80 = arith.muli %arg1, %mul3A_79 : i32
      "tpu.region"() ({
        %run_scoped3A_81 = tpu.sem_alloc : memref<!tpu.dma_semaphore, #tpu.memory_space<semaphore_mem>>
        %dma_start3A_82 = arith.constant 0 : i32
        %dma_start3A_83 = tpu.memref_slice %arg7[%mul3A_80, %dma_start3A_82] : memref<10112x128xf32, #tpu.memory_space<vmem_shared>> -> memref<632x128xf32, #tpu.memory_space<vmem_shared>>
        %dma_start3A_84 = arith.constant 0 : i32
        %dma_start3A_85 = tpu.memref_slice %arg5[%mul3A_78, %dma_start3A_84] : memref<10112x128xf32, #tpu.memory_space<hbm>> -> memref<632x128xf32, #tpu.memory_space<hbm>>
        tpu.enqueue_dma source(%dma_start3A_85 : memref<632x128xf32, #tpu.memory_space<hbm>>) target(%dma_start3A_83 : memref<632x128xf32, #tpu.memory_space<vmem_shared>>) target_semaphore(%run_scoped3A_81 : memref<!tpu.dma_semaphore, #tpu.memory_space<semaphore_mem>>)
        %dma_wait3A_86 = arith.constant 0 : i32
        %dma_wait3A_87 = tpu.memref_slice %arg7[%mul3A_80, %dma_wait3A_86] : memref<10112x128xf32, #tpu.memory_space<vmem_shared>> -> memref<632x128xf32, #tpu.memory_space<vmem_shared>>
        %dma_wait3A_88 = arith.constant 0 : i32
        %dma_wait3A_89 = tpu.memref_slice %arg5[%mul3A_78, %dma_wait3A_88] : memref<10112x128xf32, #tpu.memory_space<hbm>> -> memref<632x128xf32, #tpu.memory_space<hbm>>
        tpu.wait_dma2 semaphore(%run_scoped3A_81 : memref<!tpu.dma_semaphore, #tpu.memory_space<semaphore_mem>>) src(%dma_wait3A_89 : memref<632x128xf32, #tpu.memory_space<hbm>>) dst(%dma_wait3A_87 : memref<632x128xf32, #tpu.memory_space<vmem_shared>>)
        tpu.yield
      }) : () -> ()
    } else {
    }
    %barrier3A = arith.constant 0 : index
    tpu.barrier barrier_id(%barrier3A)
    %scan3A = arith.constant 0 : i32
    %scan3A_47 = arith.constant 0 : i32
    %scan3A_48 = arith.constant 38 : i32
    %scan3A_49 = arith.addi %scan3A_47, %scan3A_48 : i32
    %scan3A_50 = arith.constant 1 : i32
    scf.for %scan3A_77 = %scan3A_47 to %scan3A_49 step %scan3A_50  : i32 {
      %mul3A_78 = arith.constant 3 : i32
      %mul3A_79 = arith.muli %scan3A_77, %mul3A_78 : i32
      %add3A_80 = arith.constant 0 : i32
      %add3A_81 = arith.addi %mul3A_79, %add3A_80 : i32
      %dma_wait3A_82 = arith.constant 0 : i32
      %dma_wait3A_83 = arith.constant 0 : i32
      %dma_wait3A_84 = tpu.memref_slice %arg9[%dma_wait3A_82, %dma_wait3A_83] : memref<3x88xi32, #tpu.memory_space<vmem>> -> memref<1x88xi32, #tpu.memory_space<vmem>>
      %dma_wait3A_85 = tpu.memref_squeeze %dma_wait3A_84 : memref<1x88xi32, #tpu.memory_space<vmem>> -> memref<88xi32, #tpu.memory_space<vmem>>
      %dma_wait3A_86 = arith.constant 0 : i32
      %dma_wait3A_87 = arith.constant 0 : i32
      %dma_wait3A_88 = tpu.memref_slice %arg4[%dma_wait3A_86, %dma_wait3A_87] : memref<10000x128xf32, #tpu.memory_space<hbm>> -> memref<10000x128xf32, #tpu.memory_space<hbm>>
      tpu.wait_indirect_dma semaphore(%arg13 : memref<!tpu.dma_semaphore, #tpu.memory_space<semaphore_mem>>) src(%dma_wait3A_88 : memref<10000x128xf32, #tpu.memory_space<hbm>>) dst(%arg10 : memref<88x128xf32, #tpu.memory_space<vmem>>)
      %dma_start3A_89 = arith.constant 0 : i32
      %dma_start3A_90 = tpu.memref_slice %arg8[%add3A_81, %dma_start3A_89] : memref<114x88xi32, #tpu.memory_space<vmem>> -> memref<1x88xi32, #tpu.memory_space<vmem>>
      %dma_start3A_91 = tpu.memref_squeeze %dma_start3A_90 : memref<1x88xi32, #tpu.memory_space<vmem>> -> memref<88xi32, #tpu.memory_space<vmem>>
      %dma_start3A_92 = arith.constant 0 : i32
      %dma_start3A_93 = arith.constant 0 : i32
      %dma_start3A_94 = tpu.memref_slice %arg7[%dma_start3A_92, %dma_start3A_93] : memref<10112x128xf32, #tpu.memory_space<vmem_shared>> -> memref<10112x128xf32, #tpu.memory_space<vmem_shared>>
      tpu.enqueue_indirect_dma source(%arg10 : memref<88x128xf32, #tpu.memory_space<vmem>>) target(%dma_start3A_94 : memref<10112x128xf32, #tpu.memory_space<vmem_shared>>) offsets(%dma_start3A_91 : memref<88xi32, #tpu.memory_space<vmem>>) semaphore(%arg16 : memref<!tpu.dma_semaphore, #tpu.memory_space<semaphore_mem>>) {add = true}
      %lt3A_95 = arith.constant 37 : i32
      %lt3A_96 = arith.cmpi slt, %scan3A_77, %lt3A_95 : i32
      %convert_element_type3A_97 = arith.extui %lt3A_96 : i1 to i32
      %cond3A_98 = arith.constant 0 : i32
      %cond3A_99 = arith.cmpi ne, %convert_element_type3A_97, %cond3A_98 : i32
      scf.if %cond3A_99 {
        %add3A_144 = arith.constant 3 : i32
        %add3A_145 = arith.addi %add3A_81, %add3A_144 : i32
        %mul3A_146 = arith.constant 88 : i32
        %mul3A_147 = arith.muli %add3A_145, %mul3A_146 : i32
        %add3A_148 = arith.addi %mul3A_2, %mul3A_147 : i32
        %run_scoped3A_149 = arith.constant 0 : i32
        "tpu.region"() ({
          %run_scoped3A_163 = tpu.sem_alloc : memref<!tpu.dma_semaphore, #tpu.memory_space<semaphore_mem>>
          %dma_start3A_164 = arith.constant 0 : i32
          %dma_start3A_165 = tpu.memref_slice %arg9[%run_scoped3A_149, %dma_start3A_164] : memref<3x88xi32, #tpu.memory_space<vmem>> -> memref<1x88xi32, #tpu.memory_space<vmem>>
          %dma_start3A_166 = tpu.memref_squeeze %dma_start3A_165 : memref<1x88xi32, #tpu.memory_space<vmem>> -> memref<88xi32, #tpu.memory_space<vmem>>
          %dma_start3A_167 = tpu.memref_slice %arg2[%add3A_148] : memref<321024xi32, #tpu.memory_space<hbm>> -> memref<88xi32, #tpu.memory_space<hbm>>
          %dma_start3A_168 = arith.constant 0 : i32
          %dma_start3A_169 = tpu.memref_slice %arg9[%run_scoped3A_149, %dma_start3A_168] : memref<3x88xi32, #tpu.memory_space<vmem>> -> memref<1x88xi32, #tpu.memory_space<vmem>>
          %dma_start3A_170 = tpu.memref_squeeze %dma_start3A_169 : memref<1x88xi32, #tpu.memory_space<vmem>> -> memref<88xi32, #tpu.memory_space<vmem>>
          %dma_start3A_171 = tpu.memref_slice %arg2[%add3A_148] : memref<321024xi32, #tpu.memory_space<hbm>> -> memref<88xi32, #tpu.memory_space<hbm>>
          tpu.enqueue_dma source(%dma_start3A_171 : memref<88xi32, #tpu.memory_space<hbm>>) target(%dma_start3A_170 : memref<88xi32, #tpu.memory_space<vmem>>) target_semaphore(%run_scoped3A_163 : memref<!tpu.dma_semaphore, #tpu.memory_space<semaphore_mem>>)
          %dma_wait3A_172 = arith.constant 0 : i32
          %dma_wait3A_173 = tpu.memref_slice %arg9[%run_scoped3A_149, %dma_wait3A_172] : memref<3x88xi32, #tpu.memory_space<vmem>> -> memref<1x88xi32, #tpu.memory_space<vmem>>
          %dma_wait3A_174 = tpu.memref_squeeze %dma_wait3A_173 : memref<1x88xi32, #tpu.memory_space<vmem>> -> memref<88xi32, #tpu.memory_space<vmem>>
          %dma_wait3A_175 = tpu.memref_slice %arg2[%add3A_148] : memref<321024xi32, #tpu.memory_space<hbm>> -> memref<88xi32, #tpu.memory_space<hbm>>
          %dma_wait3A_176 = arith.constant 0 : i32
          %dma_wait3A_177 = tpu.memref_slice %arg9[%run_scoped3A_149, %dma_wait3A_176] : memref<3x88xi32, #tpu.memory_space<vmem>> -> memref<1x88xi32, #tpu.memory_space<vmem>>
          %dma_wait3A_178 = tpu.memref_squeeze %dma_wait3A_177 : memref<1x88xi32, #tpu.memory_space<vmem>> -> memref<88xi32, #tpu.memory_space<vmem>>
          %dma_wait3A_179 = tpu.memref_slice %arg2[%add3A_148] : memref<321024xi32, #tpu.memory_space<hbm>> -> memref<88xi32, #tpu.memory_space<hbm>>
          tpu.wait_dma2 semaphore(%run_scoped3A_163 : memref<!tpu.dma_semaphore, #tpu.memory_space<semaphore_mem>>) src(%dma_wait3A_179 : memref<88xi32, #tpu.memory_space<hbm>>) dst(%dma_wait3A_178 : memref<88xi32, #tpu.memory_space<vmem>>)
          tpu.yield
        }) : () -> ()
        %dma_wait3A_150 = arith.constant 0 : i32
        %dma_wait3A_151 = tpu.memref_slice %arg8[%add3A_81, %dma_wait3A_150] : memref<114x88xi32, #tpu.memory_space<vmem>> -> memref<1x88xi32, #tpu.memory_space<vmem>>
        %dma_wait3A_152 = tpu.memref_squeeze %dma_wait3A_151 : memref<1x88xi32, #tpu.memory_space<vmem>> -> memref<88xi32, #tpu.memory_space<vmem>>
        %dma_wait3A_153 = arith.constant 0 : i32
        %dma_wait3A_154 = arith.constant 0 : i32
        %dma_wait3A_155 = tpu.memref_slice %arg7[%dma_wait3A_153, %dma_wait3A_154] : memref<10112x128xf32, #tpu.memory_space<vmem_shared>> -> memref<10112x128xf32, #tpu.memory_space<vmem_shared>>
        tpu.wait_indirect_dma semaphore(%arg16 : memref<!tpu.dma_semaphore, #tpu.memory_space<semaphore_mem>>) src(%arg10 : memref<88x128xf32, #tpu.memory_space<vmem>>) dst(%dma_wait3A_155 : memref<10112x128xf32, #tpu.memory_space<vmem_shared>>)
        %dma_start3A_156 = arith.constant 0 : i32
        %dma_start3A_157 = arith.constant 0 : i32
        %dma_start3A_158 = tpu.memref_slice %arg9[%dma_start3A_156, %dma_start3A_157] : memref<3x88xi32, #tpu.memory_space<vmem>> -> memref<1x88xi32, #tpu.memory_space<vmem>>
        %dma_start3A_159 = tpu.memref_squeeze %dma_start3A_158 : memref<1x88xi32, #tpu.memory_space<vmem>> -> memref<88xi32, #tpu.memory_space<vmem>>
        %dma_start3A_160 = arith.constant 0 : i32
        %dma_start3A_161 = arith.constant 0 : i32
        %dma_start3A_162 = tpu.memref_slice %arg4[%dma_start3A_160, %dma_start3A_161] : memref<10000x128xf32, #tpu.memory_space<hbm>> -> memref<10000x128xf32, #tpu.memory_space<hbm>>
        tpu.enqueue_indirect_dma source(%dma_start3A_162 : memref<10000x128xf32, #tpu.memory_space<hbm>>) target(%arg10 : memref<88x128xf32, #tpu.memory_space<vmem>>) offsets(%dma_start3A_159 : memref<88xi32, #tpu.memory_space<vmem>>) semaphore(%arg13 : memref<!tpu.dma_semaphore, #tpu.memory_space<semaphore_mem>>)
      } else {
      }
      %mul3A_100 = arith.constant 3 : i32
      %mul3A_101 = arith.muli %scan3A_77, %mul3A_100 : i32
      %add3A_102 = arith.constant 1 : i32
      %add3A_103 = arith.addi %mul3A_101, %add3A_102 : i32
      %dma_wait3A_104 = arith.constant 1 : i32
      %dma_wait3A_105 = arith.constant 0 : i32
      %dma_wait3A_106 = tpu.memref_slice %arg9[%dma_wait3A_104, %dma_wait3A_105] : memref<3x88xi32, #tpu.memory_space<vmem>> -> memref<1x88xi32, #tpu.memory_space<vmem>>
      %dma_wait3A_107 = tpu.memref_squeeze %dma_wait3A_106 : memref<1x88xi32, #tpu.memory_space<vmem>> -> memref<88xi32, #tpu.memory_space<vmem>>
      %dma_wait3A_108 = arith.constant 0 : i32
      %dma_wait3A_109 = arith.constant 0 : i32
      %dma_wait3A_110 = tpu.memref_slice %arg4[%dma_wait3A_108, %dma_wait3A_109] : memref<10000x128xf32, #tpu.memory_space<hbm>> -> memref<10000x128xf32, #tpu.memory_space<hbm>>
      tpu.wait_indirect_dma semaphore(%arg14 : memref<!tpu.dma_semaphore, #tpu.memory_space<semaphore_mem>>) src(%dma_wait3A_110 : memref<10000x128xf32, #tpu.memory_space<hbm>>) dst(%arg11 : memref<88x128xf32, #tpu.memory_space<vmem>>)
      %dma_start3A_111 = arith.constant 0 : i32
      %dma_start3A_112 = tpu.memref_slice %arg8[%add3A_103, %dma_start3A_111] : memref<114x88xi32, #tpu.memory_space<vmem>> -> memref<1x88xi32, #tpu.memory_space<vmem>>
      %dma_start3A_113 = tpu.memref_squeeze %dma_start3A_112 : memref<1x88xi32, #tpu.memory_space<vmem>> -> memref<88xi32, #tpu.memory_space<vmem>>
      %dma_start3A_114 = arith.constant 0 : i32
      %dma_start3A_115 = arith.constant 0 : i32
      %dma_start3A_116 = tpu.memref_slice %arg7[%dma_start3A_114, %dma_start3A_115] : memref<10112x128xf32, #tpu.memory_space<vmem_shared>> -> memref<10112x128xf32, #tpu.memory_space<vmem_shared>>
      tpu.enqueue_indirect_dma source(%arg11 : memref<88x128xf32, #tpu.memory_space<vmem>>) target(%dma_start3A_116 : memref<10112x128xf32, #tpu.memory_space<vmem_shared>>) offsets(%dma_start3A_113 : memref<88xi32, #tpu.memory_space<vmem>>) semaphore(%arg17 : memref<!tpu.dma_semaphore, #tpu.memory_space<semaphore_mem>>) {add = true}
      %lt3A_117 = arith.constant 37 : i32
      %lt3A_118 = arith.cmpi slt, %scan3A_77, %lt3A_117 : i32
      %convert_element_type3A_119 = arith.extui %lt3A_118 : i1 to i32
      %cond3A_120 = arith.constant 0 : i32
      %cond3A_121 = arith.cmpi ne, %convert_element_type3A_119, %cond3A_120 : i32
      scf.if %cond3A_121 {
        %add3A_144 = arith.constant 3 : i32
        %add3A_145 = arith.addi %add3A_103, %add3A_144 : i32
        %mul3A_146 = arith.constant 88 : i32
        %mul3A_147 = arith.muli %add3A_145, %mul3A_146 : i32
        %add3A_148 = arith.addi %mul3A_2, %mul3A_147 : i32
        %run_scoped3A_149 = arith.constant 1 : i32
        "tpu.region"() ({
          %run_scoped3A_163 = tpu.sem_alloc : memref<!tpu.dma_semaphore, #tpu.memory_space<semaphore_mem>>
          %dma_start3A_164 = arith.constant 0 : i32
          %dma_start3A_165 = tpu.memref_slice %arg9[%run_scoped3A_149, %dma_start3A_164] : memref<3x88xi32, #tpu.memory_space<vmem>> -> memref<1x88xi32, #tpu.memory_space<vmem>>
          %dma_start3A_166 = tpu.memref_squeeze %dma_start3A_165 : memref<1x88xi32, #tpu.memory_space<vmem>> -> memref<88xi32, #tpu.memory_space<vmem>>
          %dma_start3A_167 = tpu.memref_slice %arg2[%add3A_148] : memref<321024xi32, #tpu.memory_space<hbm>> -> memref<88xi32, #tpu.memory_space<hbm>>
          %dma_start3A_168 = arith.constant 0 : i32
          %dma_start3A_169 = tpu.memref_slice %arg9[%run_scoped3A_149, %dma_start3A_168] : memref<3x88xi32, #tpu.memory_space<vmem>> -> memref<1x88xi32, #tpu.memory_space<vmem>>
          %dma_start3A_170 = tpu.memref_squeeze %dma_start3A_169 : memref<1x88xi32, #tpu.memory_space<vmem>> -> memref<88xi32, #tpu.memory_space<vmem>>
          %dma_start3A_171 = tpu.memref_slice %arg2[%add3A_148] : memref<321024xi32, #tpu.memory_space<hbm>> -> memref<88xi32, #tpu.memory_space<hbm>>
          tpu.enqueue_dma source(%dma_start3A_171 : memref<88xi32, #tpu.memory_space<hbm>>) target(%dma_start3A_170 : memref<88xi32, #tpu.memory_space<vmem>>) target_semaphore(%run_scoped3A_163 : memref<!tpu.dma_semaphore, #tpu.memory_space<semaphore_mem>>)
          %dma_wait3A_172 = arith.constant 0 : i32
          %dma_wait3A_173 = tpu.memref_slice %arg9[%run_scoped3A_149, %dma_wait3A_172] : memref<3x88xi32, #tpu.memory_space<vmem>> -> memref<1x88xi32, #tpu.memory_space<vmem>>
          %dma_wait3A_174 = tpu.memref_squeeze %dma_wait3A_173 : memref<1x88xi32, #tpu.memory_space<vmem>> -> memref<88xi32, #tpu.memory_space<vmem>>
          %dma_wait3A_175 = tpu.memref_slice %arg2[%add3A_148] : memref<321024xi32, #tpu.memory_space<hbm>> -> memref<88xi32, #tpu.memory_space<hbm>>
          %dma_wait3A_176 = arith.constant 0 : i32
          %dma_wait3A_177 = tpu.memref_slice %arg9[%run_scoped3A_149, %dma_wait3A_176] : memref<3x88xi32, #tpu.memory_space<vmem>> -> memref<1x88xi32, #tpu.memory_space<vmem>>
          %dma_wait3A_178 = tpu.memref_squeeze %dma_wait3A_177 : memref<1x88xi32, #tpu.memory_space<vmem>> -> memref<88xi32, #tpu.memory_space<vmem>>
          %dma_wait3A_179 = tpu.memref_slice %arg2[%add3A_148] : memref<321024xi32, #tpu.memory_space<hbm>> -> memref<88xi32, #tpu.memory_space<hbm>>
          tpu.wait_dma2 semaphore(%run_scoped3A_163 : memref<!tpu.dma_semaphore, #tpu.memory_space<semaphore_mem>>) src(%dma_wait3A_179 : memref<88xi32, #tpu.memory_space<hbm>>) dst(%dma_wait3A_178 : memref<88xi32, #tpu.memory_space<vmem>>)
          tpu.yield
        }) : () -> ()
        %dma_wait3A_150 = arith.constant 0 : i32
        %dma_wait3A_151 = tpu.memref_slice %arg8[%add3A_103, %dma_wait3A_150] : memref<114x88xi32, #tpu.memory_space<vmem>> -> memref<1x88xi32, #tpu.memory_space<vmem>>
        %dma_wait3A_152 = tpu.memref_squeeze %dma_wait3A_151 : memref<1x88xi32, #tpu.memory_space<vmem>> -> memref<88xi32, #tpu.memory_space<vmem>>
        %dma_wait3A_153 = arith.constant 0 : i32
        %dma_wait3A_154 = arith.constant 0 : i32
        %dma_wait3A_155 = tpu.memref_slice %arg7[%dma_wait3A_153, %dma_wait3A_154] : memref<10112x128xf32, #tpu.memory_space<vmem_shared>> -> memref<10112x128xf32, #tpu.memory_space<vmem_shared>>
        tpu.wait_indirect_dma semaphore(%arg17 : memref<!tpu.dma_semaphore, #tpu.memory_space<semaphore_mem>>) src(%arg11 : memref<88x128xf32, #tpu.memory_space<vmem>>) dst(%dma_wait3A_155 : memref<10112x128xf32, #tpu.memory_space<vmem_shared>>)
        %dma_start3A_156 = arith.constant 1 : i32
        %dma_start3A_157 = arith.constant 0 : i32
        %dma_start3A_158 = tpu.memref_slice %arg9[%dma_start3A_156, %dma_start3A_157] : memref<3x88xi32, #tpu.memory_space<vmem>> -> memref<1x88xi32, #tpu.memory_space<vmem>>
        %dma_start3A_159 = tpu.memref_squeeze %dma_start3A_158 : memref<1x88xi32, #tpu.memory_space<vmem>> -> memref<88xi32, #tpu.memory_space<vmem>>
        %dma_start3A_160 = arith.constant 0 : i32
        %dma_start3A_161 = arith.constant 0 : i32
        %dma_start3A_162 = tpu.memref_slice %arg4[%dma_start3A_160, %dma_start3A_161] : memref<10000x128xf32, #tpu.memory_space<hbm>> -> memref<10000x128xf32, #tpu.memory_space<hbm>>
        tpu.enqueue_indirect_dma source(%dma_start3A_162 : memref<10000x128xf32, #tpu.memory_space<hbm>>) target(%arg11 : memref<88x128xf32, #tpu.memory_space<vmem>>) offsets(%dma_start3A_159 : memref<88xi32, #tpu.memory_space<vmem>>) semaphore(%arg14 : memref<!tpu.dma_semaphore, #tpu.memory_space<semaphore_mem>>)
      } else {
      }
      %mul3A_122 = arith.constant 3 : i32
      %mul3A_123 = arith.muli %scan3A_77, %mul3A_122 : i32
      %add3A_124 = arith.constant 2 : i32
      %add3A_125 = arith.addi %mul3A_123, %add3A_124 : i32
      %dma_wait3A_126 = arith.constant 2 : i32
      %dma_wait3A_127 = arith.constant 0 : i32
      %dma_wait3A_128 = tpu.memref_slice %arg9[%dma_wait3A_126, %dma_wait3A_127] : memref<3x88xi32, #tpu.memory_space<vmem>> -> memref<1x88xi32, #tpu.memory_space<vmem>>
      %dma_wait3A_129 = tpu.memref_squeeze %dma_wait3A_128 : memref<1x88xi32, #tpu.memory_space<vmem>> -> memref<88xi32, #tpu.memory_space<vmem>>
      %dma_wait3A_130 = arith.constant 0 : i32
      %dma_wait3A_131 = arith.constant 0 : i32
      %dma_wait3A_132 = tpu.memref_slice %arg4[%dma_wait3A_130, %dma_wait3A_131] : memref<10000x128xf32, #tpu.memory_space<hbm>> -> memref<10000x128xf32, #tpu.memory_space<hbm>>
      tpu.wait_indirect_dma semaphore(%arg15 : memref<!tpu.dma_semaphore, #tpu.memory_space<semaphore_mem>>) src(%dma_wait3A_132 : memref<10000x128xf32, #tpu.memory_space<hbm>>) dst(%arg12 : memref<88x128xf32, #tpu.memory_space<vmem>>)
      %dma_start3A_133 = arith.constant 0 : i32
      %dma_start3A_134 = tpu.memref_slice %arg8[%add3A_125, %dma_start3A_133] : memref<114x88xi32, #tpu.memory_space<vmem>> -> memref<1x88xi32, #tpu.memory_space<vmem>>
      %dma_start3A_135 = tpu.memref_squeeze %dma_start3A_134 : memref<1x88xi32, #tpu.memory_space<vmem>> -> memref<88xi32, #tpu.memory_space<vmem>>
      %dma_start3A_136 = arith.constant 0 : i32
      %dma_start3A_137 = arith.constant 0 : i32
      %dma_start3A_138 = tpu.memref_slice %arg7[%dma_start3A_136, %dma_start3A_137] : memref<10112x128xf32, #tpu.memory_space<vmem_shared>> -> memref<10112x128xf32, #tpu.memory_space<vmem_shared>>
      tpu.enqueue_indirect_dma source(%arg12 : memref<88x128xf32, #tpu.memory_space<vmem>>) target(%dma_start3A_138 : memref<10112x128xf32, #tpu.memory_space<vmem_shared>>) offsets(%dma_start3A_135 : memref<88xi32, #tpu.memory_space<vmem>>) semaphore(%arg18 : memref<!tpu.dma_semaphore, #tpu.memory_space<semaphore_mem>>) {add = true}
      %lt3A_139 = arith.constant 37 : i32
      %lt3A_140 = arith.cmpi slt, %scan3A_77, %lt3A_139 : i32
      %convert_element_type3A_141 = arith.extui %lt3A_140 : i1 to i32
      %cond3A_142 = arith.constant 0 : i32
      %cond3A_143 = arith.cmpi ne, %convert_element_type3A_141, %cond3A_142 : i32
      scf.if %cond3A_143 {
        %add3A_144 = arith.constant 3 : i32
        %add3A_145 = arith.addi %add3A_125, %add3A_144 : i32
        %mul3A_146 = arith.constant 88 : i32
        %mul3A_147 = arith.muli %add3A_145, %mul3A_146 : i32
        %add3A_148 = arith.addi %mul3A_2, %mul3A_147 : i32
        %run_scoped3A_149 = arith.constant 2 : i32
        "tpu.region"() ({
          %run_scoped3A_163 = tpu.sem_alloc : memref<!tpu.dma_semaphore, #tpu.memory_space<semaphore_mem>>
          %dma_start3A_164 = arith.constant 0 : i32
          %dma_start3A_165 = tpu.memref_slice %arg9[%run_scoped3A_149, %dma_start3A_164] : memref<3x88xi32, #tpu.memory_space<vmem>> -> memref<1x88xi32, #tpu.memory_space<vmem>>
          %dma_start3A_166 = tpu.memref_squeeze %dma_start3A_165 : memref<1x88xi32, #tpu.memory_space<vmem>> -> memref<88xi32, #tpu.memory_space<vmem>>
          %dma_start3A_167 = tpu.memref_slice %arg2[%add3A_148] : memref<321024xi32, #tpu.memory_space<hbm>> -> memref<88xi32, #tpu.memory_space<hbm>>
          %dma_start3A_168 = arith.constant 0 : i32
          %dma_start3A_169 = tpu.memref_slice %arg9[%run_scoped3A_149, %dma_start3A_168] : memref<3x88xi32, #tpu.memory_space<vmem>> -> memref<1x88xi32, #tpu.memory_space<vmem>>
          %dma_start3A_170 = tpu.memref_squeeze %dma_start3A_169 : memref<1x88xi32, #tpu.memory_space<vmem>> -> memref<88xi32, #tpu.memory_space<vmem>>
          %dma_start3A_171 = tpu.memref_slice %arg2[%add3A_148] : memref<321024xi32, #tpu.memory_space<hbm>> -> memref<88xi32, #tpu.memory_space<hbm>>
          tpu.enqueue_dma source(%dma_start3A_171 : memref<88xi32, #tpu.memory_space<hbm>>) target(%dma_start3A_170 : memref<88xi32, #tpu.memory_space<vmem>>) target_semaphore(%run_scoped3A_163 : memref<!tpu.dma_semaphore, #tpu.memory_space<semaphore_mem>>)
          %dma_wait3A_172 = arith.constant 0 : i32
          %dma_wait3A_173 = tpu.memref_slice %arg9[%run_scoped3A_149, %dma_wait3A_172] : memref<3x88xi32, #tpu.memory_space<vmem>> -> memref<1x88xi32, #tpu.memory_space<vmem>>
          %dma_wait3A_174 = tpu.memref_squeeze %dma_wait3A_173 : memref<1x88xi32, #tpu.memory_space<vmem>> -> memref<88xi32, #tpu.memory_space<vmem>>
          %dma_wait3A_175 = tpu.memref_slice %arg2[%add3A_148] : memref<321024xi32, #tpu.memory_space<hbm>> -> memref<88xi32, #tpu.memory_space<hbm>>
          %dma_wait3A_176 = arith.constant 0 : i32
          %dma_wait3A_177 = tpu.memref_slice %arg9[%run_scoped3A_149, %dma_wait3A_176] : memref<3x88xi32, #tpu.memory_space<vmem>> -> memref<1x88xi32, #tpu.memory_space<vmem>>
          %dma_wait3A_178 = tpu.memref_squeeze %dma_wait3A_177 : memref<1x88xi32, #tpu.memory_space<vmem>> -> memref<88xi32, #tpu.memory_space<vmem>>
          %dma_wait3A_179 = tpu.memref_slice %arg2[%add3A_148] : memref<321024xi32, #tpu.memory_space<hbm>> -> memref<88xi32, #tpu.memory_space<hbm>>
          tpu.wait_dma2 semaphore(%run_scoped3A_163 : memref<!tpu.dma_semaphore, #tpu.memory_space<semaphore_mem>>) src(%dma_wait3A_179 : memref<88xi32, #tpu.memory_space<hbm>>) dst(%dma_wait3A_178 : memref<88xi32, #tpu.memory_space<vmem>>)
          tpu.yield
        }) : () -> ()
        %dma_wait3A_150 = arith.constant 0 : i32
        %dma_wait3A_151 = tpu.memref_slice %arg8[%add3A_125, %dma_wait3A_150] : memref<114x88xi32, #tpu.memory_space<vmem>> -> memref<1x88xi32, #tpu.memory_space<vmem>>
        %dma_wait3A_152 = tpu.memref_squeeze %dma_wait3A_151 : memref<1x88xi32, #tpu.memory_space<vmem>> -> memref<88xi32, #tpu.memory_space<vmem>>
        %dma_wait3A_153 = arith.constant 0 : i32
        %dma_wait3A_154 = arith.constant 0 : i32
        %dma_wait3A_155 = tpu.memref_slice %arg7[%dma_wait3A_153, %dma_wait3A_154] : memref<10112x128xf32, #tpu.memory_space<vmem_shared>> -> memref<10112x128xf32, #tpu.memory_space<vmem_shared>>
        tpu.wait_indirect_dma semaphore(%arg18 : memref<!tpu.dma_semaphore, #tpu.memory_space<semaphore_mem>>) src(%arg12 : memref<88x128xf32, #tpu.memory_space<vmem>>) dst(%dma_wait3A_155 : memref<10112x128xf32, #tpu.memory_space<vmem_shared>>)
        %dma_start3A_156 = arith.constant 2 : i32
        %dma_start3A_157 = arith.constant 0 : i32
        %dma_start3A_158 = tpu.memref_slice %arg9[%dma_start3A_156, %dma_start3A_157] : memref<3x88xi32, #tpu.memory_space<vmem>> -> memref<1x88xi32, #tpu.memory_space<vmem>>
        %dma_start3A_159 = tpu.memref_squeeze %dma_start3A_158 : memref<1x88xi32, #tpu.memory_space<vmem>> -> memref<88xi32, #tpu.memory_space<vmem>>
        %dma_start3A_160 = arith.constant 0 : i32
        %dma_start3A_161 = arith.constant 0 : i32
        %dma_start3A_162 = tpu.memref_slice %arg4[%dma_start3A_160, %dma_start3A_161] : memref<10000x128xf32, #tpu.memory_space<hbm>> -> memref<10000x128xf32, #tpu.memory_space<hbm>>
        tpu.enqueue_indirect_dma source(%dma_start3A_162 : memref<10000x128xf32, #tpu.memory_space<hbm>>) target(%arg12 : memref<88x128xf32, #tpu.memory_space<vmem>>) offsets(%dma_start3A_159 : memref<88xi32, #tpu.memory_space<vmem>>) semaphore(%arg15 : memref<!tpu.dma_semaphore, #tpu.memory_space<semaphore_mem>>)
      } else {
      }
    }
    %scan3A_51 = arith.constant 38 : i32
    %dma_wait3A = arith.constant 0 : i32
    %dma_wait3A_52 = arith.constant 0 : i32
    %dma_wait3A_53 = tpu.memref_slice %arg8[%dma_wait3A, %dma_wait3A_52] : memref<114x88xi32, #tpu.memory_space<vmem>> -> memref<1x88xi32, #tpu.memory_space<vmem>>
    %dma_wait3A_54 = tpu.memref_squeeze %dma_wait3A_53 : memref<1x88xi32, #tpu.memory_space<vmem>> -> memref<88xi32, #tpu.memory_space<vmem>>
    %dma_wait3A_55 = arith.constant 0 : i32
    %dma_wait3A_56 = arith.constant 0 : i32
    %dma_wait3A_57 = tpu.memref_slice %arg7[%dma_wait3A_55, %dma_wait3A_56] : memref<10112x128xf32, #tpu.memory_space<vmem_shared>> -> memref<10112x128xf32, #tpu.memory_space<vmem_shared>>
    tpu.wait_indirect_dma semaphore(%arg16 : memref<!tpu.dma_semaphore, #tpu.memory_space<semaphore_mem>>) src(%arg10 : memref<88x128xf32, #tpu.memory_space<vmem>>) dst(%dma_wait3A_57 : memref<10112x128xf32, #tpu.memory_space<vmem_shared>>)
    %dma_wait3A_58 = arith.constant 0 : i32
    %dma_wait3A_59 = arith.constant 0 : i32
    %dma_wait3A_60 = tpu.memref_slice %arg8[%dma_wait3A_58, %dma_wait3A_59] : memref<114x88xi32, #tpu.memory_space<vmem>> -> memref<1x88xi32, #tpu.memory_space<vmem>>
    %dma_wait3A_61 = tpu.memref_squeeze %dma_wait3A_60 : memref<1x88xi32, #tpu.memory_space<vmem>> -> memref<88xi32, #tpu.memory_space<vmem>>
    %dma_wait3A_62 = arith.constant 0 : i32
    %dma_wait3A_63 = arith.constant 0 : i32
    %dma_wait3A_64 = tpu.memref_slice %arg7[%dma_wait3A_62, %dma_wait3A_63] : memref<10112x128xf32, #tpu.memory_space<vmem_shared>> -> memref<10112x128xf32, #tpu.memory_space<vmem_shared>>
    tpu.wait_indirect_dma semaphore(%arg17 : memref<!tpu.dma_semaphore, #tpu.memory_space<semaphore_mem>>) src(%arg11 : memref<88x128xf32, #tpu.memory_space<vmem>>) dst(%dma_wait3A_64 : memref<10112x128xf32, #tpu.memory_space<vmem_shared>>)
    %dma_wait3A_65 = arith.constant 0 : i32
    %dma_wait3A_66 = arith.constant 0 : i32
    %dma_wait3A_67 = tpu.memref_slice %arg8[%dma_wait3A_65, %dma_wait3A_66] : memref<114x88xi32, #tpu.memory_space<vmem>> -> memref<1x88xi32, #tpu.memory_space<vmem>>
    %dma_wait3A_68 = tpu.memref_squeeze %dma_wait3A_67 : memref<1x88xi32, #tpu.memory_space<vmem>> -> memref<88xi32, #tpu.memory_space<vmem>>
    %dma_wait3A_69 = arith.constant 0 : i32
    %dma_wait3A_70 = arith.constant 0 : i32
    %dma_wait3A_71 = tpu.memref_slice %arg7[%dma_wait3A_69, %dma_wait3A_70] : memref<10112x128xf32, #tpu.memory_space<vmem_shared>> -> memref<10112x128xf32, #tpu.memory_space<vmem_shared>>
    tpu.wait_indirect_dma semaphore(%arg18 : memref<!tpu.dma_semaphore, #tpu.memory_space<semaphore_mem>>) src(%arg12 : memref<88x128xf32, #tpu.memory_space<vmem>>) dst(%dma_wait3A_71 : memref<10112x128xf32, #tpu.memory_space<vmem_shared>>)
    %barrier3A_72 = arith.constant 0 : index
    tpu.barrier barrier_id(%barrier3A_72)
    %mul3A_73 = arith.constant 632 : i32
    %mul3A_74 = arith.muli %arg1, %mul3A_73 : i32
    %mul3A_75 = arith.constant 632 : i32
    %mul3A_76 = arith.muli %arg1, %mul3A_75 : i32
    "tpu.region"() ({
      %run_scoped3A_77 = tpu.sem_alloc : memref<!tpu.dma_semaphore, #tpu.memory_space<semaphore_mem>>
      %dma_start3A_78 = arith.constant 0 : i32
      %dma_start3A_79 = tpu.memref_slice %arg6[%arg0, %mul3A_76, %dma_start3A_78] : memref<2x10112x128xf32, #tpu.memory_space<hbm>> -> memref<1x632x128xf32, #tpu.memory_space<hbm>>
      %dma_start3A_80 = tpu.memref_squeeze %dma_start3A_79 : memref<1x632x128xf32, #tpu.memory_space<hbm>> -> memref<632x128xf32, #tpu.memory_space<hbm>>
      %dma_start3A_81 = arith.constant 0 : i32
      %dma_start3A_82 = tpu.memref_slice %arg7[%mul3A_74, %dma_start3A_81] : memref<10112x128xf32, #tpu.memory_space<vmem_shared>> -> memref<632x128xf32, #tpu.memory_space<vmem_shared>>
      tpu.enqueue_dma source(%dma_start3A_82 : memref<632x128xf32, #tpu.memory_space<vmem_shared>>) target(%dma_start3A_80 : memref<632x128xf32, #tpu.memory_space<hbm>>) target_semaphore(%run_scoped3A_77 : memref<!tpu.dma_semaphore, #tpu.memory_space<semaphore_mem>>)
      %dma_wait3A_83 = arith.constant 0 : i32
      %dma_wait3A_84 = tpu.memref_slice %arg6[%arg0, %mul3A_76, %dma_wait3A_83] : memref<2x10112x128xf32, #tpu.memory_space<hbm>> -> memref<1x632x128xf32, #tpu.memory_space<hbm>>
      %dma_wait3A_85 = tpu.memref_squeeze %dma_wait3A_84 : memref<1x632x128xf32, #tpu.memory_space<hbm>> -> memref<632x128xf32, #tpu.memory_space<hbm>>
      %dma_wait3A_86 = arith.constant 0 : i32
      %dma_wait3A_87 = tpu.memref_slice %arg7[%mul3A_74, %dma_wait3A_86] : memref<10112x128xf32, #tpu.memory_space<vmem_shared>> -> memref<632x128xf32, #tpu.memory_space<vmem_shared>>
      tpu.wait_dma2 semaphore(%run_scoped3A_77 : memref<!tpu.dma_semaphore, #tpu.memory_space<semaphore_mem>>) src(%dma_wait3A_87 : memref<632x128xf32, #tpu.memory_space<vmem_shared>>) dst(%dma_wait3A_85 : memref<632x128xf32, #tpu.memory_space<hbm>>)
      tpu.yield
    }) : () -> ()
    return
  }
}

#map = affine_map<(d0, d1) -> (0)>
#map1 = affine_map<(d0, d1) -> (0, 0, 0)>
#map2 = affine_map<(d0, d1) -> (0, 0)>
module attributes {stable_mosaic.version = 14 : i64} {
  func.func @agg_kernel(%arg0: i32, %arg1: i32, %arg2: memref<321024xi32, #tpu.memory_space<hbm>>, %arg3: memref<32x114x88xi32, #tpu.memory_space<hbm>>, %arg4: memref<10000x128xf32, #tpu.memory_space<hbm>>, %arg5: memref<10112x128xf32, #tpu.memory_space<hbm>>, %arg6: memref<2x10112x128xf32, #tpu.memory_space<hbm>>, %arg7: memref<10112x128xf32, #tpu.memory_space<vmem_shared>>, %arg8: memref<114x88xi32, #tpu.memory_space<vmem>>, %arg9: memref<3x88xi32, #tpu.memory_space<vmem>>, %arg10: memref<88x128xf32, #tpu.memory_space<vmem>>, %arg11: memref<88x128xf32, #tpu.memory_space<vmem>>, %arg12: memref<88x128xf32, #tpu.memory_space<vmem>>, %arg13: memref<!tpu.dma_semaphore, #tpu.memory_space<semaphore_mem>>, %arg14: memref<!tpu.dma_semaphore, #tpu.memory_space<semaphore_mem>>, %arg15: memref<!tpu.dma_semaphore, #tpu.memory_space<semaphore_mem>>, %arg16: memref<!tpu.dma_semaphore, #tpu.memory_space<semaphore_mem>>, %arg17: memref<!tpu.dma_semaphore, #tpu.memory_space<semaphore_mem>>, %arg18: memref<!tpu.dma_semaphore, #tpu.memory_space<semaphore_mem>>) attributes {dimension_semantics = [#tpu.dimension_semantics<core_parallel>, #tpu.dimension_semantics<subcore_parallel>], iteration_bounds = array<i64: 2, 16>, scalar_prefetch = 0 : i64, scratch_operands = 12 : i64, tpu.core_type = #tpu.core_type<sc_vector_subcore>, window_params = [{transform_indices = #map}, {transform_indices = #map1}, {transform_indices = #map2}, {transform_indices = #map2}, {transform_indices = #map1}]} {
    %mul3A = arith.constant 2 : i32
    %mul3A_0 = arith.muli %arg1, %mul3A : i32
    %add3A = arith.addi %mul3A_0, %arg0 : i32
    %mul3A_1 = arith.constant 10032 : i32
    %mul3A_2 = arith.muli %add3A, %mul3A_1 : i32
    "tpu.region"() ({
      %run_scoped3A_77 = tpu.sem_alloc : memref<!tpu.dma_semaphore, #tpu.memory_space<semaphore_mem>>
      %dma_start3A_78 = arith.constant 0 : i32
      %dma_start3A_79 = arith.constant 0 : i32
      %dma_start3A_80 = tpu.memref_slice %arg3[%add3A, %dma_start3A_78, %dma_start3A_79] : memref<32x114x88xi32, #tpu.memory_space<hbm>> -> memref<1x114x88xi32, #tpu.memory_space<hbm>>
      %dma_start3A_81 = tpu.memref_squeeze %dma_start3A_80 : memref<1x114x88xi32, #tpu.memory_space<hbm>> -> memref<114x88xi32, #tpu.memory_space<hbm>>
      %dma_start3A_82 = arith.constant 0 : i32
      %dma_start3A_83 = arith.constant 0 : i32
      %dma_start3A_84 = tpu.memref_slice %arg3[%add3A, %dma_start3A_82, %dma_start3A_83] : memref<32x114x88xi32, #tpu.memory_space<hbm>> -> memref<1x114x88xi32, #tpu.memory_space<hbm>>
      %dma_start3A_85 = tpu.memref_squeeze %dma_start3A_84 : memref<1x114x88xi32, #tpu.memory_space<hbm>> -> memref<114x88xi32, #tpu.memory_space<hbm>>
      tpu.enqueue_dma source(%dma_start3A_85 : memref<114x88xi32, #tpu.memory_space<hbm>>) target(%arg8 : memref<114x88xi32, #tpu.memory_space<vmem>>) target_semaphore(%run_scoped3A_77 : memref<!tpu.dma_semaphore, #tpu.memory_space<semaphore_mem>>)
      %dma_wait3A_86 = arith.constant 0 : i32
      %dma_wait3A_87 = arith.constant 0 : i32
      %dma_wait3A_88 = tpu.memref_slice %arg3[%add3A, %dma_wait3A_86, %dma_wait3A_87] : memref<32x114x88xi32, #tpu.memory_space<hbm>> -> memref<1x114x88xi32, #tpu.memory_space<hbm>>
      %dma_wait3A_89 = tpu.memref_squeeze %dma_wait3A_88 : memref<1x114x88xi32, #tpu.memory_space<hbm>> -> memref<114x88xi32, #tpu.memory_space<hbm>>
      %dma_wait3A_90 = arith.constant 0 : i32
      %dma_wait3A_91 = arith.constant 0 : i32
      %dma_wait3A_92 = tpu.memref_slice %arg3[%add3A, %dma_wait3A_90, %dma_wait3A_91] : memref<32x114x88xi32, #tpu.memory_space<hbm>> -> memref<1x114x88xi32, #tpu.memory_space<hbm>>
      %dma_wait3A_93 = tpu.memref_squeeze %dma_wait3A_92 : memref<1x114x88xi32, #tpu.memory_space<hbm>> -> memref<114x88xi32, #tpu.memory_space<hbm>>
      tpu.wait_dma2 semaphore(%run_scoped3A_77 : memref<!tpu.dma_semaphore, #tpu.memory_space<semaphore_mem>>) src(%dma_wait3A_93 : memref<114x88xi32, #tpu.memory_space<hbm>>) dst(%arg8 : memref<114x88xi32, #tpu.memory_space<vmem>>)
      tpu.yield
    }) : () -> ()
    %add3A_3 = arith.constant 0 : i32
    %add3A_4 = arith.addi %mul3A_2, %add3A_3 : i32
    %run_scoped3A = arith.constant 0 : i32
    "tpu.region"() ({
      %run_scoped3A_77 = tpu.sem_alloc : memref<!tpu.dma_semaphore, #tpu.memory_space<semaphore_mem>>
      %dma_start3A_78 = arith.constant 0 : i32
      %dma_start3A_79 = tpu.memref_slice %arg9[%run_scoped3A, %dma_start3A_78] : memref<3x88xi32, #tpu.memory_space<vmem>> -> memref<1x88xi32, #tpu.memory_space<vmem>>
      %dma_start3A_80 = tpu.memref_squeeze %dma_start3A_79 : memref<1x88xi32, #tpu.memory_space<vmem>> -> memref<88xi32, #tpu.memory_space<vmem>>
      %dma_start3A_81 = tpu.memref_slice %arg2[%add3A_4] : memref<321024xi32, #tpu.memory_space<hbm>> -> memref<88xi32, #tpu.memory_space<hbm>>
      %dma_start3A_82 = arith.constant 0 : i32
      %dma_start3A_83 = tpu.memref_slice %arg9[%run_scoped3A, %dma_start3A_82] : memref<3x88xi32, #tpu.memory_space<vmem>> -> memref<1x88xi32, #tpu.memory_space<vmem>>
      %dma_start3A_84 = tpu.memref_squeeze %dma_start3A_83 : memref<1x88xi32, #tpu.memory_space<vmem>> -> memref<88xi32, #tpu.memory_space<vmem>>
      %dma_start3A_85 = tpu.memref_slice %arg2[%add3A_4] : memref<321024xi32, #tpu.memory_space<hbm>> -> memref<88xi32, #tpu.memory_space<hbm>>
      tpu.enqueue_dma source(%dma_start3A_85 : memref<88xi32, #tpu.memory_space<hbm>>) target(%dma_start3A_84 : memref<88xi32, #tpu.memory_space<vmem>>) target_semaphore(%run_scoped3A_77 : memref<!tpu.dma_semaphore, #tpu.memory_space<semaphore_mem>>)
      %dma_wait3A_86 = arith.constant 0 : i32
      %dma_wait3A_87 = tpu.memref_slice %arg9[%run_scoped3A, %dma_wait3A_86] : memref<3x88xi32, #tpu.memory_space<vmem>> -> memref<1x88xi32, #tpu.memory_space<vmem>>
      %dma_wait3A_88 = tpu.memref_squeeze %dma_wait3A_87 : memref<1x88xi32, #tpu.memory_space<vmem>> -> memref<88xi32, #tpu.memory_space<vmem>>
      %dma_wait3A_89 = tpu.memref_slice %arg2[%add3A_4] : memref<321024xi32, #tpu.memory_space<hbm>> -> memref<88xi32, #tpu.memory_space<hbm>>
      %dma_wait3A_90 = arith.constant 0 : i32
      %dma_wait3A_91 = tpu.memref_slice %arg9[%run_scoped3A, %dma_wait3A_90] : memref<3x88xi32, #tpu.memory_space<vmem>> -> memref<1x88xi32, #tpu.memory_space<vmem>>
      %dma_wait3A_92 = tpu.memref_squeeze %dma_wait3A_91 : memref<1x88xi32, #tpu.memory_space<vmem>> -> memref<88xi32, #tpu.memory_space<vmem>>
      %dma_wait3A_93 = tpu.memref_slice %arg2[%add3A_4] : memref<321024xi32, #tpu.memory_space<hbm>> -> memref<88xi32, #tpu.memory_space<hbm>>
      tpu.wait_dma2 semaphore(%run_scoped3A_77 : memref<!tpu.dma_semaphore, #tpu.memory_space<semaphore_mem>>) src(%dma_wait3A_93 : memref<88xi32, #tpu.memory_space<hbm>>) dst(%dma_wait3A_92 : memref<88xi32, #tpu.memory_space<vmem>>)
      tpu.yield
    }) : () -> ()
    %dma_start3A = arith.constant 0 : i32
    %dma_start3A_5 = arith.constant 0 : i32
    %dma_start3A_6 = tpu.memref_slice %arg9[%dma_start3A, %dma_start3A_5] : memref<3x88xi32, #tpu.memory_space<vmem>> -> memref<1x88xi32, #tpu.memory_space<vmem>>
    %dma_start3A_7 = tpu.memref_squeeze %dma_start3A_6 : memref<1x88xi32, #tpu.memory_space<vmem>> -> memref<88xi32, #tpu.memory_space<vmem>>
    %dma_start3A_8 = arith.constant 0 : i32
    %dma_start3A_9 = arith.constant 0 : i32
    %dma_start3A_10 = tpu.memref_slice %arg4[%dma_start3A_8, %dma_start3A_9] : memref<10000x128xf32, #tpu.memory_space<hbm>> -> memref<10000x128xf32, #tpu.memory_space<hbm>>
    tpu.enqueue_indirect_dma source(%dma_start3A_10 : memref<10000x128xf32, #tpu.memory_space<hbm>>) target(%arg10 : memref<88x128xf32, #tpu.memory_space<vmem>>) offsets(%dma_start3A_7 : memref<88xi32, #tpu.memory_space<vmem>>) semaphore(%arg13 : memref<!tpu.dma_semaphore, #tpu.memory_space<semaphore_mem>>)
    %add3A_11 = arith.constant 88 : i32
    %add3A_12 = arith.addi %mul3A_2, %add3A_11 : i32
    %run_scoped3A_13 = arith.constant 1 : i32
    "tpu.region"() ({
      %run_scoped3A_77 = tpu.sem_alloc : memref<!tpu.dma_semaphore, #tpu.memory_space<semaphore_mem>>
      %dma_start3A_78 = arith.constant 0 : i32
      %dma_start3A_79 = tpu.memref_slice %arg9[%run_scoped3A_13, %dma_start3A_78] : memref<3x88xi32, #tpu.memory_space<vmem>> -> memref<1x88xi32, #tpu.memory_space<vmem>>
      %dma_start3A_80 = tpu.memref_squeeze %dma_start3A_79 : memref<1x88xi32, #tpu.memory_space<vmem>> -> memref<88xi32, #tpu.memory_space<vmem>>
      %dma_start3A_81 = tpu.memref_slice %arg2[%add3A_12] : memref<321024xi32, #tpu.memory_space<hbm>> -> memref<88xi32, #tpu.memory_space<hbm>>
      %dma_start3A_82 = arith.constant 0 : i32
      %dma_start3A_83 = tpu.memref_slice %arg9[%run_scoped3A_13, %dma_start3A_82] : memref<3x88xi32, #tpu.memory_space<vmem>> -> memref<1x88xi32, #tpu.memory_space<vmem>>
      %dma_start3A_84 = tpu.memref_squeeze %dma_start3A_83 : memref<1x88xi32, #tpu.memory_space<vmem>> -> memref<88xi32, #tpu.memory_space<vmem>>
      %dma_start3A_85 = tpu.memref_slice %arg2[%add3A_12] : memref<321024xi32, #tpu.memory_space<hbm>> -> memref<88xi32, #tpu.memory_space<hbm>>
      tpu.enqueue_dma source(%dma_start3A_85 : memref<88xi32, #tpu.memory_space<hbm>>) target(%dma_start3A_84 : memref<88xi32, #tpu.memory_space<vmem>>) target_semaphore(%run_scoped3A_77 : memref<!tpu.dma_semaphore, #tpu.memory_space<semaphore_mem>>)
      %dma_wait3A_86 = arith.constant 0 : i32
      %dma_wait3A_87 = tpu.memref_slice %arg9[%run_scoped3A_13, %dma_wait3A_86] : memref<3x88xi32, #tpu.memory_space<vmem>> -> memref<1x88xi32, #tpu.memory_space<vmem>>
      %dma_wait3A_88 = tpu.memref_squeeze %dma_wait3A_87 : memref<1x88xi32, #tpu.memory_space<vmem>> -> memref<88xi32, #tpu.memory_space<vmem>>
      %dma_wait3A_89 = tpu.memref_slice %arg2[%add3A_12] : memref<321024xi32, #tpu.memory_space<hbm>> -> memref<88xi32, #tpu.memory_space<hbm>>
      %dma_wait3A_90 = arith.constant 0 : i32
      %dma_wait3A_91 = tpu.memref_slice %arg9[%run_scoped3A_13, %dma_wait3A_90] : memref<3x88xi32, #tpu.memory_space<vmem>> -> memref<1x88xi32, #tpu.memory_space<vmem>>
      %dma_wait3A_92 = tpu.memref_squeeze %dma_wait3A_91 : memref<1x88xi32, #tpu.memory_space<vmem>> -> memref<88xi32, #tpu.memory_space<vmem>>
      %dma_wait3A_93 = tpu.memref_slice %arg2[%add3A_12] : memref<321024xi32, #tpu.memory_space<hbm>> -> memref<88xi32, #tpu.memory_space<hbm>>
      tpu.wait_dma2 semaphore(%run_scoped3A_77 : memref<!tpu.dma_semaphore, #tpu.memory_space<semaphore_mem>>) src(%dma_wait3A_93 : memref<88xi32, #tpu.memory_space<hbm>>) dst(%dma_wait3A_92 : memref<88xi32, #tpu.memory_space<vmem>>)
      tpu.yield
    }) : () -> ()
    %dma_start3A_14 = arith.constant 1 : i32
    %dma_start3A_15 = arith.constant 0 : i32
    %dma_start3A_16 = tpu.memref_slice %arg9[%dma_start3A_14, %dma_start3A_15] : memref<3x88xi32, #tpu.memory_space<vmem>> -> memref<1x88xi32, #tpu.memory_space<vmem>>
    %dma_start3A_17 = tpu.memref_squeeze %dma_start3A_16 : memref<1x88xi32, #tpu.memory_space<vmem>> -> memref<88xi32, #tpu.memory_space<vmem>>
    %dma_start3A_18 = arith.constant 0 : i32
    %dma_start3A_19 = arith.constant 0 : i32
    %dma_start3A_20 = tpu.memref_slice %arg4[%dma_start3A_18, %dma_start3A_19] : memref<10000x128xf32, #tpu.memory_space<hbm>> -> memref<10000x128xf32, #tpu.memory_space<hbm>>
    tpu.enqueue_indirect_dma source(%dma_start3A_20 : memref<10000x128xf32, #tpu.memory_space<hbm>>) target(%arg11 : memref<88x128xf32, #tpu.memory_space<vmem>>) offsets(%dma_start3A_17 : memref<88xi32, #tpu.memory_space<vmem>>) semaphore(%arg14 : memref<!tpu.dma_semaphore, #tpu.memory_space<semaphore_mem>>)
    %add3A_21 = arith.constant 176 : i32
    %add3A_22 = arith.addi %mul3A_2, %add3A_21 : i32
    %run_scoped3A_23 = arith.constant 2 : i32
    "tpu.region"() ({
      %run_scoped3A_77 = tpu.sem_alloc : memref<!tpu.dma_semaphore, #tpu.memory_space<semaphore_mem>>
      %dma_start3A_78 = arith.constant 0 : i32
      %dma_start3A_79 = tpu.memref_slice %arg9[%run_scoped3A_23, %dma_start3A_78] : memref<3x88xi32, #tpu.memory_space<vmem>> -> memref<1x88xi32, #tpu.memory_space<vmem>>
      %dma_start3A_80 = tpu.memref_squeeze %dma_start3A_79 : memref<1x88xi32, #tpu.memory_space<vmem>> -> memref<88xi32, #tpu.memory_space<vmem>>
      %dma_start3A_81 = tpu.memref_slice %arg2[%add3A_22] : memref<321024xi32, #tpu.memory_space<hbm>> -> memref<88xi32, #tpu.memory_space<hbm>>
      %dma_start3A_82 = arith.constant 0 : i32
      %dma_start3A_83 = tpu.memref_slice %arg9[%run_scoped3A_23, %dma_start3A_82] : memref<3x88xi32, #tpu.memory_space<vmem>> -> memref<1x88xi32, #tpu.memory_space<vmem>>
      %dma_start3A_84 = tpu.memref_squeeze %dma_start3A_83 : memref<1x88xi32, #tpu.memory_space<vmem>> -> memref<88xi32, #tpu.memory_space<vmem>>
      %dma_start3A_85 = tpu.memref_slice %arg2[%add3A_22] : memref<321024xi32, #tpu.memory_space<hbm>> -> memref<88xi32, #tpu.memory_space<hbm>>
      tpu.enqueue_dma source(%dma_start3A_85 : memref<88xi32, #tpu.memory_space<hbm>>) target(%dma_start3A_84 : memref<88xi32, #tpu.memory_space<vmem>>) target_semaphore(%run_scoped3A_77 : memref<!tpu.dma_semaphore, #tpu.memory_space<semaphore_mem>>)
      %dma_wait3A_86 = arith.constant 0 : i32
      %dma_wait3A_87 = tpu.memref_slice %arg9[%run_scoped3A_23, %dma_wait3A_86] : memref<3x88xi32, #tpu.memory_space<vmem>> -> memref<1x88xi32, #tpu.memory_space<vmem>>
      %dma_wait3A_88 = tpu.memref_squeeze %dma_wait3A_87 : memref<1x88xi32, #tpu.memory_space<vmem>> -> memref<88xi32, #tpu.memory_space<vmem>>
      %dma_wait3A_89 = tpu.memref_slice %arg2[%add3A_22] : memref<321024xi32, #tpu.memory_space<hbm>> -> memref<88xi32, #tpu.memory_space<hbm>>
      %dma_wait3A_90 = arith.constant 0 : i32
      %dma_wait3A_91 = tpu.memref_slice %arg9[%run_scoped3A_23, %dma_wait3A_90] : memref<3x88xi32, #tpu.memory_space<vmem>> -> memref<1x88xi32, #tpu.memory_space<vmem>>
      %dma_wait3A_92 = tpu.memref_squeeze %dma_wait3A_91 : memref<1x88xi32, #tpu.memory_space<vmem>> -> memref<88xi32, #tpu.memory_space<vmem>>
      %dma_wait3A_93 = tpu.memref_slice %arg2[%add3A_22] : memref<321024xi32, #tpu.memory_space<hbm>> -> memref<88xi32, #tpu.memory_space<hbm>>
      tpu.wait_dma2 semaphore(%run_scoped3A_77 : memref<!tpu.dma_semaphore, #tpu.memory_space<semaphore_mem>>) src(%dma_wait3A_93 : memref<88xi32, #tpu.memory_space<hbm>>) dst(%dma_wait3A_92 : memref<88xi32, #tpu.memory_space<vmem>>)
      tpu.yield
    }) : () -> ()
    %dma_start3A_24 = arith.constant 2 : i32
    %dma_start3A_25 = arith.constant 0 : i32
    %dma_start3A_26 = tpu.memref_slice %arg9[%dma_start3A_24, %dma_start3A_25] : memref<3x88xi32, #tpu.memory_space<vmem>> -> memref<1x88xi32, #tpu.memory_space<vmem>>
    %dma_start3A_27 = tpu.memref_squeeze %dma_start3A_26 : memref<1x88xi32, #tpu.memory_space<vmem>> -> memref<88xi32, #tpu.memory_space<vmem>>
    %dma_start3A_28 = arith.constant 0 : i32
    %dma_start3A_29 = arith.constant 0 : i32
    %dma_start3A_30 = tpu.memref_slice %arg4[%dma_start3A_28, %dma_start3A_29] : memref<10000x128xf32, #tpu.memory_space<hbm>> -> memref<10000x128xf32, #tpu.memory_space<hbm>>
    tpu.enqueue_indirect_dma source(%dma_start3A_30 : memref<10000x128xf32, #tpu.memory_space<hbm>>) target(%arg12 : memref<88x128xf32, #tpu.memory_space<vmem>>) offsets(%dma_start3A_27 : memref<88xi32, #tpu.memory_space<vmem>>) semaphore(%arg15 : memref<!tpu.dma_semaphore, #tpu.memory_space<semaphore_mem>>)
    %eq3A = arith.constant 0 : i32
    %eq3A_31 = arith.cmpi eq, %arg0, %eq3A : i32
    %lt3A = arith.constant 15 : i32
    %lt3A_32 = arith.cmpi slt, %arg1, %lt3A : i32
    %and3A = arith.andi %eq3A_31, %lt3A_32 : i1
    %convert_element_type3A = arith.extui %and3A : i1 to i32
    %cond3A = arith.constant 0 : i32
    %cond3A_33 = arith.cmpi ne, %convert_element_type3A, %cond3A : i32
    scf.if %cond3A_33 {
      %mul3A_77 = arith.constant 632 : i32
      %mul3A_78 = arith.muli %arg1, %mul3A_77 : i32
      %mul3A_79 = arith.constant 632 : i32
      %mul3A_80 = arith.muli %arg1, %mul3A_79 : i32
      "tpu.region"() ({
        %run_scoped3A_81 = tpu.sem_alloc : memref<!tpu.dma_semaphore, #tpu.memory_space<semaphore_mem>>
        %dma_start3A_82 = arith.constant 0 : i32
        %dma_start3A_83 = tpu.memref_slice %arg7[%mul3A_80, %dma_start3A_82] : memref<10112x128xf32, #tpu.memory_space<vmem_shared>> -> memref<632x128xf32, #tpu.memory_space<vmem_shared>>
        %dma_start3A_84 = arith.constant 0 : i32
        %dma_start3A_85 = tpu.memref_slice %arg4[%mul3A_78, %dma_start3A_84] : memref<10000x128xf32, #tpu.memory_space<hbm>> -> memref<632x128xf32, #tpu.memory_space<hbm>>
        tpu.enqueue_dma source(%dma_start3A_85 : memref<632x128xf32, #tpu.memory_space<hbm>>) target(%dma_start3A_83 : memref<632x128xf32, #tpu.memory_space<vmem_shared>>) target_semaphore(%run_scoped3A_81 : memref<!tpu.dma_semaphore, #tpu.memory_space<semaphore_mem>>)
        %dma_wait3A_86 = arith.constant 0 : i32
        %dma_wait3A_87 = tpu.memref_slice %arg7[%mul3A_80, %dma_wait3A_86] : memref<10112x128xf32, #tpu.memory_space<vmem_shared>> -> memref<632x128xf32, #tpu.memory_space<vmem_shared>>
        %dma_wait3A_88 = arith.constant 0 : i32
        %dma_wait3A_89 = tpu.memref_slice %arg4[%mul3A_78, %dma_wait3A_88] : memref<10000x128xf32, #tpu.memory_space<hbm>> -> memref<632x128xf32, #tpu.memory_space<hbm>>
        tpu.wait_dma2 semaphore(%run_scoped3A_81 : memref<!tpu.dma_semaphore, #tpu.memory_space<semaphore_mem>>) src(%dma_wait3A_89 : memref<632x128xf32, #tpu.memory_space<hbm>>) dst(%dma_wait3A_87 : memref<632x128xf32, #tpu.memory_space<vmem_shared>>)
        tpu.yield
      }) : () -> ()
    } else {
    }
    %eq3A_34 = arith.constant 0 : i32
    %eq3A_35 = arith.cmpi eq, %arg0, %eq3A_34 : i32
    %eq3A_36 = arith.constant 15 : i32
    %eq3A_37 = arith.cmpi eq, %arg1, %eq3A_36 : i32
    %and3A_38 = arith.andi %eq3A_35, %eq3A_37 : i1
    %convert_element_type3A_39 = arith.extui %and3A_38 : i1 to i32
    %cond3A_40 = arith.constant 0 : i32
    %cond3A_41 = arith.cmpi ne, %convert_element_type3A_39, %cond3A_40 : i32
    scf.if %cond3A_41 {
      %mul3A_77 = arith.constant 632 : i32
      %mul3A_78 = arith.muli %arg1, %mul3A_77 : i32
      %mul3A_79 = arith.constant 632 : i32
      %mul3A_80 = arith.muli %arg1, %mul3A_79 : i32
      "tpu.region"() ({
        %run_scoped3A_89 = tpu.sem_alloc : memref<!tpu.dma_semaphore, #tpu.memory_space<semaphore_mem>>
        %dma_start3A_90 = arith.constant 0 : i32
        %dma_start3A_91 = tpu.memref_slice %arg7[%mul3A_80, %dma_start3A_90] : memref<10112x128xf32, #tpu.memory_space<vmem_shared>> -> memref<520x128xf32, #tpu.memory_space<vmem_shared>>
        %dma_start3A_92 = arith.constant 0 : i32
        %dma_start3A_93 = tpu.memref_slice %arg4[%mul3A_78, %dma_start3A_92] : memref<10000x128xf32, #tpu.memory_space<hbm>> -> memref<520x128xf32, #tpu.memory_space<hbm>>
        tpu.enqueue_dma source(%dma_start3A_93 : memref<520x128xf32, #tpu.memory_space<hbm>>) target(%dma_start3A_91 : memref<520x128xf32, #tpu.memory_space<vmem_shared>>) target_semaphore(%run_scoped3A_89 : memref<!tpu.dma_semaphore, #tpu.memory_space<semaphore_mem>>)
        %dma_wait3A_94 = arith.constant 0 : i32
        %dma_wait3A_95 = tpu.memref_slice %arg7[%mul3A_80, %dma_wait3A_94] : memref<10112x128xf32, #tpu.memory_space<vmem_shared>> -> memref<520x128xf32, #tpu.memory_space<vmem_shared>>
        %dma_wait3A_96 = arith.constant 0 : i32
        %dma_wait3A_97 = tpu.memref_slice %arg4[%mul3A_78, %dma_wait3A_96] : memref<10000x128xf32, #tpu.memory_space<hbm>> -> memref<520x128xf32, #tpu.memory_space<hbm>>
        tpu.wait_dma2 semaphore(%run_scoped3A_89 : memref<!tpu.dma_semaphore, #tpu.memory_space<semaphore_mem>>) src(%dma_wait3A_97 : memref<520x128xf32, #tpu.memory_space<hbm>>) dst(%dma_wait3A_95 : memref<520x128xf32, #tpu.memory_space<vmem_shared>>)
        tpu.yield
      }) : () -> ()
      %mul3A_81 = arith.constant 632 : i32
      %mul3A_82 = arith.muli %arg1, %mul3A_81 : i32
      %add3A_83 = arith.constant 520 : i32
      %add3A_84 = arith.addi %mul3A_82, %add3A_83 : i32
      %mul3A_85 = arith.constant 632 : i32
      %mul3A_86 = arith.muli %arg1, %mul3A_85 : i32
      %add3A_87 = arith.constant 520 : i32
      %add3A_88 = arith.addi %mul3A_86, %add3A_87 : i32
      "tpu.region"() ({
        %run_scoped3A_89 = tpu.sem_alloc : memref<!tpu.dma_semaphore, #tpu.memory_space<semaphore_mem>>
        %dma_start3A_90 = arith.constant 0 : i32
        %dma_start3A_91 = tpu.memref_slice %arg7[%add3A_88, %dma_start3A_90] : memref<10112x128xf32, #tpu.memory_space<vmem_shared>> -> memref<112x128xf32, #tpu.memory_space<vmem_shared>>
        %dma_start3A_92 = arith.constant 0 : i32
        %dma_start3A_93 = tpu.memref_slice %arg5[%add3A_84, %dma_start3A_92] : memref<10112x128xf32, #tpu.memory_space<hbm>> -> memref<112x128xf32, #tpu.memory_space<hbm>>
        tpu.enqueue_dma source(%dma_start3A_93 : memref<112x128xf32, #tpu.memory_space<hbm>>) target(%dma_start3A_91 : memref<112x128xf32, #tpu.memory_space<vmem_shared>>) target_semaphore(%run_scoped3A_89 : memref<!tpu.dma_semaphore, #tpu.memory_space<semaphore_mem>>)
        %dma_wait3A_94 = arith.constant 0 : i32
        %dma_wait3A_95 = tpu.memref_slice %arg7[%add3A_88, %dma_wait3A_94] : memref<10112x128xf32, #tpu.memory_space<vmem_shared>> -> memref<112x128xf32, #tpu.memory_space<vmem_shared>>
        %dma_wait3A_96 = arith.constant 0 : i32
        %dma_wait3A_97 = tpu.memref_slice %arg5[%add3A_84, %dma_wait3A_96] : memref<10112x128xf32, #tpu.memory_space<hbm>> -> memref<112x128xf32, #tpu.memory_space<hbm>>
        tpu.wait_dma2 semaphore(%run_scoped3A_89 : memref<!tpu.dma_semaphore, #tpu.memory_space<semaphore_mem>>) src(%dma_wait3A_97 : memref<112x128xf32, #tpu.memory_space<hbm>>) dst(%dma_wait3A_95 : memref<112x128xf32, #tpu.memory_space<vmem_shared>>)
        tpu.yield
      }) : () -> ()
    } else {
    }
    %eq3A_42 = arith.constant 1 : i32
    %eq3A_43 = arith.cmpi eq, %arg0, %eq3A_42 : i32
    %convert_element_type3A_44 = arith.extui %eq3A_43 : i1 to i32
    %cond3A_45 = arith.constant 0 : i32
    %cond3A_46 = arith.cmpi ne, %convert_element_type3A_44, %cond3A_45 : i32
    scf.if %cond3A_46 {
      %mul3A_77 = arith.constant 632 : i32
      %mul3A_78 = arith.muli %arg1, %mul3A_77 : i32
      %mul3A_79 = arith.constant 632 : i32
      %mul3A_80 = arith.muli %arg1, %mul3A_79 : i32
      "tpu.region"() ({
        %run_scoped3A_81 = tpu.sem_alloc : memref<!tpu.dma_semaphore, #tpu.memory_space<semaphore_mem>>
        %dma_start3A_82 = arith.constant 0 : i32
        %dma_start3A_83 = tpu.memref_slice %arg7[%mul3A_80, %dma_start3A_82] : memref<10112x128xf32, #tpu.memory_space<vmem_shared>> -> memref<632x128xf32, #tpu.memory_space<vmem_shared>>
        %dma_start3A_84 = arith.constant 0 : i32
        %dma_start3A_85 = tpu.memref_slice %arg5[%mul3A_78, %dma_start3A_84] : memref<10112x128xf32, #tpu.memory_space<hbm>> -> memref<632x128xf32, #tpu.memory_space<hbm>>
        tpu.enqueue_dma source(%dma_start3A_85 : memref<632x128xf32, #tpu.memory_space<hbm>>) target(%dma_start3A_83 : memref<632x128xf32, #tpu.memory_space<vmem_shared>>) target_semaphore(%run_scoped3A_81 : memref<!tpu.dma_semaphore, #tpu.memory_space<semaphore_mem>>)
        %dma_wait3A_86 = arith.constant 0 : i32
        %dma_wait3A_87 = tpu.memref_slice %arg7[%mul3A_80, %dma_wait3A_86] : memref<10112x128xf32, #tpu.memory_space<vmem_shared>> -> memref<632x128xf32, #tpu.memory_space<vmem_shared>>
        %dma_wait3A_88 = arith.constant 0 : i32
        %dma_wait3A_89 = tpu.memref_slice %arg5[%mul3A_78, %dma_wait3A_88] : memref<10112x128xf32, #tpu.memory_space<hbm>> -> memref<632x128xf32, #tpu.memory_space<hbm>>
        tpu.wait_dma2 semaphore(%run_scoped3A_81 : memref<!tpu.dma_semaphore, #tpu.memory_space<semaphore_mem>>) src(%dma_wait3A_89 : memref<632x128xf32, #tpu.memory_space<hbm>>) dst(%dma_wait3A_87 : memref<632x128xf32, #tpu.memory_space<vmem_shared>>)
        tpu.yield
      }) : () -> ()
    } else {
    }
    %barrier3A = arith.constant 0 : index
    tpu.barrier barrier_id(%barrier3A)
    %scan3A = arith.constant 0 : i32
    %scan3A_47 = arith.constant 0 : i32
    %scan3A_48 = arith.constant 38 : i32
    %scan3A_49 = arith.addi %scan3A_47, %scan3A_48 : i32
    %scan3A_50 = arith.constant 1 : i32
    scf.for %scan3A_77 = %scan3A_47 to %scan3A_49 step %scan3A_50  : i32 {
      %mul3A_78 = arith.constant 3 : i32
      %mul3A_79 = arith.muli %scan3A_77, %mul3A_78 : i32
      %add3A_80 = arith.constant 0 : i32
      %add3A_81 = arith.addi %mul3A_79, %add3A_80 : i32
      %dma_wait3A_82 = arith.constant 0 : i32
      %dma_wait3A_83 = arith.constant 0 : i32
      %dma_wait3A_84 = tpu.memref_slice %arg9[%dma_wait3A_82, %dma_wait3A_83] : memref<3x88xi32, #tpu.memory_space<vmem>> -> memref<1x88xi32, #tpu.memory_space<vmem>>
      %dma_wait3A_85 = tpu.memref_squeeze %dma_wait3A_84 : memref<1x88xi32, #tpu.memory_space<vmem>> -> memref<88xi32, #tpu.memory_space<vmem>>
      %dma_wait3A_86 = arith.constant 0 : i32
      %dma_wait3A_87 = arith.constant 0 : i32
      %dma_wait3A_88 = tpu.memref_slice %arg4[%dma_wait3A_86, %dma_wait3A_87] : memref<10000x128xf32, #tpu.memory_space<hbm>> -> memref<10000x128xf32, #tpu.memory_space<hbm>>
      tpu.wait_indirect_dma semaphore(%arg13 : memref<!tpu.dma_semaphore, #tpu.memory_space<semaphore_mem>>) src(%dma_wait3A_88 : memref<10000x128xf32, #tpu.memory_space<hbm>>) dst(%arg10 : memref<88x128xf32, #tpu.memory_space<vmem>>)
      %dma_start3A_89 = arith.constant 0 : i32
      %dma_start3A_90 = tpu.memref_slice %arg8[%add3A_81, %dma_start3A_89] : memref<114x88xi32, #tpu.memory_space<vmem>> -> memref<1x88xi32, #tpu.memory_space<vmem>>
      %dma_start3A_91 = tpu.memref_squeeze %dma_start3A_90 : memref<1x88xi32, #tpu.memory_space<vmem>> -> memref<88xi32, #tpu.memory_space<vmem>>
      %dma_start3A_92 = arith.constant 0 : i32
      %dma_start3A_93 = arith.constant 0 : i32
      %dma_start3A_94 = tpu.memref_slice %arg7[%dma_start3A_92, %dma_start3A_93] : memref<10112x128xf32, #tpu.memory_space<vmem_shared>> -> memref<10112x128xf32, #tpu.memory_space<vmem_shared>>
      tpu.enqueue_indirect_dma source(%arg10 : memref<88x128xf32, #tpu.memory_space<vmem>>) target(%dma_start3A_94 : memref<10112x128xf32, #tpu.memory_space<vmem_shared>>) offsets(%dma_start3A_91 : memref<88xi32, #tpu.memory_space<vmem>>) semaphore(%arg16 : memref<!tpu.dma_semaphore, #tpu.memory_space<semaphore_mem>>) {add = true}
      %lt3A_95 = arith.constant 37 : i32
      %lt3A_96 = arith.cmpi slt, %scan3A_77, %lt3A_95 : i32
      %convert_element_type3A_97 = arith.extui %lt3A_96 : i1 to i32
      %cond3A_98 = arith.constant 0 : i32
      %cond3A_99 = arith.cmpi ne, %convert_element_type3A_97, %cond3A_98 : i32
      scf.if %cond3A_99 {
        %add3A_144 = arith.constant 3 : i32
        %add3A_145 = arith.addi %add3A_81, %add3A_144 : i32
        %mul3A_146 = arith.constant 88 : i32
        %mul3A_147 = arith.muli %add3A_145, %mul3A_146 : i32
        %add3A_148 = arith.addi %mul3A_2, %mul3A_147 : i32
        %run_scoped3A_149 = arith.constant 0 : i32
        "tpu.region"() ({
          %run_scoped3A_163 = tpu.sem_alloc : memref<!tpu.dma_semaphore, #tpu.memory_space<semaphore_mem>>
          %dma_start3A_164 = arith.constant 0 : i32
          %dma_start3A_165 = tpu.memref_slice %arg9[%run_scoped3A_149, %dma_start3A_164] : memref<3x88xi32, #tpu.memory_space<vmem>> -> memref<1x88xi32, #tpu.memory_space<vmem>>
          %dma_start3A_166 = tpu.memref_squeeze %dma_start3A_165 : memref<1x88xi32, #tpu.memory_space<vmem>> -> memref<88xi32, #tpu.memory_space<vmem>>
          %dma_start3A_167 = tpu.memref_slice %arg2[%add3A_148] : memref<321024xi32, #tpu.memory_space<hbm>> -> memref<88xi32, #tpu.memory_space<hbm>>
          %dma_start3A_168 = arith.constant 0 : i32
          %dma_start3A_169 = tpu.memref_slice %arg9[%run_scoped3A_149, %dma_start3A_168] : memref<3x88xi32, #tpu.memory_space<vmem>> -> memref<1x88xi32, #tpu.memory_space<vmem>>
          %dma_start3A_170 = tpu.memref_squeeze %dma_start3A_169 : memref<1x88xi32, #tpu.memory_space<vmem>> -> memref<88xi32, #tpu.memory_space<vmem>>
          %dma_start3A_171 = tpu.memref_slice %arg2[%add3A_148] : memref<321024xi32, #tpu.memory_space<hbm>> -> memref<88xi32, #tpu.memory_space<hbm>>
          tpu.enqueue_dma source(%dma_start3A_171 : memref<88xi32, #tpu.memory_space<hbm>>) target(%dma_start3A_170 : memref<88xi32, #tpu.memory_space<vmem>>) target_semaphore(%run_scoped3A_163 : memref<!tpu.dma_semaphore, #tpu.memory_space<semaphore_mem>>)
          %dma_wait3A_172 = arith.constant 0 : i32
          %dma_wait3A_173 = tpu.memref_slice %arg9[%run_scoped3A_149, %dma_wait3A_172] : memref<3x88xi32, #tpu.memory_space<vmem>> -> memref<1x88xi32, #tpu.memory_space<vmem>>
          %dma_wait3A_174 = tpu.memref_squeeze %dma_wait3A_173 : memref<1x88xi32, #tpu.memory_space<vmem>> -> memref<88xi32, #tpu.memory_space<vmem>>
          %dma_wait3A_175 = tpu.memref_slice %arg2[%add3A_148] : memref<321024xi32, #tpu.memory_space<hbm>> -> memref<88xi32, #tpu.memory_space<hbm>>
          %dma_wait3A_176 = arith.constant 0 : i32
          %dma_wait3A_177 = tpu.memref_slice %arg9[%run_scoped3A_149, %dma_wait3A_176] : memref<3x88xi32, #tpu.memory_space<vmem>> -> memref<1x88xi32, #tpu.memory_space<vmem>>
          %dma_wait3A_178 = tpu.memref_squeeze %dma_wait3A_177 : memref<1x88xi32, #tpu.memory_space<vmem>> -> memref<88xi32, #tpu.memory_space<vmem>>
          %dma_wait3A_179 = tpu.memref_slice %arg2[%add3A_148] : memref<321024xi32, #tpu.memory_space<hbm>> -> memref<88xi32, #tpu.memory_space<hbm>>
          tpu.wait_dma2 semaphore(%run_scoped3A_163 : memref<!tpu.dma_semaphore, #tpu.memory_space<semaphore_mem>>) src(%dma_wait3A_179 : memref<88xi32, #tpu.memory_space<hbm>>) dst(%dma_wait3A_178 : memref<88xi32, #tpu.memory_space<vmem>>)
          tpu.yield
        }) : () -> ()
        %dma_wait3A_150 = arith.constant 0 : i32
        %dma_wait3A_151 = tpu.memref_slice %arg8[%add3A_81, %dma_wait3A_150] : memref<114x88xi32, #tpu.memory_space<vmem>> -> memref<1x88xi32, #tpu.memory_space<vmem>>
        %dma_wait3A_152 = tpu.memref_squeeze %dma_wait3A_151 : memref<1x88xi32, #tpu.memory_space<vmem>> -> memref<88xi32, #tpu.memory_space<vmem>>
        %dma_wait3A_153 = arith.constant 0 : i32
        %dma_wait3A_154 = arith.constant 0 : i32
        %dma_wait3A_155 = tpu.memref_slice %arg7[%dma_wait3A_153, %dma_wait3A_154] : memref<10112x128xf32, #tpu.memory_space<vmem_shared>> -> memref<10112x128xf32, #tpu.memory_space<vmem_shared>>
        tpu.wait_indirect_dma semaphore(%arg16 : memref<!tpu.dma_semaphore, #tpu.memory_space<semaphore_mem>>) src(%arg10 : memref<88x128xf32, #tpu.memory_space<vmem>>) dst(%dma_wait3A_155 : memref<10112x128xf32, #tpu.memory_space<vmem_shared>>)
        %dma_start3A_156 = arith.constant 0 : i32
        %dma_start3A_157 = arith.constant 0 : i32
        %dma_start3A_158 = tpu.memref_slice %arg9[%dma_start3A_156, %dma_start3A_157] : memref<3x88xi32, #tpu.memory_space<vmem>> -> memref<1x88xi32, #tpu.memory_space<vmem>>
        %dma_start3A_159 = tpu.memref_squeeze %dma_start3A_158 : memref<1x88xi32, #tpu.memory_space<vmem>> -> memref<88xi32, #tpu.memory_space<vmem>>
        %dma_start3A_160 = arith.constant 0 : i32
        %dma_start3A_161 = arith.constant 0 : i32
        %dma_start3A_162 = tpu.memref_slice %arg4[%dma_start3A_160, %dma_start3A_161] : memref<10000x128xf32, #tpu.memory_space<hbm>> -> memref<10000x128xf32, #tpu.memory_space<hbm>>
        tpu.enqueue_indirect_dma source(%dma_start3A_162 : memref<10000x128xf32, #tpu.memory_space<hbm>>) target(%arg10 : memref<88x128xf32, #tpu.memory_space<vmem>>) offsets(%dma_start3A_159 : memref<88xi32, #tpu.memory_space<vmem>>) semaphore(%arg13 : memref<!tpu.dma_semaphore, #tpu.memory_space<semaphore_mem>>)
      } else {
      }
      %mul3A_100 = arith.constant 3 : i32
      %mul3A_101 = arith.muli %scan3A_77, %mul3A_100 : i32
      %add3A_102 = arith.constant 1 : i32
      %add3A_103 = arith.addi %mul3A_101, %add3A_102 : i32
      %dma_wait3A_104 = arith.constant 1 : i32
      %dma_wait3A_105 = arith.constant 0 : i32
      %dma_wait3A_106 = tpu.memref_slice %arg9[%dma_wait3A_104, %dma_wait3A_105] : memref<3x88xi32, #tpu.memory_space<vmem>> -> memref<1x88xi32, #tpu.memory_space<vmem>>
      %dma_wait3A_107 = tpu.memref_squeeze %dma_wait3A_106 : memref<1x88xi32, #tpu.memory_space<vmem>> -> memref<88xi32, #tpu.memory_space<vmem>>
      %dma_wait3A_108 = arith.constant 0 : i32
      %dma_wait3A_109 = arith.constant 0 : i32
      %dma_wait3A_110 = tpu.memref_slice %arg4[%dma_wait3A_108, %dma_wait3A_109] : memref<10000x128xf32, #tpu.memory_space<hbm>> -> memref<10000x128xf32, #tpu.memory_space<hbm>>
      tpu.wait_indirect_dma semaphore(%arg14 : memref<!tpu.dma_semaphore, #tpu.memory_space<semaphore_mem>>) src(%dma_wait3A_110 : memref<10000x128xf32, #tpu.memory_space<hbm>>) dst(%arg11 : memref<88x128xf32, #tpu.memory_space<vmem>>)
      %dma_start3A_111 = arith.constant 0 : i32
      %dma_start3A_112 = tpu.memref_slice %arg8[%add3A_103, %dma_start3A_111] : memref<114x88xi32, #tpu.memory_space<vmem>> -> memref<1x88xi32, #tpu.memory_space<vmem>>
      %dma_start3A_113 = tpu.memref_squeeze %dma_start3A_112 : memref<1x88xi32, #tpu.memory_space<vmem>> -> memref<88xi32, #tpu.memory_space<vmem>>
      %dma_start3A_114 = arith.constant 0 : i32
      %dma_start3A_115 = arith.constant 0 : i32
      %dma_start3A_116 = tpu.memref_slice %arg7[%dma_start3A_114, %dma_start3A_115] : memref<10112x128xf32, #tpu.memory_space<vmem_shared>> -> memref<10112x128xf32, #tpu.memory_space<vmem_shared>>
      tpu.enqueue_indirect_dma source(%arg11 : memref<88x128xf32, #tpu.memory_space<vmem>>) target(%dma_start3A_116 : memref<10112x128xf32, #tpu.memory_space<vmem_shared>>) offsets(%dma_start3A_113 : memref<88xi32, #tpu.memory_space<vmem>>) semaphore(%arg17 : memref<!tpu.dma_semaphore, #tpu.memory_space<semaphore_mem>>) {add = true}
      %lt3A_117 = arith.constant 37 : i32
      %lt3A_118 = arith.cmpi slt, %scan3A_77, %lt3A_117 : i32
      %convert_element_type3A_119 = arith.extui %lt3A_118 : i1 to i32
      %cond3A_120 = arith.constant 0 : i32
      %cond3A_121 = arith.cmpi ne, %convert_element_type3A_119, %cond3A_120 : i32
      scf.if %cond3A_121 {
        %add3A_144 = arith.constant 3 : i32
        %add3A_145 = arith.addi %add3A_103, %add3A_144 : i32
        %mul3A_146 = arith.constant 88 : i32
        %mul3A_147 = arith.muli %add3A_145, %mul3A_146 : i32
        %add3A_148 = arith.addi %mul3A_2, %mul3A_147 : i32
        %run_scoped3A_149 = arith.constant 1 : i32
        "tpu.region"() ({
          %run_scoped3A_163 = tpu.sem_alloc : memref<!tpu.dma_semaphore, #tpu.memory_space<semaphore_mem>>
          %dma_start3A_164 = arith.constant 0 : i32
          %dma_start3A_165 = tpu.memref_slice %arg9[%run_scoped3A_149, %dma_start3A_164] : memref<3x88xi32, #tpu.memory_space<vmem>> -> memref<1x88xi32, #tpu.memory_space<vmem>>
          %dma_start3A_166 = tpu.memref_squeeze %dma_start3A_165 : memref<1x88xi32, #tpu.memory_space<vmem>> -> memref<88xi32, #tpu.memory_space<vmem>>
          %dma_start3A_167 = tpu.memref_slice %arg2[%add3A_148] : memref<321024xi32, #tpu.memory_space<hbm>> -> memref<88xi32, #tpu.memory_space<hbm>>
          %dma_start3A_168 = arith.constant 0 : i32
          %dma_start3A_169 = tpu.memref_slice %arg9[%run_scoped3A_149, %dma_start3A_168] : memref<3x88xi32, #tpu.memory_space<vmem>> -> memref<1x88xi32, #tpu.memory_space<vmem>>
          %dma_start3A_170 = tpu.memref_squeeze %dma_start3A_169 : memref<1x88xi32, #tpu.memory_space<vmem>> -> memref<88xi32, #tpu.memory_space<vmem>>
          %dma_start3A_171 = tpu.memref_slice %arg2[%add3A_148] : memref<321024xi32, #tpu.memory_space<hbm>> -> memref<88xi32, #tpu.memory_space<hbm>>
          tpu.enqueue_dma source(%dma_start3A_171 : memref<88xi32, #tpu.memory_space<hbm>>) target(%dma_start3A_170 : memref<88xi32, #tpu.memory_space<vmem>>) target_semaphore(%run_scoped3A_163 : memref<!tpu.dma_semaphore, #tpu.memory_space<semaphore_mem>>)
          %dma_wait3A_172 = arith.constant 0 : i32
          %dma_wait3A_173 = tpu.memref_slice %arg9[%run_scoped3A_149, %dma_wait3A_172] : memref<3x88xi32, #tpu.memory_space<vmem>> -> memref<1x88xi32, #tpu.memory_space<vmem>>
          %dma_wait3A_174 = tpu.memref_squeeze %dma_wait3A_173 : memref<1x88xi32, #tpu.memory_space<vmem>> -> memref<88xi32, #tpu.memory_space<vmem>>
          %dma_wait3A_175 = tpu.memref_slice %arg2[%add3A_148] : memref<321024xi32, #tpu.memory_space<hbm>> -> memref<88xi32, #tpu.memory_space<hbm>>
          %dma_wait3A_176 = arith.constant 0 : i32
          %dma_wait3A_177 = tpu.memref_slice %arg9[%run_scoped3A_149, %dma_wait3A_176] : memref<3x88xi32, #tpu.memory_space<vmem>> -> memref<1x88xi32, #tpu.memory_space<vmem>>
          %dma_wait3A_178 = tpu.memref_squeeze %dma_wait3A_177 : memref<1x88xi32, #tpu.memory_space<vmem>> -> memref<88xi32, #tpu.memory_space<vmem>>
          %dma_wait3A_179 = tpu.memref_slice %arg2[%add3A_148] : memref<321024xi32, #tpu.memory_space<hbm>> -> memref<88xi32, #tpu.memory_space<hbm>>
          tpu.wait_dma2 semaphore(%run_scoped3A_163 : memref<!tpu.dma_semaphore, #tpu.memory_space<semaphore_mem>>) src(%dma_wait3A_179 : memref<88xi32, #tpu.memory_space<hbm>>) dst(%dma_wait3A_178 : memref<88xi32, #tpu.memory_space<vmem>>)
          tpu.yield
        }) : () -> ()
        %dma_wait3A_150 = arith.constant 0 : i32
        %dma_wait3A_151 = tpu.memref_slice %arg8[%add3A_103, %dma_wait3A_150] : memref<114x88xi32, #tpu.memory_space<vmem>> -> memref<1x88xi32, #tpu.memory_space<vmem>>
        %dma_wait3A_152 = tpu.memref_squeeze %dma_wait3A_151 : memref<1x88xi32, #tpu.memory_space<vmem>> -> memref<88xi32, #tpu.memory_space<vmem>>
        %dma_wait3A_153 = arith.constant 0 : i32
        %dma_wait3A_154 = arith.constant 0 : i32
        %dma_wait3A_155 = tpu.memref_slice %arg7[%dma_wait3A_153, %dma_wait3A_154] : memref<10112x128xf32, #tpu.memory_space<vmem_shared>> -> memref<10112x128xf32, #tpu.memory_space<vmem_shared>>
        tpu.wait_indirect_dma semaphore(%arg17 : memref<!tpu.dma_semaphore, #tpu.memory_space<semaphore_mem>>) src(%arg11 : memref<88x128xf32, #tpu.memory_space<vmem>>) dst(%dma_wait3A_155 : memref<10112x128xf32, #tpu.memory_space<vmem_shared>>)
        %dma_start3A_156 = arith.constant 1 : i32
        %dma_start3A_157 = arith.constant 0 : i32
        %dma_start3A_158 = tpu.memref_slice %arg9[%dma_start3A_156, %dma_start3A_157] : memref<3x88xi32, #tpu.memory_space<vmem>> -> memref<1x88xi32, #tpu.memory_space<vmem>>
        %dma_start3A_159 = tpu.memref_squeeze %dma_start3A_158 : memref<1x88xi32, #tpu.memory_space<vmem>> -> memref<88xi32, #tpu.memory_space<vmem>>
        %dma_start3A_160 = arith.constant 0 : i32
        %dma_start3A_161 = arith.constant 0 : i32
        %dma_start3A_162 = tpu.memref_slice %arg4[%dma_start3A_160, %dma_start3A_161] : memref<10000x128xf32, #tpu.memory_space<hbm>> -> memref<10000x128xf32, #tpu.memory_space<hbm>>
        tpu.enqueue_indirect_dma source(%dma_start3A_162 : memref<10000x128xf32, #tpu.memory_space<hbm>>) target(%arg11 : memref<88x128xf32, #tpu.memory_space<vmem>>) offsets(%dma_start3A_159 : memref<88xi32, #tpu.memory_space<vmem>>) semaphore(%arg14 : memref<!tpu.dma_semaphore, #tpu.memory_space<semaphore_mem>>)
      } else {
      }
      %mul3A_122 = arith.constant 3 : i32
      %mul3A_123 = arith.muli %scan3A_77, %mul3A_122 : i32
      %add3A_124 = arith.constant 2 : i32
      %add3A_125 = arith.addi %mul3A_123, %add3A_124 : i32
      %dma_wait3A_126 = arith.constant 2 : i32
      %dma_wait3A_127 = arith.constant 0 : i32
      %dma_wait3A_128 = tpu.memref_slice %arg9[%dma_wait3A_126, %dma_wait3A_127] : memref<3x88xi32, #tpu.memory_space<vmem>> -> memref<1x88xi32, #tpu.memory_space<vmem>>
      %dma_wait3A_129 = tpu.memref_squeeze %dma_wait3A_128 : memref<1x88xi32, #tpu.memory_space<vmem>> -> memref<88xi32, #tpu.memory_space<vmem>>
      %dma_wait3A_130 = arith.constant 0 : i32
      %dma_wait3A_131 = arith.constant 0 : i32
      %dma_wait3A_132 = tpu.memref_slice %arg4[%dma_wait3A_130, %dma_wait3A_131] : memref<10000x128xf32, #tpu.memory_space<hbm>> -> memref<10000x128xf32, #tpu.memory_space<hbm>>
      tpu.wait_indirect_dma semaphore(%arg15 : memref<!tpu.dma_semaphore, #tpu.memory_space<semaphore_mem>>) src(%dma_wait3A_132 : memref<10000x128xf32, #tpu.memory_space<hbm>>) dst(%arg12 : memref<88x128xf32, #tpu.memory_space<vmem>>)
      %dma_start3A_133 = arith.constant 0 : i32
      %dma_start3A_134 = tpu.memref_slice %arg8[%add3A_125, %dma_start3A_133] : memref<114x88xi32, #tpu.memory_space<vmem>> -> memref<1x88xi32, #tpu.memory_space<vmem>>
      %dma_start3A_135 = tpu.memref_squeeze %dma_start3A_134 : memref<1x88xi32, #tpu.memory_space<vmem>> -> memref<88xi32, #tpu.memory_space<vmem>>
      %dma_start3A_136 = arith.constant 0 : i32
      %dma_start3A_137 = arith.constant 0 : i32
      %dma_start3A_138 = tpu.memref_slice %arg7[%dma_start3A_136, %dma_start3A_137] : memref<10112x128xf32, #tpu.memory_space<vmem_shared>> -> memref<10112x128xf32, #tpu.memory_space<vmem_shared>>
      tpu.enqueue_indirect_dma source(%arg12 : memref<88x128xf32, #tpu.memory_space<vmem>>) target(%dma_start3A_138 : memref<10112x128xf32, #tpu.memory_space<vmem_shared>>) offsets(%dma_start3A_135 : memref<88xi32, #tpu.memory_space<vmem>>) semaphore(%arg18 : memref<!tpu.dma_semaphore, #tpu.memory_space<semaphore_mem>>) {add = true}
      %lt3A_139 = arith.constant 37 : i32
      %lt3A_140 = arith.cmpi slt, %scan3A_77, %lt3A_139 : i32
      %convert_element_type3A_141 = arith.extui %lt3A_140 : i1 to i32
      %cond3A_142 = arith.constant 0 : i32
      %cond3A_143 = arith.cmpi ne, %convert_element_type3A_141, %cond3A_142 : i32
      scf.if %cond3A_143 {
        %add3A_144 = arith.constant 3 : i32
        %add3A_145 = arith.addi %add3A_125, %add3A_144 : i32
        %mul3A_146 = arith.constant 88 : i32
        %mul3A_147 = arith.muli %add3A_145, %mul3A_146 : i32
        %add3A_148 = arith.addi %mul3A_2, %mul3A_147 : i32
        %run_scoped3A_149 = arith.constant 2 : i32
        "tpu.region"() ({
          %run_scoped3A_163 = tpu.sem_alloc : memref<!tpu.dma_semaphore, #tpu.memory_space<semaphore_mem>>
          %dma_start3A_164 = arith.constant 0 : i32
          %dma_start3A_165 = tpu.memref_slice %arg9[%run_scoped3A_149, %dma_start3A_164] : memref<3x88xi32, #tpu.memory_space<vmem>> -> memref<1x88xi32, #tpu.memory_space<vmem>>
          %dma_start3A_166 = tpu.memref_squeeze %dma_start3A_165 : memref<1x88xi32, #tpu.memory_space<vmem>> -> memref<88xi32, #tpu.memory_space<vmem>>
          %dma_start3A_167 = tpu.memref_slice %arg2[%add3A_148] : memref<321024xi32, #tpu.memory_space<hbm>> -> memref<88xi32, #tpu.memory_space<hbm>>
          %dma_start3A_168 = arith.constant 0 : i32
          %dma_start3A_169 = tpu.memref_slice %arg9[%run_scoped3A_149, %dma_start3A_168] : memref<3x88xi32, #tpu.memory_space<vmem>> -> memref<1x88xi32, #tpu.memory_space<vmem>>
          %dma_start3A_170 = tpu.memref_squeeze %dma_start3A_169 : memref<1x88xi32, #tpu.memory_space<vmem>> -> memref<88xi32, #tpu.memory_space<vmem>>
          %dma_start3A_171 = tpu.memref_slice %arg2[%add3A_148] : memref<321024xi32, #tpu.memory_space<hbm>> -> memref<88xi32, #tpu.memory_space<hbm>>
          tpu.enqueue_dma source(%dma_start3A_171 : memref<88xi32, #tpu.memory_space<hbm>>) target(%dma_start3A_170 : memref<88xi32, #tpu.memory_space<vmem>>) target_semaphore(%run_scoped3A_163 : memref<!tpu.dma_semaphore, #tpu.memory_space<semaphore_mem>>)
          %dma_wait3A_172 = arith.constant 0 : i32
          %dma_wait3A_173 = tpu.memref_slice %arg9[%run_scoped3A_149, %dma_wait3A_172] : memref<3x88xi32, #tpu.memory_space<vmem>> -> memref<1x88xi32, #tpu.memory_space<vmem>>
          %dma_wait3A_174 = tpu.memref_squeeze %dma_wait3A_173 : memref<1x88xi32, #tpu.memory_space<vmem>> -> memref<88xi32, #tpu.memory_space<vmem>>
          %dma_wait3A_175 = tpu.memref_slice %arg2[%add3A_148] : memref<321024xi32, #tpu.memory_space<hbm>> -> memref<88xi32, #tpu.memory_space<hbm>>
          %dma_wait3A_176 = arith.constant 0 : i32
          %dma_wait3A_177 = tpu.memref_slice %arg9[%run_scoped3A_149, %dma_wait3A_176] : memref<3x88xi32, #tpu.memory_space<vmem>> -> memref<1x88xi32, #tpu.memory_space<vmem>>
          %dma_wait3A_178 = tpu.memref_squeeze %dma_wait3A_177 : memref<1x88xi32, #tpu.memory_space<vmem>> -> memref<88xi32, #tpu.memory_space<vmem>>
          %dma_wait3A_179 = tpu.memref_slice %arg2[%add3A_148] : memref<321024xi32, #tpu.memory_space<hbm>> -> memref<88xi32, #tpu.memory_space<hbm>>
          tpu.wait_dma2 semaphore(%run_scoped3A_163 : memref<!tpu.dma_semaphore, #tpu.memory_space<semaphore_mem>>) src(%dma_wait3A_179 : memref<88xi32, #tpu.memory_space<hbm>>) dst(%dma_wait3A_178 : memref<88xi32, #tpu.memory_space<vmem>>)
          tpu.yield
        }) : () -> ()
        %dma_wait3A_150 = arith.constant 0 : i32
        %dma_wait3A_151 = tpu.memref_slice %arg8[%add3A_125, %dma_wait3A_150] : memref<114x88xi32, #tpu.memory_space<vmem>> -> memref<1x88xi32, #tpu.memory_space<vmem>>
        %dma_wait3A_152 = tpu.memref_squeeze %dma_wait3A_151 : memref<1x88xi32, #tpu.memory_space<vmem>> -> memref<88xi32, #tpu.memory_space<vmem>>
        %dma_wait3A_153 = arith.constant 0 : i32
        %dma_wait3A_154 = arith.constant 0 : i32
        %dma_wait3A_155 = tpu.memref_slice %arg7[%dma_wait3A_153, %dma_wait3A_154] : memref<10112x128xf32, #tpu.memory_space<vmem_shared>> -> memref<10112x128xf32, #tpu.memory_space<vmem_shared>>
        tpu.wait_indirect_dma semaphore(%arg18 : memref<!tpu.dma_semaphore, #tpu.memory_space<semaphore_mem>>) src(%arg12 : memref<88x128xf32, #tpu.memory_space<vmem>>) dst(%dma_wait3A_155 : memref<10112x128xf32, #tpu.memory_space<vmem_shared>>)
        %dma_start3A_156 = arith.constant 2 : i32
        %dma_start3A_157 = arith.constant 0 : i32
        %dma_start3A_158 = tpu.memref_slice %arg9[%dma_start3A_156, %dma_start3A_157] : memref<3x88xi32, #tpu.memory_space<vmem>> -> memref<1x88xi32, #tpu.memory_space<vmem>>
        %dma_start3A_159 = tpu.memref_squeeze %dma_start3A_158 : memref<1x88xi32, #tpu.memory_space<vmem>> -> memref<88xi32, #tpu.memory_space<vmem>>
        %dma_start3A_160 = arith.constant 0 : i32
        %dma_start3A_161 = arith.constant 0 : i32
        %dma_start3A_162 = tpu.memref_slice %arg4[%dma_start3A_160, %dma_start3A_161] : memref<10000x128xf32, #tpu.memory_space<hbm>> -> memref<10000x128xf32, #tpu.memory_space<hbm>>
        tpu.enqueue_indirect_dma source(%dma_start3A_162 : memref<10000x128xf32, #tpu.memory_space<hbm>>) target(%arg12 : memref<88x128xf32, #tpu.memory_space<vmem>>) offsets(%dma_start3A_159 : memref<88xi32, #tpu.memory_space<vmem>>) semaphore(%arg15 : memref<!tpu.dma_semaphore, #tpu.memory_space<semaphore_mem>>)
      } else {
      }
    }
    %scan3A_51 = arith.constant 38 : i32
    %dma_wait3A = arith.constant 0 : i32
    %dma_wait3A_52 = arith.constant 0 : i32
    %dma_wait3A_53 = tpu.memref_slice %arg8[%dma_wait3A, %dma_wait3A_52] : memref<114x88xi32, #tpu.memory_space<vmem>> -> memref<1x88xi32, #tpu.memory_space<vmem>>
    %dma_wait3A_54 = tpu.memref_squeeze %dma_wait3A_53 : memref<1x88xi32, #tpu.memory_space<vmem>> -> memref<88xi32, #tpu.memory_space<vmem>>
    %dma_wait3A_55 = arith.constant 0 : i32
    %dma_wait3A_56 = arith.constant 0 : i32
    %dma_wait3A_57 = tpu.memref_slice %arg7[%dma_wait3A_55, %dma_wait3A_56] : memref<10112x128xf32, #tpu.memory_space<vmem_shared>> -> memref<10112x128xf32, #tpu.memory_space<vmem_shared>>
    tpu.wait_indirect_dma semaphore(%arg16 : memref<!tpu.dma_semaphore, #tpu.memory_space<semaphore_mem>>) src(%arg10 : memref<88x128xf32, #tpu.memory_space<vmem>>) dst(%dma_wait3A_57 : memref<10112x128xf32, #tpu.memory_space<vmem_shared>>)
    %dma_wait3A_58 = arith.constant 0 : i32
    %dma_wait3A_59 = arith.constant 0 : i32
    %dma_wait3A_60 = tpu.memref_slice %arg8[%dma_wait3A_58, %dma_wait3A_59] : memref<114x88xi32, #tpu.memory_space<vmem>> -> memref<1x88xi32, #tpu.memory_space<vmem>>
    %dma_wait3A_61 = tpu.memref_squeeze %dma_wait3A_60 : memref<1x88xi32, #tpu.memory_space<vmem>> -> memref<88xi32, #tpu.memory_space<vmem>>
    %dma_wait3A_62 = arith.constant 0 : i32
    %dma_wait3A_63 = arith.constant 0 : i32
    %dma_wait3A_64 = tpu.memref_slice %arg7[%dma_wait3A_62, %dma_wait3A_63] : memref<10112x128xf32, #tpu.memory_space<vmem_shared>> -> memref<10112x128xf32, #tpu.memory_space<vmem_shared>>
    tpu.wait_indirect_dma semaphore(%arg17 : memref<!tpu.dma_semaphore, #tpu.memory_space<semaphore_mem>>) src(%arg11 : memref<88x128xf32, #tpu.memory_space<vmem>>) dst(%dma_wait3A_64 : memref<10112x128xf32, #tpu.memory_space<vmem_shared>>)
    %dma_wait3A_65 = arith.constant 0 : i32
    %dma_wait3A_66 = arith.constant 0 : i32
    %dma_wait3A_67 = tpu.memref_slice %arg8[%dma_wait3A_65, %dma_wait3A_66] : memref<114x88xi32, #tpu.memory_space<vmem>> -> memref<1x88xi32, #tpu.memory_space<vmem>>
    %dma_wait3A_68 = tpu.memref_squeeze %dma_wait3A_67 : memref<1x88xi32, #tpu.memory_space<vmem>> -> memref<88xi32, #tpu.memory_space<vmem>>
    %dma_wait3A_69 = arith.constant 0 : i32
    %dma_wait3A_70 = arith.constant 0 : i32
    %dma_wait3A_71 = tpu.memref_slice %arg7[%dma_wait3A_69, %dma_wait3A_70] : memref<10112x128xf32, #tpu.memory_space<vmem_shared>> -> memref<10112x128xf32, #tpu.memory_space<vmem_shared>>
    tpu.wait_indirect_dma semaphore(%arg18 : memref<!tpu.dma_semaphore, #tpu.memory_space<semaphore_mem>>) src(%arg12 : memref<88x128xf32, #tpu.memory_space<vmem>>) dst(%dma_wait3A_71 : memref<10112x128xf32, #tpu.memory_space<vmem_shared>>)
    %barrier3A_72 = arith.constant 0 : index
    tpu.barrier barrier_id(%barrier3A_72)
    %mul3A_73 = arith.constant 632 : i32
    %mul3A_74 = arith.muli %arg1, %mul3A_73 : i32
    %mul3A_75 = arith.constant 632 : i32
    %mul3A_76 = arith.muli %arg1, %mul3A_75 : i32
    "tpu.region"() ({
      %run_scoped3A_77 = tpu.sem_alloc : memref<!tpu.dma_semaphore, #tpu.memory_space<semaphore_mem>>
      %dma_start3A_78 = arith.constant 0 : i32
      %dma_start3A_79 = tpu.memref_slice %arg6[%arg0, %mul3A_76, %dma_start3A_78] : memref<2x10112x128xf32, #tpu.memory_space<hbm>> -> memref<1x632x128xf32, #tpu.memory_space<hbm>>
      %dma_start3A_80 = tpu.memref_squeeze %dma_start3A_79 : memref<1x632x128xf32, #tpu.memory_space<hbm>> -> memref<632x128xf32, #tpu.memory_space<hbm>>
      %dma_start3A_81 = arith.constant 0 : i32
      %dma_start3A_82 = tpu.memref_slice %arg7[%mul3A_74, %dma_start3A_81] : memref<10112x128xf32, #tpu.memory_space<vmem_shared>> -> memref<632x128xf32, #tpu.memory_space<vmem_shared>>
      tpu.enqueue_dma source(%dma_start3A_82 : memref<632x128xf32, #tpu.memory_space<vmem_shared>>) target(%dma_start3A_80 : memref<632x128xf32, #tpu.memory_space<hbm>>) target_semaphore(%run_scoped3A_77 : memref<!tpu.dma_semaphore, #tpu.memory_space<semaphore_mem>>)
      %dma_wait3A_83 = arith.constant 0 : i32
      %dma_wait3A_84 = tpu.memref_slice %arg6[%arg0, %mul3A_76, %dma_wait3A_83] : memref<2x10112x128xf32, #tpu.memory_space<hbm>> -> memref<1x632x128xf32, #tpu.memory_space<hbm>>
      %dma_wait3A_85 = tpu.memref_squeeze %dma_wait3A_84 : memref<1x632x128xf32, #tpu.memory_space<hbm>> -> memref<632x128xf32, #tpu.memory_space<hbm>>
      %dma_wait3A_86 = arith.constant 0 : i32
      %dma_wait3A_87 = tpu.memref_slice %arg7[%mul3A_74, %dma_wait3A_86] : memref<10112x128xf32, #tpu.memory_space<vmem_shared>> -> memref<632x128xf32, #tpu.memory_space<vmem_shared>>
      tpu.wait_dma2 semaphore(%run_scoped3A_77 : memref<!tpu.dma_semaphore, #tpu.memory_space<semaphore_mem>>) src(%dma_wait3A_87 : memref<632x128xf32, #tpu.memory_space<vmem_shared>>) dst(%dma_wait3A_85 : memref<632x128xf32, #tpu.memory_space<hbm>>)
      tpu.yield
    }) : () -> ()
    return
  }
}

module attributes {stable_mosaic.version = 14 : i64} {
  func.func @_tc_first_body(%arg0: i32, %arg1: memref<2x1000x128xf32, #tpu.memory_space<vmem>>, %arg2: memref<1000x128xf32, #tpu.memory_space<vmem>>, %arg3: memref<128x128xf32, #tpu.memory_space<vmem>>, %arg4: memref<1000x1xf32, #tpu.memory_space<vmem>>, %arg5: memref<1000x128xf32, #tpu.memory_space<vmem>>) attributes {dimension_semantics = [#tpu.dimension_semantics<arbitrary>], iteration_bounds = array<i64: 10>, scalar_prefetch = 0 : i64, scratch_operands = 0 : i64, tpu.core_type = #tpu.core_type<tc>, window_params = [{transform_indices = @transform_0, window_bounds = array<i64: 2, 1000, 128>}, {transform_indices = @transform_1, window_bounds = array<i64: 1000, 128>}, {pipeline_mode = #tpu.pipeline_mode<synchronous>, transform_indices = @transform_2, window_bounds = array<i64: 128, 128>}, {transform_indices = @transform_3, window_bounds = array<i64: 1000, 1>}, {transform_indices = @transform_4, window_bounds = array<i64: 1000, 128>}]} {
    %get3A = arith.constant 0 : index
    %get3A_0 = arith.constant 0 : index
    %get3A_1 = arith.constant 0 : index
    %get3A_2 = vector.load %arg1[%get3A, %get3A_0, %get3A_1] : memref<2x1000x128xf32, #tpu.memory_space<vmem>>, vector<1x1000x1xf32>
    %get3A_3 = vector.shape_cast %get3A_2 : vector<1x1000x1xf32> to vector<1000x1xf32>
    %get3A_4 = arith.constant 1 : index
    %get3A_5 = arith.constant 0 : index
    %get3A_6 = arith.constant 0 : index
    %get3A_7 = vector.load %arg1[%get3A_4, %get3A_5, %get3A_6] : memref<2x1000x128xf32, #tpu.memory_space<vmem>>, vector<1x1000x1xf32>
    %get3A_8 = vector.shape_cast %get3A_7 : vector<1x1000x1xf32> to vector<1000x1xf32>
    %add3A = arith.addf %get3A_3, %get3A_8 : vector<1000x1xf32>
    %add3A_9 = arith.constant 1.000000e+00 : f32
    %add3A_10 = vector.broadcast %add3A_9 : f32 to vector<1000x1xf32>
    %add3A_11 = arith.addf %add3A, %add3A_10 : vector<1000x1xf32>
    %rsqrt3A = math.rsqrt %add3A_11 : vector<1000x1xf32>
    %swap3A = arith.constant 0 : index
    %swap3A_12 = arith.constant 0 : index
    %swap3A_13 = vector.load %arg4[%swap3A, %swap3A_12] : memref<1000x1xf32, #tpu.memory_space<vmem>>, vector<1000x1xf32>
    tpu.vector_store %arg4[%swap3A, %swap3A_12], %rsqrt3A {strides = array<i32>} : memref<1000x1xf32, #tpu.memory_space<vmem>>, vector<1000x1xf32>,
    %get3A_14 = arith.constant 0 : index
    %get3A_15 = arith.constant 0 : index
    %get3A_16 = vector.load %arg2[%get3A_14, %get3A_15] : memref<1000x128xf32, #tpu.memory_space<vmem>>, vector<1000x128xf32>
    %get3A_17 = arith.constant 0 : index
    %get3A_18 = arith.constant 0 : index
    %get3A_19 = vector.load %arg3[%get3A_17, %get3A_18] : memref<128x128xf32, #tpu.memory_space<vmem>>, vector<128x128xf32>
    %dot_general3A = arith.constant dense<0.000000e+00> : vector<1000x128xf32>
    %dot_general3A_20 = tpu.matmul %get3A_16, %get3A_19, %dot_general3A {dimension_numbers = #tpu.dot_dimension_numbers<[1], [0], [0], [1], [0, 0, 1, 1], [], []>, precision = #tpu.contract_precision<fp32>, transpose_lhs_hint = false} : vector<1000x128xf32>, vector<128x128xf32>, vector<1000x128xf32> -> vector<1000x128xf32>
    %mul3A = vector.broadcast %rsqrt3A : vector<1000x1xf32> to vector<1000x128xf32>
    %mul3A_21 = arith.mulf %mul3A, %dot_general3A_20 : vector<1000x128xf32>
    %swap3A_22 = arith.constant 0 : index
    %swap3A_23 = arith.constant 0 : index
    %swap3A_24 = vector.load %arg5[%swap3A_22, %swap3A_23] : memref<1000x128xf32, #tpu.memory_space<vmem>>, vector<1000x128xf32>
    tpu.vector_store %arg5[%swap3A_22, %swap3A_23], %mul3A_21 {strides = array<i32>} : memref<1000x128xf32, #tpu.memory_space<vmem>>, vector<1000x128xf32>,
    return
  }
  func.func @transform_0(%arg0: i32) -> (i32, i32, i32) {
    %c0_i32 = arith.constant 0 : i32
    %c0_i32_0 = arith.constant 0 : i32
    %c0_i32_1 = arith.constant 0 : i32
    return %c0_i32, %arg0, %c0_i32_0 : i32, i32, i32
  }
  func.func @transform_1(%arg0: i32) -> (i32, i32) {
    %c0_i32 = arith.constant 0 : i32
    %c0_i32_0 = arith.constant 0 : i32
    return %arg0, %c0_i32 : i32, i32
  }
  func.func @transform_2(%arg0: i32) -> (i32, i32) {
    %c0_i32 = arith.constant 0 : i32
    %c0_i32_0 = arith.constant 0 : i32
    %c0_i32_1 = arith.constant 0 : i32
    return %c0_i32, %c0_i32_0 : i32, i32
  }
  func.func @transform_3(%arg0: i32) -> (i32, i32) {
    %c0_i32 = arith.constant 0 : i32
    %c0_i32_0 = arith.constant 0 : i32
    return %arg0, %c0_i32 : i32, i32
  }
  func.func @transform_4(%arg0: i32) -> (i32, i32) {
    %c0_i32 = arith.constant 0 : i32
    %c0_i32_0 = arith.constant 0 : i32
    return %arg0, %c0_i32 : i32, i32
  }
}

module attributes {stable_mosaic.version = 14 : i64} {
  func.func @_tc_mid_body(%arg0: i32, %arg1: memref<2x1000x128xf32, #tpu.memory_space<vmem>>, %arg2: memref<1000x1xf32, #tpu.memory_space<vmem>>, %arg3: memref<1x128xf32, #tpu.memory_space<vmem>>, %arg4: memref<128x128xf32, #tpu.memory_space<vmem>>, %arg5: memref<1000x128xf32, #tpu.memory_space<vmem>>, %arg6: memref<1000x128xf32, #tpu.memory_space<vmem>>) attributes {dimension_semantics = [#tpu.dimension_semantics<arbitrary>], iteration_bounds = array<i64: 10>, scalar_prefetch = 0 : i64, scratch_operands = 0 : i64, tpu.core_type = #tpu.core_type<tc>, window_params = [{transform_indices = @transform_0, window_bounds = array<i64: 2, 1000, 128>}, {transform_indices = @transform_1, window_bounds = array<i64: 1000, 1>}, {pipeline_mode = #tpu.pipeline_mode<synchronous>, transform_indices = @transform_2, window_bounds = array<i64: 1, 128>}, {pipeline_mode = #tpu.pipeline_mode<synchronous>, transform_indices = @transform_3, window_bounds = array<i64: 128, 128>}, {transform_indices = @transform_4, window_bounds = array<i64: 1000, 128>}, {transform_indices = @transform_5, window_bounds = array<i64: 1000, 128>}]} {
    %get3A = arith.constant 0 : index
    %get3A_0 = arith.constant 0 : index
    %get3A_1 = vector.load %arg2[%get3A, %get3A_0] : memref<1000x1xf32, #tpu.memory_space<vmem>>, vector<1000x1xf32>
    %get3A_2 = arith.constant 0 : index
    %get3A_3 = arith.constant 0 : index
    %get3A_4 = arith.constant 0 : index
    %get3A_5 = vector.load %arg1[%get3A_2, %get3A_3, %get3A_4] : memref<2x1000x128xf32, #tpu.memory_space<vmem>>, vector<1x1000x128xf32>
    %get3A_6 = vector.shape_cast %get3A_5 : vector<1x1000x128xf32> to vector<1000x128xf32>
    %get3A_7 = arith.constant 1 : index
    %get3A_8 = arith.constant 0 : index
    %get3A_9 = arith.constant 0 : index
    %get3A_10 = vector.load %arg1[%get3A_7, %get3A_8, %get3A_9] : memref<2x1000x128xf32, #tpu.memory_space<vmem>>, vector<1x1000x128xf32>
    %get3A_11 = vector.shape_cast %get3A_10 : vector<1x1000x128xf32> to vector<1000x128xf32>
    %add3A = arith.addf %get3A_6, %get3A_11 : vector<1000x128xf32>
    %mul3A = vector.broadcast %get3A_1 : vector<1000x1xf32> to vector<1000x128xf32>
    %mul3A_12 = arith.mulf %mul3A, %add3A : vector<1000x128xf32>
    %get3A_13 = arith.constant 0 : index
    %get3A_14 = arith.constant 0 : index
    %get3A_15 = vector.load %arg3[%get3A_13, %get3A_14] : memref<1x128xf32, #tpu.memory_space<vmem>>, vector<1x128xf32>
    %add3A_16 = vector.broadcast %get3A_15 : vector<1x128xf32> to vector<1000x128xf32>
    %add3A_17 = arith.addf %mul3A_12, %add3A_16 : vector<1000x128xf32>
    %max3A = arith.constant 0.000000e+00 : f32
    %max3A_18 = vector.broadcast %max3A : f32 to vector<1000x128xf32>
    %max3A_19 = arith.maximumf %add3A_17, %max3A_18 : vector<1000x128xf32>
    %swap3A = arith.constant 0 : index
    %swap3A_20 = arith.constant 0 : index
    %swap3A_21 = vector.load %arg5[%swap3A, %swap3A_20] : memref<1000x128xf32, #tpu.memory_space<vmem>>, vector<1000x128xf32>
    tpu.vector_store %arg5[%swap3A, %swap3A_20], %max3A_19 {strides = array<i32>} : memref<1000x128xf32, #tpu.memory_space<vmem>>, vector<1000x128xf32>,
    %get3A_22 = arith.constant 0 : index
    %get3A_23 = arith.constant 0 : index
    %get3A_24 = vector.load %arg4[%get3A_22, %get3A_23] : memref<128x128xf32, #tpu.memory_space<vmem>>, vector<128x128xf32>
    %dot_general3A = arith.constant dense<0.000000e+00> : vector<1000x128xf32>
    %dot_general3A_25 = tpu.matmul %max3A_19, %get3A_24, %dot_general3A {dimension_numbers = #tpu.dot_dimension_numbers<[1], [0], [0], [1], [0, 0, 1, 1], [], []>, precision = #tpu.contract_precision<fp32>, transpose_lhs_hint = false} : vector<1000x128xf32>, vector<128x128xf32>, vector<1000x128xf32> -> vector<1000x128xf32>
    %mul3A_26 = vector.broadcast %get3A_1 : vector<1000x1xf32> to vector<1000x128xf32>
    %mul3A_27 = arith.mulf %mul3A_26, %dot_general3A_25 : vector<1000x128xf32>
    %swap3A_28 = arith.constant 0 : index
    %swap3A_29 = arith.constant 0 : index
    %swap3A_30 = vector.load %arg6[%swap3A_28, %swap3A_29] : memref<1000x128xf32, #tpu.memory_space<vmem>>, vector<1000x128xf32>
    tpu.vector_store %arg6[%swap3A_28, %swap3A_29], %mul3A_27 {strides = array<i32>} : memref<1000x128xf32, #tpu.memory_space<vmem>>, vector<1000x128xf32>,
    return
  }
  func.func @transform_0(%arg0: i32) -> (i32, i32, i32) {
    %c0_i32 = arith.constant 0 : i32
    %c0_i32_0 = arith.constant 0 : i32
    %c0_i32_1 = arith.constant 0 : i32
    return %c0_i32, %arg0, %c0_i32_0 : i32, i32, i32
  }
  func.func @transform_1(%arg0: i32) -> (i32, i32) {
    %c0_i32 = arith.constant 0 : i32
    %c0_i32_0 = arith.constant 0 : i32
    return %arg0, %c0_i32 : i32, i32
  }
  func.func @transform_2(%arg0: i32) -> (i32, i32) {
    %c0_i32 = arith.constant 0 : i32
    %c0_i32_0 = arith.constant 0 : i32
    %c0_i32_1 = arith.constant 0 : i32
    return %c0_i32, %c0_i32_0 : i32, i32
  }
  func.func @transform_3(%arg0: i32) -> (i32, i32) {
    %c0_i32 = arith.constant 0 : i32
    %c0_i32_0 = arith.constant 0 : i32
    %c0_i32_1 = arith.constant 0 : i32
    return %c0_i32, %c0_i32_0 : i32, i32
  }
  func.func @transform_4(%arg0: i32) -> (i32, i32) {
    %c0_i32 = arith.constant 0 : i32
    %c0_i32_0 = arith.constant 0 : i32
    return %arg0, %c0_i32 : i32, i32
  }
  func.func @transform_5(%arg0: i32) -> (i32, i32) {
    %c0_i32 = arith.constant 0 : i32
    %c0_i32_0 = arith.constant 0 : i32
    return %arg0, %c0_i32 : i32, i32
  }
}

module attributes {stable_mosaic.version = 14 : i64} {
  func.func @_tc_mid_body(%arg0: i32, %arg1: memref<2x1000x128xf32, #tpu.memory_space<vmem>>, %arg2: memref<1000x1xf32, #tpu.memory_space<vmem>>, %arg3: memref<1x128xf32, #tpu.memory_space<vmem>>, %arg4: memref<128x128xf32, #tpu.memory_space<vmem>>, %arg5: memref<1000x128xf32, #tpu.memory_space<vmem>>, %arg6: memref<1000x128xf32, #tpu.memory_space<vmem>>, %arg7: memref<1000x128xf32, #tpu.memory_space<vmem>>) attributes {dimension_semantics = [#tpu.dimension_semantics<arbitrary>], iteration_bounds = array<i64: 10>, scalar_prefetch = 0 : i64, scratch_operands = 0 : i64, tpu.core_type = #tpu.core_type<tc>, window_params = [{transform_indices = @transform_0, window_bounds = array<i64: 2, 1000, 128>}, {transform_indices = @transform_1, window_bounds = array<i64: 1000, 1>}, {pipeline_mode = #tpu.pipeline_mode<synchronous>, transform_indices = @transform_2, window_bounds = array<i64: 1, 128>}, {pipeline_mode = #tpu.pipeline_mode<synchronous>, transform_indices = @transform_3, window_bounds = array<i64: 128, 128>}, {transform_indices = @transform_4, window_bounds = array<i64: 1000, 128>}, {transform_indices = @transform_5, window_bounds = array<i64: 1000, 128>}, {transform_indices = @transform_6, window_bounds = array<i64: 1000, 128>}]} {
    %get3A = arith.constant 0 : index
    %get3A_0 = arith.constant 0 : index
    %get3A_1 = vector.load %arg2[%get3A, %get3A_0] : memref<1000x1xf32, #tpu.memory_space<vmem>>, vector<1000x1xf32>
    %get3A_2 = arith.constant 0 : index
    %get3A_3 = arith.constant 0 : index
    %get3A_4 = arith.constant 0 : index
    %get3A_5 = vector.load %arg1[%get3A_2, %get3A_3, %get3A_4] : memref<2x1000x128xf32, #tpu.memory_space<vmem>>, vector<1x1000x128xf32>
    %get3A_6 = vector.shape_cast %get3A_5 : vector<1x1000x128xf32> to vector<1000x128xf32>
    %get3A_7 = arith.constant 1 : index
    %get3A_8 = arith.constant 0 : index
    %get3A_9 = arith.constant 0 : index
    %get3A_10 = vector.load %arg1[%get3A_7, %get3A_8, %get3A_9] : memref<2x1000x128xf32, #tpu.memory_space<vmem>>, vector<1x1000x128xf32>
    %get3A_11 = vector.shape_cast %get3A_10 : vector<1x1000x128xf32> to vector<1000x128xf32>
    %add3A = arith.addf %get3A_6, %get3A_11 : vector<1000x128xf32>
    %mul3A = vector.broadcast %get3A_1 : vector<1000x1xf32> to vector<1000x128xf32>
    %mul3A_12 = arith.mulf %mul3A, %add3A : vector<1000x128xf32>
    %get3A_13 = arith.constant 0 : index
    %get3A_14 = arith.constant 0 : index
    %get3A_15 = vector.load %arg3[%get3A_13, %get3A_14] : memref<1x128xf32, #tpu.memory_space<vmem>>, vector<1x128xf32>
    %add3A_16 = vector.broadcast %get3A_15 : vector<1x128xf32> to vector<1000x128xf32>
    %add3A_17 = arith.addf %mul3A_12, %add3A_16 : vector<1000x128xf32>
    %max3A = arith.constant 0.000000e+00 : f32
    %max3A_18 = vector.broadcast %max3A : f32 to vector<1000x128xf32>
    %max3A_19 = arith.maximumf %add3A_17, %max3A_18 : vector<1000x128xf32>
    %swap3A = arith.constant 0 : index
    %swap3A_20 = arith.constant 0 : index
    %swap3A_21 = vector.load %arg6[%swap3A, %swap3A_20] : memref<1000x128xf32, #tpu.memory_space<vmem>>, vector<1000x128xf32>
    tpu.vector_store %arg6[%swap3A, %swap3A_20], %max3A_19 {strides = array<i32>} : memref<1000x128xf32, #tpu.memory_space<vmem>>, vector<1000x128xf32>,
    %get3A_22 = arith.constant 0 : index
    %get3A_23 = arith.constant 0 : index
    %get3A_24 = vector.load %arg5[%get3A_22, %get3A_23] : memref<1000x128xf32, #tpu.memory_space<vmem>>, vector<1000x128xf32>
    %add3A_25 = arith.addf %max3A_19, %get3A_24 : vector<1000x128xf32>
    %get3A_26 = arith.constant 0 : index
    %get3A_27 = arith.constant 0 : index
    %get3A_28 = vector.load %arg4[%get3A_26, %get3A_27] : memref<128x128xf32, #tpu.memory_space<vmem>>, vector<128x128xf32>
    %dot_general3A = arith.constant dense<0.000000e+00> : vector<1000x128xf32>
    %dot_general3A_29 = tpu.matmul %add3A_25, %get3A_28, %dot_general3A {dimension_numbers = #tpu.dot_dimension_numbers<[1], [0], [0], [1], [0, 0, 1, 1], [], []>, precision = #tpu.contract_precision<fp32>, transpose_lhs_hint = false} : vector<1000x128xf32>, vector<128x128xf32>, vector<1000x128xf32> -> vector<1000x128xf32>
    %mul3A_30 = vector.broadcast %get3A_1 : vector<1000x1xf32> to vector<1000x128xf32>
    %mul3A_31 = arith.mulf %mul3A_30, %dot_general3A_29 : vector<1000x128xf32>
    %swap3A_32 = arith.constant 0 : index
    %swap3A_33 = arith.constant 0 : index
    %swap3A_34 = vector.load %arg7[%swap3A_32, %swap3A_33] : memref<1000x128xf32, #tpu.memory_space<vmem>>, vector<1000x128xf32>
    tpu.vector_store %arg7[%swap3A_32, %swap3A_33], %mul3A_31 {strides = array<i32>} : memref<1000x128xf32, #tpu.memory_space<vmem>>, vector<1000x128xf32>,
    return
  }
  func.func @transform_0(%arg0: i32) -> (i32, i32, i32) {
    %c0_i32 = arith.constant 0 : i32
    %c0_i32_0 = arith.constant 0 : i32
    %c0_i32_1 = arith.constant 0 : i32
    return %c0_i32, %arg0, %c0_i32_0 : i32, i32, i32
  }
  func.func @transform_1(%arg0: i32) -> (i32, i32) {
    %c0_i32 = arith.constant 0 : i32
    %c0_i32_0 = arith.constant 0 : i32
    return %arg0, %c0_i32 : i32, i32
  }
  func.func @transform_2(%arg0: i32) -> (i32, i32) {
    %c0_i32 = arith.constant 0 : i32
    %c0_i32_0 = arith.constant 0 : i32
    %c0_i32_1 = arith.constant 0 : i32
    return %c0_i32, %c0_i32_0 : i32, i32
  }
  func.func @transform_3(%arg0: i32) -> (i32, i32) {
    %c0_i32 = arith.constant 0 : i32
    %c0_i32_0 = arith.constant 0 : i32
    %c0_i32_1 = arith.constant 0 : i32
    return %c0_i32, %c0_i32_0 : i32, i32
  }
  func.func @transform_4(%arg0: i32) -> (i32, i32) {
    %c0_i32 = arith.constant 0 : i32
    %c0_i32_0 = arith.constant 0 : i32
    return %arg0, %c0_i32 : i32, i32
  }
  func.func @transform_5(%arg0: i32) -> (i32, i32) {
    %c0_i32 = arith.constant 0 : i32
    %c0_i32_0 = arith.constant 0 : i32
    return %arg0, %c0_i32 : i32, i32
  }
  func.func @transform_6(%arg0: i32) -> (i32, i32) {
    %c0_i32 = arith.constant 0 : i32
    %c0_i32_0 = arith.constant 0 : i32
    return %arg0, %c0_i32 : i32, i32
  }
}

module attributes {stable_mosaic.version = 14 : i64} {
  func.func @_tc_mid_body(%arg0: i32, %arg1: memref<2x1000x128xf32, #tpu.memory_space<vmem>>, %arg2: memref<1000x1xf32, #tpu.memory_space<vmem>>, %arg3: memref<1x128xf32, #tpu.memory_space<vmem>>, %arg4: memref<128x128xf32, #tpu.memory_space<vmem>>, %arg5: memref<1000x128xf32, #tpu.memory_space<vmem>>, %arg6: memref<1000x128xf32, #tpu.memory_space<vmem>>) attributes {dimension_semantics = [#tpu.dimension_semantics<arbitrary>], iteration_bounds = array<i64: 10>, scalar_prefetch = 0 : i64, scratch_operands = 0 : i64, tpu.core_type = #tpu.core_type<tc>, window_params = [{transform_indices = @transform_0, window_bounds = array<i64: 2, 1000, 128>}, {transform_indices = @transform_1, window_bounds = array<i64: 1000, 1>}, {pipeline_mode = #tpu.pipeline_mode<synchronous>, transform_indices = @transform_2, window_bounds = array<i64: 1, 128>}, {pipeline_mode = #tpu.pipeline_mode<synchronous>, transform_indices = @transform_3, window_bounds = array<i64: 128, 128>}, {transform_indices = @transform_4, window_bounds = array<i64: 1000, 128>}, {transform_indices = @transform_5, window_bounds = array<i64: 1000, 128>}]} {
    %get3A = arith.constant 0 : index
    %get3A_0 = arith.constant 0 : index
    %get3A_1 = vector.load %arg2[%get3A, %get3A_0] : memref<1000x1xf32, #tpu.memory_space<vmem>>, vector<1000x1xf32>
    %get3A_2 = arith.constant 0 : index
    %get3A_3 = arith.constant 0 : index
    %get3A_4 = arith.constant 0 : index
    %get3A_5 = vector.load %arg1[%get3A_2, %get3A_3, %get3A_4] : memref<2x1000x128xf32, #tpu.memory_space<vmem>>, vector<1x1000x128xf32>
    %get3A_6 = vector.shape_cast %get3A_5 : vector<1x1000x128xf32> to vector<1000x128xf32>
    %get3A_7 = arith.constant 1 : index
    %get3A_8 = arith.constant 0 : index
    %get3A_9 = arith.constant 0 : index
    %get3A_10 = vector.load %arg1[%get3A_7, %get3A_8, %get3A_9] : memref<2x1000x128xf32, #tpu.memory_space<vmem>>, vector<1x1000x128xf32>
    %get3A_11 = vector.shape_cast %get3A_10 : vector<1x1000x128xf32> to vector<1000x128xf32>
    %add3A = arith.addf %get3A_6, %get3A_11 : vector<1000x128xf32>
    %mul3A = vector.broadcast %get3A_1 : vector<1000x1xf32> to vector<1000x128xf32>
    %mul3A_12 = arith.mulf %mul3A, %add3A : vector<1000x128xf32>
    %get3A_13 = arith.constant 0 : index
    %get3A_14 = arith.constant 0 : index
    %get3A_15 = vector.load %arg3[%get3A_13, %get3A_14] : memref<1x128xf32, #tpu.memory_space<vmem>>, vector<1x128xf32>
    %add3A_16 = vector.broadcast %get3A_15 : vector<1x128xf32> to vector<1000x128xf32>
    %add3A_17 = arith.addf %mul3A_12, %add3A_16 : vector<1000x128xf32>
    %max3A = arith.constant 0.000000e+00 : f32
    %max3A_18 = vector.broadcast %max3A : f32 to vector<1000x128xf32>
    %max3A_19 = arith.maximumf %add3A_17, %max3A_18 : vector<1000x128xf32>
    %get3A_20 = arith.constant 0 : index
    %get3A_21 = arith.constant 0 : index
    %get3A_22 = vector.load %arg5[%get3A_20, %get3A_21] : memref<1000x128xf32, #tpu.memory_space<vmem>>, vector<1000x128xf32>
    %add3A_23 = arith.addf %max3A_19, %get3A_22 : vector<1000x128xf32>
    %get3A_24 = arith.constant 0 : index
    %get3A_25 = arith.constant 0 : index
    %get3A_26 = vector.load %arg4[%get3A_24, %get3A_25] : memref<128x128xf32, #tpu.memory_space<vmem>>, vector<128x128xf32>
    %dot_general3A = arith.constant dense<0.000000e+00> : vector<1000x128xf32>
    %dot_general3A_27 = tpu.matmul %add3A_23, %get3A_26, %dot_general3A {dimension_numbers = #tpu.dot_dimension_numbers<[1], [0], [0], [1], [0, 0, 1, 1], [], []>, precision = #tpu.contract_precision<fp32>, transpose_lhs_hint = false} : vector<1000x128xf32>, vector<128x128xf32>, vector<1000x128xf32> -> vector<1000x128xf32>
    %mul3A_28 = vector.broadcast %get3A_1 : vector<1000x1xf32> to vector<1000x128xf32>
    %mul3A_29 = arith.mulf %mul3A_28, %dot_general3A_27 : vector<1000x128xf32>
    %swap3A = arith.constant 0 : index
    %swap3A_30 = arith.constant 0 : index
    %swap3A_31 = vector.load %arg6[%swap3A, %swap3A_30] : memref<1000x128xf32, #tpu.memory_space<vmem>>, vector<1000x128xf32>
    tpu.vector_store %arg6[%swap3A, %swap3A_30], %mul3A_29 {strides = array<i32>} : memref<1000x128xf32, #tpu.memory_space<vmem>>, vector<1000x128xf32>,
    return
  }
  func.func @transform_0(%arg0: i32) -> (i32, i32, i32) {
    %c0_i32 = arith.constant 0 : i32
    %c0_i32_0 = arith.constant 0 : i32
    %c0_i32_1 = arith.constant 0 : i32
    return %c0_i32, %arg0, %c0_i32_0 : i32, i32, i32
  }
  func.func @transform_1(%arg0: i32) -> (i32, i32) {
    %c0_i32 = arith.constant 0 : i32
    %c0_i32_0 = arith.constant 0 : i32
    return %arg0, %c0_i32 : i32, i32
  }
  func.func @transform_2(%arg0: i32) -> (i32, i32) {
    %c0_i32 = arith.constant 0 : i32
    %c0_i32_0 = arith.constant 0 : i32
    %c0_i32_1 = arith.constant 0 : i32
    return %c0_i32, %c0_i32_0 : i32, i32
  }
  func.func @transform_3(%arg0: i32) -> (i32, i32) {
    %c0_i32 = arith.constant 0 : i32
    %c0_i32_0 = arith.constant 0 : i32
    %c0_i32_1 = arith.constant 0 : i32
    return %c0_i32, %c0_i32_0 : i32, i32
  }
  func.func @transform_4(%arg0: i32) -> (i32, i32) {
    %c0_i32 = arith.constant 0 : i32
    %c0_i32_0 = arith.constant 0 : i32
    return %arg0, %c0_i32 : i32, i32
  }
  func.func @transform_5(%arg0: i32) -> (i32, i32) {
    %c0_i32 = arith.constant 0 : i32
    %c0_i32_0 = arith.constant 0 : i32
    return %arg0, %c0_i32 : i32, i32
  }
}

module attributes {stable_mosaic.version = 14 : i64} {
  func.func @_tc_last_body(%arg0: i32, %arg1: memref<2x1000x128xf32, #tpu.memory_space<vmem>>, %arg2: memref<1000x1xf32, #tpu.memory_space<vmem>>, %arg3: memref<1x128xf32, #tpu.memory_space<vmem>>, %arg4: memref<1000x128xf32, #tpu.memory_space<vmem>>) attributes {dimension_semantics = [#tpu.dimension_semantics<arbitrary>], iteration_bounds = array<i64: 10>, scalar_prefetch = 0 : i64, scratch_operands = 0 : i64, tpu.core_type = #tpu.core_type<tc>, window_params = [{transform_indices = @transform_0, window_bounds = array<i64: 2, 1000, 128>}, {transform_indices = @transform_1, window_bounds = array<i64: 1000, 1>}, {pipeline_mode = #tpu.pipeline_mode<synchronous>, transform_indices = @transform_2, window_bounds = array<i64: 1, 128>}, {transform_indices = @transform_3, window_bounds = array<i64: 1000, 128>}]} {
    %get3A = arith.constant 0 : index
    %get3A_0 = arith.constant 0 : index
    %get3A_1 = arith.constant 0 : index
    %get3A_2 = vector.load %arg1[%get3A, %get3A_0, %get3A_1] : memref<2x1000x128xf32, #tpu.memory_space<vmem>>, vector<1x1000x128xf32>
    %get3A_3 = vector.shape_cast %get3A_2 : vector<1x1000x128xf32> to vector<1000x128xf32>
    %get3A_4 = arith.constant 1 : index
    %get3A_5 = arith.constant 0 : index
    %get3A_6 = arith.constant 0 : index
    %get3A_7 = vector.load %arg1[%get3A_4, %get3A_5, %get3A_6] : memref<2x1000x128xf32, #tpu.memory_space<vmem>>, vector<1x1000x128xf32>
    %get3A_8 = vector.shape_cast %get3A_7 : vector<1x1000x128xf32> to vector<1000x128xf32>
    %add3A = arith.addf %get3A_3, %get3A_8 : vector<1000x128xf32>
    %get3A_9 = arith.constant 0 : index
    %get3A_10 = arith.constant 0 : index
    %get3A_11 = vector.load %arg2[%get3A_9, %get3A_10] : memref<1000x1xf32, #tpu.memory_space<vmem>>, vector<1000x1xf32>
    %mul3A = vector.broadcast %get3A_11 : vector<1000x1xf32> to vector<1000x128xf32>
    %mul3A_12 = arith.mulf %mul3A, %add3A : vector<1000x128xf32>
    %get3A_13 = arith.constant 0 : index
    %get3A_14 = arith.constant 0 : index
    %get3A_15 = vector.load %arg3[%get3A_13, %get3A_14] : memref<1x128xf32, #tpu.memory_space<vmem>>, vector<1x128xf32>
    %add3A_16 = vector.broadcast %get3A_15 : vector<1x128xf32> to vector<1000x128xf32>
    %add3A_17 = arith.addf %mul3A_12, %add3A_16 : vector<1000x128xf32>
    %max3A = arith.constant 0.000000e+00 : f32
    %max3A_18 = vector.broadcast %max3A : f32 to vector<1000x128xf32>
    %max3A_19 = arith.maximumf %add3A_17, %max3A_18 : vector<1000x128xf32>
    %swap3A = arith.constant 0 : index
    %swap3A_20 = arith.constant 0 : index
    %swap3A_21 = vector.load %arg4[%swap3A, %swap3A_20] : memref<1000x128xf32, #tpu.memory_space<vmem>>, vector<1000x128xf32>
    tpu.vector_store %arg4[%swap3A, %swap3A_20], %max3A_19 {strides = array<i32>} : memref<1000x128xf32, #tpu.memory_space<vmem>>, vector<1000x128xf32>,
    return
  }
  func.func @transform_0(%arg0: i32) -> (i32, i32, i32) {
    %c0_i32 = arith.constant 0 : i32
    %c0_i32_0 = arith.constant 0 : i32
    %c0_i32_1 = arith.constant 0 : i32
    return %c0_i32, %arg0, %c0_i32_0 : i32, i32, i32
  }
  func.func @transform_1(%arg0: i32) -> (i32, i32) {
    %c0_i32 = arith.constant 0 : i32
    %c0_i32_0 = arith.constant 0 : i32
    return %arg0, %c0_i32 : i32, i32
  }
  func.func @transform_2(%arg0: i32) -> (i32, i32) {
    %c0_i32 = arith.constant 0 : i32
    %c0_i32_0 = arith.constant 0 : i32
    %c0_i32_1 = arith.constant 0 : i32
    return %c0_i32, %c0_i32_0 : i32, i32
  }
  func.func @transform_3(%arg0: i32) -> (i32, i32) {
    %c0_i32 = arith.constant 0 : i32
    %c0_i32_0 = arith.constant 0 : i32
    return %arg0, %c0_i32 : i32, i32
  }
}

</mosaic_0001>

<sc_bundles>
// kernel: kernel.14.cloned.1.call-start
scs
__scs_entry_jumppad:
0x0: {  	(pc) =	sbr.rel $0x88, $3  }
0x1: {  	(tag) =	ssettag $0x0;
	lr =	simm.s32 $0x1  }
0x2: {  	[smem:$0x3F97] =	sst lr;
	_ =	strace $0xD0000000  }
0x3: {  	_ = 	snop  }
0x4: {  	_ = 	snop  }
0x5: {  	_ = 	snop  }
0x6: {  	_ = 	snop  }
0x7: {  	_ = 	snop  }
__scs_overlays_trampoline_lowered:
0x8: {  	[smem:$0x3FA6] =	sst s0  }
0x9: {  	[smem:$0x3FA7] =	sst s1  }
0xa: {  	[smem:$0x3FA8] =	sst s2  }
0xb: {  	[smem:$0x3FA9] =	sst s3  }
0xc: {  	[smem:$0x3FAA] =	sst s4  }
0xd: {  	[smem:$0x3FAB] =	sst s5  }
0xe: {  	[smem:$0x3FAC] =	sst s6  }
0xf: {  	[smem:$0x3FAD] =	sst s7  }
0x10: {  	[smem:$0x3FAE] =	sst s8  }
0x11: {  	[smem:$0x3FAF] =	sst s9;
	s0 =	simm.s32 @!p0 $0x0  }
0x12: {  	s1 =	sld [smem:$0x3F95];
	s0 =	simm.s32 @p0 $0x1  }
0x13: {  	[smem:$0x3FB0] =	sst s0;
	s0 =	simm.s32 @!p1 $0x0  }
0x14: {  	s2 =	sld [smem:$0x3F94];
	s0 =	simm.s32 @p1 $0x1  }
0x15: {  	[smem:$0x3FB1] =	sst s0;
	s0 =	simm.s32 @!p2 $0x0  }
0x16: {  	s3 =	sld [smem:$0x3FDB];
	s0 =	simm.s32 @p2 $0x1  }
0x17: {  	s4 =	simm.s32 $0x1BF5;
	[smem:$0x3FB3] =	sst s0  }
0x18: {  	s0 =	sld [smem:$0x3F96];
	_ =	swait.ge [sflag:s4], $0x0  }
0x19: {  	s7 =	sld [smem:$0x3F97]  }
0x1a: {  	s8 =	sadd.s32 $0xFFFFE003, lr  }
0x1b: {  	s9 =	sadd.s32 $0xFFFFFEF7, lr;
	s5 =	simm.s32 $0xFFFFFFFF;
	p2 =	slt.u32 s8, $0xFFFFF086  }
0x1c: {  	p1 =	slt.u32 s9, $0xF7A;
	s5 =	simm.s32 @!p2 $0x0  }
0x1d: {  	s5 =	simm.s32 @p1 $0x1;
	p0 =	seq.s32 s7, s2  }
0x1e: {  	s7 =	smul.u32 @!p0 $0xF7A, s2;
	p2 =	seq.s32 @!p0 s5, $0x0  }
0x1f: {  	s9 =	smul.u32 $0xF7A, s1;
	s8 =	simm.s32 @!p0 $0x1BF5;
	p2 =	por !p2, p0  }
0x20: {  	[sflag:s8] =	ssyncset.s32 @!p0 $0xFFFFF086;
	s6 =	sadd.s32 @!p0 s3, s7;
	s7 =	simm.s32 @!p0 $0x108  }
0x21: {  	s3 =	sadd.s32 s3, s9;
	s6 =	sadd.s32 @!p0 $0x88, s6;
	s7 =	simm.s32 @p2 $0x1082  }
0x22: {  	[simem:s7], [sflag:s8] =	dma.local @!p0 [hbm:s6], $0xF7A  }
0x23: {  	s9 =	sor.u32 $0xD0000000, s2;
	s6 =	simm.s32 $0x108;
	_ =	swait.ge @!p0 [sflag:s8], $0x0  }
0x24: {  	s3 =	sadd.s32 $0x88, s3;
	s6 =	simm.s32 @!p1 $0x1082;
	[sflag:s4] =	ssyncset.s32 $0xFFFFF086  }
0x25: {  	[simem:s6], [sflag:s4] =	dma.local [hbm:s3], $0xF7A  }
0x26: {  	[smem:$0x3F97] =	sst s1;
	(tag) =	ssettag s2;
	_ =	strace s9  }
0x27: {  	s1 =	sld [smem:$0x3FA7]  }
0x28: {  	s2 =	sld [smem:$0x3FA8]  }
0x29: {  	s4 =	sld [smem:$0x3FAA]  }
0x2a: {  	p0 =	seq.s32 s5, $0x0;
	s5 =	sld [smem:$0x3FAB]  }
0x2b: {  	s6 =	sld [smem:$0x3FAC]  }
0x2c: {  	s7 =	sld [smem:$0x3FAD]  }
0x2d: {  	s3 =	simm.s32 $0x108;
	s8 =	sld [smem:$0x3FAE]  }
0x2e: {  	s3 =	simm.s32 @!p0 $0x1082;
	s9 =	sld [smem:$0x3FAF]  }
0x2f: {  	lr =	sadd.s32 s0, s3;
	s0 =	sld [smem:$0x3FA6]  }
0x30: {  	s3 =	sld [smem:$0x3FA9]  }
0x31: {  	[smem:$0x3FB2] =	sst s10  }
0x32: {  	s10 =	sld [smem:$0x3FB0];
	_ =	sdelay $0x3  }
0x33: {  	p0 =	seq.s32 s10, $0x1;
	s10 =	sld [smem:$0x3FB2];
	_ =	sdelay $0x3  }
0x34: {  	[smem:$0x3FB2] =	sst s10  }
0x35: {  	s10 =	sld [smem:$0x3FB1];
	_ =	sdelay $0x3  }
0x36: {  	p1 =	seq.s32 s10, $0x1;
	s10 =	sld [smem:$0x3FB2];
	_ =	sdelay $0x3  }
0x37: {  	[smem:$0x3FB2] =	sst s10  }
0x38: {  	s10 =	sld [smem:$0x3FB3]  }
0x39: {  	_ = 	snop;
	(pc) =	sbr.ind lr, $3  }
0x3a: {  	_ = 	snop  }
0x3b: {  	_ = 	snop  }
0x3c: {  	p2 =	seq.s32 s10, $0x1;
	s10 =	sld [smem:$0x3FB2]  }
0x3d: {  	_ =	shalt  }
0x3e: {  	_ =	shalt  }
0x3f: {  	_ =	shalt  }
0x40: {  	_ =	shalt  }
0x41: {  	_ =	shalt  }
0x42: {  	_ =	shalt  }
0x43: {  	_ =	shalt  }
0x44: {  	_ =	shalt  }
0x45: {  	_ =	shalt  }
0x46: {  	_ =	shalt  }
0x47: {  	_ =	shalt  }
0x48: {  	_ =	shalt  }
0x49: {  	_ =	shalt  }
0x4a: {  	_ =	shalt  }
0x4b: {  	_ =	shalt  }
0x4c: {  	_ =	shalt  }
0x4d: {  	_ =	shalt  }
0x4e: {  	_ =	shalt  }
0x4f: {  	_ =	shalt  }
0x50: {  	_ =	shalt  }
0x51: {  	_ =	shalt  }
0x52: {  	_ =	shalt  }
0x53: {  	_ =	shalt  }
0x54: {  	_ =	shalt  }
0x55: {  	_ =	shalt  }
0x56: {  	_ =	shalt  }
0x57: {  	_ =	shalt  }
0x58: {  	_ =	shalt  }
0x59: {  	_ =	shalt  }
0x5a: {  	_ =	shalt  }
0x5b: {  	_ =	shalt  }
0x5c: {  	_ =	shalt  }
0x5d: {  	_ =	shalt  }
0x5e: {  	_ =	shalt  }
0x5f: {  	_ =	shalt  }
0x60: {  	_ =	shalt  }
0x61: {  	_ =	shalt  }
0x62: {  	_ =	shalt  }
0x63: {  	_ =	shalt  }
0x64: {  	_ =	shalt  }
0x65: {  	_ =	shalt  }
0x66: {  	_ =	shalt  }
0x67: {  	_ =	shalt  }
0x68: {  	_ =	shalt  }
0x69: {  	_ =	shalt  }
0x6a: {  	_ =	shalt  }
0x6b: {  	_ =	shalt  }
0x6c: {  	_ =	shalt  }
0x6d: {  	_ =	shalt  }
0x6e: {  	_ =	shalt  }
0x6f: {  	_ =	shalt  }
0x70: {  	_ =	shalt  }
0x71: {  	_ =	shalt  }
0x72: {  	_ =	shalt  }
0x73: {  	_ =	shalt  }
0x74: {  	_ =	shalt  }
0x75: {  	_ =	shalt  }
0x76: {  	_ =	shalt  }
0x77: {  	_ =	shalt  }
0x78: {  	_ =	shalt  }
0x79: {  	_ =	shalt  }
0x7a: {  	_ =	shalt  }
0x7b: {  	_ =	shalt  }
0x7c: {  	_ =	shalt  }
0x7d: {  	_ =	shalt  }
0x7e: {  	_ =	shalt  }
0x7f: {  	_ =	shalt  }
0x80: {  	_ =	shalt  }
0x81: {  	_ =	shalt  }
0x82: {  	_ =	shalt  }
0x83: {  	_ =	shalt  }
0x84: {  	_ =	shalt  }
0x85: {  	_ =	shalt  }
0x86: {  	_ =	shalt  }
0x87: {  	_ =	shalt  }
.Lfunc_end0:
.L_simem_size_0:
called_computation_lowered:
.L_overlay_start_0:
0x88: {  	s2 =	sld [smem:$0x3FD9]  }
0x89: {  	s3 =	sld [smem:$0x3FFE];
	_ =	sdelay $0x1  }
0x8a: {  	s1 =	srdreg.scid  }
0x8b: {  	s0 =	sand.u32 $0x1, s1  }
0x8c: {  	s17 =	sshll.u32 s0, $0xA;
	s2 =	sadd.s32 s3, s2  }
0x8d: {  	s2 =	sadd.s32 s2, s17  }
0x8e: {  	[smem:$0x3FBE] =	sst s2  }
0x8f: {  	_ = 	snop  }
0x90: {  	s2 =	sld [smem:$0x3FD0];
	(tm) =	ssettm $0x1  }
0x91: {  	s18 =	sld [smem:$0x3FFB];
	_ =	sdelay $0x3  }
0x92: {  	_ =	strace s18  }
0x93: {  	s3 =	sld [smem:$0x3FFC];
	_ =	sdelay $0x3  }
0x94: {  	_ =	strace s3  }
0x95: {  	s3 =	sld [smem:$0x3FFD];
	_ =	sdelay $0x3  }
0x96: {  	_ =	strace s3  }
0x97: {  	_ =	strace $0x8FFFFFFF  }
0x98: {  	s19 =	sld [smem:$0x3FDB];
	_ =	sdelay $0x1  }
0x99: {  	s4 =	simm.s32 $_scs_section_size  }
0x9a: {  	s5 =	simm.s32 $_size__tile_overlayer_lowered;
	s6 =	simm.s32 $_tile_overlayer_lowered  }
0x9b: {  	s22 =	simm.s32 $0x1BFF;
	s21 =	sshll.u32 s6, $0x1;
	s3 =	sadd.s32 s4, s19  }
0x9c: {  	s7 =	simm.s32 $0x0;
	s20 =	sshll.u32 s5, $0x1;
	s5 =	sadd.s32 s21, s3  }
0x9d: {  	[timem:s7], [sflag:s22] =	dma.local [hbm:s5], s20  }
0x9e: {  	_ =	swait.ge [sflag:s22], s20  }
0x9f: {  	s4 =	ssub.s32 $0x0, s20;
	[sflag:s22] =	ssyncset.done $0x0  }
0xa0: {  	[sflag:s22] =	ssyncadd.s32 s4;
	_ =	sdelay $0x1  }
0xa1: {  	s23 =	simm.s32 $0x1B8B  }
0xa2: {  	_ =	swait.ge [sflag:s23], $0x1  }
0xa3: {  	[sflag:s23] =	ssyncset.done $0x0  }
0xa4: {  	s25 =	simm.s32 $0x1B8E;
	s24 =	sld [smem:$0x3FFE];
	[sflag:s23] =	ssyncadd.s32 $0xFFFFFFFF  }
0xa5: {  	s26 =	simm.s32 $execute0_lowered;
	[smem:$0x3FD2] =	sst s25  }
0xa6: {  	s5 =	sshll.u32 s26, $0x1;
	_ =	strace $0x80000046;
	[dreg:$0x1] =	wrdreg $0xFFFFFFFF  }
0xa7: {  	s28 =	simm.s32 $_size_execute0_lowered;
	s3 =	sadd.s32 s3, s5;
	[dreg:$0x0] =	wrdreg $0x0  }
0xa8: {  	s5 =	sshll.u32 s28, $0x1;
	[dreg:$0x2] =	wrdreg s3  }
0xa9: {  	[dreg:$0x3] =	wrdreg s5  }
0xaa: {  	[dreg:$0x4] =	wrdreg $0xC0  }
0xab: {  	_ =	task [dreg:s7], $0x5FFFF  }
0xac: {  	[dreg:$0x1] =	wrdreg $0xFFFFFFFF  }
0xad: {  	[dreg:$0x0] =	wrdreg $0x60  }
0xae: {  	[dreg:$0x2] =	wrdreg s24  }
0xaf: {  	[dreg:$0x3] =	wrdreg s2  }
0xb0: {  	[dreg:$0x4] =	wrdreg $0x0  }
0xb1: {  	[dreg:$0x5] =	wrdreg $0x9  }
0xb2: {  	_ =	task.clear_ibuf [dreg:s7], $0x6FFFF;
	_ =	strace $0x90000046  }
0xb3: {  	s29 =	simm.s32 $0x9;
	_ =	strace $0x80000048  }
0xb4: {  	_ =	swait.ge [sflag:s29], $0x1  }
0xb5: {  	[sflag:s29] =	ssyncadd.s32 $0xFFFFFFFF  }
0xb6: {  	_ =	strace $0x90000048  }
0xb7: {  	_ =	sfence  }
0xb8: {  	s30 =	sld [smem:$0x0];
	_ =	sdelay $0x2  }
0xb9: {  	s31 =	sshll.u32 s1, $0xD;
	s1 =	sshrl.u32 s1, $0x2  }
0xba: {  	s3 =	sand.u32 $0x4000, s31;
	s1 =	sadd.s32 s1, s30  }
0xbb: {  	s0 =	sor.u32 s3, s0;
	s1 =	sshll.u32 s1, $0x11  }
0xbc: {  	s0 =	sor.u32 s1, s0  }
0xbd: {  	s0 =	sadd.s32 $0x8F2B, s0  }
0xbe: {  	[sflag:s0] =	ssyncadd.remote.s32 $0x1  }
0xbf: {  	_ =	sfence.sel $0xFFFF  }
0xc0: {  	[dreg:$0x0] =	wrdreg $0xFFFFFFFF;
	(pc) =	sbr.abs _section_cstart, $3  }
0xc1: {  	[dreg:$0x1] =	wrdreg $0xFFFFFFFF  }
0xc2: {  	_ =	task.clear_ibuf [dreg:s7], $0x2FFFF;
	_ =	strace $0x9FFFFFFF  }
0xc3: {  	(tm) =	ssettm $0x7FFFFFFF  }
tec
execute0_lowered:
.L_overlay_start_1:
0x0: {  	(tag) =	ssettag $0x1  }
0x1: {  	s5 =	rddreg [dreg:$0x0]  }
0x2: {  	s1 =	srdreg.scid;
	s2 =	rddreg [dreg:$0x1]  }
0x3: {  	s0 =	stileid.u32;
	s3 =	rddreg [dreg:$0x2]  }
0x4: {  	s4 =	simm.s32 $0x0;
	s14 =	simm.s32 $0x58;
	s15 =	simm.s32 $0x13C80  }
0x5: {  	s16 =	simm.s32 $0x13D00;
	s17 =	simm.s32 $0x1;
	s18 =	simm.s32 $0x2  }
0x6: {  	s19 =	simm.s32 $0x3;
	s20 =	simm.s32 $0x0;
	s6 =	sand.u32 $0x1, s1  }
0x7: {  	s29 =	sshll.u32 s0, $0x1;
	s8 =	smul.u32 $0x13C00, s0;
	[smem:$0x7FF] =	sst s4  }
0x8: {  	s30 =	smul.u32 $0x4F000, s0;
	s12 =	sshll.u32 s0, $0x6;
	s1 =	sor.u32 s6, s29  }
0x9: {  	s9 =	smul.u32 $0x13C000, s6;
	s6 =	ssub.s32 $0x2, s6;
	s12 =	sor.u32 $0x1C04, s12  }
0xa: {  	s7 =	smul.u32 $0x780, s1;
	s1 =	rddreg [dreg:$0x3];
	_ =	strace $0x80000047  }
0xb: {  	s10 =	sshrl.u32 s8, $0x3;
	s11 =	sshrl.u32 s6, $0x1;
	s31 =	sshrl.u32 s30, $0x2  }
0xc: {  	s8 =	sadd.s32 s8, s9;
	s10 =	sadd.s32 s10, s5;
	s11 =	ssub.s32 s6, s11  }
0xd: {  	s13 =	sadd.s32 s31, s3;
	s9 =	simm.s32 $0x17800;
	s7 =	sadd.s32 s7, s5  }
0xe: {  	s8 =	sshrl.u32 s8, $0x3;
	s6 =	sadd.s32 $0x1CE00, s10;
	s10 =	simm.s32 $0x4  }
0xf: {  	s13 =	sshrl.u32 s13, $0x3;
	s8 =	sadd.s32 s8, s5;
	s5 =	sadd.s32 $0xDE00, s7  }
0x10: {  	s7 =	sadd.s32 $0x44600, s8;
	s8 =	smax.u32 s11, $0x1;
	s11 =	simm.s32 $0x13C00  }
.LBB2_1:
0x11: {  	[tilespmem:s9], [sflag:$0x4] =	stream.linear.gather [hbm4b:s2+s4], $0x2C00, $0x38;
	[tilespmem:$0x1A400] =	vst v63  }
0x12: {  	_ =	swait.ge [sflag:s10], $0x2C00  }
0x13: {  	[sflag:s10] =	ssyncset.done $0x0  }
0x14: {  	[sflag:s10] =	ssyncadd.s32 $0xFFFFD400  }
0x15: {  	[tilespmem:s11], [sflag:$0x4] =	stream.linear.gather [hbm4b:s5+s4], $0x3900, $0x38;
	[tilespmem:$0x1A400] =	vst v63  }
0x16: {  	_ =	swait.ge [sflag:s10], $0x3900  }
0x17: {  	[sflag:s10] =	ssyncset.done $0x0  }
0x18: {  	[sflag:s10] =	ssyncadd.s32 $0xFFFFC700  }
0x19: {  	[spmem:s13], [sflag:s12] =	dma.local [hbm:s6], $0x2780  }
0x1a: {  	_ =	swait.ge [sflag:s10], $0x2780  }
0x1b: {  	[sflag:s10] =	ssyncset.done $0x0  }
0x1c: {  	[sflag:s10] =	ssyncadd.s32 $0xFFFFD880  }
0x1d: {  	[bflag:$0x0] =	sbarrier.arrive $0xFFFF  }
0x1e: {  	[spmem:s3] =	stream.indirect.scatter.add.f32 [tilespmem:s9], [sflag:$0x1], $0x80, s11, s14, $0xb8;
	[tilespmem:$0x1A400] =	vst v63  }
0x1f: {  	_ = 	snop  }
0x20: {  	[spmem:s3] =	stream.indirect.scatter.add.f32 [tilespmem:s9], [sflag:$0x2], $0x80, s15, s14, $0xb8;
	[tilespmem:$0x1A400] =	vst v63  }
0x21: {  	_ = 	snop  }
0x22: {  	[spmem:s3] =	stream.indirect.scatter.add.f32 [tilespmem:s9], [sflag:$0x3], $0x80, s16, s14, $0xb8;
	[tilespmem:$0x1A400] =	vst v63  }
0x23: {  	s21 =	simm.s32 $0x13D80  }
0x24: {  	[spmem:s3] =	stream.indirect.scatter.add.f32 [tilespmem:s9], [sflag:$0x1], $0x80, s21, s14, $0xb8;
	[tilespmem:$0x1A400] =	vst v63  }
0x25: {  	_ =	swait.ge [sflag:s17], $0x2C00  }
0x26: {  	[sflag:s17] =	ssyncset.done $0x0  }
0x27: {  	s30 =	simm.s32 $0x13E00;
	[sflag:s17] =	ssyncadd.s32 $0xFFFFD400  }
0x28: {  	[spmem:s3] =	stream.indirect.scatter.add.f32 [tilespmem:s9], [sflag:$0x2], $0x80, s30, s14, $0xb8;
	[tilespmem:$0x1A400] =	vst v63  }
0x29: {  	_ =	swait.ge [sflag:s18], $0x2C00  }
0x2a: {  	[sflag:s18] =	ssyncset.done $0x0  }
0x2b: {  	s31 =	simm.s32 $0x13E80;
	[sflag:s18] =	ssyncadd.s32 $0xFFFFD400  }
0x2c: {  	[spmem:s3] =	stream.indirect.scatter.add.f32 [tilespmem:s9], [sflag:$0x3], $0x80, s31, s14, $0xb8;
	[tilespmem:$0x1A400] =	vst v63  }
0x2d: {  	_ =	swait.ge [sflag:s19], $0x2C00  }
0x2e: {  	s22 =	simm.s32 $0xFFFF2E00;
	s21 =	simm.s32 $0xFFFFCA00;
	[sflag:s19] =	ssyncset.done $0x0  }
.LBB2_2:
0x2f: {  	s23 =	sadd.s32 $0x17500, s21  }
0x30: {  	[sflag:s19] =	ssyncadd.s32 $0xFFFFD400;
	s24 =	smov.u32 s22;
	s25 =	sadd.s32 $0x600, s22  }
0x31: {  	[spmem:s3] =	stream.indirect.scatter.add.f32 [tilespmem:s9], [sflag:$0x1], $0x80, s23, s14, $0xb8;
	[tilespmem:$0x1A400] =	vst v63  }
0x32: {  	p0 =	sne.s32 s22, $0xFFFFFA00;
	_ =	swait.ge [sflag:s17], $0x2C00  }
0x33: {  	[sflag:s17] =	ssyncset.done $0x0  }
0x34: {  	s22 =	sadd.s32 $0x17580, s21;
	[sflag:s17] =	ssyncadd.s32 $0xFFFFD400  }
0x35: {  	[spmem:s3] =	stream.indirect.scatter.add.f32 [tilespmem:s9], [sflag:$0x2], $0x80, s22, s14, $0xb8;
	[tilespmem:$0x1A400] =	vst v63  }
0x36: {  	_ =	swait.ge [sflag:s18], $0x2C00  }
.Ltmp0:
0x37: {  	[sflag:s18] =	ssyncset.done $0x0;
	(pc) =	sbr.rel @p0 .LBB2_2-.Ltmp0, $4  }
0x38: {  	s21 =	sadd.s32 $0x17600, s21;
	[sflag:s18] =	ssyncadd.s32 $0xFFFFD400  }
0x39: {  	[spmem:s3] =	stream.indirect.scatter.add.f32 [tilespmem:s9], [sflag:$0x3], $0x80, s21, s14, $0xb8;
	[tilespmem:$0x1A400] =	vst v63  }
0x3a: {  	_ =	swait.ge [sflag:s19], $0x2C00  }
0x3b: {  	s22 =	smov.u32 s25;
	s21 =	sshra.s32 s24, $0x2;
	[sflag:s19] =	ssyncset.done $0x0  }
0x3c: {  	s22 =	sadd.s32 $0x17500, s21;
	[sflag:s19] =	ssyncadd.s32 $0xFFFFD400  }
0x3d: {  	[spmem:s3] =	stream.indirect.scatter.add.f32 [tilespmem:s9], [sflag:$0x1], $0x80, s22, s14, $0xb8;
	[tilespmem:$0x1A400] =	vst v63  }
0x3e: {  	_ =	swait.ge [sflag:s17], $0x2C00  }
0x3f: {  	[sflag:s17] =	ssyncset.done $0x0  }
0x40: {  	s30 =	sadd.s32 $0x17580, s21;
	[sflag:s17] =	ssyncadd.s32 $0xFFFFD400  }
0x41: {  	[spmem:s3] =	stream.indirect.scatter.add.f32 [tilespmem:s9], [sflag:$0x2], $0x80, s30, s14, $0xb8;
	[tilespmem:$0x1A400] =	vst v63  }
0x42: {  	_ =	swait.ge [sflag:s18], $0x2C00  }
0x43: {  	[sflag:s18] =	ssyncset.done $0x0  }
0x44: {  	s31 =	sadd.s32 $0x17600, s21;
	[sflag:s18] =	ssyncadd.s32 $0xFFFFD400  }
0x45: {  	[spmem:s3] =	stream.indirect.scatter.add.f32 [tilespmem:s9], [sflag:$0x3], $0x80, s31, s14, $0xb8;
	[tilespmem:$0x1A400] =	vst v63  }
0x46: {  	_ =	swait.ge [sflag:s19], $0x2C00  }
0x47: {  	[sflag:s19] =	ssyncset.done $0x0  }
0x48: {  	[sflag:s19] =	ssyncadd.s32 $0xFFFFD400  }
0x49: {  	_ =	swait.ge [sflag:s17], $0x2C00  }
0x4a: {  	[sflag:s17] =	ssyncset.done $0x0  }
0x4b: {  	[sflag:s17] =	ssyncadd.s32 $0xFFFFD400  }
0x4c: {  	_ =	swait.ge [sflag:s18], $0x2C00  }
0x4d: {  	[sflag:s18] =	ssyncset.done $0x0  }
0x4e: {  	[sflag:s18] =	ssyncadd.s32 $0xFFFFD400  }
0x4f: {  	_ =	swait.ge [sflag:s19], $0x2C00  }
0x50: {  	s20 =	sadd.s32 $0x1, s20;
	[sflag:s19] =	ssyncset.done $0x0  }
0x51: {  	p0 =	sne.s32 s20, s8;
	[sflag:s19] =	ssyncadd.s32 $0xFFFFD400  }
.Ltmp1:
0x52: {  	[bflag:$0x0] =	sbarrier.arrive $0xFFFF;
	(pc) =	sbr.rel @p0 .LBB2_1-.Ltmp1, $4  }
0x53: {  	[hbm:s7], [sflag:s12] =	dma.local [spmem:s13], $0x2780  }
0x54: {  	_ =	swait.ge [sflag:s10], $0x2780  }
0x55: {  	[sflag:s10] =	ssyncset.done $0x0  }
0x56: {  	[sflag:s10] =	ssyncadd.s32 $0xFFFFD880  }
0x57: {  	_ =	sfence.sel $0x180000  }
0x58: {  	[bflag:$0x0] =	sbarrier.arrive $0xFFFF  }
0x59: {  	p0 =	sne.s32 s0, $0x0;
	_ =	strace $0x90000047  }
0x5a: {  	s0 =	sadd.s32 @!p0 $0x100000, s1;
	[bflag:$0x2] =	sbarrier.arrive $0xFFFF  }
0x5b: {  	[sflag:s0] =	ssyncadd.tile.s32 @!p0 $0x1;
	_ =	shalt  }
.Lfunc_end2:
_tile_overlayer_lowered:
.L_overlay_start_2:
0x5c: {  	(tag) =	ssettag $0x2  }
0x5d: {  	s0 =	rddreg [dreg:$0x0];
	s2 =	stileid.u32  }
0x5e: {  	s1 =	rddreg [dreg:$0x1];
	p0 =	sne.s32 s2, $0x0  }
0x5f: {  	s3 =	rddreg [dreg:$0x2];
	[bflag:$0x3] =	sbarrier.arrive $0xFFFF;
	s2 =	simm.s32 @!p0 $0x1C04  }
0x60: {  	[timem:s3], [sflag:s2] =	dma.local @!p0 [hbm:s0], s1  }
0x61: {  	s0 =	simm.s32 @!p0 $0x4  }
0x62: {  	_ =	swait.ge @!p0 [sflag:s0], s1  }
0x63: {  	s1 =	ssub.s32 @!p0 $0x0, s1;
	[sflag:s0] =	ssyncset.done @!p0 $0x0  }
0x64: {  	[sflag:s0] =	ssyncadd.s32 @!p0 s1  }
0x65: {  	[bflag:$0x3] =	sbarrier.arrive $0xFFFF  }
0x66: {  	_ =	shalt  }

// kernel: kernel.17.cloned.1.call-start
scs
__scs_entry_jumppad:
0x0: {  	(pc) =	sbr.rel $0x88, $3  }
0x1: {  	(tag) =	ssettag $0x0;
	lr =	simm.s32 $0x1  }
0x2: {  	[smem:$0x3F97] =	sst lr;
	_ =	strace $0xD0000000  }
0x3: {  	_ = 	snop  }
0x4: {  	_ = 	snop  }
0x5: {  	_ = 	snop  }
0x6: {  	_ = 	snop  }
0x7: {  	_ = 	snop  }
__scs_overlays_trampoline_lowered:
0x8: {  	[smem:$0x3FA6] =	sst s0  }
0x9: {  	[smem:$0x3FA7] =	sst s1  }
0xa: {  	[smem:$0x3FA8] =	sst s2  }
0xb: {  	[smem:$0x3FA9] =	sst s3  }
0xc: {  	[smem:$0x3FAA] =	sst s4  }
0xd: {  	[smem:$0x3FAB] =	sst s5  }
0xe: {  	[smem:$0x3FAC] =	sst s6  }
0xf: {  	[smem:$0x3FAD] =	sst s7  }
0x10: {  	[smem:$0x3FAE] =	sst s8  }
0x11: {  	[smem:$0x3FAF] =	sst s9;
	s0 =	simm.s32 @!p0 $0x0  }
0x12: {  	s1 =	sld [smem:$0x3F95];
	s0 =	simm.s32 @p0 $0x1  }
0x13: {  	[smem:$0x3FB0] =	sst s0;
	s0 =	simm.s32 @!p1 $0x0  }
0x14: {  	s2 =	sld [smem:$0x3F94];
	s0 =	simm.s32 @p1 $0x1  }
0x15: {  	[smem:$0x3FB1] =	sst s0;
	s0 =	simm.s32 @!p2 $0x0  }
0x16: {  	s3 =	sld [smem:$0x3FDB];
	s0 =	simm.s32 @p2 $0x1  }
0x17: {  	s4 =	simm.s32 $0x1BF5;
	[smem:$0x3FB3] =	sst s0  }
0x18: {  	s0 =	sld [smem:$0x3F96];
	_ =	swait.ge [sflag:s4], $0x0  }
0x19: {  	s7 =	sld [smem:$0x3F97]  }
0x1a: {  	s8 =	sadd.s32 $0xFFFFE003, lr  }
0x1b: {  	s9 =	sadd.s32 $0xFFFFFEF7, lr;
	s5 =	simm.s32 $0xFFFFFFFF;
	p2 =	slt.u32 s8, $0xFFFFF086  }
0x1c: {  	p1 =	slt.u32 s9, $0xF7A;
	s5 =	simm.s32 @!p2 $0x0  }
0x1d: {  	s5 =	simm.s32 @p1 $0x1;
	p0 =	seq.s32 s7, s2  }
0x1e: {  	s7 =	smul.u32 @!p0 $0xF7A, s2;
	p2 =	seq.s32 @!p0 s5, $0x0  }
0x1f: {  	s9 =	smul.u32 $0xF7A, s1;
	s8 =	simm.s32 @!p0 $0x1BF5;
	p2 =	por !p2, p0  }
0x20: {  	[sflag:s8] =	ssyncset.s32 @!p0 $0xFFFFF086;
	s6 =	sadd.s32 @!p0 s3, s7;
	s7 =	simm.s32 @!p0 $0x108  }
0x21: {  	s3 =	sadd.s32 s3, s9;
	s6 =	sadd.s32 @!p0 $0x88, s6;
	s7 =	simm.s32 @p2 $0x1082  }
0x22: {  	[simem:s7], [sflag:s8] =	dma.local @!p0 [hbm:s6], $0xF7A  }
0x23: {  	s9 =	sor.u32 $0xD0000000, s2;
	s6 =	simm.s32 $0x108;
	_ =	swait.ge @!p0 [sflag:s8], $0x0  }
0x24: {  	s3 =	sadd.s32 $0x88, s3;
	s6 =	simm.s32 @!p1 $0x1082;
	[sflag:s4] =	ssyncset.s32 $0xFFFFF086  }
0x25: {  	[simem:s6], [sflag:s4] =	dma.local [hbm:s3], $0xF7A  }
0x26: {  	[smem:$0x3F97] =	sst s1;
	(tag) =	ssettag s2;
	_ =	strace s9  }
0x27: {  	s1 =	sld [smem:$0x3FA7]  }
0x28: {  	s2 =	sld [smem:$0x3FA8]  }
0x29: {  	s4 =	sld [smem:$0x3FAA]  }
0x2a: {  	p0 =	seq.s32 s5, $0x0;
	s5 =	sld [smem:$0x3FAB]  }
0x2b: {  	s6 =	sld [smem:$0x3FAC]  }
0x2c: {  	s7 =	sld [smem:$0x3FAD]  }
0x2d: {  	s3 =	simm.s32 $0x108;
	s8 =	sld [smem:$0x3FAE]  }
0x2e: {  	s3 =	simm.s32 @!p0 $0x1082;
	s9 =	sld [smem:$0x3FAF]  }
0x2f: {  	lr =	sadd.s32 s0, s3;
	s0 =	sld [smem:$0x3FA6]  }
0x30: {  	s3 =	sld [smem:$0x3FA9]  }
0x31: {  	[smem:$0x3FB2] =	sst s10  }
0x32: {  	s10 =	sld [smem:$0x3FB0];
	_ =	sdelay $0x3  }
0x33: {  	p0 =	seq.s32 s10, $0x1;
	s10 =	sld [smem:$0x3FB2];
	_ =	sdelay $0x3  }
0x34: {  	[smem:$0x3FB2] =	sst s10  }
0x35: {  	s10 =	sld [smem:$0x3FB1];
	_ =	sdelay $0x3  }
0x36: {  	p1 =	seq.s32 s10, $0x1;
	s10 =	sld [smem:$0x3FB2];
	_ =	sdelay $0x3  }
0x37: {  	[smem:$0x3FB2] =	sst s10  }
0x38: {  	s10 =	sld [smem:$0x3FB3]  }
0x39: {  	_ = 	snop;
	(pc) =	sbr.ind lr, $3  }
0x3a: {  	_ = 	snop  }
0x3b: {  	_ = 	snop  }
0x3c: {  	p2 =	seq.s32 s10, $0x1;
	s10 =	sld [smem:$0x3FB2]  }
0x3d: {  	_ =	shalt  }
0x3e: {  	_ =	shalt  }
0x3f: {  	_ =	shalt  }
0x40: {  	_ =	shalt  }
0x41: {  	_ =	shalt  }
0x42: {  	_ =	shalt  }
0x43: {  	_ =	shalt  }
0x44: {  	_ =	shalt  }
0x45: {  	_ =	shalt  }
0x46: {  	_ =	shalt  }
0x47: {  	_ =	shalt  }
0x48: {  	_ =	shalt  }
0x49: {  	_ =	shalt  }
0x4a: {  	_ =	shalt  }
0x4b: {  	_ =	shalt  }
0x4c: {  	_ =	shalt  }
0x4d: {  	_ =	shalt  }
0x4e: {  	_ =	shalt  }
0x4f: {  	_ =	shalt  }
0x50: {  	_ =	shalt  }
0x51: {  	_ =	shalt  }
0x52: {  	_ =	shalt  }
0x53: {  	_ =	shalt  }
0x54: {  	_ =	shalt  }
0x55: {  	_ =	shalt  }
0x56: {  	_ =	shalt  }
0x57: {  	_ =	shalt  }
0x58: {  	_ =	shalt  }
0x59: {  	_ =	shalt  }
0x5a: {  	_ =	shalt  }
0x5b: {  	_ =	shalt  }
0x5c: {  	_ =	shalt  }
0x5d: {  	_ =	shalt  }
0x5e: {  	_ =	shalt  }
0x5f: {  	_ =	shalt  }
0x60: {  	_ =	shalt  }
0x61: {  	_ =	shalt  }
0x62: {  	_ =	shalt  }
0x63: {  	_ =	shalt  }
0x64: {  	_ =	shalt  }
0x65: {  	_ =	shalt  }
0x66: {  	_ =	shalt  }
0x67: {  	_ =	shalt  }
0x68: {  	_ =	shalt  }
0x69: {  	_ =	shalt  }
0x6a: {  	_ =	shalt  }
0x6b: {  	_ =	shalt  }
0x6c: {  	_ =	shalt  }
0x6d: {  	_ =	shalt  }
0x6e: {  	_ =	shalt  }
0x6f: {  	_ =	shalt  }
0x70: {  	_ =	shalt  }
0x71: {  	_ =	shalt  }
0x72: {  	_ =	shalt  }
0x73: {  	_ =	shalt  }
0x74: {  	_ =	shalt  }
0x75: {  	_ =	shalt  }
0x76: {  	_ =	shalt  }
0x77: {  	_ =	shalt  }
0x78: {  	_ =	shalt  }
0x79: {  	_ =	shalt  }
0x7a: {  	_ =	shalt  }
0x7b: {  	_ =	shalt  }
0x7c: {  	_ =	shalt  }
0x7d: {  	_ =	shalt  }
0x7e: {  	_ =	shalt  }
0x7f: {  	_ =	shalt  }
0x80: {  	_ =	shalt  }
0x81: {  	_ =	shalt  }
0x82: {  	_ =	shalt  }
0x83: {  	_ =	shalt  }
0x84: {  	_ =	shalt  }
0x85: {  	_ =	shalt  }
0x86: {  	_ =	shalt  }
0x87: {  	_ =	shalt  }
.Lfunc_end0:
.L_simem_size_0:
called_computation.1_lowered:
.L_overlay_start_0:
0x88: {  	s2 =	sld [smem:$0x3FD9]  }
0x89: {  	s3 =	sld [smem:$0x3FFE];
	_ =	sdelay $0x1  }
0x8a: {  	s1 =	srdreg.scid  }
0x8b: {  	s0 =	sand.u32 $0x1, s1  }
0x8c: {  	s17 =	sshll.u32 s0, $0xA;
	s2 =	sadd.s32 s3, s2  }
0x8d: {  	s2 =	sadd.s32 s2, s17  }
0x8e: {  	[smem:$0x3FBE] =	sst s2  }
0x8f: {  	_ = 	snop  }
0x90: {  	s2 =	sld [smem:$0x3FD0];
	(tm) =	ssettm $0x1  }
0x91: {  	s18 =	sld [smem:$0x3FFB];
	_ =	sdelay $0x3  }
0x92: {  	_ =	strace s18  }
0x93: {  	s3 =	sld [smem:$0x3FFC];
	_ =	sdelay $0x3  }
0x94: {  	_ =	strace s3  }
0x95: {  	s3 =	sld [smem:$0x3FFD];
	_ =	sdelay $0x3  }
0x96: {  	_ =	strace s3  }
0x97: {  	_ =	strace $0x8FFFFFFF  }
0x98: {  	s19 =	sld [smem:$0x3FDB];
	_ =	sdelay $0x1  }
0x99: {  	s4 =	simm.s32 $_scs_section_size  }
0x9a: {  	s5 =	simm.s32 $_size__tile_overlayer_lowered;
	s6 =	simm.s32 $_tile_overlayer_lowered  }
0x9b: {  	s22 =	simm.s32 $0x1BFF;
	s21 =	sshll.u32 s6, $0x1;
	s3 =	sadd.s32 s4, s19  }
0x9c: {  	s7 =	simm.s32 $0x0;
	s20 =	sshll.u32 s5, $0x1;
	s5 =	sadd.s32 s21, s3  }
0x9d: {  	[timem:s7], [sflag:s22] =	dma.local [hbm:s5], s20  }
0x9e: {  	_ =	swait.ge [sflag:s22], s20  }
0x9f: {  	s4 =	ssub.s32 $0x0, s20;
	[sflag:s22] =	ssyncset.done $0x0  }
0xa0: {  	[sflag:s22] =	ssyncadd.s32 s4;
	_ =	sdelay $0x1  }
0xa1: {  	s23 =	simm.s32 $0x1B8B  }
0xa2: {  	_ =	swait.ge [sflag:s23], $0x1  }
0xa3: {  	[sflag:s23] =	ssyncset.done $0x0  }
0xa4: {  	s25 =	simm.s32 $0x1B8E;
	s24 =	sld [smem:$0x3FFE];
	[sflag:s23] =	ssyncadd.s32 $0xFFFFFFFF  }
0xa5: {  	s26 =	simm.s32 $execute0_lowered;
	[smem:$0x3FD2] =	sst s25  }
0xa6: {  	s5 =	sshll.u32 s26, $0x1;
	_ =	strace $0x80000049;
	[dreg:$0x1] =	wrdreg $0xFFFFFFFF  }
0xa7: {  	s28 =	simm.s32 $_size_execute0_lowered;
	s3 =	sadd.s32 s3, s5;
	[dreg:$0x0] =	wrdreg $0x0  }
0xa8: {  	s5 =	sshll.u32 s28, $0x1;
	[dreg:$0x2] =	wrdreg s3  }
0xa9: {  	[dreg:$0x3] =	wrdreg s5  }
0xaa: {  	[dreg:$0x4] =	wrdreg $0xC0  }
0xab: {  	_ =	task [dreg:s7], $0x5FFFF  }
0xac: {  	[dreg:$0x1] =	wrdreg $0xFFFFFFFF  }
0xad: {  	[dreg:$0x0] =	wrdreg $0x60  }
0xae: {  	[dreg:$0x2] =	wrdreg s24  }
0xaf: {  	[dreg:$0x3] =	wrdreg s2  }
0xb0: {  	[dreg:$0x4] =	wrdreg $0x0  }
0xb1: {  	[dreg:$0x5] =	wrdreg $0x9  }
0xb2: {  	_ =	task.clear_ibuf [dreg:s7], $0x6FFFF;
	_ =	strace $0x90000049  }
0xb3: {  	s29 =	simm.s32 $0x9;
	_ =	strace $0x8000004B  }
0xb4: {  	_ =	swait.ge [sflag:s29], $0x1  }
0xb5: {  	[sflag:s29] =	ssyncadd.s32 $0xFFFFFFFF  }
0xb6: {  	_ =	strace $0x9000004B  }
0xb7: {  	_ =	sfence  }
0xb8: {  	s30 =	sld [smem:$0x0];
	_ =	sdelay $0x2  }
0xb9: {  	s31 =	sshll.u32 s1, $0xD;
	s1 =	sshrl.u32 s1, $0x2  }
0xba: {  	s3 =	sand.u32 $0x4000, s31;
	s1 =	sadd.s32 s1, s30  }
0xbb: {  	s0 =	sor.u32 s3, s0;
	s1 =	sshll.u32 s1, $0x11  }
0xbc: {  	s0 =	sor.u32 s1, s0  }
0xbd: {  	s0 =	sadd.s32 $0x8F2B, s0  }
0xbe: {  	[sflag:s0] =	ssyncadd.remote.s32 $0x1  }
0xbf: {  	_ =	sfence.sel $0xFFFF  }
0xc0: {  	[dreg:$0x0] =	wrdreg $0xFFFFFFFF;
	(pc) =	sbr.abs _section_cstart, $3  }
0xc1: {  	[dreg:$0x1] =	wrdreg $0xFFFFFFFF  }
0xc2: {  	_ =	task.clear_ibuf [dreg:s7], $0x2FFFF;
	_ =	strace $0x9FFFFFFF  }
0xc3: {  	(tm) =	ssettm $0x7FFFFFFF  }
tec
execute0_lowered:
.L_overlay_start_1:
0x0: {  	(tag) =	ssettag $0x1  }
0x1: {  	s1 =	rddreg [dreg:$0x0];
	s3 =	srdreg.scid  }
0x2: {  	s0 =	stileid.u32;
	s2 =	rddreg [dreg:$0x1]  }
0x3: {  	s28 =	simm.s32 $0x17880;
	s29 =	simm.s32 $0x1A600;
	s10 =	smul.u32 $0x13C00, s0  }
0x4: {  	s30 =	simm.s32 $0x17900;
	s31 =	simm.s32 $0x1D200;
	s11 =	smul.u32 $0x2780, s0  }
0x5: {  	s6 =	sand.u32 $0x1, s3;
	s4 =	sshll.u32 s0, $0x1;
	s20 =	smul.u32 $0x4F000, s0  }
0x6: {  	s3 =	rddreg [dreg:$0x2];
	s5 =	sadd.s32 $0x4000, s1;
	s21 =	smul.u32 $0x4E60, s0  }
0x7: {  	p0 =	sne.s32 s0, $0xF;
	p2 =	seq.s32 s0, $0xF;
	s9 =	smul.u32 $0x13C000, s6  }
0x8: {  	s14 =	sadd.s32 $0x25080, s2;
	s7 =	sor.u32 s6, s4;
	s22 =	smul.u32 $0x2730, s6  }
0x9: {  	s4 =	simm.s32 $0x0;
	s17 =	ssub.s32 $0x2, s6;
	s8 =	smul.u32 $0x780, s7  }
0xa: {  	p1 =	seq.s32 s6, $0x0;
	[smem:$0x7FF] =	sst s4;
	s7 =	smul.u32 $0x2730, s7  }
0xb: {  	s12 =	sadd.s32 s11, s1;
	s13 =	sshrl.u32 s17, $0x1;
	p0 =	por !p1, !p0  }
0xc: {  	p1 =	por !p1, !p2;
	s24 =	sadd.s32 s2, s11;
	s11 =	simm.s32 $0x0  }
0xd: {  	_ =	strace $0x8000004A;
	s9 =	sadd.s32 s10, s9;
	s13 =	ssub.s32 s17, s13  }
0xe: {  	p0 =	por !p0, !p0;
	p1 =	por !p1, !p1;
	s12 =	sadd.s32 $0x1CE00, s12  }
0xf: {  	[dreg:$0x9] =	wrdreg s14;
	s14 =	sadd.s32 $0x138800, s3;
	s23 =	sadd.s32 s22, s21  }
0x10: {  	[dreg:$0xb] =	wrdreg s24;
	s21 =	simm.s32 $0x7;
	s22 =	simm.s32 $0x17800  }
0x11: {  	s8 =	sadd.s32 s8, s1;
	s9 =	sshrl.u32 s9, $0x3;
	s18 =	sshrl.u32 s7, $0x3  }
0x12: {  	s7 =	sadd.s32 $0x58, s7;
	[dreg:$0x8] =	wrdreg s12;
	s12 =	sadd.s32 $0x128400, s3  }
0x13: {  	s25 =	sadd.s32 $0x1B8, s23;
	s26 =	smax.u32 s13, $0x1;
	p2 =	por p1, p0  }
0x14: {  	s9 =	sadd.s32 s9, s1;
	s8 =	sadd.s32 $0xDE00, s8;
	s19 =	sadd.s32 s5, s18  }
0x15: {  	s7 =	sshrl.u32 s7, $0x3;
	s1 =	sadd.s32 $0x43F00, s1;
	[dreg:$0xd] =	wrdreg s26  }
0x16: {  	p2 =	seq.s32 @!p2 s6, $0x0;
	s26 =	simm.s32 $0x17A00;
	[dreg:$0x4] =	wrdreg s8  }
0x17: {  	s6 =	simm.s32 $0x2;
	s7 =	sadd.s32 s5, s7;
	[dreg:$0x5] =	wrdreg s19  }
0x18: {  	s8 =	sadd.s32 $0x16, s19;
	[dreg:$0xa] =	wrdreg s1;
	s9 =	sadd.s32 $0x44600, s9  }
0x19: {  	s19 =	sadd.s32 $0x108, s23;
	p2 =	por @!p0 p2, p1;
	[dreg:$0x6] =	wrdreg s7  }
0x1a: {  	p1 =	por !p1, p0;
	[dreg:$0x7] =	wrdreg s8;
	s7 =	sshrl.u32 s20, $0x2  }
0x1b: {  	s8 =	sadd.s32 $0x160, s23;
	[dreg:$0xc] =	wrdreg s9;
	s23 =	simm.s32 $0x58  }
0x1c: {  	p2 =	por p2, p0;
	s1 =	sshrl.u32 @!p1 s12, $0x3;
	s20 =	simm.s32 $0x4  }
0x1d: {  	s9 =	simm.s32 $0x3;
	s10 =	sadd.s32 s7, s3;
	s7 =	sshrl.u32 s25, $0x3  }
0x1e: {  	s8 =	sshrl.u32 s8, $0x3;
	[dreg:$0xe] =	wrdreg s1;
	s1 =	sshrl.u32 @!p1 s14, $0x3  }
0x1f: {  	s17 =	sadd.s32 s7, s5;
	s18 =	sadd.s32 s8, s5;
	[dreg:$0xf] =	wrdreg s1  }
0x20: {  	s1 =	simm.s32 $0x1;
	s8 =	simm.s32 $0x5;
	s7 =	simm.s32 $0x6  }
.LBB2_1:
0x21: {  	s12 =	rddreg [dreg:$0x4];
	s13 =	simm.s32 $0x13C00  }
0x22: {  	[tilespmem:s13], [sflag:$0x7] =	stream.linear.gather [hbm4b:s12+s4], $0x3900, $0x38;
	[tilespmem:$0x1FE00] =	vst v63  }
0x23: {  	_ =	swait.ge [sflag:s21], $0x3900  }
0x24: {  	[sflag:s21] =	ssyncset.done $0x0  }
0x25: {  	s24 =	rddreg [dreg:$0x5];
	[sflag:s21] =	ssyncadd.s32 $0xFFFFC700  }
0x26: {  	[tilespmem:s22], [sflag:$0x7] =	stream.linear.gather [hbm4b:s24+s4], $0x58, $0x38;
	[tilespmem:$0x1FE00] =	vst v63  }
0x27: {  	_ =	swait.ge [sflag:s21], $0x58  }
0x28: {  	[sflag:s21] =	ssyncset.done $0x0  }
0x29: {  	[sflag:s21] =	ssyncadd.s32 $0xFFFFFFA8  }
0x2a: {  	[tilespmem:s26], [sflag:$0x1] =	stream.indirect.gather [hbm4b:s2+s23], $0x80, s22, s23, $0xb8;
	[tilespmem:$0x1FE00] =	vst v63  }
0x2b: {  	s25 =	rddreg [dreg:$0x6]  }
0x2c: {  	[tilespmem:s28], [sflag:$0x7] =	stream.linear.gather [hbm4b:s25+s4], $0x58, $0x38;
	[tilespmem:$0x1FE00] =	vst v63  }
0x2d: {  	_ =	swait.ge [sflag:s21], $0x58  }
0x2e: {  	[sflag:s21] =	ssyncset.done $0x0  }
0x2f: {  	[sflag:s21] =	ssyncadd.s32 $0xFFFFFFA8  }
0x30: {  	[tilespmem:s29], [sflag:$0x2] =	stream.indirect.gather [hbm4b:s2+s23], $0x80, s28, s23, $0xb8;
	[tilespmem:$0x1FE00] =	vst v63  }
0x31: {  	s13 =	rddreg [dreg:$0x7]  }
0x32: {  	[tilespmem:s30], [sflag:$0x7] =	stream.linear.gather [hbm4b:s13+s4], $0x58, $0x38;
	[tilespmem:$0x1FE00] =	vst v63  }
0x33: {  	s12 =	sshll.u32 @!p2 s0, $0x6;
	_ =	swait.ge [sflag:s21], $0x58  }
0x34: {  	s12 =	sor.u32 @!p2 $0x1C07, s12;
	[sflag:s21] =	ssyncset.done $0x0  }
0x35: {  	s13 =	sshrl.u32 @!p2 s10, $0x3;
	s14 =	rddreg [dreg:$0x8];
	[sflag:s21] =	ssyncadd.s32 $0xFFFFFFA8  }
0x36: {  	[tilespmem:s31], [sflag:$0x3] =	stream.indirect.gather [hbm4b:s2+s23], $0x80, s30, s23, $0xb8;
	[tilespmem:$0x1FE00] =	vst v63  }
0x37: {  	[spmem:s13], [sflag:s12] =	dma.local @!p2 [hbm:s14], $0x2780  }
0x38: {  	s12 =	simm.s32 @!p2 $0x7  }
0x39: {  	_ =	swait.ge @!p2 [sflag:s12], $0x2780  }
0x3a: {  	[sflag:s12] =	ssyncset.done @!p2 $0x0;
	s13 =	rddreg [dreg:$0x9]  }
0x3b: {  	s14 =	rddreg [dreg:$0xe];
	[sflag:s12] =	ssyncadd.s32 @!p2 $0xFFFFD880;
	s12 =	simm.s32 @!p1 $0x1FC7  }
0x3c: {  	[spmem:s14], [sflag:s12] =	dma.local @!p1 [hbm:s13], $0x2080  }
0x3d: {  	s13 =	simm.s32 @!p1 $0x7  }
0x3e: {  	_ =	swait.ge @!p1 [sflag:s13], $0x2080  }
0x3f: {  	[sflag:s13] =	ssyncset.done @!p1 $0x0;
	s14 =	rddreg [dreg:$0xa]  }
0x40: {  	s15 =	rddreg [dreg:$0xf];
	[sflag:s13] =	ssyncadd.s32 @!p1 $0xFFFFDF80  }
0x41: {  	[spmem:s15], [sflag:s12] =	dma.local @!p1 [hbm:s14], $0x700  }
0x42: {  	s12 =	sshll.u32 @p0 s0, $0x6;
	_ =	swait.ge @!p1 [sflag:s13], $0x700  }
0x43: {  	s12 =	sor.u32 @p0 $0x1C07, s12;
	[sflag:s13] =	ssyncset.done @!p1 $0x0  }
0x44: {  	s14 =	rddreg [dreg:$0xb];
	[sflag:s13] =	ssyncadd.s32 @!p1 $0xFFFFF900;
	s13 =	sshrl.u32 @p0 s10, $0x3  }
0x45: {  	[spmem:s13], [sflag:s12] =	dma.local @p0 [hbm:s14], $0x2780  }
0x46: {  	s12 =	simm.s32 @p0 $0x7  }
0x47: {  	_ =	swait.ge @p0 [sflag:s12], $0x2780  }
0x48: {  	[sflag:s12] =	ssyncset.done @p0 $0x0  }
0x49: {  	[sflag:s12] =	ssyncadd.s32 @p0 $0xFFFFD880  }
0x4a: {  	[bflag:$0x0] =	sbarrier.arrive $0xFFFF  }
0x4b: {  	_ =	swait.ge [sflag:s1], $0x2C00  }
0x4c: {  	[sflag:s1] =	ssyncset.done $0x0  }
0x4d: {  	s15 =	sshrl.u32 s19, $0x3;
	s14 =	simm.s32 $0x13C00;
	[sflag:s1] =	ssyncadd.s32 $0xFFFFD400  }
0x4e: {  	[spmem:s3] =	stream.indirect.scatter.add.f32 [tilespmem:s26], [sflag:$0x4], $0x80, s14, s23, $0xb8;
	[tilespmem:$0x1FE00] =	vst v63  }
0x4f: {  	s16 =	sadd.s32 s5, s15  }
0x50: {  	[tilespmem:s22], [sflag:$0x7] =	stream.linear.gather [hbm4b:s16+s4], $0x58, $0x38;
	[tilespmem:$0x1FE00] =	vst v63  }
0x51: {  	_ =	swait.ge [sflag:s21], $0x58  }
0x52: {  	[sflag:s21] =	ssyncset.done $0x0  }
0x53: {  	[sflag:s21] =	ssyncadd.s32 $0xFFFFFFA8  }
0x54: {  	_ =	swait.ge [sflag:s20], $0x2C00  }
0x55: {  	[sflag:s20] =	ssyncset.done $0x0  }
0x56: {  	[sflag:s20] =	ssyncadd.s32 $0xFFFFD400  }
0x57: {  	[tilespmem:s26], [sflag:$0x1] =	stream.indirect.gather [hbm4b:s2+s23], $0x80, s22, s23, $0xb8;
	[tilespmem:$0x1FE00] =	vst v63  }
0x58: {  	_ =	swait.ge [sflag:s6], $0x2C00  }
0x59: {  	[sflag:s6] =	ssyncset.done $0x0  }
0x5a: {  	s24 =	simm.s32 $0x13C80;
	[sflag:s6] =	ssyncadd.s32 $0xFFFFD400  }
0x5b: {  	[spmem:s3] =	stream.indirect.scatter.add.f32 [tilespmem:s29], [sflag:$0x5], $0x80, s24, s23, $0xb8;
	[tilespmem:$0x1FE00] =	vst v63  }
0x5c: {  	_ = 	snop  }
0x5d: {  	[tilespmem:s28], [sflag:$0x7] =	stream.linear.gather [hbm4b:s18+s4], $0x58, $0x38;
	[tilespmem:$0x1FE00] =	vst v63  }
0x5e: {  	_ =	swait.ge [sflag:s21], $0x58  }
0x5f: {  	[sflag:s21] =	ssyncset.done $0x0  }
0x60: {  	[sflag:s21] =	ssyncadd.s32 $0xFFFFFFA8  }
0x61: {  	_ =	swait.ge [sflag:s8], $0x2C00  }
0x62: {  	[sflag:s8] =	ssyncset.done $0x0  }
0x63: {  	[sflag:s8] =	ssyncadd.s32 $0xFFFFD400  }
0x64: {  	[tilespmem:s29], [sflag:$0x2] =	stream.indirect.gather [hbm4b:s2+s23], $0x80, s28, s23, $0xb8;
	[tilespmem:$0x1FE00] =	vst v63  }
0x65: {  	_ =	swait.ge [sflag:s9], $0x2C00  }
0x66: {  	[sflag:s9] =	ssyncset.done $0x0  }
0x67: {  	s25 =	simm.s32 $0x13D00;
	[sflag:s9] =	ssyncadd.s32 $0xFFFFD400  }
0x68: {  	[spmem:s3] =	stream.indirect.scatter.add.f32 [tilespmem:s31], [sflag:$0x6], $0x80, s25, s23, $0xb8;
	[tilespmem:$0x1FE00] =	vst v63  }
0x69: {  	_ = 	snop  }
0x6a: {  	[tilespmem:s30], [sflag:$0x7] =	stream.linear.gather [hbm4b:s17+s4], $0x58, $0x38;
	[tilespmem:$0x1FE00] =	vst v63  }
0x6b: {  	_ =	swait.ge [sflag:s21], $0x58  }
0x6c: {  	[sflag:s21] =	ssyncset.done $0x0  }
0x6d: {  	[sflag:s21] =	ssyncadd.s32 $0xFFFFFFA8  }
0x6e: {  	_ =	swait.ge [sflag:s7], $0x2C00  }
0x6f: {  	s15 =	sadd.s32 $0x21, s18;
	s13 =	sadd.s32 $0x108, s19;
	[sflag:s7] =	ssyncset.done $0x0  }
0x70: {  	s12 =	simm.s32 $0x600;
	s14 =	sadd.s32 $0x21, s17;
	[sflag:s7] =	ssyncadd.s32 $0xFFFFD400  }
.LBB2_2:
0x71: {  	[tilespmem:s31], [sflag:$0x3] =	stream.indirect.gather [hbm4b:s2+s23], $0x80, s30, s23, $0xb8;
	[tilespmem:$0x1FE00] =	vst v63  }
0x72: {  	s16 =	smov.u32 s12  }
0x73: {  	p3 =	sne.s32 s12, $0xD800;
	s12 =	sadd.s32 $0x600, s12;
	_ =	swait.ge [sflag:s1], $0x2C00  }
0x74: {  	s16 =	sshra.s32 s16, $0x2;
	[sflag:s1] =	ssyncset.done $0x0  }
0x75: {  	s25 =	sshrl.u32 s13, $0x3;
	s24 =	sadd.s32 $0x13C00, s16;
	[sflag:s1] =	ssyncadd.s32 $0xFFFFD400  }
0x76: {  	[spmem:s3] =	stream.indirect.scatter.add.f32 [tilespmem:s26], [sflag:$0x4], $0x80, s24, s23, $0xb8;
	[tilespmem:$0x1FE00] =	vst v63  }
0x77: {  	s24 =	sadd.s32 s5, s25  }
0x78: {  	[tilespmem:s22], [sflag:$0x7] =	stream.linear.gather [hbm4b:s24+s4], $0x58, $0x38;
	[tilespmem:$0x1FE00] =	vst v63  }
0x79: {  	_ =	swait.ge [sflag:s21], $0x58  }
0x7a: {  	[sflag:s21] =	ssyncset.done $0x0  }
0x7b: {  	[sflag:s21] =	ssyncadd.s32 $0xFFFFFFA8  }
0x7c: {  	_ =	swait.ge [sflag:s20], $0x2C00  }
0x7d: {  	[sflag:s20] =	ssyncset.done $0x0  }
0x7e: {  	[sflag:s20] =	ssyncadd.s32 $0xFFFFD400  }
0x7f: {  	[tilespmem:s26], [sflag:$0x1] =	stream.indirect.gather [hbm4b:s2+s23], $0x80, s22, s23, $0xb8;
	[tilespmem:$0x1FE00] =	vst v63  }
0x80: {  	_ =	swait.ge [sflag:s6], $0x2C00  }
0x81: {  	[sflag:s6] =	ssyncset.done $0x0  }
0x82: {  	s24 =	sadd.s32 $0x13C80, s16;
	[sflag:s6] =	ssyncadd.s32 $0xFFFFD400  }
0x83: {  	[spmem:s3] =	stream.indirect.scatter.add.f32 [tilespmem:s29], [sflag:$0x5], $0x80, s24, s23, $0xb8;
	[tilespmem:$0x1FE00] =	vst v63  }
0x84: {  	_ = 	snop  }
0x85: {  	[tilespmem:s28], [sflag:$0x7] =	stream.linear.gather [hbm4b:s15+s4], $0x58, $0x38;
	[tilespmem:$0x1FE00] =	vst v63  }
0x86: {  	_ =	swait.ge [sflag:s21], $0x58  }
0x87: {  	[sflag:s21] =	ssyncset.done $0x0  }
0x88: {  	[sflag:s21] =	ssyncadd.s32 $0xFFFFFFA8  }
0x89: {  	_ =	swait.ge [sflag:s8], $0x2C00  }
0x8a: {  	[sflag:s8] =	ssyncset.done $0x0  }
0x8b: {  	[sflag:s8] =	ssyncadd.s32 $0xFFFFD400  }
0x8c: {  	[tilespmem:s29], [sflag:$0x2] =	stream.indirect.gather [hbm4b:s2+s23], $0x80, s28, s23, $0xb8;
	[tilespmem:$0x1FE00] =	vst v63  }
0x8d: {  	_ =	swait.ge [sflag:s9], $0x2C00  }
0x8e: {  	[sflag:s9] =	ssyncset.done $0x0  }
0x8f: {  	s16 =	sadd.s32 $0x13D00, s16;
	[sflag:s9] =	ssyncadd.s32 $0xFFFFD400  }
0x90: {  	[spmem:s3] =	stream.indirect.scatter.add.f32 [tilespmem:s31], [sflag:$0x6], $0x80, s16, s23, $0xb8;
	[tilespmem:$0x1FE00] =	vst v63  }
0x91: {  	_ = 	snop  }
0x92: {  	[tilespmem:s30], [sflag:$0x7] =	stream.linear.gather [hbm4b:s14+s4], $0x58, $0x38;
	[tilespmem:$0x1FE00] =	vst v63  }
0x93: {  	_ =	swait.ge [sflag:s21], $0x58  }
.Ltmp0:
0x94: {  	[sflag:s21] =	ssyncset.done $0x0;
	(pc) =	sbr.rel @p3 .LBB2_2-.Ltmp0, $4  }
0x95: {  	[sflag:s21] =	ssyncadd.s32 $0xFFFFFFA8  }
0x96: {  	_ =	swait.ge [sflag:s7], $0x2C00  }
0x97: {  	s13 =	sadd.s32 $0x108, s13;
	[sflag:s7] =	ssyncset.done $0x0  }
0x98: {  	s15 =	sadd.s32 $0x21, s15;
	s14 =	sadd.s32 $0x21, s14;
	[sflag:s7] =	ssyncadd.s32 $0xFFFFD400  }
0x99: {  	[tilespmem:s31], [sflag:$0x3] =	stream.indirect.gather [hbm4b:s2+s23], $0x80, s30, s23, $0xb8;
	[tilespmem:$0x1FE00] =	vst v63  }
0x9a: {  	_ =	swait.ge [sflag:s1], $0x2C00  }
0x9b: {  	[sflag:s1] =	ssyncset.done $0x0  }
0x9c: {  	s12 =	simm.s32 $0x17380;
	[sflag:s1] =	ssyncadd.s32 $0xFFFFD400  }
0x9d: {  	[spmem:s3] =	stream.indirect.scatter.add.f32 [tilespmem:s26], [sflag:$0x4], $0x80, s12, s23, $0xb8;
	[tilespmem:$0x1FE00] =	vst v63  }
0x9e: {  	_ =	swait.ge [sflag:s6], $0x2C00  }
0x9f: {  	[sflag:s6] =	ssyncset.done $0x0  }
0xa0: {  	s15 =	simm.s32 $0x17400;
	[sflag:s6] =	ssyncadd.s32 $0xFFFFD400  }
0xa1: {  	[spmem:s3] =	stream.indirect.scatter.add.f32 [tilespmem:s29], [sflag:$0x5], $0x80, s15, s23, $0xb8;
	[tilespmem:$0x1FE00] =	vst v63  }
0xa2: {  	_ =	swait.ge [sflag:s9], $0x2C00  }
0xa3: {  	[sflag:s9] =	ssyncset.done $0x0  }
0xa4: {  	s16 =	simm.s32 $0x17480;
	[sflag:s9] =	ssyncadd.s32 $0xFFFFD400  }
0xa5: {  	[spmem:s3] =	stream.indirect.scatter.add.f32 [tilespmem:s31], [sflag:$0x6], $0x80, s16, s23, $0xb8;
	[tilespmem:$0x1FE00] =	vst v63  }
0xa6: {  	_ =	swait.ge [sflag:s20], $0x2C00  }
0xa7: {  	[sflag:s20] =	ssyncset.done $0x0  }
0xa8: {  	[sflag:s20] =	ssyncadd.s32 $0xFFFFD400  }
0xa9: {  	_ =	swait.ge [sflag:s8], $0x2C00  }
0xaa: {  	[sflag:s8] =	ssyncset.done $0x0  }
0xab: {  	[sflag:s8] =	ssyncadd.s32 $0xFFFFD400  }
0xac: {  	_ =	swait.ge [sflag:s7], $0x2C00  }
0xad: {  	[sflag:s7] =	ssyncset.done $0x0  }
0xae: {  	[sflag:s7] =	ssyncadd.s32 $0xFFFFD400  }
0xaf: {  	s24 =	sshll.u32 s0, $0x6;
	[bflag:$0x0] =	sbarrier.arrive $0xFFFF  }
0xb0: {  	s13 =	sshrl.u32 s10, $0x3;
	s12 =	sor.u32 $0x1C07, s24;
	s14 =	rddreg [dreg:$0xc]  }
0xb1: {  	[hbm:s14], [sflag:s12] =	dma.local [spmem:s13], $0x2780  }
0xb2: {  	_ =	swait.ge [sflag:s21], $0x2780  }
0xb3: {  	s11 =	sadd.s32 $0x1, s11;
	s25 =	rddreg [dreg:$0xd]  }
0xb4: {  	p3 =	sne.s32 s11, s25  }
.Ltmp1:
0xb5: {  	_ = 	snop;
	(pc) =	sbr.rel @p3 .LBB2_1-.Ltmp1, $3  }
0xb6: {  	_ =	sdelay $0x1  }
0xb7: {  	[sflag:s21] =	ssyncset.done $0x0  }
0xb8: {  	[sflag:s21] =	ssyncadd.s32 $0xFFFFD880  }
0xb9: {  	_ =	sfence.sel $0x180000  }
0xba: {  	[bflag:$0x0] =	sbarrier.arrive $0xFFFF  }
0xbb: {  	_ =	strace $0x9000004A  }
0xbc: {  	[bflag:$0x2] =	sbarrier.arrive $0xFFFF  }
0xbd: {  	p0 =	sne.s32 s0, $0x0;
	s0 =	rddreg [dreg:$0x3]  }
0xbe: {  	s0 =	sadd.s32 @!p0 $0x100000, s0  }
0xbf: {  	[sflag:s0] =	ssyncadd.tile.s32 @!p0 $0x1;
	_ =	shalt  }
.Lfunc_end2:
_tile_overlayer_lowered:
.L_overlay_start_2:
0xc0: {  	(tag) =	ssettag $0x2  }
0xc1: {  	s0 =	rddreg [dreg:$0x0];
	s2 =	stileid.u32  }
0xc2: {  	s1 =	rddreg [dreg:$0x1];
	p0 =	sne.s32 s2, $0x0  }
0xc3: {  	s3 =	rddreg [dreg:$0x2];
	[bflag:$0x3] =	sbarrier.arrive $0xFFFF;
	s2 =	simm.s32 @!p0 $0x1C07  }
0xc4: {  	[timem:s3], [sflag:s2] =	dma.local @!p0 [hbm:s0], s1  }
0xc5: {  	s0 =	simm.s32 @!p0 $0x7  }
0xc6: {  	_ =	swait.ge @!p0 [sflag:s0], s1  }
0xc7: {  	s1 =	ssub.s32 @!p0 $0x0, s1;
	[sflag:s0] =	ssyncset.done @!p0 $0x0  }
0xc8: {  	[sflag:s0] =	ssyncadd.s32 @!p0 s1  }
0xc9: {  	[bflag:$0x3] =	sbarrier.arrive $0xFFFF  }
0xca: {  	_ =	shalt  }

// kernel: kernel.20.cloned.1.call-start
scs
__scs_entry_jumppad:
0x0: {  	(pc) =	sbr.rel $0x88, $3  }
0x1: {  	(tag) =	ssettag $0x0;
	lr =	simm.s32 $0x1  }
0x2: {  	[smem:$0x3F97] =	sst lr;
	_ =	strace $0xD0000000  }
0x3: {  	_ = 	snop  }
0x4: {  	_ = 	snop  }
0x5: {  	_ = 	snop  }
0x6: {  	_ = 	snop  }
0x7: {  	_ = 	snop  }
__scs_overlays_trampoline_lowered:
0x8: {  	[smem:$0x3FA6] =	sst s0  }
0x9: {  	[smem:$0x3FA7] =	sst s1  }
0xa: {  	[smem:$0x3FA8] =	sst s2  }
0xb: {  	[smem:$0x3FA9] =	sst s3  }
0xc: {  	[smem:$0x3FAA] =	sst s4  }
0xd: {  	[smem:$0x3FAB] =	sst s5  }
0xe: {  	[smem:$0x3FAC] =	sst s6  }
0xf: {  	[smem:$0x3FAD] =	sst s7  }
0x10: {  	[smem:$0x3FAE] =	sst s8  }
0x11: {  	[smem:$0x3FAF] =	sst s9;
	s0 =	simm.s32 @!p0 $0x0  }
0x12: {  	s1 =	sld [smem:$0x3F95];
	s0 =	simm.s32 @p0 $0x1  }
0x13: {  	[smem:$0x3FB0] =	sst s0;
	s0 =	simm.s32 @!p1 $0x0  }
0x14: {  	s2 =	sld [smem:$0x3F94];
	s0 =	simm.s32 @p1 $0x1  }
0x15: {  	[smem:$0x3FB1] =	sst s0;
	s0 =	simm.s32 @!p2 $0x0  }
0x16: {  	s3 =	sld [smem:$0x3FDB];
	s0 =	simm.s32 @p2 $0x1  }
0x17: {  	s4 =	simm.s32 $0x1BF5;
	[smem:$0x3FB3] =	sst s0  }
0x18: {  	s0 =	sld [smem:$0x3F96];
	_ =	swait.ge [sflag:s4], $0x0  }
0x19: {  	s7 =	sld [smem:$0x3F97]  }
0x1a: {  	s8 =	sadd.s32 $0xFFFFE003, lr  }
0x1b: {  	s9 =	sadd.s32 $0xFFFFFEF7, lr;
	s5 =	simm.s32 $0xFFFFFFFF;
	p2 =	slt.u32 s8, $0xFFFFF086  }
0x1c: {  	p1 =	slt.u32 s9, $0xF7A;
	s5 =	simm.s32 @!p2 $0x0  }
0x1d: {  	s5 =	simm.s32 @p1 $0x1;
	p0 =	seq.s32 s7, s2  }
0x1e: {  	s7 =	smul.u32 @!p0 $0xF7A, s2;
	p2 =	seq.s32 @!p0 s5, $0x0  }
0x1f: {  	s9 =	smul.u32 $0xF7A, s1;
	s8 =	simm.s32 @!p0 $0x1BF5;
	p2 =	por !p2, p0  }
0x20: {  	[sflag:s8] =	ssyncset.s32 @!p0 $0xFFFFF086;
	s6 =	sadd.s32 @!p0 s3, s7;
	s7 =	simm.s32 @!p0 $0x108  }
0x21: {  	s3 =	sadd.s32 s3, s9;
	s6 =	sadd.s32 @!p0 $0x88, s6;
	s7 =	simm.s32 @p2 $0x1082  }
0x22: {  	[simem:s7], [sflag:s8] =	dma.local @!p0 [hbm:s6], $0xF7A  }
0x23: {  	s9 =	sor.u32 $0xD0000000, s2;
	s6 =	simm.s32 $0x108;
	_ =	swait.ge @!p0 [sflag:s8], $0x0  }
0x24: {  	s3 =	sadd.s32 $0x88, s3;
	s6 =	simm.s32 @!p1 $0x1082;
	[sflag:s4] =	ssyncset.s32 $0xFFFFF086  }
0x25: {  	[simem:s6], [sflag:s4] =	dma.local [hbm:s3], $0xF7A  }
0x26: {  	[smem:$0x3F97] =	sst s1;
	(tag) =	ssettag s2;
	_ =	strace s9  }
0x27: {  	s1 =	sld [smem:$0x3FA7]  }
0x28: {  	s2 =	sld [smem:$0x3FA8]  }
0x29: {  	s4 =	sld [smem:$0x3FAA]  }
0x2a: {  	p0 =	seq.s32 s5, $0x0;
	s5 =	sld [smem:$0x3FAB]  }
0x2b: {  	s6 =	sld [smem:$0x3FAC]  }
0x2c: {  	s7 =	sld [smem:$0x3FAD]  }
0x2d: {  	s3 =	simm.s32 $0x108;
	s8 =	sld [smem:$0x3FAE]  }
0x2e: {  	s3 =	simm.s32 @!p0 $0x1082;
	s9 =	sld [smem:$0x3FAF]  }
0x2f: {  	lr =	sadd.s32 s0, s3;
	s0 =	sld [smem:$0x3FA6]  }
0x30: {  	s3 =	sld [smem:$0x3FA9]  }
0x31: {  	[smem:$0x3FB2] =	sst s10  }
0x32: {  	s10 =	sld [smem:$0x3FB0];
	_ =	sdelay $0x3  }
0x33: {  	p0 =	seq.s32 s10, $0x1;
	s10 =	sld [smem:$0x3FB2];
	_ =	sdelay $0x3  }
0x34: {  	[smem:$0x3FB2] =	sst s10  }
0x35: {  	s10 =	sld [smem:$0x3FB1];
	_ =	sdelay $0x3  }
0x36: {  	p1 =	seq.s32 s10, $0x1;
	s10 =	sld [smem:$0x3FB2];
	_ =	sdelay $0x3  }
0x37: {  	[smem:$0x3FB2] =	sst s10  }
0x38: {  	s10 =	sld [smem:$0x3FB3]  }
0x39: {  	_ = 	snop;
	(pc) =	sbr.ind lr, $3  }
0x3a: {  	_ = 	snop  }
0x3b: {  	_ = 	snop  }
0x3c: {  	p2 =	seq.s32 s10, $0x1;
	s10 =	sld [smem:$0x3FB2]  }
0x3d: {  	_ =	shalt  }
0x3e: {  	_ =	shalt  }
0x3f: {  	_ =	shalt  }
0x40: {  	_ =	shalt  }
0x41: {  	_ =	shalt  }
0x42: {  	_ =	shalt  }
0x43: {  	_ =	shalt  }
0x44: {  	_ =	shalt  }
0x45: {  	_ =	shalt  }
0x46: {  	_ =	shalt  }
0x47: {  	_ =	shalt  }
0x48: {  	_ =	shalt  }
0x49: {  	_ =	shalt  }
0x4a: {  	_ =	shalt  }
0x4b: {  	_ =	shalt  }
0x4c: {  	_ =	shalt  }
0x4d: {  	_ =	shalt  }
0x4e: {  	_ =	shalt  }
0x4f: {  	_ =	shalt  }
0x50: {  	_ =	shalt  }
0x51: {  	_ =	shalt  }
0x52: {  	_ =	shalt  }
0x53: {  	_ =	shalt  }
0x54: {  	_ =	shalt  }
0x55: {  	_ =	shalt  }
0x56: {  	_ =	shalt  }
0x57: {  	_ =	shalt  }
0x58: {  	_ =	shalt  }
0x59: {  	_ =	shalt  }
0x5a: {  	_ =	shalt  }
0x5b: {  	_ =	shalt  }
0x5c: {  	_ =	shalt  }
0x5d: {  	_ =	shalt  }
0x5e: {  	_ =	shalt  }
0x5f: {  	_ =	shalt  }
0x60: {  	_ =	shalt  }
0x61: {  	_ =	shalt  }
0x62: {  	_ =	shalt  }
0x63: {  	_ =	shalt  }
0x64: {  	_ =	shalt  }
0x65: {  	_ =	shalt  }
0x66: {  	_ =	shalt  }
0x67: {  	_ =	shalt  }
0x68: {  	_ =	shalt  }
0x69: {  	_ =	shalt  }
0x6a: {  	_ =	shalt  }
0x6b: {  	_ =	shalt  }
0x6c: {  	_ =	shalt  }
0x6d: {  	_ =	shalt  }
0x6e: {  	_ =	shalt  }
0x6f: {  	_ =	shalt  }
0x70: {  	_ =	shalt  }
0x71: {  	_ =	shalt  }
0x72: {  	_ =	shalt  }
0x73: {  	_ =	shalt  }
0x74: {  	_ =	shalt  }
0x75: {  	_ =	shalt  }
0x76: {  	_ =	shalt  }
0x77: {  	_ =	shalt  }
0x78: {  	_ =	shalt  }
0x79: {  	_ =	shalt  }
0x7a: {  	_ =	shalt  }
0x7b: {  	_ =	shalt  }
0x7c: {  	_ =	shalt  }
0x7d: {  	_ =	shalt  }
0x7e: {  	_ =	shalt  }
0x7f: {  	_ =	shalt  }
0x80: {  	_ =	shalt  }
0x81: {  	_ =	shalt  }
0x82: {  	_ =	shalt  }
0x83: {  	_ =	shalt  }
0x84: {  	_ =	shalt  }
0x85: {  	_ =	shalt  }
0x86: {  	_ =	shalt  }
0x87: {  	_ =	shalt  }
.Lfunc_end0:
.L_simem_size_0:
called_computation.2_lowered:
.L_overlay_start_0:
0x88: {  	s2 =	sld [smem:$0x3FD9]  }
0x89: {  	s3 =	sld [smem:$0x3FFE];
	_ =	sdelay $0x1  }
0x8a: {  	s1 =	srdreg.scid  }
0x8b: {  	s0 =	sand.u32 $0x1, s1  }
0x8c: {  	s17 =	sshll.u32 s0, $0xA;
	s2 =	sadd.s32 s3, s2  }
0x8d: {  	s2 =	sadd.s32 s2, s17  }
0x8e: {  	[smem:$0x3FBE] =	sst s2  }
0x8f: {  	_ = 	snop  }
0x90: {  	s2 =	sld [smem:$0x3FD0];
	(tm) =	ssettm $0x1  }
0x91: {  	s18 =	sld [smem:$0x3FFB];
	_ =	sdelay $0x3  }
0x92: {  	_ =	strace s18  }
0x93: {  	s3 =	sld [smem:$0x3FFC];
	_ =	sdelay $0x3  }
0x94: {  	_ =	strace s3  }
0x95: {  	s3 =	sld [smem:$0x3FFD];
	_ =	sdelay $0x3  }
0x96: {  	_ =	strace s3  }
0x97: {  	_ =	strace $0x8FFFFFFF  }
0x98: {  	s19 =	sld [smem:$0x3FDB];
	_ =	sdelay $0x1  }
0x99: {  	s4 =	simm.s32 $_scs_section_size  }
0x9a: {  	s5 =	simm.s32 $_size__tile_overlayer_lowered;
	s6 =	simm.s32 $_tile_overlayer_lowered  }
0x9b: {  	s22 =	simm.s32 $0x1BFF;
	s21 =	sshll.u32 s6, $0x1;
	s3 =	sadd.s32 s4, s19  }
0x9c: {  	s7 =	simm.s32 $0x0;
	s20 =	sshll.u32 s5, $0x1;
	s5 =	sadd.s32 s21, s3  }
0x9d: {  	[timem:s7], [sflag:s22] =	dma.local [hbm:s5], s20  }
0x9e: {  	_ =	swait.ge [sflag:s22], s20  }
0x9f: {  	s4 =	ssub.s32 $0x0, s20;
	[sflag:s22] =	ssyncset.done $0x0  }
0xa0: {  	[sflag:s22] =	ssyncadd.s32 s4;
	_ =	sdelay $0x1  }
0xa1: {  	s23 =	simm.s32 $0x1B8B  }
0xa2: {  	_ =	swait.ge [sflag:s23], $0x1  }
0xa3: {  	[sflag:s23] =	ssyncset.done $0x0  }
0xa4: {  	s25 =	simm.s32 $0x1B8E;
	s24 =	sld [smem:$0x3FFE];
	[sflag:s23] =	ssyncadd.s32 $0xFFFFFFFF  }
0xa5: {  	s26 =	simm.s32 $execute0_lowered;
	[smem:$0x3FD2] =	sst s25  }
0xa6: {  	s5 =	sshll.u32 s26, $0x1;
	_ =	strace $0x8000004C;
	[dreg:$0x1] =	wrdreg $0xFFFFFFFF  }
0xa7: {  	s28 =	simm.s32 $_size_execute0_lowered;
	s3 =	sadd.s32 s3, s5;
	[dreg:$0x0] =	wrdreg $0x0  }
0xa8: {  	s5 =	sshll.u32 s28, $0x1;
	[dreg:$0x2] =	wrdreg s3  }
0xa9: {  	[dreg:$0x3] =	wrdreg s5  }
0xaa: {  	[dreg:$0x4] =	wrdreg $0xC0  }
0xab: {  	_ =	task [dreg:s7], $0x5FFFF  }
0xac: {  	[dreg:$0x1] =	wrdreg $0xFFFFFFFF  }
0xad: {  	[dreg:$0x0] =	wrdreg $0x60  }
0xae: {  	[dreg:$0x2] =	wrdreg s24  }
0xaf: {  	[dreg:$0x3] =	wrdreg s2  }
0xb0: {  	[dreg:$0x4] =	wrdreg $0x0  }
0xb1: {  	[dreg:$0x5] =	wrdreg $0x9  }
0xb2: {  	_ =	task.clear_ibuf [dreg:s7], $0x6FFFF;
	_ =	strace $0x9000004C  }
0xb3: {  	s29 =	simm.s32 $0x9;
	_ =	strace $0x8000004E  }
0xb4: {  	_ =	swait.ge [sflag:s29], $0x1  }
0xb5: {  	[sflag:s29] =	ssyncadd.s32 $0xFFFFFFFF  }
0xb6: {  	_ =	strace $0x9000004E  }
0xb7: {  	_ =	sfence  }
0xb8: {  	s30 =	sld [smem:$0x0];
	_ =	sdelay $0x2  }
0xb9: {  	s31 =	sshll.u32 s1, $0xD;
	s1 =	sshrl.u32 s1, $0x2  }
0xba: {  	s3 =	sand.u32 $0x4000, s31;
	s1 =	sadd.s32 s1, s30  }
0xbb: {  	s0 =	sor.u32 s3, s0;
	s1 =	sshll.u32 s1, $0x11  }
0xbc: {  	s0 =	sor.u32 s1, s0  }
0xbd: {  	s0 =	sadd.s32 $0x8F2B, s0  }
0xbe: {  	[sflag:s0] =	ssyncadd.remote.s32 $0x1  }
0xbf: {  	_ =	sfence.sel $0xFFFF  }
0xc0: {  	[dreg:$0x0] =	wrdreg $0xFFFFFFFF;
	(pc) =	sbr.abs _section_cstart, $3  }
0xc1: {  	[dreg:$0x1] =	wrdreg $0xFFFFFFFF  }
0xc2: {  	_ =	task.clear_ibuf [dreg:s7], $0x2FFFF;
	_ =	strace $0x9FFFFFFF  }
0xc3: {  	(tm) =	ssettm $0x7FFFFFFF  }
tec
execute0_lowered:
.L_overlay_start_1:
0x0: {  	(tag) =	ssettag $0x1  }
0x1: {  	s1 =	rddreg [dreg:$0x0];
	s3 =	srdreg.scid  }
0x2: {  	s0 =	stileid.u32;
	s2 =	rddreg [dreg:$0x1]  }
0x3: {  	s28 =	simm.s32 $0x17880;
	s29 =	simm.s32 $0x1A600;
	s10 =	smul.u32 $0x13C00, s0  }
0x4: {  	s30 =	simm.s32 $0x17900;
	s31 =	simm.s32 $0x1D200;
	s11 =	smul.u32 $0x2780, s0  }
0x5: {  	s6 =	sand.u32 $0x1, s3;
	s4 =	sshll.u32 s0, $0x1;
	s20 =	smul.u32 $0x4F000, s0  }
0x6: {  	s3 =	rddreg [dreg:$0x2];
	s5 =	sadd.s32 $0x4000, s1;
	s21 =	smul.u32 $0x4E60, s0  }
0x7: {  	p0 =	sne.s32 s0, $0xF;
	p2 =	seq.s32 s0, $0xF;
	s9 =	smul.u32 $0x13C000, s6  }
0x8: {  	s14 =	sadd.s32 $0x25080, s2;
	s7 =	sor.u32 s6, s4;
	s22 =	smul.u32 $0x2730, s6  }
0x9: {  	s4 =	simm.s32 $0x0;
	s17 =	ssub.s32 $0x2, s6;
	s8 =	smul.u32 $0x780, s7  }
0xa: {  	p1 =	seq.s32 s6, $0x0;
	[smem:$0x7FF] =	sst s4;
	s7 =	smul.u32 $0x2730, s7  }
0xb: {  	s12 =	sadd.s32 s11, s1;
	s13 =	sshrl.u32 s17, $0x1;
	p0 =	por !p1, !p0  }
0xc: {  	p1 =	por !p1, !p2;
	s24 =	sadd.s32 s2, s11;
	s11 =	simm.s32 $0x0  }
0xd: {  	_ =	strace $0x8000004D;
	s9 =	sadd.s32 s10, s9;
	s13 =	ssub.s32 s17, s13  }
0xe: {  	p0 =	por !p0, !p0;
	p1 =	por !p1, !p1;
	s12 =	sadd.s32 $0x1CE00, s12  }
0xf: {  	[dreg:$0x9] =	wrdreg s14;
	s14 =	sadd.s32 $0x138800, s3;
	s23 =	sadd.s32 s22, s21  }
0x10: {  	[dreg:$0xb] =	wrdreg s24;
	s21 =	simm.s32 $0x7;
	s22 =	simm.s32 $0x17800  }
0x11: {  	s8 =	sadd.s32 s8, s1;
	s9 =	sshrl.u32 s9, $0x3;
	s18 =	sshrl.u32 s7, $0x3  }
0x12: {  	s7 =	sadd.s32 $0x58, s7;
	[dreg:$0x8] =	wrdreg s12;
	s12 =	sadd.s32 $0x128400, s3  }
0x13: {  	s25 =	sadd.s32 $0x1B8, s23;
	s26 =	smax.u32 s13, $0x1;
	p2 =	por p1, p0  }
0x14: {  	s9 =	sadd.s32 s9, s1;
	s8 =	sadd.s32 $0xDE00, s8;
	s19 =	sadd.s32 s5, s18  }
0x15: {  	s7 =	sshrl.u32 s7, $0x3;
	s1 =	sadd.s32 $0x43F00, s1;
	[dreg:$0xd] =	wrdreg s26  }
0x16: {  	p2 =	seq.s32 @!p2 s6, $0x0;
	s26 =	simm.s32 $0x17A00;
	[dreg:$0x4] =	wrdreg s8  }
0x17: {  	s6 =	simm.s32 $0x2;
	s7 =	sadd.s32 s5, s7;
	[dreg:$0x5] =	wrdreg s19  }
0x18: {  	s8 =	sadd.s32 $0x16, s19;
	[dreg:$0xa] =	wrdreg s1;
	s9 =	sadd.s32 $0x44600, s9  }
0x19: {  	s19 =	sadd.s32 $0x108, s23;
	p2 =	por @!p0 p2, p1;
	[dreg:$0x6] =	wrdreg s7  }
0x1a: {  	p1 =	por !p1, p0;
	[dreg:$0x7] =	wrdreg s8;
	s7 =	sshrl.u32 s20, $0x2  }
0x1b: {  	s8 =	sadd.s32 $0x160, s23;
	[dreg:$0xc] =	wrdreg s9;
	s23 =	simm.s32 $0x58  }
0x1c: {  	p2 =	por p2, p0;
	s1 =	sshrl.u32 @!p1 s12, $0x3;
	s20 =	simm.s32 $0x4  }
0x1d: {  	s9 =	simm.s32 $0x3;
	s10 =	sadd.s32 s7, s3;
	s7 =	sshrl.u32 s25, $0x3  }
0x1e: {  	s8 =	sshrl.u32 s8, $0x3;
	[dreg:$0xe] =	wrdreg s1;
	s1 =	sshrl.u32 @!p1 s14, $0x3  }
0x1f: {  	s17 =	sadd.s32 s7, s5;
	s18 =	sadd.s32 s8, s5;
	[dreg:$0xf] =	wrdreg s1  }
0x20: {  	s1 =	simm.s32 $0x1;
	s8 =	simm.s32 $0x5;
	s7 =	simm.s32 $0x6  }
.LBB2_1:
0x21: {  	s12 =	rddreg [dreg:$0x4];
	s13 =	simm.s32 $0x13C00  }
0x22: {  	[tilespmem:s13], [sflag:$0x7] =	stream.linear.gather [hbm4b:s12+s4], $0x3900, $0x38;
	[tilespmem:$0x1FE00] =	vst v63  }
0x23: {  	_ =	swait.ge [sflag:s21], $0x3900  }
0x24: {  	[sflag:s21] =	ssyncset.done $0x0  }
0x25: {  	s24 =	rddreg [dreg:$0x5];
	[sflag:s21] =	ssyncadd.s32 $0xFFFFC700  }
0x26: {  	[tilespmem:s22], [sflag:$0x7] =	stream.linear.gather [hbm4b:s24+s4], $0x58, $0x38;
	[tilespmem:$0x1FE00] =	vst v63  }
0x27: {  	_ =	swait.ge [sflag:s21], $0x58  }
0x28: {  	[sflag:s21] =	ssyncset.done $0x0  }
0x29: {  	[sflag:s21] =	ssyncadd.s32 $0xFFFFFFA8  }
0x2a: {  	[tilespmem:s26], [sflag:$0x1] =	stream.indirect.gather [hbm4b:s2+s23], $0x80, s22, s23, $0xb8;
	[tilespmem:$0x1FE00] =	vst v63  }
0x2b: {  	s25 =	rddreg [dreg:$0x6]  }
0x2c: {  	[tilespmem:s28], [sflag:$0x7] =	stream.linear.gather [hbm4b:s25+s4], $0x58, $0x38;
	[tilespmem:$0x1FE00] =	vst v63  }
0x2d: {  	_ =	swait.ge [sflag:s21], $0x58  }
0x2e: {  	[sflag:s21] =	ssyncset.done $0x0  }
0x2f: {  	[sflag:s21] =	ssyncadd.s32 $0xFFFFFFA8  }
0x30: {  	[tilespmem:s29], [sflag:$0x2] =	stream.indirect.gather [hbm4b:s2+s23], $0x80, s28, s23, $0xb8;
	[tilespmem:$0x1FE00] =	vst v63  }
0x31: {  	s13 =	rddreg [dreg:$0x7]  }
0x32: {  	[tilespmem:s30], [sflag:$0x7] =	stream.linear.gather [hbm4b:s13+s4], $0x58, $0x38;
	[tilespmem:$0x1FE00] =	vst v63  }
0x33: {  	s12 =	sshll.u32 @!p2 s0, $0x6;
	_ =	swait.ge [sflag:s21], $0x58  }
0x34: {  	s12 =	sor.u32 @!p2 $0x1C07, s12;
	[sflag:s21] =	ssyncset.done $0x0  }
0x35: {  	s13 =	sshrl.u32 @!p2 s10, $0x3;
	s14 =	rddreg [dreg:$0x8];
	[sflag:s21] =	ssyncadd.s32 $0xFFFFFFA8  }
0x36: {  	[tilespmem:s31], [sflag:$0x3] =	stream.indirect.gather [hbm4b:s2+s23], $0x80, s30, s23, $0xb8;
	[tilespmem:$0x1FE00] =	vst v63  }
0x37: {  	[spmem:s13], [sflag:s12] =	dma.local @!p2 [hbm:s14], $0x2780  }
0x38: {  	s12 =	simm.s32 @!p2 $0x7  }
0x39: {  	_ =	swait.ge @!p2 [sflag:s12], $0x2780  }
0x3a: {  	[sflag:s12] =	ssyncset.done @!p2 $0x0;
	s13 =	rddreg [dreg:$0x9]  }
0x3b: {  	s14 =	rddreg [dreg:$0xe];
	[sflag:s12] =	ssyncadd.s32 @!p2 $0xFFFFD880;
	s12 =	simm.s32 @!p1 $0x1FC7  }
0x3c: {  	[spmem:s14], [sflag:s12] =	dma.local @!p1 [hbm:s13], $0x2080  }
0x3d: {  	s13 =	simm.s32 @!p1 $0x7  }
0x3e: {  	_ =	swait.ge @!p1 [sflag:s13], $0x2080  }
0x3f: {  	[sflag:s13] =	ssyncset.done @!p1 $0x0;
	s14 =	rddreg [dreg:$0xa]  }
0x40: {  	s15 =	rddreg [dreg:$0xf];
	[sflag:s13] =	ssyncadd.s32 @!p1 $0xFFFFDF80  }
0x41: {  	[spmem:s15], [sflag:s12] =	dma.local @!p1 [hbm:s14], $0x700  }
0x42: {  	s12 =	sshll.u32 @p0 s0, $0x6;
	_ =	swait.ge @!p1 [sflag:s13], $0x700  }
0x43: {  	s12 =	sor.u32 @p0 $0x1C07, s12;
	[sflag:s13] =	ssyncset.done @!p1 $0x0  }
0x44: {  	s14 =	rddreg [dreg:$0xb];
	[sflag:s13] =	ssyncadd.s32 @!p1 $0xFFFFF900;
	s13 =	sshrl.u32 @p0 s10, $0x3  }
0x45: {  	[spmem:s13], [sflag:s12] =	dma.local @p0 [hbm:s14], $0x2780  }
0x46: {  	s12 =	simm.s32 @p0 $0x7  }
0x47: {  	_ =	swait.ge @p0 [sflag:s12], $0x2780  }
0x48: {  	[sflag:s12] =	ssyncset.done @p0 $0x0  }
0x49: {  	[sflag:s12] =	ssyncadd.s32 @p0 $0xFFFFD880  }
0x4a: {  	[bflag:$0x0] =	sbarrier.arrive $0xFFFF  }
0x4b: {  	_ =	swait.ge [sflag:s1], $0x2C00  }
0x4c: {  	[sflag:s1] =	ssyncset.done $0x0  }
0x4d: {  	s15 =	sshrl.u32 s19, $0x3;
	s14 =	simm.s32 $0x13C00;
	[sflag:s1] =	ssyncadd.s32 $0xFFFFD400  }
0x4e: {  	[spmem:s3] =	stream.indirect.scatter.add.f32 [tilespmem:s26], [sflag:$0x4], $0x80, s14, s23, $0xb8;
	[tilespmem:$0x1FE00] =	vst v63  }
0x4f: {  	s16 =	sadd.s32 s5, s15  }
0x50: {  	[tilespmem:s22], [sflag:$0x7] =	stream.linear.gather [hbm4b:s16+s4], $0x58, $0x38;
	[tilespmem:$0x1FE00] =	vst v63  }
0x51: {  	_ =	swait.ge [sflag:s21], $0x58  }
0x52: {  	[sflag:s21] =	ssyncset.done $0x0  }
0x53: {  	[sflag:s21] =	ssyncadd.s32 $0xFFFFFFA8  }
0x54: {  	_ =	swait.ge [sflag:s20], $0x2C00  }
0x55: {  	[sflag:s20] =	ssyncset.done $0x0  }
0x56: {  	[sflag:s20] =	ssyncadd.s32 $0xFFFFD400  }
0x57: {  	[tilespmem:s26], [sflag:$0x1] =	stream.indirect.gather [hbm4b:s2+s23], $0x80, s22, s23, $0xb8;
	[tilespmem:$0x1FE00] =	vst v63  }
0x58: {  	_ =	swait.ge [sflag:s6], $0x2C00  }
0x59: {  	[sflag:s6] =	ssyncset.done $0x0  }
0x5a: {  	s24 =	simm.s32 $0x13C80;
	[sflag:s6] =	ssyncadd.s32 $0xFFFFD400  }
0x5b: {  	[spmem:s3] =	stream.indirect.scatter.add.f32 [tilespmem:s29], [sflag:$0x5], $0x80, s24, s23, $0xb8;
	[tilespmem:$0x1FE00] =	vst v63  }
0x5c: {  	_ = 	snop  }
0x5d: {  	[tilespmem:s28], [sflag:$0x7] =	stream.linear.gather [hbm4b:s18+s4], $0x58, $0x38;
	[tilespmem:$0x1FE00] =	vst v63  }
0x5e: {  	_ =	swait.ge [sflag:s21], $0x58  }
0x5f: {  	[sflag:s21] =	ssyncset.done $0x0  }
0x60: {  	[sflag:s21] =	ssyncadd.s32 $0xFFFFFFA8  }
0x61: {  	_ =	swait.ge [sflag:s8], $0x2C00  }
0x62: {  	[sflag:s8] =	ssyncset.done $0x0  }
0x63: {  	[sflag:s8] =	ssyncadd.s32 $0xFFFFD400  }
0x64: {  	[tilespmem:s29], [sflag:$0x2] =	stream.indirect.gather [hbm4b:s2+s23], $0x80, s28, s23, $0xb8;
	[tilespmem:$0x1FE00] =	vst v63  }
0x65: {  	_ =	swait.ge [sflag:s9], $0x2C00  }
0x66: {  	[sflag:s9] =	ssyncset.done $0x0  }
0x67: {  	s25 =	simm.s32 $0x13D00;
	[sflag:s9] =	ssyncadd.s32 $0xFFFFD400  }
0x68: {  	[spmem:s3] =	stream.indirect.scatter.add.f32 [tilespmem:s31], [sflag:$0x6], $0x80, s25, s23, $0xb8;
	[tilespmem:$0x1FE00] =	vst v63  }
0x69: {  	_ = 	snop  }
0x6a: {  	[tilespmem:s30], [sflag:$0x7] =	stream.linear.gather [hbm4b:s17+s4], $0x58, $0x38;
	[tilespmem:$0x1FE00] =	vst v63  }
0x6b: {  	_ =	swait.ge [sflag:s21], $0x58  }
0x6c: {  	[sflag:s21] =	ssyncset.done $0x0  }
0x6d: {  	[sflag:s21] =	ssyncadd.s32 $0xFFFFFFA8  }
0x6e: {  	_ =	swait.ge [sflag:s7], $0x2C00  }
0x6f: {  	s15 =	sadd.s32 $0x21, s18;
	s13 =	sadd.s32 $0x108, s19;
	[sflag:s7] =	ssyncset.done $0x0  }
0x70: {  	s12 =	simm.s32 $0x600;
	s14 =	sadd.s32 $0x21, s17;
	[sflag:s7] =	ssyncadd.s32 $0xFFFFD400  }
.LBB2_2:
0x71: {  	[tilespmem:s31], [sflag:$0x3] =	stream.indirect.gather [hbm4b:s2+s23], $0x80, s30, s23, $0xb8;
	[tilespmem:$0x1FE00] =	vst v63  }
0x72: {  	s16 =	smov.u32 s12  }
0x73: {  	p3 =	sne.s32 s12, $0xD800;
	s12 =	sadd.s32 $0x600, s12;
	_ =	swait.ge [sflag:s1], $0x2C00  }
0x74: {  	s16 =	sshra.s32 s16, $0x2;
	[sflag:s1] =	ssyncset.done $0x0  }
0x75: {  	s25 =	sshrl.u32 s13, $0x3;
	s24 =	sadd.s32 $0x13C00, s16;
	[sflag:s1] =	ssyncadd.s32 $0xFFFFD400  }
0x76: {  	[spmem:s3] =	stream.indirect.scatter.add.f32 [tilespmem:s26], [sflag:$0x4], $0x80, s24, s23, $0xb8;
	[tilespmem:$0x1FE00] =	vst v63  }
0x77: {  	s24 =	sadd.s32 s5, s25  }
0x78: {  	[tilespmem:s22], [sflag:$0x7] =	stream.linear.gather [hbm4b:s24+s4], $0x58, $0x38;
	[tilespmem:$0x1FE00] =	vst v63  }
0x79: {  	_ =	swait.ge [sflag:s21], $0x58  }
0x7a: {  	[sflag:s21] =	ssyncset.done $0x0  }
0x7b: {  	[sflag:s21] =	ssyncadd.s32 $0xFFFFFFA8  }
0x7c: {  	_ =	swait.ge [sflag:s20], $0x2C00  }
0x7d: {  	[sflag:s20] =	ssyncset.done $0x0  }
0x7e: {  	[sflag:s20] =	ssyncadd.s32 $0xFFFFD400  }
0x7f: {  	[tilespmem:s26], [sflag:$0x1] =	stream.indirect.gather [hbm4b:s2+s23], $0x80, s22, s23, $0xb8;
	[tilespmem:$0x1FE00] =	vst v63  }
0x80: {  	_ =	swait.ge [sflag:s6], $0x2C00  }
0x81: {  	[sflag:s6] =	ssyncset.done $0x0  }
0x82: {  	s24 =	sadd.s32 $0x13C80, s16;
	[sflag:s6] =	ssyncadd.s32 $0xFFFFD400  }
0x83: {  	[spmem:s3] =	stream.indirect.scatter.add.f32 [tilespmem:s29], [sflag:$0x5], $0x80, s24, s23, $0xb8;
	[tilespmem:$0x1FE00] =	vst v63  }
0x84: {  	_ = 	snop  }
0x85: {  	[tilespmem:s28], [sflag:$0x7] =	stream.linear.gather [hbm4b:s15+s4], $0x58, $0x38;
	[tilespmem:$0x1FE00] =	vst v63  }
0x86: {  	_ =	swait.ge [sflag:s21], $0x58  }
0x87: {  	[sflag:s21] =	ssyncset.done $0x0  }
0x88: {  	[sflag:s21] =	ssyncadd.s32 $0xFFFFFFA8  }
0x89: {  	_ =	swait.ge [sflag:s8], $0x2C00  }
0x8a: {  	[sflag:s8] =	ssyncset.done $0x0  }
0x8b: {  	[sflag:s8] =	ssyncadd.s32 $0xFFFFD400  }
0x8c: {  	[tilespmem:s29], [sflag:$0x2] =	stream.indirect.gather [hbm4b:s2+s23], $0x80, s28, s23, $0xb8;
	[tilespmem:$0x1FE00] =	vst v63  }
0x8d: {  	_ =	swait.ge [sflag:s9], $0x2C00  }
0x8e: {  	[sflag:s9] =	ssyncset.done $0x0  }
0x8f: {  	s16 =	sadd.s32 $0x13D00, s16;
	[sflag:s9] =	ssyncadd.s32 $0xFFFFD400  }
0x90: {  	[spmem:s3] =	stream.indirect.scatter.add.f32 [tilespmem:s31], [sflag:$0x6], $0x80, s16, s23, $0xb8;
	[tilespmem:$0x1FE00] =	vst v63  }
0x91: {  	_ = 	snop  }
0x92: {  	[tilespmem:s30], [sflag:$0x7] =	stream.linear.gather [hbm4b:s14+s4], $0x58, $0x38;
	[tilespmem:$0x1FE00] =	vst v63  }
0x93: {  	_ =	swait.ge [sflag:s21], $0x58  }
.Ltmp0:
0x94: {  	[sflag:s21] =	ssyncset.done $0x0;
	(pc) =	sbr.rel @p3 .LBB2_2-.Ltmp0, $4  }
0x95: {  	[sflag:s21] =	ssyncadd.s32 $0xFFFFFFA8  }
0x96: {  	_ =	swait.ge [sflag:s7], $0x2C00  }
0x97: {  	s13 =	sadd.s32 $0x108, s13;
	[sflag:s7] =	ssyncset.done $0x0  }
0x98: {  	s15 =	sadd.s32 $0x21, s15;
	s14 =	sadd.s32 $0x21, s14;
	[sflag:s7] =	ssyncadd.s32 $0xFFFFD400  }
0x99: {  	[tilespmem:s31], [sflag:$0x3] =	stream.indirect.gather [hbm4b:s2+s23], $0x80, s30, s23, $0xb8;
	[tilespmem:$0x1FE00] =	vst v63  }
0x9a: {  	_ =	swait.ge [sflag:s1], $0x2C00  }
0x9b: {  	[sflag:s1] =	ssyncset.done $0x0  }
0x9c: {  	s12 =	simm.s32 $0x17380;
	[sflag:s1] =	ssyncadd.s32 $0xFFFFD400  }
0x9d: {  	[spmem:s3] =	stream.indirect.scatter.add.f32 [tilespmem:s26], [sflag:$0x4], $0x80, s12, s23, $0xb8;
	[tilespmem:$0x1FE00] =	vst v63  }
0x9e: {  	_ =	swait.ge [sflag:s6], $0x2C00  }
0x9f: {  	[sflag:s6] =	ssyncset.done $0x0  }
0xa0: {  	s15 =	simm.s32 $0x17400;
	[sflag:s6] =	ssyncadd.s32 $0xFFFFD400  }
0xa1: {  	[spmem:s3] =	stream.indirect.scatter.add.f32 [tilespmem:s29], [sflag:$0x5], $0x80, s15, s23, $0xb8;
	[tilespmem:$0x1FE00] =	vst v63  }
0xa2: {  	_ =	swait.ge [sflag:s9], $0x2C00  }
0xa3: {  	[sflag:s9] =	ssyncset.done $0x0  }
0xa4: {  	s16 =	simm.s32 $0x17480;
	[sflag:s9] =	ssyncadd.s32 $0xFFFFD400  }
0xa5: {  	[spmem:s3] =	stream.indirect.scatter.add.f32 [tilespmem:s31], [sflag:$0x6], $0x80, s16, s23, $0xb8;
	[tilespmem:$0x1FE00] =	vst v63  }
0xa6: {  	_ =	swait.ge [sflag:s20], $0x2C00  }
0xa7: {  	[sflag:s20] =	ssyncset.done $0x0  }
0xa8: {  	[sflag:s20] =	ssyncadd.s32 $0xFFFFD400  }
0xa9: {  	_ =	swait.ge [sflag:s8], $0x2C00  }
0xaa: {  	[sflag:s8] =	ssyncset.done $0x0  }
0xab: {  	[sflag:s8] =	ssyncadd.s32 $0xFFFFD400  }
0xac: {  	_ =	swait.ge [sflag:s7], $0x2C00  }
0xad: {  	[sflag:s7] =	ssyncset.done $0x0  }
0xae: {  	[sflag:s7] =	ssyncadd.s32 $0xFFFFD400  }
0xaf: {  	s24 =	sshll.u32 s0, $0x6;
	[bflag:$0x0] =	sbarrier.arrive $0xFFFF  }
0xb0: {  	s13 =	sshrl.u32 s10, $0x3;
	s12 =	sor.u32 $0x1C07, s24;
	s14 =	rddreg [dreg:$0xc]  }
0xb1: {  	[hbm:s14], [sflag:s12] =	dma.local [spmem:s13], $0x2780  }
0xb2: {  	_ =	swait.ge [sflag:s21], $0x2780  }
0xb3: {  	s11 =	sadd.s32 $0x1, s11;
	s25 =	rddreg [dreg:$0xd]  }
0xb4: {  	p3 =	sne.s32 s11, s25  }
.Ltmp1:
0xb5: {  	_ = 	snop;
	(pc) =	sbr.rel @p3 .LBB2_1-.Ltmp1, $3  }
0xb6: {  	_ =	sdelay $0x1  }
0xb7: {  	[sflag:s21] =	ssyncset.done $0x0  }
0xb8: {  	[sflag:s21] =	ssyncadd.s32 $0xFFFFD880  }
0xb9: {  	_ =	sfence.sel $0x180000  }
0xba: {  	[bflag:$0x0] =	sbarrier.arrive $0xFFFF  }
0xbb: {  	_ =	strace $0x9000004D  }
0xbc: {  	[bflag:$0x2] =	sbarrier.arrive $0xFFFF  }
0xbd: {  	p0 =	sne.s32 s0, $0x0;
	s0 =	rddreg [dreg:$0x3]  }
0xbe: {  	s0 =	sadd.s32 @!p0 $0x100000, s0  }
0xbf: {  	[sflag:s0] =	ssyncadd.tile.s32 @!p0 $0x1;
	_ =	shalt  }
.Lfunc_end2:
_tile_overlayer_lowered:
.L_overlay_start_2:
0xc0: {  	(tag) =	ssettag $0x2  }
0xc1: {  	s0 =	rddreg [dreg:$0x0];
	s2 =	stileid.u32  }
0xc2: {  	s1 =	rddreg [dreg:$0x1];
	p0 =	sne.s32 s2, $0x0  }
0xc3: {  	s3 =	rddreg [dreg:$0x2];
	[bflag:$0x3] =	sbarrier.arrive $0xFFFF;
	s2 =	simm.s32 @!p0 $0x1C07  }
0xc4: {  	[timem:s3], [sflag:s2] =	dma.local @!p0 [hbm:s0], s1  }
0xc5: {  	s0 =	simm.s32 @!p0 $0x7  }
0xc6: {  	_ =	swait.ge @!p0 [sflag:s0], s1  }
0xc7: {  	s1 =	ssub.s32 @!p0 $0x0, s1;
	[sflag:s0] =	ssyncset.done @!p0 $0x0  }
0xc8: {  	[sflag:s0] =	ssyncadd.s32 @!p0 s1  }
0xc9: {  	[bflag:$0x3] =	sbarrier.arrive $0xFFFF  }
0xca: {  	_ =	shalt  }

// kernel: kernel.23.cloned.1.call-start
scs
__scs_entry_jumppad:
0x0: {  	(pc) =	sbr.rel $0x88, $3  }
0x1: {  	(tag) =	ssettag $0x0;
	lr =	simm.s32 $0x1  }
0x2: {  	[smem:$0x3F97] =	sst lr;
	_ =	strace $0xD0000000  }
0x3: {  	_ = 	snop  }
0x4: {  	_ = 	snop  }
0x5: {  	_ = 	snop  }
0x6: {  	_ = 	snop  }
0x7: {  	_ = 	snop  }
__scs_overlays_trampoline_lowered:
0x8: {  	[smem:$0x3FA6] =	sst s0  }
0x9: {  	[smem:$0x3FA7] =	sst s1  }
0xa: {  	[smem:$0x3FA8] =	sst s2  }
0xb: {  	[smem:$0x3FA9] =	sst s3  }
0xc: {  	[smem:$0x3FAA] =	sst s4  }
0xd: {  	[smem:$0x3FAB] =	sst s5  }
0xe: {  	[smem:$0x3FAC] =	sst s6  }
0xf: {  	[smem:$0x3FAD] =	sst s7  }
0x10: {  	[smem:$0x3FAE] =	sst s8  }
0x11: {  	[smem:$0x3FAF] =	sst s9;
	s0 =	simm.s32 @!p0 $0x0  }
0x12: {  	s1 =	sld [smem:$0x3F95];
	s0 =	simm.s32 @p0 $0x1  }
0x13: {  	[smem:$0x3FB0] =	sst s0;
	s0 =	simm.s32 @!p1 $0x0  }
0x14: {  	s2 =	sld [smem:$0x3F94];
	s0 =	simm.s32 @p1 $0x1  }
0x15: {  	[smem:$0x3FB1] =	sst s0;
	s0 =	simm.s32 @!p2 $0x0  }
0x16: {  	s3 =	sld [smem:$0x3FDB];
	s0 =	simm.s32 @p2 $0x1  }
0x17: {  	s4 =	simm.s32 $0x1BF5;
	[smem:$0x3FB3] =	sst s0  }
0x18: {  	s0 =	sld [smem:$0x3F96];
	_ =	swait.ge [sflag:s4], $0x0  }
0x19: {  	s7 =	sld [smem:$0x3F97]  }
0x1a: {  	s8 =	sadd.s32 $0xFFFFE003, lr  }
0x1b: {  	s9 =	sadd.s32 $0xFFFFFEF7, lr;
	s5 =	simm.s32 $0xFFFFFFFF;
	p2 =	slt.u32 s8, $0xFFFFF086  }
0x1c: {  	p1 =	slt.u32 s9, $0xF7A;
	s5 =	simm.s32 @!p2 $0x0  }
0x1d: {  	s5 =	simm.s32 @p1 $0x1;
	p0 =	seq.s32 s7, s2  }
0x1e: {  	s7 =	smul.u32 @!p0 $0xF7A, s2;
	p2 =	seq.s32 @!p0 s5, $0x0  }
0x1f: {  	s9 =	smul.u32 $0xF7A, s1;
	s8 =	simm.s32 @!p0 $0x1BF5;
	p2 =	por !p2, p0  }
0x20: {  	[sflag:s8] =	ssyncset.s32 @!p0 $0xFFFFF086;
	s6 =	sadd.s32 @!p0 s3, s7;
	s7 =	simm.s32 @!p0 $0x108  }
0x21: {  	s3 =	sadd.s32 s3, s9;
	s6 =	sadd.s32 @!p0 $0x88, s6;
	s7 =	simm.s32 @p2 $0x1082  }
0x22: {  	[simem:s7], [sflag:s8] =	dma.local @!p0 [hbm:s6], $0xF7A  }
0x23: {  	s9 =	sor.u32 $0xD0000000, s2;
	s6 =	simm.s32 $0x108;
	_ =	swait.ge @!p0 [sflag:s8], $0x0  }
0x24: {  	s3 =	sadd.s32 $0x88, s3;
	s6 =	simm.s32 @!p1 $0x1082;
	[sflag:s4] =	ssyncset.s32 $0xFFFFF086  }
0x25: {  	[simem:s6], [sflag:s4] =	dma.local [hbm:s3], $0xF7A  }
0x26: {  	[smem:$0x3F97] =	sst s1;
	(tag) =	ssettag s2;
	_ =	strace s9  }
0x27: {  	s1 =	sld [smem:$0x3FA7]  }
0x28: {  	s2 =	sld [smem:$0x3FA8]  }
0x29: {  	s4 =	sld [smem:$0x3FAA]  }
0x2a: {  	p0 =	seq.s32 s5, $0x0;
	s5 =	sld [smem:$0x3FAB]  }
0x2b: {  	s6 =	sld [smem:$0x3FAC]  }
0x2c: {  	s7 =	sld [smem:$0x3FAD]  }
0x2d: {  	s3 =	simm.s32 $0x108;
	s8 =	sld [smem:$0x3FAE]  }
0x2e: {  	s3 =	simm.s32 @!p0 $0x1082;
	s9 =	sld [smem:$0x3FAF]  }
0x2f: {  	lr =	sadd.s32 s0, s3;
	s0 =	sld [smem:$0x3FA6]  }
0x30: {  	s3 =	sld [smem:$0x3FA9]  }
0x31: {  	[smem:$0x3FB2] =	sst s10  }
0x32: {  	s10 =	sld [smem:$0x3FB0];
	_ =	sdelay $0x3  }
0x33: {  	p0 =	seq.s32 s10, $0x1;
	s10 =	sld [smem:$0x3FB2];
	_ =	sdelay $0x3  }
0x34: {  	[smem:$0x3FB2] =	sst s10  }
0x35: {  	s10 =	sld [smem:$0x3FB1];
	_ =	sdelay $0x3  }
0x36: {  	p1 =	seq.s32 s10, $0x1;
	s10 =	sld [smem:$0x3FB2];
	_ =	sdelay $0x3  }
0x37: {  	[smem:$0x3FB2] =	sst s10  }
0x38: {  	s10 =	sld [smem:$0x3FB3]  }
0x39: {  	_ = 	snop;
	(pc) =	sbr.ind lr, $3  }
0x3a: {  	_ = 	snop  }
0x3b: {  	_ = 	snop  }
0x3c: {  	p2 =	seq.s32 s10, $0x1;
	s10 =	sld [smem:$0x3FB2]  }
0x3d: {  	_ =	shalt  }
0x3e: {  	_ =	shalt  }
0x3f: {  	_ =	shalt  }
0x40: {  	_ =	shalt  }
0x41: {  	_ =	shalt  }
0x42: {  	_ =	shalt  }
0x43: {  	_ =	shalt  }
0x44: {  	_ =	shalt  }
0x45: {  	_ =	shalt  }
0x46: {  	_ =	shalt  }
0x47: {  	_ =	shalt  }
0x48: {  	_ =	shalt  }
0x49: {  	_ =	shalt  }
0x4a: {  	_ =	shalt  }
0x4b: {  	_ =	shalt  }
0x4c: {  	_ =	shalt  }
0x4d: {  	_ =	shalt  }
0x4e: {  	_ =	shalt  }
0x4f: {  	_ =	shalt  }
0x50: {  	_ =	shalt  }
0x51: {  	_ =	shalt  }
0x52: {  	_ =	shalt  }
0x53: {  	_ =	shalt  }
0x54: {  	_ =	shalt  }
0x55: {  	_ =	shalt  }
0x56: {  	_ =	shalt  }
0x57: {  	_ =	shalt  }
0x58: {  	_ =	shalt  }
0x59: {  	_ =	shalt  }
0x5a: {  	_ =	shalt  }
0x5b: {  	_ =	shalt  }
0x5c: {  	_ =	shalt  }
0x5d: {  	_ =	shalt  }
0x5e: {  	_ =	shalt  }
0x5f: {  	_ =	shalt  }
0x60: {  	_ =	shalt  }
0x61: {  	_ =	shalt  }
0x62: {  	_ =	shalt  }
0x63: {  	_ =	shalt  }
0x64: {  	_ =	shalt  }
0x65: {  	_ =	shalt  }
0x66: {  	_ =	shalt  }
0x67: {  	_ =	shalt  }
0x68: {  	_ =	shalt  }
0x69: {  	_ =	shalt  }
0x6a: {  	_ =	shalt  }
0x6b: {  	_ =	shalt  }
0x6c: {  	_ =	shalt  }
0x6d: {  	_ =	shalt  }
0x6e: {  	_ =	shalt  }
0x6f: {  	_ =	shalt  }
0x70: {  	_ =	shalt  }
0x71: {  	_ =	shalt  }
0x72: {  	_ =	shalt  }
0x73: {  	_ =	shalt  }
0x74: {  	_ =	shalt  }
0x75: {  	_ =	shalt  }
0x76: {  	_ =	shalt  }
0x77: {  	_ =	shalt  }
0x78: {  	_ =	shalt  }
0x79: {  	_ =	shalt  }
0x7a: {  	_ =	shalt  }
0x7b: {  	_ =	shalt  }
0x7c: {  	_ =	shalt  }
0x7d: {  	_ =	shalt  }
0x7e: {  	_ =	shalt  }
0x7f: {  	_ =	shalt  }
0x80: {  	_ =	shalt  }
0x81: {  	_ =	shalt  }
0x82: {  	_ =	shalt  }
0x83: {  	_ =	shalt  }
0x84: {  	_ =	shalt  }
0x85: {  	_ =	shalt  }
0x86: {  	_ =	shalt  }
0x87: {  	_ =	shalt  }
.Lfunc_end0:
.L_simem_size_0:
called_computation.3_lowered:
.L_overlay_start_0:
0x88: {  	s2 =	sld [smem:$0x3FD9]  }
0x89: {  	s3 =	sld [smem:$0x3FFE];
	_ =	sdelay $0x1  }
0x8a: {  	s1 =	srdreg.scid  }
0x8b: {  	s0 =	sand.u32 $0x1, s1  }
0x8c: {  	s17 =	sshll.u32 s0, $0xA;
	s2 =	sadd.s32 s3, s2  }
0x8d: {  	s2 =	sadd.s32 s2, s17  }
0x8e: {  	[smem:$0x3FBE] =	sst s2  }
0x8f: {  	_ = 	snop  }
0x90: {  	s2 =	sld [smem:$0x3FD0];
	(tm) =	ssettm $0x1  }
0x91: {  	s18 =	sld [smem:$0x3FFB];
	_ =	sdelay $0x3  }
0x92: {  	_ =	strace s18  }
0x93: {  	s3 =	sld [smem:$0x3FFC];
	_ =	sdelay $0x3  }
0x94: {  	_ =	strace s3  }
0x95: {  	s3 =	sld [smem:$0x3FFD];
	_ =	sdelay $0x3  }
0x96: {  	_ =	strace s3  }
0x97: {  	_ =	strace $0x8FFFFFFF  }
0x98: {  	s19 =	sld [smem:$0x3FDB];
	_ =	sdelay $0x1  }
0x99: {  	s4 =	simm.s32 $_scs_section_size  }
0x9a: {  	s5 =	simm.s32 $_size__tile_overlayer_lowered;
	s6 =	simm.s32 $_tile_overlayer_lowered  }
0x9b: {  	s22 =	simm.s32 $0x1BFF;
	s21 =	sshll.u32 s6, $0x1;
	s3 =	sadd.s32 s4, s19  }
0x9c: {  	s7 =	simm.s32 $0x0;
	s20 =	sshll.u32 s5, $0x1;
	s5 =	sadd.s32 s21, s3  }
0x9d: {  	[timem:s7], [sflag:s22] =	dma.local [hbm:s5], s20  }
0x9e: {  	_ =	swait.ge [sflag:s22], s20  }
0x9f: {  	s4 =	ssub.s32 $0x0, s20;
	[sflag:s22] =	ssyncset.done $0x0  }
0xa0: {  	[sflag:s22] =	ssyncadd.s32 s4;
	_ =	sdelay $0x1  }
0xa1: {  	s23 =	simm.s32 $0x1B8B  }
0xa2: {  	_ =	swait.ge [sflag:s23], $0x1  }
0xa3: {  	[sflag:s23] =	ssyncset.done $0x0  }
0xa4: {  	s25 =	simm.s32 $0x1B8E;
	s24 =	sld [smem:$0x3FFE];
	[sflag:s23] =	ssyncadd.s32 $0xFFFFFFFF  }
0xa5: {  	s26 =	simm.s32 $execute0_lowered;
	[smem:$0x3FD2] =	sst s25  }
0xa6: {  	s5 =	sshll.u32 s26, $0x1;
	_ =	strace $0x8000004F;
	[dreg:$0x1] =	wrdreg $0xFFFFFFFF  }
0xa7: {  	s28 =	simm.s32 $_size_execute0_lowered;
	s3 =	sadd.s32 s3, s5;
	[dreg:$0x0] =	wrdreg $0x0  }
0xa8: {  	s5 =	sshll.u32 s28, $0x1;
	[dreg:$0x2] =	wrdreg s3  }
0xa9: {  	[dreg:$0x3] =	wrdreg s5  }
0xaa: {  	[dreg:$0x4] =	wrdreg $0xC0  }
0xab: {  	_ =	task [dreg:s7], $0x5FFFF  }
0xac: {  	[dreg:$0x1] =	wrdreg $0xFFFFFFFF  }
0xad: {  	[dreg:$0x0] =	wrdreg $0x60  }
0xae: {  	[dreg:$0x2] =	wrdreg s24  }
0xaf: {  	[dreg:$0x3] =	wrdreg s2  }
0xb0: {  	[dreg:$0x4] =	wrdreg $0x0  }
0xb1: {  	[dreg:$0x5] =	wrdreg $0x9  }
0xb2: {  	_ =	task.clear_ibuf [dreg:s7], $0x6FFFF;
	_ =	strace $0x9000004F  }
0xb3: {  	s29 =	simm.s32 $0x9;
	_ =	strace $0x80000051  }
0xb4: {  	_ =	swait.ge [sflag:s29], $0x1  }
0xb5: {  	[sflag:s29] =	ssyncadd.s32 $0xFFFFFFFF  }
0xb6: {  	_ =	strace $0x90000051  }
0xb7: {  	_ =	sfence  }
0xb8: {  	s30 =	sld [smem:$0x0];
	_ =	sdelay $0x2  }
0xb9: {  	s31 =	sshll.u32 s1, $0xD;
	s1 =	sshrl.u32 s1, $0x2  }
0xba: {  	s3 =	sand.u32 $0x4000, s31;
	s1 =	sadd.s32 s1, s30  }
0xbb: {  	s0 =	sor.u32 s3, s0;
	s1 =	sshll.u32 s1, $0x11  }
0xbc: {  	s0 =	sor.u32 s1, s0  }
0xbd: {  	s0 =	sadd.s32 $0x8F2B, s0  }
0xbe: {  	[sflag:s0] =	ssyncadd.remote.s32 $0x1  }
0xbf: {  	_ =	sfence.sel $0xFFFF  }
0xc0: {  	[dreg:$0x0] =	wrdreg $0xFFFFFFFF;
	(pc) =	sbr.abs _section_cstart, $3  }
0xc1: {  	[dreg:$0x1] =	wrdreg $0xFFFFFFFF  }
0xc2: {  	_ =	task.clear_ibuf [dreg:s7], $0x2FFFF;
	_ =	strace $0x9FFFFFFF  }
0xc3: {  	(tm) =	ssettm $0x7FFFFFFF  }
tec
execute0_lowered:
.L_overlay_start_1:
0x0: {  	(tag) =	ssettag $0x1  }
0x1: {  	s1 =	rddreg [dreg:$0x0];
	s3 =	srdreg.scid  }
0x2: {  	s0 =	stileid.u32;
	s2 =	rddreg [dreg:$0x1]  }
0x3: {  	s28 =	simm.s32 $0x17880;
	s29 =	simm.s32 $0x1A600;
	s10 =	smul.u32 $0x13C00, s0  }
0x4: {  	s30 =	simm.s32 $0x17900;
	s31 =	simm.s32 $0x1D200;
	s11 =	smul.u32 $0x2780, s0  }
0x5: {  	s6 =	sand.u32 $0x1, s3;
	s4 =	sshll.u32 s0, $0x1;
	s20 =	smul.u32 $0x4F000, s0  }
0x6: {  	s3 =	rddreg [dreg:$0x2];
	s5 =	sadd.s32 $0x4000, s1;
	s21 =	smul.u32 $0x4E60, s0  }
0x7: {  	p0 =	sne.s32 s0, $0xF;
	p2 =	seq.s32 s0, $0xF;
	s9 =	smul.u32 $0x13C000, s6  }
0x8: {  	s14 =	sadd.s32 $0x25080, s2;
	s7 =	sor.u32 s6, s4;
	s22 =	smul.u32 $0x2730, s6  }
0x9: {  	s4 =	simm.s32 $0x0;
	s17 =	ssub.s32 $0x2, s6;
	s8 =	smul.u32 $0x780, s7  }
0xa: {  	p1 =	seq.s32 s6, $0x0;
	[smem:$0x7FF] =	sst s4;
	s7 =	smul.u32 $0x2730, s7  }
0xb: {  	s12 =	sadd.s32 s11, s1;
	s13 =	sshrl.u32 s17, $0x1;
	p0 =	por !p1, !p0  }
0xc: {  	p1 =	por !p1, !p2;
	s24 =	sadd.s32 s2, s11;
	s11 =	simm.s32 $0x0  }
0xd: {  	_ =	strace $0x80000050;
	s9 =	sadd.s32 s10, s9;
	s13 =	ssub.s32 s17, s13  }
0xe: {  	p0 =	por !p0, !p0;
	p1 =	por !p1, !p1;
	s12 =	sadd.s32 $0x1CE00, s12  }
0xf: {  	[dreg:$0x9] =	wrdreg s14;
	s14 =	sadd.s32 $0x138800, s3;
	s23 =	sadd.s32 s22, s21  }
0x10: {  	[dreg:$0xb] =	wrdreg s24;
	s21 =	simm.s32 $0x7;
	s22 =	simm.s32 $0x17800  }
0x11: {  	s8 =	sadd.s32 s8, s1;
	s9 =	sshrl.u32 s9, $0x3;
	s18 =	sshrl.u32 s7, $0x3  }
0x12: {  	s7 =	sadd.s32 $0x58, s7;
	[dreg:$0x8] =	wrdreg s12;
	s12 =	sadd.s32 $0x128400, s3  }
0x13: {  	s25 =	sadd.s32 $0x1B8, s23;
	s26 =	smax.u32 s13, $0x1;
	p2 =	por p1, p0  }
0x14: {  	s9 =	sadd.s32 s9, s1;
	s8 =	sadd.s32 $0xDE00, s8;
	s19 =	sadd.s32 s5, s18  }
0x15: {  	s7 =	sshrl.u32 s7, $0x3;
	s1 =	sadd.s32 $0x43F00, s1;
	[dreg:$0xd] =	wrdreg s26  }
0x16: {  	p2 =	seq.s32 @!p2 s6, $0x0;
	s26 =	simm.s32 $0x17A00;
	[dreg:$0x4] =	wrdreg s8  }
0x17: {  	s6 =	simm.s32 $0x2;
	s7 =	sadd.s32 s5, s7;
	[dreg:$0x5] =	wrdreg s19  }
0x18: {  	s8 =	sadd.s32 $0x16, s19;
	[dreg:$0xa] =	wrdreg s1;
	s9 =	sadd.s32 $0x44600, s9  }
0x19: {  	s19 =	sadd.s32 $0x108, s23;
	p2 =	por @!p0 p2, p1;
	[dreg:$0x6] =	wrdreg s7  }
0x1a: {  	p1 =	por !p1, p0;
	[dreg:$0x7] =	wrdreg s8;
	s7 =	sshrl.u32 s20, $0x2  }
0x1b: {  	s8 =	sadd.s32 $0x160, s23;
	[dreg:$0xc] =	wrdreg s9;
	s23 =	simm.s32 $0x58  }
0x1c: {  	p2 =	por p2, p0;
	s1 =	sshrl.u32 @!p1 s12, $0x3;
	s20 =	simm.s32 $0x4  }
0x1d: {  	s9 =	simm.s32 $0x3;
	s10 =	sadd.s32 s7, s3;
	s7 =	sshrl.u32 s25, $0x3  }
0x1e: {  	s8 =	sshrl.u32 s8, $0x3;
	[dreg:$0xe] =	wrdreg s1;
	s1 =	sshrl.u32 @!p1 s14, $0x3  }
0x1f: {  	s17 =	sadd.s32 s7, s5;
	s18 =	sadd.s32 s8, s5;
	[dreg:$0xf] =	wrdreg s1  }
0x20: {  	s1 =	simm.s32 $0x1;
	s8 =	simm.s32 $0x5;
	s7 =	simm.s32 $0x6  }
.LBB2_1:
0x21: {  	s12 =	rddreg [dreg:$0x4];
	s13 =	simm.s32 $0x13C00  }
0x22: {  	[tilespmem:s13], [sflag:$0x7] =	stream.linear.gather [hbm4b:s12+s4], $0x3900, $0x38;
	[tilespmem:$0x1FE00] =	vst v63  }
0x23: {  	_ =	swait.ge [sflag:s21], $0x3900  }
0x24: {  	[sflag:s21] =	ssyncset.done $0x0  }
0x25: {  	s24 =	rddreg [dreg:$0x5];
	[sflag:s21] =	ssyncadd.s32 $0xFFFFC700  }
0x26: {  	[tilespmem:s22], [sflag:$0x7] =	stream.linear.gather [hbm4b:s24+s4], $0x58, $0x38;
	[tilespmem:$0x1FE00] =	vst v63  }
0x27: {  	_ =	swait.ge [sflag:s21], $0x58  }
0x28: {  	[sflag:s21] =	ssyncset.done $0x0  }
0x29: {  	[sflag:s21] =	ssyncadd.s32 $0xFFFFFFA8  }
0x2a: {  	[tilespmem:s26], [sflag:$0x1] =	stream.indirect.gather [hbm4b:s2+s23], $0x80, s22, s23, $0xb8;
	[tilespmem:$0x1FE00] =	vst v63  }
0x2b: {  	s25 =	rddreg [dreg:$0x6]  }
0x2c: {  	[tilespmem:s28], [sflag:$0x7] =	stream.linear.gather [hbm4b:s25+s4], $0x58, $0x38;
	[tilespmem:$0x1FE00] =	vst v63  }
0x2d: {  	_ =	swait.ge [sflag:s21], $0x58  }
0x2e: {  	[sflag:s21] =	ssyncset.done $0x0  }
0x2f: {  	[sflag:s21] =	ssyncadd.s32 $0xFFFFFFA8  }
0x30: {  	[tilespmem:s29], [sflag:$0x2] =	stream.indirect.gather [hbm4b:s2+s23], $0x80, s28, s23, $0xb8;
	[tilespmem:$0x1FE00] =	vst v63  }
0x31: {  	s13 =	rddreg [dreg:$0x7]  }
0x32: {  	[tilespmem:s30], [sflag:$0x7] =	stream.linear.gather [hbm4b:s13+s4], $0x58, $0x38;
	[tilespmem:$0x1FE00] =	vst v63  }
0x33: {  	s12 =	sshll.u32 @!p2 s0, $0x6;
	_ =	swait.ge [sflag:s21], $0x58  }
0x34: {  	s12 =	sor.u32 @!p2 $0x1C07, s12;
	[sflag:s21] =	ssyncset.done $0x0  }
0x35: {  	s13 =	sshrl.u32 @!p2 s10, $0x3;
	s14 =	rddreg [dreg:$0x8];
	[sflag:s21] =	ssyncadd.s32 $0xFFFFFFA8  }
0x36: {  	[tilespmem:s31], [sflag:$0x3] =	stream.indirect.gather [hbm4b:s2+s23], $0x80, s30, s23, $0xb8;
	[tilespmem:$0x1FE00] =	vst v63  }
0x37: {  	[spmem:s13], [sflag:s12] =	dma.local @!p2 [hbm:s14], $0x2780  }
0x38: {  	s12 =	simm.s32 @!p2 $0x7  }
0x39: {  	_ =	swait.ge @!p2 [sflag:s12], $0x2780  }
0x3a: {  	[sflag:s12] =	ssyncset.done @!p2 $0x0;
	s13 =	rddreg [dreg:$0x9]  }
0x3b: {  	s14 =	rddreg [dreg:$0xe];
	[sflag:s12] =	ssyncadd.s32 @!p2 $0xFFFFD880;
	s12 =	simm.s32 @!p1 $0x1FC7  }
0x3c: {  	[spmem:s14], [sflag:s12] =	dma.local @!p1 [hbm:s13], $0x2080  }
0x3d: {  	s13 =	simm.s32 @!p1 $0x7  }
0x3e: {  	_ =	swait.ge @!p1 [sflag:s13], $0x2080  }
0x3f: {  	[sflag:s13] =	ssyncset.done @!p1 $0x0;
	s14 =	rddreg [dreg:$0xa]  }
0x40: {  	s15 =	rddreg [dreg:$0xf];
	[sflag:s13] =	ssyncadd.s32 @!p1 $0xFFFFDF80  }
0x41: {  	[spmem:s15], [sflag:s12] =	dma.local @!p1 [hbm:s14], $0x700  }
0x42: {  	s12 =	sshll.u32 @p0 s0, $0x6;
	_ =	swait.ge @!p1 [sflag:s13], $0x700  }
0x43: {  	s12 =	sor.u32 @p0 $0x1C07, s12;
	[sflag:s13] =	ssyncset.done @!p1 $0x0  }
0x44: {  	s14 =	rddreg [dreg:$0xb];
	[sflag:s13] =	ssyncadd.s32 @!p1 $0xFFFFF900;
	s13 =	sshrl.u32 @p0 s10, $0x3  }
0x45: {  	[spmem:s13], [sflag:s12] =	dma.local @p0 [hbm:s14], $0x2780  }
0x46: {  	s12 =	simm.s32 @p0 $0x7  }
0x47: {  	_ =	swait.ge @p0 [sflag:s12], $0x2780  }
0x48: {  	[sflag:s12] =	ssyncset.done @p0 $0x0  }
0x49: {  	[sflag:s12] =	ssyncadd.s32 @p0 $0xFFFFD880  }
0x4a: {  	[bflag:$0x0] =	sbarrier.arrive $0xFFFF  }
0x4b: {  	_ =	swait.ge [sflag:s1], $0x2C00  }
0x4c: {  	[sflag:s1] =	ssyncset.done $0x0  }
0x4d: {  	s15 =	sshrl.u32 s19, $0x3;
	s14 =	simm.s32 $0x13C00;
	[sflag:s1] =	ssyncadd.s32 $0xFFFFD400  }
0x4e: {  	[spmem:s3] =	stream.indirect.scatter.add.f32 [tilespmem:s26], [sflag:$0x4], $0x80, s14, s23, $0xb8;
	[tilespmem:$0x1FE00] =	vst v63  }
0x4f: {  	s16 =	sadd.s32 s5, s15  }
0x50: {  	[tilespmem:s22], [sflag:$0x7] =	stream.linear.gather [hbm4b:s16+s4], $0x58, $0x38;
	[tilespmem:$0x1FE00] =	vst v63  }
0x51: {  	_ =	swait.ge [sflag:s21], $0x58  }
0x52: {  	[sflag:s21] =	ssyncset.done $0x0  }
0x53: {  	[sflag:s21] =	ssyncadd.s32 $0xFFFFFFA8  }
0x54: {  	_ =	swait.ge [sflag:s20], $0x2C00  }
0x55: {  	[sflag:s20] =	ssyncset.done $0x0  }
0x56: {  	[sflag:s20] =	ssyncadd.s32 $0xFFFFD400  }
0x57: {  	[tilespmem:s26], [sflag:$0x1] =	stream.indirect.gather [hbm4b:s2+s23], $0x80, s22, s23, $0xb8;
	[tilespmem:$0x1FE00] =	vst v63  }
0x58: {  	_ =	swait.ge [sflag:s6], $0x2C00  }
0x59: {  	[sflag:s6] =	ssyncset.done $0x0  }
0x5a: {  	s24 =	simm.s32 $0x13C80;
	[sflag:s6] =	ssyncadd.s32 $0xFFFFD400  }
0x5b: {  	[spmem:s3] =	stream.indirect.scatter.add.f32 [tilespmem:s29], [sflag:$0x5], $0x80, s24, s23, $0xb8;
	[tilespmem:$0x1FE00] =	vst v63  }
0x5c: {  	_ = 	snop  }
0x5d: {  	[tilespmem:s28], [sflag:$0x7] =	stream.linear.gather [hbm4b:s18+s4], $0x58, $0x38;
	[tilespmem:$0x1FE00] =	vst v63  }
0x5e: {  	_ =	swait.ge [sflag:s21], $0x58  }
0x5f: {  	[sflag:s21] =	ssyncset.done $0x0  }
0x60: {  	[sflag:s21] =	ssyncadd.s32 $0xFFFFFFA8  }
0x61: {  	_ =	swait.ge [sflag:s8], $0x2C00  }
0x62: {  	[sflag:s8] =	ssyncset.done $0x0  }
0x63: {  	[sflag:s8] =	ssyncadd.s32 $0xFFFFD400  }
0x64: {  	[tilespmem:s29], [sflag:$0x2] =	stream.indirect.gather [hbm4b:s2+s23], $0x80, s28, s23, $0xb8;
	[tilespmem:$0x1FE00] =	vst v63  }
0x65: {  	_ =	swait.ge [sflag:s9], $0x2C00  }
0x66: {  	[sflag:s9] =	ssyncset.done $0x0  }
0x67: {  	s25 =	simm.s32 $0x13D00;
	[sflag:s9] =	ssyncadd.s32 $0xFFFFD400  }
0x68: {  	[spmem:s3] =	stream.indirect.scatter.add.f32 [tilespmem:s31], [sflag:$0x6], $0x80, s25, s23, $0xb8;
	[tilespmem:$0x1FE00] =	vst v63  }
0x69: {  	_ = 	snop  }
0x6a: {  	[tilespmem:s30], [sflag:$0x7] =	stream.linear.gather [hbm4b:s17+s4], $0x58, $0x38;
	[tilespmem:$0x1FE00] =	vst v63  }
0x6b: {  	_ =	swait.ge [sflag:s21], $0x58  }
0x6c: {  	[sflag:s21] =	ssyncset.done $0x0  }
0x6d: {  	[sflag:s21] =	ssyncadd.s32 $0xFFFFFFA8  }
0x6e: {  	_ =	swait.ge [sflag:s7], $0x2C00  }
0x6f: {  	s15 =	sadd.s32 $0x21, s18;
	s13 =	sadd.s32 $0x108, s19;
	[sflag:s7] =	ssyncset.done $0x0  }
0x70: {  	s12 =	simm.s32 $0x600;
	s14 =	sadd.s32 $0x21, s17;
	[sflag:s7] =	ssyncadd.s32 $0xFFFFD400  }
.LBB2_2:
0x71: {  	[tilespmem:s31], [sflag:$0x3] =	stream.indirect.gather [hbm4b:s2+s23], $0x80, s30, s23, $0xb8;
	[tilespmem:$0x1FE00] =	vst v63  }
0x72: {  	s16 =	smov.u32 s12  }
0x73: {  	p3 =	sne.s32 s12, $0xD800;
	s12 =	sadd.s32 $0x600, s12;
	_ =	swait.ge [sflag:s1], $0x2C00  }
0x74: {  	s16 =	sshra.s32 s16, $0x2;
	[sflag:s1] =	ssyncset.done $0x0  }
0x75: {  	s25 =	sshrl.u32 s13, $0x3;
	s24 =	sadd.s32 $0x13C00, s16;
	[sflag:s1] =	ssyncadd.s32 $0xFFFFD400  }
0x76: {  	[spmem:s3] =	stream.indirect.scatter.add.f32 [tilespmem:s26], [sflag:$0x4], $0x80, s24, s23, $0xb8;
	[tilespmem:$0x1FE00] =	vst v63  }
0x77: {  	s24 =	sadd.s32 s5, s25  }
0x78: {  	[tilespmem:s22], [sflag:$0x7] =	stream.linear.gather [hbm4b:s24+s4], $0x58, $0x38;
	[tilespmem:$0x1FE00] =	vst v63  }
0x79: {  	_ =	swait.ge [sflag:s21], $0x58  }
0x7a: {  	[sflag:s21] =	ssyncset.done $0x0  }
0x7b: {  	[sflag:s21] =	ssyncadd.s32 $0xFFFFFFA8  }
0x7c: {  	_ =	swait.ge [sflag:s20], $0x2C00  }
0x7d: {  	[sflag:s20] =	ssyncset.done $0x0  }
0x7e: {  	[sflag:s20] =	ssyncadd.s32 $0xFFFFD400  }
0x7f: {  	[tilespmem:s26], [sflag:$0x1] =	stream.indirect.gather [hbm4b:s2+s23], $0x80, s22, s23, $0xb8;
	[tilespmem:$0x1FE00] =	vst v63  }
0x80: {  	_ =	swait.ge [sflag:s6], $0x2C00  }
0x81: {  	[sflag:s6] =	ssyncset.done $0x0  }
0x82: {  	s24 =	sadd.s32 $0x13C80, s16;
	[sflag:s6] =	ssyncadd.s32 $0xFFFFD400  }
0x83: {  	[spmem:s3] =	stream.indirect.scatter.add.f32 [tilespmem:s29], [sflag:$0x5], $0x80, s24, s23, $0xb8;
	[tilespmem:$0x1FE00] =	vst v63  }
0x84: {  	_ = 	snop  }
0x85: {  	[tilespmem:s28], [sflag:$0x7] =	stream.linear.gather [hbm4b:s15+s4], $0x58, $0x38;
	[tilespmem:$0x1FE00] =	vst v63  }
0x86: {  	_ =	swait.ge [sflag:s21], $0x58  }
0x87: {  	[sflag:s21] =	ssyncset.done $0x0  }
0x88: {  	[sflag:s21] =	ssyncadd.s32 $0xFFFFFFA8  }
0x89: {  	_ =	swait.ge [sflag:s8], $0x2C00  }
0x8a: {  	[sflag:s8] =	ssyncset.done $0x0  }
0x8b: {  	[sflag:s8] =	ssyncadd.s32 $0xFFFFD400  }
0x8c: {  	[tilespmem:s29], [sflag:$0x2] =	stream.indirect.gather [hbm4b:s2+s23], $0x80, s28, s23, $0xb8;
	[tilespmem:$0x1FE00] =	vst v63  }
0x8d: {  	_ =	swait.ge [sflag:s9], $0x2C00  }
0x8e: {  	[sflag:s9] =	ssyncset.done $0x0  }
0x8f: {  	s16 =	sadd.s32 $0x13D00, s16;
	[sflag:s9] =	ssyncadd.s32 $0xFFFFD400  }
0x90: {  	[spmem:s3] =	stream.indirect.scatter.add.f32 [tilespmem:s31], [sflag:$0x6], $0x80, s16, s23, $0xb8;
	[tilespmem:$0x1FE00] =	vst v63  }
0x91: {  	_ = 	snop  }
0x92: {  	[tilespmem:s30], [sflag:$0x7] =	stream.linear.gather [hbm4b:s14+s4], $0x58, $0x38;
	[tilespmem:$0x1FE00] =	vst v63  }
0x93: {  	_ =	swait.ge [sflag:s21], $0x58  }
.Ltmp0:
0x94: {  	[sflag:s21] =	ssyncset.done $0x0;
	(pc) =	sbr.rel @p3 .LBB2_2-.Ltmp0, $4  }
0x95: {  	[sflag:s21] =	ssyncadd.s32 $0xFFFFFFA8  }
0x96: {  	_ =	swait.ge [sflag:s7], $0x2C00  }
0x97: {  	s13 =	sadd.s32 $0x108, s13;
	[sflag:s7] =	ssyncset.done $0x0  }
0x98: {  	s15 =	sadd.s32 $0x21, s15;
	s14 =	sadd.s32 $0x21, s14;
	[sflag:s7] =	ssyncadd.s32 $0xFFFFD400  }
0x99: {  	[tilespmem:s31], [sflag:$0x3] =	stream.indirect.gather [hbm4b:s2+s23], $0x80, s30, s23, $0xb8;
	[tilespmem:$0x1FE00] =	vst v63  }
0x9a: {  	_ =	swait.ge [sflag:s1], $0x2C00  }
0x9b: {  	[sflag:s1] =	ssyncset.done $0x0  }
0x9c: {  	s12 =	simm.s32 $0x17380;
	[sflag:s1] =	ssyncadd.s32 $0xFFFFD400  }
0x9d: {  	[spmem:s3] =	stream.indirect.scatter.add.f32 [tilespmem:s26], [sflag:$0x4], $0x80, s12, s23, $0xb8;
	[tilespmem:$0x1FE00] =	vst v63  }
0x9e: {  	_ =	swait.ge [sflag:s6], $0x2C00  }
0x9f: {  	[sflag:s6] =	ssyncset.done $0x0  }
0xa0: {  	s15 =	simm.s32 $0x17400;
	[sflag:s6] =	ssyncadd.s32 $0xFFFFD400  }
0xa1: {  	[spmem:s3] =	stream.indirect.scatter.add.f32 [tilespmem:s29], [sflag:$0x5], $0x80, s15, s23, $0xb8;
	[tilespmem:$0x1FE00] =	vst v63  }
0xa2: {  	_ =	swait.ge [sflag:s9], $0x2C00  }
0xa3: {  	[sflag:s9] =	ssyncset.done $0x0  }
0xa4: {  	s16 =	simm.s32 $0x17480;
	[sflag:s9] =	ssyncadd.s32 $0xFFFFD400  }
0xa5: {  	[spmem:s3] =	stream.indirect.scatter.add.f32 [tilespmem:s31], [sflag:$0x6], $0x80, s16, s23, $0xb8;
	[tilespmem:$0x1FE00] =	vst v63  }
0xa6: {  	_ =	swait.ge [sflag:s20], $0x2C00  }
0xa7: {  	[sflag:s20] =	ssyncset.done $0x0  }
0xa8: {  	[sflag:s20] =	ssyncadd.s32 $0xFFFFD400  }
0xa9: {  	_ =	swait.ge [sflag:s8], $0x2C00  }
0xaa: {  	[sflag:s8] =	ssyncset.done $0x0  }
0xab: {  	[sflag:s8] =	ssyncadd.s32 $0xFFFFD400  }
0xac: {  	_ =	swait.ge [sflag:s7], $0x2C00  }
0xad: {  	[sflag:s7] =	ssyncset.done $0x0  }
0xae: {  	[sflag:s7] =	ssyncadd.s32 $0xFFFFD400  }
0xaf: {  	s24 =	sshll.u32 s0, $0x6;
	[bflag:$0x0] =	sbarrier.arrive $0xFFFF  }
0xb0: {  	s13 =	sshrl.u32 s10, $0x3;
	s12 =	sor.u32 $0x1C07, s24;
	s14 =	rddreg [dreg:$0xc]  }
0xb1: {  	[hbm:s14], [sflag:s12] =	dma.local [spmem:s13], $0x2780  }
0xb2: {  	_ =	swait.ge [sflag:s21], $0x2780  }
0xb3: {  	s11 =	sadd.s32 $0x1, s11;
	s25 =	rddreg [dreg:$0xd]  }
0xb4: {  	p3 =	sne.s32 s11, s25  }
.Ltmp1:
0xb5: {  	_ = 	snop;
	(pc) =	sbr.rel @p3 .LBB2_1-.Ltmp1, $3  }
0xb6: {  	_ =	sdelay $0x1  }
0xb7: {  	[sflag:s21] =	ssyncset.done $0x0  }
0xb8: {  	[sflag:s21] =	ssyncadd.s32 $0xFFFFD880  }
0xb9: {  	_ =	sfence.sel $0x180000  }
0xba: {  	[bflag:$0x0] =	sbarrier.arrive $0xFFFF  }
0xbb: {  	_ =	strace $0x90000050  }
0xbc: {  	[bflag:$0x2] =	sbarrier.arrive $0xFFFF  }
0xbd: {  	p0 =	sne.s32 s0, $0x0;
	s0 =	rddreg [dreg:$0x3]  }
0xbe: {  	s0 =	sadd.s32 @!p0 $0x100000, s0  }
0xbf: {  	[sflag:s0] =	ssyncadd.tile.s32 @!p0 $0x1;
	_ =	shalt  }
.Lfunc_end2:
_tile_overlayer_lowered:
.L_overlay_start_2:
0xc0: {  	(tag) =	ssettag $0x2  }
0xc1: {  	s0 =	rddreg [dreg:$0x0];
	s2 =	stileid.u32  }
0xc2: {  	s1 =	rddreg [dreg:$0x1];
	p0 =	sne.s32 s2, $0x0  }
0xc3: {  	s3 =	rddreg [dreg:$0x2];
	[bflag:$0x3] =	sbarrier.arrive $0xFFFF;
	s2 =	simm.s32 @!p0 $0x1C07  }
0xc4: {  	[timem:s3], [sflag:s2] =	dma.local @!p0 [hbm:s0], s1  }
0xc5: {  	s0 =	simm.s32 @!p0 $0x7  }
0xc6: {  	_ =	swait.ge @!p0 [sflag:s0], s1  }
0xc7: {  	s1 =	ssub.s32 @!p0 $0x0, s1;
	[sflag:s0] =	ssyncset.done @!p0 $0x0  }
0xc8: {  	[sflag:s0] =	ssyncadd.s32 @!p0 s1  }
0xc9: {  	[bflag:$0x3] =	sbarrier.arrive $0xFFFF  }
0xca: {  	_ =	shalt  }

// kernel: kernel.26.cloned.1.call-start
scs
__scs_entry_jumppad:
0x0: {  	(pc) =	sbr.rel $0x88, $3  }
0x1: {  	(tag) =	ssettag $0x0;
	lr =	simm.s32 $0x1  }
0x2: {  	[smem:$0x3F97] =	sst lr;
	_ =	strace $0xD0000000  }
0x3: {  	_ = 	snop  }
0x4: {  	_ = 	snop  }
0x5: {  	_ = 	snop  }
0x6: {  	_ = 	snop  }
0x7: {  	_ = 	snop  }
__scs_overlays_trampoline_lowered:
0x8: {  	[smem:$0x3FA6] =	sst s0  }
0x9: {  	[smem:$0x3FA7] =	sst s1  }
0xa: {  	[smem:$0x3FA8] =	sst s2  }
0xb: {  	[smem:$0x3FA9] =	sst s3  }
0xc: {  	[smem:$0x3FAA] =	sst s4  }
0xd: {  	[smem:$0x3FAB] =	sst s5  }
0xe: {  	[smem:$0x3FAC] =	sst s6  }
0xf: {  	[smem:$0x3FAD] =	sst s7  }
0x10: {  	[smem:$0x3FAE] =	sst s8  }
0x11: {  	[smem:$0x3FAF] =	sst s9;
	s0 =	simm.s32 @!p0 $0x0  }
0x12: {  	s1 =	sld [smem:$0x3F95];
	s0 =	simm.s32 @p0 $0x1  }
0x13: {  	[smem:$0x3FB0] =	sst s0;
	s0 =	simm.s32 @!p1 $0x0  }
0x14: {  	s2 =	sld [smem:$0x3F94];
	s0 =	simm.s32 @p1 $0x1  }
0x15: {  	[smem:$0x3FB1] =	sst s0;
	s0 =	simm.s32 @!p2 $0x0  }
0x16: {  	s3 =	sld [smem:$0x3FDB];
	s0 =	simm.s32 @p2 $0x1  }
0x17: {  	s4 =	simm.s32 $0x1BF5;
	[smem:$0x3FB3] =	sst s0  }
0x18: {  	s0 =	sld [smem:$0x3F96];
	_ =	swait.ge [sflag:s4], $0x0  }
0x19: {  	s7 =	sld [smem:$0x3F97]  }
0x1a: {  	s8 =	sadd.s32 $0xFFFFE003, lr  }
0x1b: {  	s9 =	sadd.s32 $0xFFFFFEF7, lr;
	s5 =	simm.s32 $0xFFFFFFFF;
	p2 =	slt.u32 s8, $0xFFFFF086  }
0x1c: {  	p1 =	slt.u32 s9, $0xF7A;
	s5 =	simm.s32 @!p2 $0x0  }
0x1d: {  	s5 =	simm.s32 @p1 $0x1;
	p0 =	seq.s32 s7, s2  }
0x1e: {  	s7 =	smul.u32 @!p0 $0xF7A, s2;
	p2 =	seq.s32 @!p0 s5, $0x0  }
0x1f: {  	s9 =	smul.u32 $0xF7A, s1;
	s8 =	simm.s32 @!p0 $0x1BF5;
	p2 =	por !p2, p0  }
0x20: {  	[sflag:s8] =	ssyncset.s32 @!p0 $0xFFFFF086;
	s6 =	sadd.s32 @!p0 s3, s7;
	s7 =	simm.s32 @!p0 $0x108  }
0x21: {  	s3 =	sadd.s32 s3, s9;
	s6 =	sadd.s32 @!p0 $0x88, s6;
	s7 =	simm.s32 @p2 $0x1082  }
0x22: {  	[simem:s7], [sflag:s8] =	dma.local @!p0 [hbm:s6], $0xF7A  }
0x23: {  	s9 =	sor.u32 $0xD0000000, s2;
	s6 =	simm.s32 $0x108;
	_ =	swait.ge @!p0 [sflag:s8], $0x0  }
0x24: {  	s3 =	sadd.s32 $0x88, s3;
	s6 =	simm.s32 @!p1 $0x1082;
	[sflag:s4] =	ssyncset.s32 $0xFFFFF086  }
0x25: {  	[simem:s6], [sflag:s4] =	dma.local [hbm:s3], $0xF7A  }
0x26: {  	[smem:$0x3F97] =	sst s1;
	(tag) =	ssettag s2;
	_ =	strace s9  }
0x27: {  	s1 =	sld [smem:$0x3FA7]  }
0x28: {  	s2 =	sld [smem:$0x3FA8]  }
0x29: {  	s4 =	sld [smem:$0x3FAA]  }
0x2a: {  	p0 =	seq.s32 s5, $0x0;
	s5 =	sld [smem:$0x3FAB]  }
0x2b: {  	s6 =	sld [smem:$0x3FAC]  }
0x2c: {  	s7 =	sld [smem:$0x3FAD]  }
0x2d: {  	s3 =	simm.s32 $0x108;
	s8 =	sld [smem:$0x3FAE]  }
0x2e: {  	s3 =	simm.s32 @!p0 $0x1082;
	s9 =	sld [smem:$0x3FAF]  }
0x2f: {  	lr =	sadd.s32 s0, s3;
	s0 =	sld [smem:$0x3FA6]  }
0x30: {  	s3 =	sld [smem:$0x3FA9]  }
0x31: {  	[smem:$0x3FB2] =	sst s10  }
0x32: {  	s10 =	sld [smem:$0x3FB0];
	_ =	sdelay $0x3  }
0x33: {  	p0 =	seq.s32 s10, $0x1;
	s10 =	sld [smem:$0x3FB2];
	_ =	sdelay $0x3  }
0x34: {  	[smem:$0x3FB2] =	sst s10  }
0x35: {  	s10 =	sld [smem:$0x3FB1];
	_ =	sdelay $0x3  }
0x36: {  	p1 =	seq.s32 s10, $0x1;
	s10 =	sld [smem:$0x3FB2];
	_ =	sdelay $0x3  }
0x37: {  	[smem:$0x3FB2] =	sst s10  }
0x38: {  	s10 =	sld [smem:$0x3FB3]  }
0x39: {  	_ = 	snop;
	(pc) =	sbr.ind lr, $3  }
0x3a: {  	_ = 	snop  }
0x3b: {  	_ = 	snop  }
0x3c: {  	p2 =	seq.s32 s10, $0x1;
	s10 =	sld [smem:$0x3FB2]  }
0x3d: {  	_ =	shalt  }
0x3e: {  	_ =	shalt  }
0x3f: {  	_ =	shalt  }
0x40: {  	_ =	shalt  }
0x41: {  	_ =	shalt  }
0x42: {  	_ =	shalt  }
0x43: {  	_ =	shalt  }
0x44: {  	_ =	shalt  }
0x45: {  	_ =	shalt  }
0x46: {  	_ =	shalt  }
0x47: {  	_ =	shalt  }
0x48: {  	_ =	shalt  }
0x49: {  	_ =	shalt  }
0x4a: {  	_ =	shalt  }
0x4b: {  	_ =	shalt  }
0x4c: {  	_ =	shalt  }
0x4d: {  	_ =	shalt  }
0x4e: {  	_ =	shalt  }
0x4f: {  	_ =	shalt  }
0x50: {  	_ =	shalt  }
0x51: {  	_ =	shalt  }
0x52: {  	_ =	shalt  }
0x53: {  	_ =	shalt  }
0x54: {  	_ =	shalt  }
0x55: {  	_ =	shalt  }
0x56: {  	_ =	shalt  }
0x57: {  	_ =	shalt  }
0x58: {  	_ =	shalt  }
0x59: {  	_ =	shalt  }
0x5a: {  	_ =	shalt  }
0x5b: {  	_ =	shalt  }
0x5c: {  	_ =	shalt  }
0x5d: {  	_ =	shalt  }
0x5e: {  	_ =	shalt  }
0x5f: {  	_ =	shalt  }
0x60: {  	_ =	shalt  }
0x61: {  	_ =	shalt  }
0x62: {  	_ =	shalt  }
0x63: {  	_ =	shalt  }
0x64: {  	_ =	shalt  }
0x65: {  	_ =	shalt  }
0x66: {  	_ =	shalt  }
0x67: {  	_ =	shalt  }
0x68: {  	_ =	shalt  }
0x69: {  	_ =	shalt  }
0x6a: {  	_ =	shalt  }
0x6b: {  	_ =	shalt  }
0x6c: {  	_ =	shalt  }
0x6d: {  	_ =	shalt  }
0x6e: {  	_ =	shalt  }
0x6f: {  	_ =	shalt  }
0x70: {  	_ =	shalt  }
0x71: {  	_ =	shalt  }
0x72: {  	_ =	shalt  }
0x73: {  	_ =	shalt  }
0x74: {  	_ =	shalt  }
0x75: {  	_ =	shalt  }
0x76: {  	_ =	shalt  }
0x77: {  	_ =	shalt  }
0x78: {  	_ =	shalt  }
0x79: {  	_ =	shalt  }
0x7a: {  	_ =	shalt  }
0x7b: {  	_ =	shalt  }
0x7c: {  	_ =	shalt  }
0x7d: {  	_ =	shalt  }
0x7e: {  	_ =	shalt  }
0x7f: {  	_ =	shalt  }
0x80: {  	_ =	shalt  }
0x81: {  	_ =	shalt  }
0x82: {  	_ =	shalt  }
0x83: {  	_ =	shalt  }
0x84: {  	_ =	shalt  }
0x85: {  	_ =	shalt  }
0x86: {  	_ =	shalt  }
0x87: {  	_ =	shalt  }
.Lfunc_end0:
.L_simem_size_0:
called_computation.4_lowered:
.L_overlay_start_0:
0x88: {  	s2 =	sld [smem:$0x3FD9]  }
0x89: {  	s3 =	sld [smem:$0x3FFE];
	_ =	sdelay $0x1  }
0x8a: {  	s1 =	srdreg.scid  }
0x8b: {  	s0 =	sand.u32 $0x1, s1  }
0x8c: {  	s17 =	sshll.u32 s0, $0xA;
	s2 =	sadd.s32 s3, s2  }
0x8d: {  	s2 =	sadd.s32 s2, s17  }
0x8e: {  	[smem:$0x3FBE] =	sst s2  }
0x8f: {  	_ = 	snop  }
0x90: {  	s2 =	sld [smem:$0x3FD0];
	(tm) =	ssettm $0x1  }
0x91: {  	s18 =	sld [smem:$0x3FFB];
	_ =	sdelay $0x3  }
0x92: {  	_ =	strace s18  }
0x93: {  	s3 =	sld [smem:$0x3FFC];
	_ =	sdelay $0x3  }
0x94: {  	_ =	strace s3  }
0x95: {  	s3 =	sld [smem:$0x3FFD];
	_ =	sdelay $0x3  }
0x96: {  	_ =	strace s3  }
0x97: {  	_ =	strace $0x8FFFFFFF  }
0x98: {  	s19 =	sld [smem:$0x3FDB];
	_ =	sdelay $0x1  }
0x99: {  	s4 =	simm.s32 $_scs_section_size  }
0x9a: {  	s5 =	simm.s32 $_size__tile_overlayer_lowered;
	s6 =	simm.s32 $_tile_overlayer_lowered  }
0x9b: {  	s22 =	simm.s32 $0x1BFF;
	s21 =	sshll.u32 s6, $0x1;
	s3 =	sadd.s32 s4, s19  }
0x9c: {  	s7 =	simm.s32 $0x0;
	s20 =	sshll.u32 s5, $0x1;
	s5 =	sadd.s32 s21, s3  }
0x9d: {  	[timem:s7], [sflag:s22] =	dma.local [hbm:s5], s20  }
0x9e: {  	_ =	swait.ge [sflag:s22], s20  }
0x9f: {  	s4 =	ssub.s32 $0x0, s20;
	[sflag:s22] =	ssyncset.done $0x0  }
0xa0: {  	[sflag:s22] =	ssyncadd.s32 s4;
	_ =	sdelay $0x1  }
0xa1: {  	s23 =	simm.s32 $0x1B8B  }
0xa2: {  	_ =	swait.ge [sflag:s23], $0x1  }
0xa3: {  	[sflag:s23] =	ssyncset.done $0x0  }
0xa4: {  	s25 =	simm.s32 $0x1B8E;
	s24 =	sld [smem:$0x3FFE];
	[sflag:s23] =	ssyncadd.s32 $0xFFFFFFFF  }
0xa5: {  	s26 =	simm.s32 $execute0_lowered;
	[smem:$0x3FD2] =	sst s25  }
0xa6: {  	s5 =	sshll.u32 s26, $0x1;
	_ =	strace $0x80000052;
	[dreg:$0x1] =	wrdreg $0xFFFFFFFF  }
0xa7: {  	s28 =	simm.s32 $_size_execute0_lowered;
	s3 =	sadd.s32 s3, s5;
	[dreg:$0x0] =	wrdreg $0x0  }
0xa8: {  	s5 =	sshll.u32 s28, $0x1;
	[dreg:$0x2] =	wrdreg s3  }
0xa9: {  	[dreg:$0x3] =	wrdreg s5  }
0xaa: {  	[dreg:$0x4] =	wrdreg $0xC0  }
0xab: {  	_ =	task [dreg:s7], $0x5FFFF  }
0xac: {  	[dreg:$0x1] =	wrdreg $0xFFFFFFFF  }
0xad: {  	[dreg:$0x0] =	wrdreg $0x60  }
0xae: {  	[dreg:$0x2] =	wrdreg s24  }
0xaf: {  	[dreg:$0x3] =	wrdreg s2  }
0xb0: {  	[dreg:$0x4] =	wrdreg $0x0  }
0xb1: {  	[dreg:$0x5] =	wrdreg $0x9  }
0xb2: {  	_ =	task.clear_ibuf [dreg:s7], $0x6FFFF;
	_ =	strace $0x90000052  }
0xb3: {  	s29 =	simm.s32 $0x9;
	_ =	strace $0x80000054  }
0xb4: {  	_ =	swait.ge [sflag:s29], $0x1  }
0xb5: {  	[sflag:s29] =	ssyncadd.s32 $0xFFFFFFFF  }
0xb6: {  	_ =	strace $0x90000054  }
0xb7: {  	_ =	sfence  }
0xb8: {  	s30 =	sld [smem:$0x0];
	_ =	sdelay $0x2  }
0xb9: {  	s31 =	sshll.u32 s1, $0xD;
	s1 =	sshrl.u32 s1, $0x2  }
0xba: {  	s3 =	sand.u32 $0x4000, s31;
	s1 =	sadd.s32 s1, s30  }
0xbb: {  	s0 =	sor.u32 s3, s0;
	s1 =	sshll.u32 s1, $0x11  }
0xbc: {  	s0 =	sor.u32 s1, s0  }
0xbd: {  	s0 =	sadd.s32 $0x8F2B, s0  }
0xbe: {  	[sflag:s0] =	ssyncadd.remote.s32 $0x1  }
0xbf: {  	_ =	sfence.sel $0xFFFF  }
0xc0: {  	[dreg:$0x0] =	wrdreg $0xFFFFFFFF;
	(pc) =	sbr.abs _section_cstart, $3  }
0xc1: {  	[dreg:$0x1] =	wrdreg $0xFFFFFFFF  }
0xc2: {  	_ =	task.clear_ibuf [dreg:s7], $0x2FFFF;
	_ =	strace $0x9FFFFFFF  }
0xc3: {  	(tm) =	ssettm $0x7FFFFFFF  }
tec
execute0_lowered:
.L_overlay_start_1:
0x0: {  	(tag) =	ssettag $0x1  }
0x1: {  	s1 =	rddreg [dreg:$0x0];
	s3 =	srdreg.scid  }
0x2: {  	s0 =	stileid.u32;
	s2 =	rddreg [dreg:$0x1]  }
0x3: {  	s28 =	simm.s32 $0x17880;
	s29 =	simm.s32 $0x1A600;
	s10 =	smul.u32 $0x13C00, s0  }
0x4: {  	s30 =	simm.s32 $0x17900;
	s31 =	simm.s32 $0x1D200;
	s11 =	smul.u32 $0x2780, s0  }
0x5: {  	s6 =	sand.u32 $0x1, s3;
	s4 =	sshll.u32 s0, $0x1;
	s20 =	smul.u32 $0x4F000, s0  }
0x6: {  	s3 =	rddreg [dreg:$0x2];
	s5 =	sadd.s32 $0x4000, s1;
	s21 =	smul.u32 $0x4E60, s0  }
0x7: {  	p0 =	sne.s32 s0, $0xF;
	p2 =	seq.s32 s0, $0xF;
	s9 =	smul.u32 $0x13C000, s6  }
0x8: {  	s14 =	sadd.s32 $0x25080, s2;
	s7 =	sor.u32 s6, s4;
	s22 =	smul.u32 $0x2730, s6  }
0x9: {  	s4 =	simm.s32 $0x0;
	s17 =	ssub.s32 $0x2, s6;
	s8 =	smul.u32 $0x780, s7  }
0xa: {  	p1 =	seq.s32 s6, $0x0;
	[smem:$0x7FF] =	sst s4;
	s7 =	smul.u32 $0x2730, s7  }
0xb: {  	s12 =	sadd.s32 s11, s1;
	s13 =	sshrl.u32 s17, $0x1;
	p0 =	por !p1, !p0  }
0xc: {  	p1 =	por !p1, !p2;
	s24 =	sadd.s32 s2, s11;
	s11 =	simm.s32 $0x0  }
0xd: {  	_ =	strace $0x80000053;
	s9 =	sadd.s32 s10, s9;
	s13 =	ssub.s32 s17, s13  }
0xe: {  	p0 =	por !p0, !p0;
	p1 =	por !p1, !p1;
	s12 =	sadd.s32 $0x1CE00, s12  }
0xf: {  	[dreg:$0x9] =	wrdreg s14;
	s14 =	sadd.s32 $0x138800, s3;
	s23 =	sadd.s32 s22, s21  }
0x10: {  	[dreg:$0xb] =	wrdreg s24;
	s21 =	simm.s32 $0x7;
	s22 =	simm.s32 $0x17800  }
0x11: {  	s8 =	sadd.s32 s8, s1;
	s9 =	sshrl.u32 s9, $0x3;
	s18 =	sshrl.u32 s7, $0x3  }
0x12: {  	s7 =	sadd.s32 $0x58, s7;
	[dreg:$0x8] =	wrdreg s12;
	s12 =	sadd.s32 $0x128400, s3  }
0x13: {  	s25 =	sadd.s32 $0x1B8, s23;
	s26 =	smax.u32 s13, $0x1;
	p2 =	por p1, p0  }
0x14: {  	s9 =	sadd.s32 s9, s1;
	s8 =	sadd.s32 $0xDE00, s8;
	s19 =	sadd.s32 s5, s18  }
0x15: {  	s7 =	sshrl.u32 s7, $0x3;
	s1 =	sadd.s32 $0x43F00, s1;
	[dreg:$0xd] =	wrdreg s26  }
0x16: {  	p2 =	seq.s32 @!p2 s6, $0x0;
	s26 =	simm.s32 $0x17A00;
	[dreg:$0x4] =	wrdreg s8  }
0x17: {  	s6 =	simm.s32 $0x2;
	s7 =	sadd.s32 s5, s7;
	[dreg:$0x5] =	wrdreg s19  }
0x18: {  	s8 =	sadd.s32 $0x16, s19;
	[dreg:$0xa] =	wrdreg s1;
	s9 =	sadd.s32 $0x44600, s9  }
0x19: {  	s19 =	sadd.s32 $0x108, s23;
	p2 =	por @!p0 p2, p1;
	[dreg:$0x6] =	wrdreg s7  }
0x1a: {  	p1 =	por !p1, p0;
	[dreg:$0x7] =	wrdreg s8;
	s7 =	sshrl.u32 s20, $0x2  }
0x1b: {  	s8 =	sadd.s32 $0x160, s23;
	[dreg:$0xc] =	wrdreg s9;
	s23 =	simm.s32 $0x58  }
0x1c: {  	p2 =	por p2, p0;
	s1 =	sshrl.u32 @!p1 s12, $0x3;
	s20 =	simm.s32 $0x4  }
0x1d: {  	s9 =	simm.s32 $0x3;
	s10 =	sadd.s32 s7, s3;
	s7 =	sshrl.u32 s25, $0x3  }
0x1e: {  	s8 =	sshrl.u32 s8, $0x3;
	[dreg:$0xe] =	wrdreg s1;
	s1 =	sshrl.u32 @!p1 s14, $0x3  }
0x1f: {  	s17 =	sadd.s32 s7, s5;
	s18 =	sadd.s32 s8, s5;
	[dreg:$0xf] =	wrdreg s1  }
0x20: {  	s1 =	simm.s32 $0x1;
	s8 =	simm.s32 $0x5;
	s7 =	simm.s32 $0x6  }
.LBB2_1:
0x21: {  	s12 =	rddreg [dreg:$0x4];
	s13 =	simm.s32 $0x13C00  }
0x22: {  	[tilespmem:s13], [sflag:$0x7] =	stream.linear.gather [hbm4b:s12+s4], $0x3900, $0x38;
	[tilespmem:$0x1FE00] =	vst v63  }
0x23: {  	_ =	swait.ge [sflag:s21], $0x3900  }
0x24: {  	[sflag:s21] =	ssyncset.done $0x0  }
0x25: {  	s24 =	rddreg [dreg:$0x5];
	[sflag:s21] =	ssyncadd.s32 $0xFFFFC700  }
0x26: {  	[tilespmem:s22], [sflag:$0x7] =	stream.linear.gather [hbm4b:s24+s4], $0x58, $0x38;
	[tilespmem:$0x1FE00] =	vst v63  }
0x27: {  	_ =	swait.ge [sflag:s21], $0x58  }
0x28: {  	[sflag:s21] =	ssyncset.done $0x0  }
0x29: {  	[sflag:s21] =	ssyncadd.s32 $0xFFFFFFA8  }
0x2a: {  	[tilespmem:s26], [sflag:$0x1] =	stream.indirect.gather [hbm4b:s2+s23], $0x80, s22, s23, $0xb8;
	[tilespmem:$0x1FE00] =	vst v63  }
0x2b: {  	s25 =	rddreg [dreg:$0x6]  }
0x2c: {  	[tilespmem:s28], [sflag:$0x7] =	stream.linear.gather [hbm4b:s25+s4], $0x58, $0x38;
	[tilespmem:$0x1FE00] =	vst v63  }
0x2d: {  	_ =	swait.ge [sflag:s21], $0x58  }
0x2e: {  	[sflag:s21] =	ssyncset.done $0x0  }
0x2f: {  	[sflag:s21] =	ssyncadd.s32 $0xFFFFFFA8  }
0x30: {  	[tilespmem:s29], [sflag:$0x2] =	stream.indirect.gather [hbm4b:s2+s23], $0x80, s28, s23, $0xb8;
	[tilespmem:$0x1FE00] =	vst v63  }
0x31: {  	s13 =	rddreg [dreg:$0x7]  }
0x32: {  	[tilespmem:s30], [sflag:$0x7] =	stream.linear.gather [hbm4b:s13+s4], $0x58, $0x38;
	[tilespmem:$0x1FE00] =	vst v63  }
0x33: {  	s12 =	sshll.u32 @!p2 s0, $0x6;
	_ =	swait.ge [sflag:s21], $0x58  }
0x34: {  	s12 =	sor.u32 @!p2 $0x1C07, s12;
	[sflag:s21] =	ssyncset.done $0x0  }
0x35: {  	s13 =	sshrl.u32 @!p2 s10, $0x3;
	s14 =	rddreg [dreg:$0x8];
	[sflag:s21] =	ssyncadd.s32 $0xFFFFFFA8  }
0x36: {  	[tilespmem:s31], [sflag:$0x3] =	stream.indirect.gather [hbm4b:s2+s23], $0x80, s30, s23, $0xb8;
	[tilespmem:$0x1FE00] =	vst v63  }
0x37: {  	[spmem:s13], [sflag:s12] =	dma.local @!p2 [hbm:s14], $0x2780  }
0x38: {  	s12 =	simm.s32 @!p2 $0x7  }
0x39: {  	_ =	swait.ge @!p2 [sflag:s12], $0x2780  }
0x3a: {  	[sflag:s12] =	ssyncset.done @!p2 $0x0;
	s13 =	rddreg [dreg:$0x9]  }
0x3b: {  	s14 =	rddreg [dreg:$0xe];
	[sflag:s12] =	ssyncadd.s32 @!p2 $0xFFFFD880;
	s12 =	simm.s32 @!p1 $0x1FC7  }
0x3c: {  	[spmem:s14], [sflag:s12] =	dma.local @!p1 [hbm:s13], $0x2080  }
0x3d: {  	s13 =	simm.s32 @!p1 $0x7  }
0x3e: {  	_ =	swait.ge @!p1 [sflag:s13], $0x2080  }
0x3f: {  	[sflag:s13] =	ssyncset.done @!p1 $0x0;
	s14 =	rddreg [dreg:$0xa]  }
0x40: {  	s15 =	rddreg [dreg:$0xf];
	[sflag:s13] =	ssyncadd.s32 @!p1 $0xFFFFDF80  }
0x41: {  	[spmem:s15], [sflag:s12] =	dma.local @!p1 [hbm:s14], $0x700  }
0x42: {  	s12 =	sshll.u32 @p0 s0, $0x6;
	_ =	swait.ge @!p1 [sflag:s13], $0x700  }
0x43: {  	s12 =	sor.u32 @p0 $0x1C07, s12;
	[sflag:s13] =	ssyncset.done @!p1 $0x0  }
0x44: {  	s14 =	rddreg [dreg:$0xb];
	[sflag:s13] =	ssyncadd.s32 @!p1 $0xFFFFF900;
	s13 =	sshrl.u32 @p0 s10, $0x3  }
0x45: {  	[spmem:s13], [sflag:s12] =	dma.local @p0 [hbm:s14], $0x2780  }
0x46: {  	s12 =	simm.s32 @p0 $0x7  }
0x47: {  	_ =	swait.ge @p0 [sflag:s12], $0x2780  }
0x48: {  	[sflag:s12] =	ssyncset.done @p0 $0x0  }
0x49: {  	[sflag:s12] =	ssyncadd.s32 @p0 $0xFFFFD880  }
0x4a: {  	[bflag:$0x0] =	sbarrier.arrive $0xFFFF  }
0x4b: {  	_ =	swait.ge [sflag:s1], $0x2C00  }
0x4c: {  	[sflag:s1] =	ssyncset.done $0x0  }
0x4d: {  	s15 =	sshrl.u32 s19, $0x3;
	s14 =	simm.s32 $0x13C00;
	[sflag:s1] =	ssyncadd.s32 $0xFFFFD400  }
0x4e: {  	[spmem:s3] =	stream.indirect.scatter.add.f32 [tilespmem:s26], [sflag:$0x4], $0x80, s14, s23, $0xb8;
	[tilespmem:$0x1FE00] =	vst v63  }
0x4f: {  	s16 =	sadd.s32 s5, s15  }
0x50: {  	[tilespmem:s22], [sflag:$0x7] =	stream.linear.gather [hbm4b:s16+s4], $0x58, $0x38;
	[tilespmem:$0x1FE00] =	vst v63  }
0x51: {  	_ =	swait.ge [sflag:s21], $0x58  }
0x52: {  	[sflag:s21] =	ssyncset.done $0x0  }
0x53: {  	[sflag:s21] =	ssyncadd.s32 $0xFFFFFFA8  }
0x54: {  	_ =	swait.ge [sflag:s20], $0x2C00  }
0x55: {  	[sflag:s20] =	ssyncset.done $0x0  }
0x56: {  	[sflag:s20] =	ssyncadd.s32 $0xFFFFD400  }
0x57: {  	[tilespmem:s26], [sflag:$0x1] =	stream.indirect.gather [hbm4b:s2+s23], $0x80, s22, s23, $0xb8;
	[tilespmem:$0x1FE00] =	vst v63  }
0x58: {  	_ =	swait.ge [sflag:s6], $0x2C00  }
0x59: {  	[sflag:s6] =	ssyncset.done $0x0  }
0x5a: {  	s24 =	simm.s32 $0x13C80;
	[sflag:s6] =	ssyncadd.s32 $0xFFFFD400  }
0x5b: {  	[spmem:s3] =	stream.indirect.scatter.add.f32 [tilespmem:s29], [sflag:$0x5], $0x80, s24, s23, $0xb8;
	[tilespmem:$0x1FE00] =	vst v63  }
0x5c: {  	_ = 	snop  }
0x5d: {  	[tilespmem:s28], [sflag:$0x7] =	stream.linear.gather [hbm4b:s18+s4], $0x58, $0x38;
	[tilespmem:$0x1FE00] =	vst v63  }
0x5e: {  	_ =	swait.ge [sflag:s21], $0x58  }
0x5f: {  	[sflag:s21] =	ssyncset.done $0x0  }
0x60: {  	[sflag:s21] =	ssyncadd.s32 $0xFFFFFFA8  }
0x61: {  	_ =	swait.ge [sflag:s8], $0x2C00  }
0x62: {  	[sflag:s8] =	ssyncset.done $0x0  }
0x63: {  	[sflag:s8] =	ssyncadd.s32 $0xFFFFD400  }
0x64: {  	[tilespmem:s29], [sflag:$0x2] =	stream.indirect.gather [hbm4b:s2+s23], $0x80, s28, s23, $0xb8;
	[tilespmem:$0x1FE00] =	vst v63  }
0x65: {  	_ =	swait.ge [sflag:s9], $0x2C00  }
0x66: {  	[sflag:s9] =	ssyncset.done $0x0  }
0x67: {  	s25 =	simm.s32 $0x13D00;
	[sflag:s9] =	ssyncadd.s32 $0xFFFFD400  }
0x68: {  	[spmem:s3] =	stream.indirect.scatter.add.f32 [tilespmem:s31], [sflag:$0x6], $0x80, s25, s23, $0xb8;
	[tilespmem:$0x1FE00] =	vst v63  }
0x69: {  	_ = 	snop  }
0x6a: {  	[tilespmem:s30], [sflag:$0x7] =	stream.linear.gather [hbm4b:s17+s4], $0x58, $0x38;
	[tilespmem:$0x1FE00] =	vst v63  }
0x6b: {  	_ =	swait.ge [sflag:s21], $0x58  }
0x6c: {  	[sflag:s21] =	ssyncset.done $0x0  }
0x6d: {  	[sflag:s21] =	ssyncadd.s32 $0xFFFFFFA8  }
0x6e: {  	_ =	swait.ge [sflag:s7], $0x2C00  }
0x6f: {  	s15 =	sadd.s32 $0x21, s18;
	s13 =	sadd.s32 $0x108, s19;
	[sflag:s7] =	ssyncset.done $0x0  }
0x70: {  	s12 =	simm.s32 $0x600;
	s14 =	sadd.s32 $0x21, s17;
	[sflag:s7] =	ssyncadd.s32 $0xFFFFD400  }
.LBB2_2:
0x71: {  	[tilespmem:s31], [sflag:$0x3] =	stream.indirect.gather [hbm4b:s2+s23], $0x80, s30, s23, $0xb8;
	[tilespmem:$0x1FE00] =	vst v63  }
0x72: {  	s16 =	smov.u32 s12  }
0x73: {  	p3 =	sne.s32 s12, $0xD800;
	s12 =	sadd.s32 $0x600, s12;
	_ =	swait.ge [sflag:s1], $0x2C00  }
0x74: {  	s16 =	sshra.s32 s16, $0x2;
	[sflag:s1] =	ssyncset.done $0x0  }
0x75: {  	s25 =	sshrl.u32 s13, $0x3;
	s24 =	sadd.s32 $0x13C00, s16;
	[sflag:s1] =	ssyncadd.s32 $0xFFFFD400  }
0x76: {  	[spmem:s3] =	stream.indirect.scatter.add.f32 [tilespmem:s26], [sflag:$0x4], $0x80, s24, s23, $0xb8;
	[tilespmem:$0x1FE00] =	vst v63  }
0x77: {  	s24 =	sadd.s32 s5, s25  }
0x78: {  	[tilespmem:s22], [sflag:$0x7] =	stream.linear.gather [hbm4b:s24+s4], $0x58, $0x38;
	[tilespmem:$0x1FE00] =	vst v63  }
0x79: {  	_ =	swait.ge [sflag:s21], $0x58  }
0x7a: {  	[sflag:s21] =	ssyncset.done $0x0  }
0x7b: {  	[sflag:s21] =	ssyncadd.s32 $0xFFFFFFA8  }
0x7c: {  	_ =	swait.ge [sflag:s20], $0x2C00  }
0x7d: {  	[sflag:s20] =	ssyncset.done $0x0  }
0x7e: {  	[sflag:s20] =	ssyncadd.s32 $0xFFFFD400  }
0x7f: {  	[tilespmem:s26], [sflag:$0x1] =	stream.indirect.gather [hbm4b:s2+s23], $0x80, s22, s23, $0xb8;
	[tilespmem:$0x1FE00] =	vst v63  }
0x80: {  	_ =	swait.ge [sflag:s6], $0x2C00  }
0x81: {  	[sflag:s6] =	ssyncset.done $0x0  }
0x82: {  	s24 =	sadd.s32 $0x13C80, s16;
	[sflag:s6] =	ssyncadd.s32 $0xFFFFD400  }
0x83: {  	[spmem:s3] =	stream.indirect.scatter.add.f32 [tilespmem:s29], [sflag:$0x5], $0x80, s24, s23, $0xb8;
	[tilespmem:$0x1FE00] =	vst v63  }
0x84: {  	_ = 	snop  }
0x85: {  	[tilespmem:s28], [sflag:$0x7] =	stream.linear.gather [hbm4b:s15+s4], $0x58, $0x38;
	[tilespmem:$0x1FE00] =	vst v63  }
0x86: {  	_ =	swait.ge [sflag:s21], $0x58  }
0x87: {  	[sflag:s21] =	ssyncset.done $0x0  }
0x88: {  	[sflag:s21] =	ssyncadd.s32 $0xFFFFFFA8  }
0x89: {  	_ =	swait.ge [sflag:s8], $0x2C00  }
0x8a: {  	[sflag:s8] =	ssyncset.done $0x0  }
0x8b: {  	[sflag:s8] =	ssyncadd.s32 $0xFFFFD400  }
0x8c: {  	[tilespmem:s29], [sflag:$0x2] =	stream.indirect.gather [hbm4b:s2+s23], $0x80, s28, s23, $0xb8;
	[tilespmem:$0x1FE00] =	vst v63  }
0x8d: {  	_ =	swait.ge [sflag:s9], $0x2C00  }
0x8e: {  	[sflag:s9] =	ssyncset.done $0x0  }
0x8f: {  	s16 =	sadd.s32 $0x13D00, s16;
	[sflag:s9] =	ssyncadd.s32 $0xFFFFD400  }
0x90: {  	[spmem:s3] =	stream.indirect.scatter.add.f32 [tilespmem:s31], [sflag:$0x6], $0x80, s16, s23, $0xb8;
	[tilespmem:$0x1FE00] =	vst v63  }
0x91: {  	_ = 	snop  }
0x92: {  	[tilespmem:s30], [sflag:$0x7] =	stream.linear.gather [hbm4b:s14+s4], $0x58, $0x38;
	[tilespmem:$0x1FE00] =	vst v63  }
0x93: {  	_ =	swait.ge [sflag:s21], $0x58  }
.Ltmp0:
0x94: {  	[sflag:s21] =	ssyncset.done $0x0;
	(pc) =	sbr.rel @p3 .LBB2_2-.Ltmp0, $4  }
0x95: {  	[sflag:s21] =	ssyncadd.s32 $0xFFFFFFA8  }
0x96: {  	_ =	swait.ge [sflag:s7], $0x2C00  }
0x97: {  	s13 =	sadd.s32 $0x108, s13;
	[sflag:s7] =	ssyncset.done $0x0  }
0x98: {  	s15 =	sadd.s32 $0x21, s15;
	s14 =	sadd.s32 $0x21, s14;
	[sflag:s7] =	ssyncadd.s32 $0xFFFFD400  }
0x99: {  	[tilespmem:s31], [sflag:$0x3] =	stream.indirect.gather [hbm4b:s2+s23], $0x80, s30, s23, $0xb8;
	[tilespmem:$0x1FE00] =	vst v63  }
0x9a: {  	_ =	swait.ge [sflag:s1], $0x2C00  }
0x9b: {  	[sflag:s1] =	ssyncset.done $0x0  }
0x9c: {  	s12 =	simm.s32 $0x17380;
	[sflag:s1] =	ssyncadd.s32 $0xFFFFD400  }
0x9d: {  	[spmem:s3] =	stream.indirect.scatter.add.f32 [tilespmem:s26], [sflag:$0x4], $0x80, s12, s23, $0xb8;
	[tilespmem:$0x1FE00] =	vst v63  }
0x9e: {  	_ =	swait.ge [sflag:s6], $0x2C00  }
0x9f: {  	[sflag:s6] =	ssyncset.done $0x0  }
0xa0: {  	s15 =	simm.s32 $0x17400;
	[sflag:s6] =	ssyncadd.s32 $0xFFFFD400  }
0xa1: {  	[spmem:s3] =	stream.indirect.scatter.add.f32 [tilespmem:s29], [sflag:$0x5], $0x80, s15, s23, $0xb8;
	[tilespmem:$0x1FE00] =	vst v63  }
0xa2: {  	_ =	swait.ge [sflag:s9], $0x2C00  }
0xa3: {  	[sflag:s9] =	ssyncset.done $0x0  }
0xa4: {  	s16 =	simm.s32 $0x17480;
	[sflag:s9] =	ssyncadd.s32 $0xFFFFD400  }
0xa5: {  	[spmem:s3] =	stream.indirect.scatter.add.f32 [tilespmem:s31], [sflag:$0x6], $0x80, s16, s23, $0xb8;
	[tilespmem:$0x1FE00] =	vst v63  }
0xa6: {  	_ =	swait.ge [sflag:s20], $0x2C00  }
0xa7: {  	[sflag:s20] =	ssyncset.done $0x0  }
0xa8: {  	[sflag:s20] =	ssyncadd.s32 $0xFFFFD400  }
0xa9: {  	_ =	swait.ge [sflag:s8], $0x2C00  }
0xaa: {  	[sflag:s8] =	ssyncset.done $0x0  }
0xab: {  	[sflag:s8] =	ssyncadd.s32 $0xFFFFD400  }
0xac: {  	_ =	swait.ge [sflag:s7], $0x2C00  }
0xad: {  	[sflag:s7] =	ssyncset.done $0x0  }
0xae: {  	[sflag:s7] =	ssyncadd.s32 $0xFFFFD400  }
0xaf: {  	s24 =	sshll.u32 s0, $0x6;
	[bflag:$0x0] =	sbarrier.arrive $0xFFFF  }
0xb0: {  	s13 =	sshrl.u32 s10, $0x3;
	s12 =	sor.u32 $0x1C07, s24;
	s14 =	rddreg [dreg:$0xc]  }
0xb1: {  	[hbm:s14], [sflag:s12] =	dma.local [spmem:s13], $0x2780  }
0xb2: {  	_ =	swait.ge [sflag:s21], $0x2780  }
0xb3: {  	s11 =	sadd.s32 $0x1, s11;
	s25 =	rddreg [dreg:$0xd]  }
0xb4: {  	p3 =	sne.s32 s11, s25  }
.Ltmp1:
0xb5: {  	_ = 	snop;
	(pc) =	sbr.rel @p3 .LBB2_1-.Ltmp1, $3  }
0xb6: {  	_ =	sdelay $0x1  }
0xb7: {  	[sflag:s21] =	ssyncset.done $0x0  }
0xb8: {  	[sflag:s21] =	ssyncadd.s32 $0xFFFFD880  }
0xb9: {  	_ =	sfence.sel $0x180000  }
0xba: {  	[bflag:$0x0] =	sbarrier.arrive $0xFFFF  }
0xbb: {  	_ =	strace $0x90000053  }
0xbc: {  	[bflag:$0x2] =	sbarrier.arrive $0xFFFF  }
0xbd: {  	p0 =	sne.s32 s0, $0x0;
	s0 =	rddreg [dreg:$0x3]  }
0xbe: {  	s0 =	sadd.s32 @!p0 $0x100000, s0  }
0xbf: {  	[sflag:s0] =	ssyncadd.tile.s32 @!p0 $0x1;
	_ =	shalt  }
.Lfunc_end2:
_tile_overlayer_lowered:
.L_overlay_start_2:
0xc0: {  	(tag) =	ssettag $0x2  }
0xc1: {  	s0 =	rddreg [dreg:$0x0];
	s2 =	stileid.u32  }
0xc2: {  	s1 =	rddreg [dreg:$0x1];
	p0 =	sne.s32 s2, $0x0  }
0xc3: {  	s3 =	rddreg [dreg:$0x2];
	[bflag:$0x3] =	sbarrier.arrive $0xFFFF;
	s2 =	simm.s32 @!p0 $0x1C07  }
0xc4: {  	[timem:s3], [sflag:s2] =	dma.local @!p0 [hbm:s0], s1  }
0xc5: {  	s0 =	simm.s32 @!p0 $0x7  }
0xc6: {  	_ =	swait.ge @!p0 [sflag:s0], s1  }
0xc7: {  	s1 =	ssub.s32 @!p0 $0x0, s1;
	[sflag:s0] =	ssyncset.done @!p0 $0x0  }
0xc8: {  	[sflag:s0] =	ssyncadd.s32 @!p0 s1  }
0xc9: {  	[bflag:$0x3] =	sbarrier.arrive $0xFFFF  }
0xca: {  	_ =	shalt  }

// kernel: kernel.29.cloned.1.call-start
scs
__scs_entry_jumppad:
0x0: {  	(pc) =	sbr.rel $0x88, $3  }
0x1: {  	(tag) =	ssettag $0x0;
	lr =	simm.s32 $0x1  }
0x2: {  	[smem:$0x3F97] =	sst lr;
	_ =	strace $0xD0000000  }
0x3: {  	_ = 	snop  }
0x4: {  	_ = 	snop  }
0x5: {  	_ = 	snop  }
0x6: {  	_ = 	snop  }
0x7: {  	_ = 	snop  }
__scs_overlays_trampoline_lowered:
0x8: {  	[smem:$0x3FA6] =	sst s0  }
0x9: {  	[smem:$0x3FA7] =	sst s1  }
0xa: {  	[smem:$0x3FA8] =	sst s2  }
0xb: {  	[smem:$0x3FA9] =	sst s3  }
0xc: {  	[smem:$0x3FAA] =	sst s4  }
0xd: {  	[smem:$0x3FAB] =	sst s5  }
0xe: {  	[smem:$0x3FAC] =	sst s6  }
0xf: {  	[smem:$0x3FAD] =	sst s7  }
0x10: {  	[smem:$0x3FAE] =	sst s8  }
0x11: {  	[smem:$0x3FAF] =	sst s9;
	s0 =	simm.s32 @!p0 $0x0  }
0x12: {  	s1 =	sld [smem:$0x3F95];
	s0 =	simm.s32 @p0 $0x1  }
0x13: {  	[smem:$0x3FB0] =	sst s0;
	s0 =	simm.s32 @!p1 $0x0  }
0x14: {  	s2 =	sld [smem:$0x3F94];
	s0 =	simm.s32 @p1 $0x1  }
0x15: {  	[smem:$0x3FB1] =	sst s0;
	s0 =	simm.s32 @!p2 $0x0  }
0x16: {  	s3 =	sld [smem:$0x3FDB];
	s0 =	simm.s32 @p2 $0x1  }
0x17: {  	s4 =	simm.s32 $0x1BF5;
	[smem:$0x3FB3] =	sst s0  }
0x18: {  	s0 =	sld [smem:$0x3F96];
	_ =	swait.ge [sflag:s4], $0x0  }
0x19: {  	s7 =	sld [smem:$0x3F97]  }
0x1a: {  	s8 =	sadd.s32 $0xFFFFE003, lr  }
0x1b: {  	s9 =	sadd.s32 $0xFFFFFEF7, lr;
	s5 =	simm.s32 $0xFFFFFFFF;
	p2 =	slt.u32 s8, $0xFFFFF086  }
0x1c: {  	p1 =	slt.u32 s9, $0xF7A;
	s5 =	simm.s32 @!p2 $0x0  }
0x1d: {  	s5 =	simm.s32 @p1 $0x1;
	p0 =	seq.s32 s7, s2  }
0x1e: {  	s7 =	smul.u32 @!p0 $0xF7A, s2;
	p2 =	seq.s32 @!p0 s5, $0x0  }
0x1f: {  	s9 =	smul.u32 $0xF7A, s1;
	s8 =	simm.s32 @!p0 $0x1BF5;
	p2 =	por !p2, p0  }
0x20: {  	[sflag:s8] =	ssyncset.s32 @!p0 $0xFFFFF086;
	s6 =	sadd.s32 @!p0 s3, s7;
	s7 =	simm.s32 @!p0 $0x108  }
0x21: {  	s3 =	sadd.s32 s3, s9;
	s6 =	sadd.s32 @!p0 $0x88, s6;
	s7 =	simm.s32 @p2 $0x1082  }
0x22: {  	[simem:s7], [sflag:s8] =	dma.local @!p0 [hbm:s6], $0xF7A  }
0x23: {  	s9 =	sor.u32 $0xD0000000, s2;
	s6 =	simm.s32 $0x108;
	_ =	swait.ge @!p0 [sflag:s8], $0x0  }
0x24: {  	s3 =	sadd.s32 $0x88, s3;
	s6 =	simm.s32 @!p1 $0x1082;
	[sflag:s4] =	ssyncset.s32 $0xFFFFF086  }
0x25: {  	[simem:s6], [sflag:s4] =	dma.local [hbm:s3], $0xF7A  }
0x26: {  	[smem:$0x3F97] =	sst s1;
	(tag) =	ssettag s2;
	_ =	strace s9  }
0x27: {  	s1 =	sld [smem:$0x3FA7]  }
0x28: {  	s2 =	sld [smem:$0x3FA8]  }
0x29: {  	s4 =	sld [smem:$0x3FAA]  }
0x2a: {  	p0 =	seq.s32 s5, $0x0;
	s5 =	sld [smem:$0x3FAB]  }
0x2b: {  	s6 =	sld [smem:$0x3FAC]  }
0x2c: {  	s7 =	sld [smem:$0x3FAD]  }
0x2d: {  	s3 =	simm.s32 $0x108;
	s8 =	sld [smem:$0x3FAE]  }
0x2e: {  	s3 =	simm.s32 @!p0 $0x1082;
	s9 =	sld [smem:$0x3FAF]  }
0x2f: {  	lr =	sadd.s32 s0, s3;
	s0 =	sld [smem:$0x3FA6]  }
0x30: {  	s3 =	sld [smem:$0x3FA9]  }
0x31: {  	[smem:$0x3FB2] =	sst s10  }
0x32: {  	s10 =	sld [smem:$0x3FB0];
	_ =	sdelay $0x3  }
0x33: {  	p0 =	seq.s32 s10, $0x1;
	s10 =	sld [smem:$0x3FB2];
	_ =	sdelay $0x3  }
0x34: {  	[smem:$0x3FB2] =	sst s10  }
0x35: {  	s10 =	sld [smem:$0x3FB1];
	_ =	sdelay $0x3  }
0x36: {  	p1 =	seq.s32 s10, $0x1;
	s10 =	sld [smem:$0x3FB2];
	_ =	sdelay $0x3  }
0x37: {  	[smem:$0x3FB2] =	sst s10  }
0x38: {  	s10 =	sld [smem:$0x3FB3]  }
0x39: {  	_ = 	snop;
	(pc) =	sbr.ind lr, $3  }
0x3a: {  	_ = 	snop  }
0x3b: {  	_ = 	snop  }
0x3c: {  	p2 =	seq.s32 s10, $0x1;
	s10 =	sld [smem:$0x3FB2]  }
0x3d: {  	_ =	shalt  }
0x3e: {  	_ =	shalt  }
0x3f: {  	_ =	shalt  }
0x40: {  	_ =	shalt  }
0x41: {  	_ =	shalt  }
0x42: {  	_ =	shalt  }
0x43: {  	_ =	shalt  }
0x44: {  	_ =	shalt  }
0x45: {  	_ =	shalt  }
0x46: {  	_ =	shalt  }
0x47: {  	_ =	shalt  }
0x48: {  	_ =	shalt  }
0x49: {  	_ =	shalt  }
0x4a: {  	_ =	shalt  }
0x4b: {  	_ =	shalt  }
0x4c: {  	_ =	shalt  }
0x4d: {  	_ =	shalt  }
0x4e: {  	_ =	shalt  }
0x4f: {  	_ =	shalt  }
0x50: {  	_ =	shalt  }
0x51: {  	_ =	shalt  }
0x52: {  	_ =	shalt  }
0x53: {  	_ =	shalt  }
0x54: {  	_ =	shalt  }
0x55: {  	_ =	shalt  }
0x56: {  	_ =	shalt  }
0x57: {  	_ =	shalt  }
0x58: {  	_ =	shalt  }
0x59: {  	_ =	shalt  }
0x5a: {  	_ =	shalt  }
0x5b: {  	_ =	shalt  }
0x5c: {  	_ =	shalt  }
0x5d: {  	_ =	shalt  }
0x5e: {  	_ =	shalt  }
0x5f: {  	_ =	shalt  }
0x60: {  	_ =	shalt  }
0x61: {  	_ =	shalt  }
0x62: {  	_ =	shalt  }
0x63: {  	_ =	shalt  }
0x64: {  	_ =	shalt  }
0x65: {  	_ =	shalt  }
0x66: {  	_ =	shalt  }
0x67: {  	_ =	shalt  }
0x68: {  	_ =	shalt  }
0x69: {  	_ =	shalt  }
0x6a: {  	_ =	shalt  }
0x6b: {  	_ =	shalt  }
0x6c: {  	_ =	shalt  }
0x6d: {  	_ =	shalt  }
0x6e: {  	_ =	shalt  }
0x6f: {  	_ =	shalt  }
0x70: {  	_ =	shalt  }
0x71: {  	_ =	shalt  }
0x72: {  	_ =	shalt  }
0x73: {  	_ =	shalt  }
0x74: {  	_ =	shalt  }
0x75: {  	_ =	shalt  }
0x76: {  	_ =	shalt  }
0x77: {  	_ =	shalt  }
0x78: {  	_ =	shalt  }
0x79: {  	_ =	shalt  }
0x7a: {  	_ =	shalt  }
0x7b: {  	_ =	shalt  }
0x7c: {  	_ =	shalt  }
0x7d: {  	_ =	shalt  }
0x7e: {  	_ =	shalt  }
0x7f: {  	_ =	shalt  }
0x80: {  	_ =	shalt  }
0x81: {  	_ =	shalt  }
0x82: {  	_ =	shalt  }
0x83: {  	_ =	shalt  }
0x84: {  	_ =	shalt  }
0x85: {  	_ =	shalt  }
0x86: {  	_ =	shalt  }
0x87: {  	_ =	shalt  }
.Lfunc_end0:
.L_simem_size_0:
called_computation.5_lowered:
.L_overlay_start_0:
0x88: {  	s2 =	sld [smem:$0x3FD9]  }
0x89: {  	s3 =	sld [smem:$0x3FFE];
	_ =	sdelay $0x1  }
0x8a: {  	s1 =	srdreg.scid  }
0x8b: {  	s0 =	sand.u32 $0x1, s1  }
0x8c: {  	s17 =	sshll.u32 s0, $0xA;
	s2 =	sadd.s32 s3, s2  }
0x8d: {  	s2 =	sadd.s32 s2, s17  }
0x8e: {  	[smem:$0x3FBE] =	sst s2  }
0x8f: {  	_ = 	snop  }
0x90: {  	s2 =	sld [smem:$0x3FD0];
	(tm) =	ssettm $0x1  }
0x91: {  	s18 =	sld [smem:$0x3FFB];
	_ =	sdelay $0x3  }
0x92: {  	_ =	strace s18  }
0x93: {  	s3 =	sld [smem:$0x3FFC];
	_ =	sdelay $0x3  }
0x94: {  	_ =	strace s3  }
0x95: {  	s3 =	sld [smem:$0x3FFD];
	_ =	sdelay $0x3  }
0x96: {  	_ =	strace s3  }
0x97: {  	_ =	strace $0x8FFFFFFF  }
0x98: {  	s19 =	sld [smem:$0x3FDB];
	_ =	sdelay $0x1  }
0x99: {  	s4 =	simm.s32 $_scs_section_size  }
0x9a: {  	s5 =	simm.s32 $_size__tile_overlayer_lowered;
	s6 =	simm.s32 $_tile_overlayer_lowered  }
0x9b: {  	s22 =	simm.s32 $0x1BFF;
	s21 =	sshll.u32 s6, $0x1;
	s3 =	sadd.s32 s4, s19  }
0x9c: {  	s7 =	simm.s32 $0x0;
	s20 =	sshll.u32 s5, $0x1;
	s5 =	sadd.s32 s21, s3  }
0x9d: {  	[timem:s7], [sflag:s22] =	dma.local [hbm:s5], s20  }
0x9e: {  	_ =	swait.ge [sflag:s22], s20  }
0x9f: {  	s4 =	ssub.s32 $0x0, s20;
	[sflag:s22] =	ssyncset.done $0x0  }
0xa0: {  	[sflag:s22] =	ssyncadd.s32 s4;
	_ =	sdelay $0x1  }
0xa1: {  	s23 =	simm.s32 $0x1B8B  }
0xa2: {  	_ =	swait.ge [sflag:s23], $0x1  }
0xa3: {  	[sflag:s23] =	ssyncset.done $0x0  }
0xa4: {  	s25 =	simm.s32 $0x1B8E;
	s24 =	sld [smem:$0x3FFE];
	[sflag:s23] =	ssyncadd.s32 $0xFFFFFFFF  }
0xa5: {  	s26 =	simm.s32 $execute0_lowered;
	[smem:$0x3FD2] =	sst s25  }
0xa6: {  	s5 =	sshll.u32 s26, $0x1;
	_ =	strace $0x80000055;
	[dreg:$0x1] =	wrdreg $0xFFFFFFFF  }
0xa7: {  	s28 =	simm.s32 $_size_execute0_lowered;
	s3 =	sadd.s32 s3, s5;
	[dreg:$0x0] =	wrdreg $0x0  }
0xa8: {  	s5 =	sshll.u32 s28, $0x1;
	[dreg:$0x2] =	wrdreg s3  }
0xa9: {  	[dreg:$0x3] =	wrdreg s5  }
0xaa: {  	[dreg:$0x4] =	wrdreg $0xC0  }
0xab: {  	_ =	task [dreg:s7], $0x5FFFF  }
0xac: {  	[dreg:$0x1] =	wrdreg $0xFFFFFFFF  }
0xad: {  	[dreg:$0x0] =	wrdreg $0x60  }
0xae: {  	[dreg:$0x2] =	wrdreg s24  }
0xaf: {  	[dreg:$0x3] =	wrdreg s2  }
0xb0: {  	[dreg:$0x4] =	wrdreg $0x0  }
0xb1: {  	[dreg:$0x5] =	wrdreg $0x9  }
0xb2: {  	_ =	task.clear_ibuf [dreg:s7], $0x6FFFF;
	_ =	strace $0x90000055  }
0xb3: {  	s29 =	simm.s32 $0x9;
	_ =	strace $0x80000057  }
0xb4: {  	_ =	swait.ge [sflag:s29], $0x1  }
0xb5: {  	[sflag:s29] =	ssyncadd.s32 $0xFFFFFFFF  }
0xb6: {  	_ =	strace $0x90000057  }
0xb7: {  	_ =	sfence  }
0xb8: {  	s30 =	sld [smem:$0x0];
	_ =	sdelay $0x2  }
0xb9: {  	s31 =	sshll.u32 s1, $0xD;
	s1 =	sshrl.u32 s1, $0x2  }
0xba: {  	s3 =	sand.u32 $0x4000, s31;
	s1 =	sadd.s32 s1, s30  }
0xbb: {  	s0 =	sor.u32 s3, s0;
	s1 =	sshll.u32 s1, $0x11  }
0xbc: {  	s0 =	sor.u32 s1, s0  }
0xbd: {  	s0 =	sadd.s32 $0x8F2B, s0  }
0xbe: {  	[sflag:s0] =	ssyncadd.remote.s32 $0x1  }
0xbf: {  	_ =	sfence.sel $0xFFFF  }
0xc0: {  	[dreg:$0x0] =	wrdreg $0xFFFFFFFF;
	(pc) =	sbr.abs _section_cstart, $3  }
0xc1: {  	[dreg:$0x1] =	wrdreg $0xFFFFFFFF  }
0xc2: {  	_ =	task.clear_ibuf [dreg:s7], $0x2FFFF;
	_ =	strace $0x9FFFFFFF  }
0xc3: {  	(tm) =	ssettm $0x7FFFFFFF  }
tec
execute0_lowered:
.L_overlay_start_1:
0x0: {  	(tag) =	ssettag $0x1  }
0x1: {  	s1 =	rddreg [dreg:$0x0];
	s3 =	srdreg.scid  }
0x2: {  	s0 =	stileid.u32;
	s2 =	rddreg [dreg:$0x1]  }
0x3: {  	s28 =	simm.s32 $0x17880;
	s29 =	simm.s32 $0x1A600;
	s10 =	smul.u32 $0x13C00, s0  }
0x4: {  	s30 =	simm.s32 $0x17900;
	s31 =	simm.s32 $0x1D200;
	s11 =	smul.u32 $0x2780, s0  }
0x5: {  	s6 =	sand.u32 $0x1, s3;
	s4 =	sshll.u32 s0, $0x1;
	s20 =	smul.u32 $0x4F000, s0  }
0x6: {  	s3 =	rddreg [dreg:$0x2];
	s5 =	sadd.s32 $0x4000, s1;
	s21 =	smul.u32 $0x4E60, s0  }
0x7: {  	p0 =	sne.s32 s0, $0xF;
	p2 =	seq.s32 s0, $0xF;
	s9 =	smul.u32 $0x13C000, s6  }
0x8: {  	s14 =	sadd.s32 $0x25080, s2;
	s7 =	sor.u32 s6, s4;
	s22 =	smul.u32 $0x2730, s6  }
0x9: {  	s4 =	simm.s32 $0x0;
	s17 =	ssub.s32 $0x2, s6;
	s8 =	smul.u32 $0x780, s7  }
0xa: {  	p1 =	seq.s32 s6, $0x0;
	[smem:$0x7FF] =	sst s4;
	s7 =	smul.u32 $0x2730, s7  }
0xb: {  	s12 =	sadd.s32 s11, s1;
	s13 =	sshrl.u32 s17, $0x1;
	p0 =	por !p1, !p0  }
0xc: {  	p1 =	por !p1, !p2;
	s24 =	sadd.s32 s2, s11;
	s11 =	simm.s32 $0x0  }
0xd: {  	_ =	strace $0x80000056;
	s9 =	sadd.s32 s10, s9;
	s13 =	ssub.s32 s17, s13  }
0xe: {  	p0 =	por !p0, !p0;
	p1 =	por !p1, !p1;
	s12 =	sadd.s32 $0x1CE00, s12  }
0xf: {  	[dreg:$0x9] =	wrdreg s14;
	s14 =	sadd.s32 $0x138800, s3;
	s23 =	sadd.s32 s22, s21  }
0x10: {  	[dreg:$0xb] =	wrdreg s24;
	s21 =	simm.s32 $0x7;
	s22 =	simm.s32 $0x17800  }
0x11: {  	s8 =	sadd.s32 s8, s1;
	s9 =	sshrl.u32 s9, $0x3;
	s18 =	sshrl.u32 s7, $0x3  }
0x12: {  	s7 =	sadd.s32 $0x58, s7;
	[dreg:$0x8] =	wrdreg s12;
	s12 =	sadd.s32 $0x128400, s3  }
0x13: {  	s25 =	sadd.s32 $0x1B8, s23;
	s26 =	smax.u32 s13, $0x1;
	p2 =	por p1, p0  }
0x14: {  	s9 =	sadd.s32 s9, s1;
	s8 =	sadd.s32 $0xDE00, s8;
	s19 =	sadd.s32 s5, s18  }
0x15: {  	s7 =	sshrl.u32 s7, $0x3;
	s1 =	sadd.s32 $0x43F00, s1;
	[dreg:$0xd] =	wrdreg s26  }
0x16: {  	p2 =	seq.s32 @!p2 s6, $0x0;
	s26 =	simm.s32 $0x17A00;
	[dreg:$0x4] =	wrdreg s8  }
0x17: {  	s6 =	simm.s32 $0x2;
	s7 =	sadd.s32 s5, s7;
	[dreg:$0x5] =	wrdreg s19  }
0x18: {  	s8 =	sadd.s32 $0x16, s19;
	[dreg:$0xa] =	wrdreg s1;
	s9 =	sadd.s32 $0x44600, s9  }
0x19: {  	s19 =	sadd.s32 $0x108, s23;
	p2 =	por @!p0 p2, p1;
	[dreg:$0x6] =	wrdreg s7  }
0x1a: {  	p1 =	por !p1, p0;
	[dreg:$0x7] =	wrdreg s8;
	s7 =	sshrl.u32 s20, $0x2  }
0x1b: {  	s8 =	sadd.s32 $0x160, s23;
	[dreg:$0xc] =	wrdreg s9;
	s23 =	simm.s32 $0x58  }
0x1c: {  	p2 =	por p2, p0;
	s1 =	sshrl.u32 @!p1 s12, $0x3;
	s20 =	simm.s32 $0x4  }
0x1d: {  	s9 =	simm.s32 $0x3;
	s10 =	sadd.s32 s7, s3;
	s7 =	sshrl.u32 s25, $0x3  }
0x1e: {  	s8 =	sshrl.u32 s8, $0x3;
	[dreg:$0xe] =	wrdreg s1;
	s1 =	sshrl.u32 @!p1 s14, $0x3  }
0x1f: {  	s17 =	sadd.s32 s7, s5;
	s18 =	sadd.s32 s8, s5;
	[dreg:$0xf] =	wrdreg s1  }
0x20: {  	s1 =	simm.s32 $0x1;
	s8 =	simm.s32 $0x5;
	s7 =	simm.s32 $0x6  }
.LBB2_1:
0x21: {  	s12 =	rddreg [dreg:$0x4];
	s13 =	simm.s32 $0x13C00  }
0x22: {  	[tilespmem:s13], [sflag:$0x7] =	stream.linear.gather [hbm4b:s12+s4], $0x3900, $0x38;
	[tilespmem:$0x1FE00] =	vst v63  }
0x23: {  	_ =	swait.ge [sflag:s21], $0x3900  }
0x24: {  	[sflag:s21] =	ssyncset.done $0x0  }
0x25: {  	s24 =	rddreg [dreg:$0x5];
	[sflag:s21] =	ssyncadd.s32 $0xFFFFC700  }
0x26: {  	[tilespmem:s22], [sflag:$0x7] =	stream.linear.gather [hbm4b:s24+s4], $0x58, $0x38;
	[tilespmem:$0x1FE00] =	vst v63  }
0x27: {  	_ =	swait.ge [sflag:s21], $0x58  }
0x28: {  	[sflag:s21] =	ssyncset.done $0x0  }
0x29: {  	[sflag:s21] =	ssyncadd.s32 $0xFFFFFFA8  }
0x2a: {  	[tilespmem:s26], [sflag:$0x1] =	stream.indirect.gather [hbm4b:s2+s23], $0x80, s22, s23, $0xb8;
	[tilespmem:$0x1FE00] =	vst v63  }
0x2b: {  	s25 =	rddreg [dreg:$0x6]  }
0x2c: {  	[tilespmem:s28], [sflag:$0x7] =	stream.linear.gather [hbm4b:s25+s4], $0x58, $0x38;
	[tilespmem:$0x1FE00] =	vst v63  }
0x2d: {  	_ =	swait.ge [sflag:s21], $0x58  }
0x2e: {  	[sflag:s21] =	ssyncset.done $0x0  }
0x2f: {  	[sflag:s21] =	ssyncadd.s32 $0xFFFFFFA8  }
0x30: {  	[tilespmem:s29], [sflag:$0x2] =	stream.indirect.gather [hbm4b:s2+s23], $0x80, s28, s23, $0xb8;
	[tilespmem:$0x1FE00] =	vst v63  }
0x31: {  	s13 =	rddreg [dreg:$0x7]  }
0x32: {  	[tilespmem:s30], [sflag:$0x7] =	stream.linear.gather [hbm4b:s13+s4], $0x58, $0x38;
	[tilespmem:$0x1FE00] =	vst v63  }
0x33: {  	s12 =	sshll.u32 @!p2 s0, $0x6;
	_ =	swait.ge [sflag:s21], $0x58  }
0x34: {  	s12 =	sor.u32 @!p2 $0x1C07, s12;
	[sflag:s21] =	ssyncset.done $0x0  }
0x35: {  	s13 =	sshrl.u32 @!p2 s10, $0x3;
	s14 =	rddreg [dreg:$0x8];
	[sflag:s21] =	ssyncadd.s32 $0xFFFFFFA8  }
0x36: {  	[tilespmem:s31], [sflag:$0x3] =	stream.indirect.gather [hbm4b:s2+s23], $0x80, s30, s23, $0xb8;
	[tilespmem:$0x1FE00] =	vst v63  }
0x37: {  	[spmem:s13], [sflag:s12] =	dma.local @!p2 [hbm:s14], $0x2780  }
0x38: {  	s12 =	simm.s32 @!p2 $0x7  }
0x39: {  	_ =	swait.ge @!p2 [sflag:s12], $0x2780  }
0x3a: {  	[sflag:s12] =	ssyncset.done @!p2 $0x0;
	s13 =	rddreg [dreg:$0x9]  }
0x3b: {  	s14 =	rddreg [dreg:$0xe];
	[sflag:s12] =	ssyncadd.s32 @!p2 $0xFFFFD880;
	s12 =	simm.s32 @!p1 $0x1FC7  }
0x3c: {  	[spmem:s14], [sflag:s12] =	dma.local @!p1 [hbm:s13], $0x2080  }
0x3d: {  	s13 =	simm.s32 @!p1 $0x7  }
0x3e: {  	_ =	swait.ge @!p1 [sflag:s13], $0x2080  }
0x3f: {  	[sflag:s13] =	ssyncset.done @!p1 $0x0;
	s14 =	rddreg [dreg:$0xa]  }
0x40: {  	s15 =	rddreg [dreg:$0xf];
	[sflag:s13] =	ssyncadd.s32 @!p1 $0xFFFFDF80  }
0x41: {  	[spmem:s15], [sflag:s12] =	dma.local @!p1 [hbm:s14], $0x700  }
0x42: {  	s12 =	sshll.u32 @p0 s0, $0x6;
	_ =	swait.ge @!p1 [sflag:s13], $0x700  }
0x43: {  	s12 =	sor.u32 @p0 $0x1C07, s12;
	[sflag:s13] =	ssyncset.done @!p1 $0x0  }
0x44: {  	s14 =	rddreg [dreg:$0xb];
	[sflag:s13] =	ssyncadd.s32 @!p1 $0xFFFFF900;
	s13 =	sshrl.u32 @p0 s10, $0x3  }
0x45: {  	[spmem:s13], [sflag:s12] =	dma.local @p0 [hbm:s14], $0x2780  }
0x46: {  	s12 =	simm.s32 @p0 $0x7  }
0x47: {  	_ =	swait.ge @p0 [sflag:s12], $0x2780  }
0x48: {  	[sflag:s12] =	ssyncset.done @p0 $0x0  }
0x49: {  	[sflag:s12] =	ssyncadd.s32 @p0 $0xFFFFD880  }
0x4a: {  	[bflag:$0x0] =	sbarrier.arrive $0xFFFF  }
0x4b: {  	_ =	swait.ge [sflag:s1], $0x2C00  }
0x4c: {  	[sflag:s1] =	ssyncset.done $0x0  }
0x4d: {  	s15 =	sshrl.u32 s19, $0x3;
	s14 =	simm.s32 $0x13C00;
	[sflag:s1] =	ssyncadd.s32 $0xFFFFD400  }
0x4e: {  	[spmem:s3] =	stream.indirect.scatter.add.f32 [tilespmem:s26], [sflag:$0x4], $0x80, s14, s23, $0xb8;
	[tilespmem:$0x1FE00] =	vst v63  }
0x4f: {  	s16 =	sadd.s32 s5, s15  }
0x50: {  	[tilespmem:s22], [sflag:$0x7] =	stream.linear.gather [hbm4b:s16+s4], $0x58, $0x38;
	[tilespmem:$0x1FE00] =	vst v63  }
0x51: {  	_ =	swait.ge [sflag:s21], $0x58  }
0x52: {  	[sflag:s21] =	ssyncset.done $0x0  }
0x53: {  	[sflag:s21] =	ssyncadd.s32 $0xFFFFFFA8  }
0x54: {  	_ =	swait.ge [sflag:s20], $0x2C00  }
0x55: {  	[sflag:s20] =	ssyncset.done $0x0  }
0x56: {  	[sflag:s20] =	ssyncadd.s32 $0xFFFFD400  }
0x57: {  	[tilespmem:s26], [sflag:$0x1] =	stream.indirect.gather [hbm4b:s2+s23], $0x80, s22, s23, $0xb8;
	[tilespmem:$0x1FE00] =	vst v63  }
0x58: {  	_ =	swait.ge [sflag:s6], $0x2C00  }
0x59: {  	[sflag:s6] =	ssyncset.done $0x0  }
0x5a: {  	s24 =	simm.s32 $0x13C80;
	[sflag:s6] =	ssyncadd.s32 $0xFFFFD400  }
0x5b: {  	[spmem:s3] =	stream.indirect.scatter.add.f32 [tilespmem:s29], [sflag:$0x5], $0x80, s24, s23, $0xb8;
	[tilespmem:$0x1FE00] =	vst v63  }
0x5c: {  	_ = 	snop  }
0x5d: {  	[tilespmem:s28], [sflag:$0x7] =	stream.linear.gather [hbm4b:s18+s4], $0x58, $0x38;
	[tilespmem:$0x1FE00] =	vst v63  }
0x5e: {  	_ =	swait.ge [sflag:s21], $0x58  }
0x5f: {  	[sflag:s21] =	ssyncset.done $0x0  }
0x60: {  	[sflag:s21] =	ssyncadd.s32 $0xFFFFFFA8  }
0x61: {  	_ =	swait.ge [sflag:s8], $0x2C00  }
0x62: {  	[sflag:s8] =	ssyncset.done $0x0  }
0x63: {  	[sflag:s8] =	ssyncadd.s32 $0xFFFFD400  }
0x64: {  	[tilespmem:s29], [sflag:$0x2] =	stream.indirect.gather [hbm4b:s2+s23], $0x80, s28, s23, $0xb8;
	[tilespmem:$0x1FE00] =	vst v63  }
0x65: {  	_ =	swait.ge [sflag:s9], $0x2C00  }
0x66: {  	[sflag:s9] =	ssyncset.done $0x0  }
0x67: {  	s25 =	simm.s32 $0x13D00;
	[sflag:s9] =	ssyncadd.s32 $0xFFFFD400  }
0x68: {  	[spmem:s3] =	stream.indirect.scatter.add.f32 [tilespmem:s31], [sflag:$0x6], $0x80, s25, s23, $0xb8;
	[tilespmem:$0x1FE00] =	vst v63  }
0x69: {  	_ = 	snop  }
0x6a: {  	[tilespmem:s30], [sflag:$0x7] =	stream.linear.gather [hbm4b:s17+s4], $0x58, $0x38;
	[tilespmem:$0x1FE00] =	vst v63  }
0x6b: {  	_ =	swait.ge [sflag:s21], $0x58  }
0x6c: {  	[sflag:s21] =	ssyncset.done $0x0  }
0x6d: {  	[sflag:s21] =	ssyncadd.s32 $0xFFFFFFA8  }
0x6e: {  	_ =	swait.ge [sflag:s7], $0x2C00  }
0x6f: {  	s15 =	sadd.s32 $0x21, s18;
	s13 =	sadd.s32 $0x108, s19;
	[sflag:s7] =	ssyncset.done $0x0  }
0x70: {  	s12 =	simm.s32 $0x600;
	s14 =	sadd.s32 $0x21, s17;
	[sflag:s7] =	ssyncadd.s32 $0xFFFFD400  }
.LBB2_2:
0x71: {  	[tilespmem:s31], [sflag:$0x3] =	stream.indirect.gather [hbm4b:s2+s23], $0x80, s30, s23, $0xb8;
	[tilespmem:$0x1FE00] =	vst v63  }
0x72: {  	s16 =	smov.u32 s12  }
0x73: {  	p3 =	sne.s32 s12, $0xD800;
	s12 =	sadd.s32 $0x600, s12;
	_ =	swait.ge [sflag:s1], $0x2C00  }
0x74: {  	s16 =	sshra.s32 s16, $0x2;
	[sflag:s1] =	ssyncset.done $0x0  }
0x75: {  	s25 =	sshrl.u32 s13, $0x3;
	s24 =	sadd.s32 $0x13C00, s16;
	[sflag:s1] =	ssyncadd.s32 $0xFFFFD400  }
0x76: {  	[spmem:s3] =	stream.indirect.scatter.add.f32 [tilespmem:s26], [sflag:$0x4], $0x80, s24, s23, $0xb8;
	[tilespmem:$0x1FE00] =	vst v63  }
0x77: {  	s24 =	sadd.s32 s5, s25  }
0x78: {  	[tilespmem:s22], [sflag:$0x7] =	stream.linear.gather [hbm4b:s24+s4], $0x58, $0x38;
	[tilespmem:$0x1FE00] =	vst v63  }
0x79: {  	_ =	swait.ge [sflag:s21], $0x58  }
0x7a: {  	[sflag:s21] =	ssyncset.done $0x0  }
0x7b: {  	[sflag:s21] =	ssyncadd.s32 $0xFFFFFFA8  }
0x7c: {  	_ =	swait.ge [sflag:s20], $0x2C00  }
0x7d: {  	[sflag:s20] =	ssyncset.done $0x0  }
0x7e: {  	[sflag:s20] =	ssyncadd.s32 $0xFFFFD400  }
0x7f: {  	[tilespmem:s26], [sflag:$0x1] =	stream.indirect.gather [hbm4b:s2+s23], $0x80, s22, s23, $0xb8;
	[tilespmem:$0x1FE00] =	vst v63  }
0x80: {  	_ =	swait.ge [sflag:s6], $0x2C00  }
0x81: {  	[sflag:s6] =	ssyncset.done $0x0  }
0x82: {  	s24 =	sadd.s32 $0x13C80, s16;
	[sflag:s6] =	ssyncadd.s32 $0xFFFFD400  }
0x83: {  	[spmem:s3] =	stream.indirect.scatter.add.f32 [tilespmem:s29], [sflag:$0x5], $0x80, s24, s23, $0xb8;
	[tilespmem:$0x1FE00] =	vst v63  }
0x84: {  	_ = 	snop  }
0x85: {  	[tilespmem:s28], [sflag:$0x7] =	stream.linear.gather [hbm4b:s15+s4], $0x58, $0x38;
	[tilespmem:$0x1FE00] =	vst v63  }
0x86: {  	_ =	swait.ge [sflag:s21], $0x58  }
0x87: {  	[sflag:s21] =	ssyncset.done $0x0  }
0x88: {  	[sflag:s21] =	ssyncadd.s32 $0xFFFFFFA8  }
0x89: {  	_ =	swait.ge [sflag:s8], $0x2C00  }
0x8a: {  	[sflag:s8] =	ssyncset.done $0x0  }
0x8b: {  	[sflag:s8] =	ssyncadd.s32 $0xFFFFD400  }
0x8c: {  	[tilespmem:s29], [sflag:$0x2] =	stream.indirect.gather [hbm4b:s2+s23], $0x80, s28, s23, $0xb8;
	[tilespmem:$0x1FE00] =	vst v63  }
0x8d: {  	_ =	swait.ge [sflag:s9], $0x2C00  }
0x8e: {  	[sflag:s9] =	ssyncset.done $0x0  }
0x8f: {  	s16 =	sadd.s32 $0x13D00, s16;
	[sflag:s9] =	ssyncadd.s32 $0xFFFFD400  }
0x90: {  	[spmem:s3] =	stream.indirect.scatter.add.f32 [tilespmem:s31], [sflag:$0x6], $0x80, s16, s23, $0xb8;
	[tilespmem:$0x1FE00] =	vst v63  }
0x91: {  	_ = 	snop  }
0x92: {  	[tilespmem:s30], [sflag:$0x7] =	stream.linear.gather [hbm4b:s14+s4], $0x58, $0x38;
	[tilespmem:$0x1FE00] =	vst v63  }
0x93: {  	_ =	swait.ge [sflag:s21], $0x58  }
.Ltmp0:
0x94: {  	[sflag:s21] =	ssyncset.done $0x0;
	(pc) =	sbr.rel @p3 .LBB2_2-.Ltmp0, $4  }
0x95: {  	[sflag:s21] =	ssyncadd.s32 $0xFFFFFFA8  }
0x96: {  	_ =	swait.ge [sflag:s7], $0x2C00  }
0x97: {  	s13 =	sadd.s32 $0x108, s13;
	[sflag:s7] =	ssyncset.done $0x0  }
0x98: {  	s15 =	sadd.s32 $0x21, s15;
	s14 =	sadd.s32 $0x21, s14;
	[sflag:s7] =	ssyncadd.s32 $0xFFFFD400  }
0x99: {  	[tilespmem:s31], [sflag:$0x3] =	stream.indirect.gather [hbm4b:s2+s23], $0x80, s30, s23, $0xb8;
	[tilespmem:$0x1FE00] =	vst v63  }
0x9a: {  	_ =	swait.ge [sflag:s1], $0x2C00  }
0x9b: {  	[sflag:s1] =	ssyncset.done $0x0  }
0x9c: {  	s12 =	simm.s32 $0x17380;
	[sflag:s1] =	ssyncadd.s32 $0xFFFFD400  }
0x9d: {  	[spmem:s3] =	stream.indirect.scatter.add.f32 [tilespmem:s26], [sflag:$0x4], $0x80, s12, s23, $0xb8;
	[tilespmem:$0x1FE00] =	vst v63  }
0x9e: {  	_ =	swait.ge [sflag:s6], $0x2C00  }
0x9f: {  	[sflag:s6] =	ssyncset.done $0x0  }
0xa0: {  	s15 =	simm.s32 $0x17400;
	[sflag:s6] =	ssyncadd.s32 $0xFFFFD400  }
0xa1: {  	[spmem:s3] =	stream.indirect.scatter.add.f32 [tilespmem:s29], [sflag:$0x5], $0x80, s15, s23, $0xb8;
	[tilespmem:$0x1FE00] =	vst v63  }
0xa2: {  	_ =	swait.ge [sflag:s9], $0x2C00  }
0xa3: {  	[sflag:s9] =	ssyncset.done $0x0  }
0xa4: {  	s16 =	simm.s32 $0x17480;
	[sflag:s9] =	ssyncadd.s32 $0xFFFFD400  }
0xa5: {  	[spmem:s3] =	stream.indirect.scatter.add.f32 [tilespmem:s31], [sflag:$0x6], $0x80, s16, s23, $0xb8;
	[tilespmem:$0x1FE00] =	vst v63  }
0xa6: {  	_ =	swait.ge [sflag:s20], $0x2C00  }
0xa7: {  	[sflag:s20] =	ssyncset.done $0x0  }
0xa8: {  	[sflag:s20] =	ssyncadd.s32 $0xFFFFD400  }
0xa9: {  	_ =	swait.ge [sflag:s8], $0x2C00  }
0xaa: {  	[sflag:s8] =	ssyncset.done $0x0  }
0xab: {  	[sflag:s8] =	ssyncadd.s32 $0xFFFFD400  }
0xac: {  	_ =	swait.ge [sflag:s7], $0x2C00  }
0xad: {  	[sflag:s7] =	ssyncset.done $0x0  }
0xae: {  	[sflag:s7] =	ssyncadd.s32 $0xFFFFD400  }
0xaf: {  	s24 =	sshll.u32 s0, $0x6;
	[bflag:$0x0] =	sbarrier.arrive $0xFFFF  }
0xb0: {  	s13 =	sshrl.u32 s10, $0x3;
	s12 =	sor.u32 $0x1C07, s24;
	s14 =	rddreg [dreg:$0xc]  }
0xb1: {  	[hbm:s14], [sflag:s12] =	dma.local [spmem:s13], $0x2780  }
0xb2: {  	_ =	swait.ge [sflag:s21], $0x2780  }
0xb3: {  	s11 =	sadd.s32 $0x1, s11;
	s25 =	rddreg [dreg:$0xd]  }
0xb4: {  	p3 =	sne.s32 s11, s25  }
.Ltmp1:
0xb5: {  	_ = 	snop;
	(pc) =	sbr.rel @p3 .LBB2_1-.Ltmp1, $3  }
0xb6: {  	_ =	sdelay $0x1  }
0xb7: {  	[sflag:s21] =	ssyncset.done $0x0  }
0xb8: {  	[sflag:s21] =	ssyncadd.s32 $0xFFFFD880  }
0xb9: {  	_ =	sfence.sel $0x180000  }
0xba: {  	[bflag:$0x0] =	sbarrier.arrive $0xFFFF  }
0xbb: {  	_ =	strace $0x90000056  }
0xbc: {  	[bflag:$0x2] =	sbarrier.arrive $0xFFFF  }
0xbd: {  	p0 =	sne.s32 s0, $0x0;
	s0 =	rddreg [dreg:$0x3]  }
0xbe: {  	s0 =	sadd.s32 @!p0 $0x100000, s0  }
0xbf: {  	[sflag:s0] =	ssyncadd.tile.s32 @!p0 $0x1;
	_ =	shalt  }
.Lfunc_end2:
_tile_overlayer_lowered:
.L_overlay_start_2:
0xc0: {  	(tag) =	ssettag $0x2  }
0xc1: {  	s0 =	rddreg [dreg:$0x0];
	s2 =	stileid.u32  }
0xc2: {  	s1 =	rddreg [dreg:$0x1];
	p0 =	sne.s32 s2, $0x0  }
0xc3: {  	s3 =	rddreg [dreg:$0x2];
	[bflag:$0x3] =	sbarrier.arrive $0xFFFF;
	s2 =	simm.s32 @!p0 $0x1C07  }
0xc4: {  	[timem:s3], [sflag:s2] =	dma.local @!p0 [hbm:s0], s1  }
0xc5: {  	s0 =	simm.s32 @!p0 $0x7  }
0xc6: {  	_ =	swait.ge @!p0 [sflag:s0], s1  }
0xc7: {  	s1 =	ssub.s32 @!p0 $0x0, s1;
	[sflag:s0] =	ssyncset.done @!p0 $0x0  }
0xc8: {  	[sflag:s0] =	ssyncadd.s32 @!p0 s1  }
0xc9: {  	[bflag:$0x3] =	sbarrier.arrive $0xFFFF  }
0xca: {  	_ =	shalt  }

</sc_bundles>
